<compile_context>
chip_gen: v7x
topology: tpu7x:2x2x1
jax: 0.10.2.dev20260603
libtpu: 0.0.44.dev20260713+nightly
codegen_flags: <defaults>
</compile_context>

<pallas_src>
import functools

import jax
import jax.numpy as jnp
from jax import lax
from jax.experimental import pallas as pl
from jax.experimental.pallas import tpu as pltpu
from jax.experimental.pallas import tpu_sc as plsc

NC_ = 2
NS_ = 16
NW_ = NC_ * NS_
CH_ = 128

G_ = 4
GPS_ = 14
NSB_ = 7
CPT_ = G_ * GPS_ * NSB_

_SC_PARAMS = pltpu.CompilerParams(use_tc_tiling_on_sc=False)


def _zero_rows(buf, nrows):
  @pl.loop(0, nrows)
  def _(i):
    buf[i, :] = jnp.zeros((16,), jnp.float32)


def _zero_acc_slice(acc, zsrc, base, rpt):
  zrows = zsrc.shape[0]
  nfull, tail = divmod(rpt, zrows)

  @pl.loop(0, nfull)
  def _(i):
    pltpu.sync_copy(zsrc, acc.at[pl.ds(base + i * zrows, zrows)])

  if tail:
    pltpu.sync_copy(zsrc.at[pl.ds(0, tail)],
                    acc.at[pl.ds(base + nfull * zrows, tail)])


def _sc_gather_add(table, idx2d, dst2d, npad):
  rpt = npad // NS_
  spc = G_ * GPS_
  pcc = CPT_ * NS_
  grows = G_ * CH_
  mesh = plsc.VectorSubcoreMesh(core_axis_name="c", subcore_axis_name="s")

  @functools.partial(
      pl.kernel,
      out_type=jax.ShapeDtypeStruct((NC_, npad, 16), jnp.float32),
      mesh=mesh,
      scratch_types=[
          pltpu.VMEM_SHARED((npad, 16), jnp.float32),
          pltpu.VMEM((spc, CH_), jnp.int32),
          pltpu.VMEM((spc, CH_), jnp.int32),
          pltpu.VMEM((grows, 16), jnp.float32),
          pltpu.VMEM((grows, 16), jnp.float32),
          pltpu.SemaphoreType.DMA,
          pltpu.SemaphoreType.DMA,
          pltpu.SemaphoreType.DMA,
      ],
      compiler_params=_SC_PARAMS,
  )
  def k(idx_hbm, dst_hbm, table_hbm, out_hbm, acc, idxa, dsta, rows0, rows1,
        lsem, gsem, ssem):
    c = lax.axis_index("c")
    s = lax.axis_index("s")
    rows = (rows0, rows1)

    _zero_rows(rows0, grows)
    base = s * rpt
    _zero_acc_slice(acc, rows0, base, rpt)
    plsc.subcore_barrier()

    chunk0 = c * pcc + s * CPT_

    def issue_gathers(t, b):
      for j in range(G_):
        pltpu.async_copy(table_hbm.at[idxa.at[t * G_ + j]],
                         rows[b].at[pl.ds(j * CH_, CH_)], gsem)

    def issue_scatters(t, b):
      for j in range(G_):
        pltpu.async_copy(rows[b].at[pl.ds(j * CH_, CH_)],
                         acc.at[dsta.at[t * G_ + j]], ssem, add=True)

    def drain_g(b):
      pltpu.make_async_copy(table_hbm.at[pl.ds(0, grows)], rows[b], gsem).wait()

    def drain_s(b):
      pltpu.make_async_copy(rows[b], acc.at[pl.ds(0, grows)], ssem).wait()

    @pl.loop(0, NSB_)
    def _(sb):
      cb = chunk0 + sb * spc
      cpi = pltpu.async_copy(idx_hbm.at[pl.ds(cb, spc)], idxa, lsem)
      cpd = pltpu.async_copy(dst_hbm.at[pl.ds(cb, spc)], dsta, lsem)
      cpi.wait()
      cpd.wait()

      @pl.loop(0, GPS_, step=2)
      def _(base_t):
        for b2 in (0, 1):
          t = base_t + b2
          if b2 == 0:
            @pl.when(base_t > 0)
            def _():
              drain_g(1)
              issue_scatters(t - 1, 1)
              drain_s(0)
          else:
            drain_g(0)
            issue_scatters(t - 1, 0)

            @pl.when(base_t > 0)
            def _():
              drain_s(1)
          issue_gathers(t, b2)

      drain_g(1)
      issue_scatters(GPS_ - 1, 1)
      drain_s(0)
      drain_s(1)

    plsc.subcore_barrier()
    pltpu.sync_copy(acc.at[pl.ds(base, rpt)], out_hbm.at[c, pl.ds(base, rpt)])

  return k(idx2d, dst2d, table)


def _sc_degree(dst2d, npad):
  rpt = npad // NS_
  pcc = CPT_ * NS_
  grows = G_ * CH_
  mesh = plsc.VectorSubcoreMesh(core_axis_name="c", subcore_axis_name="s")

  @functools.partial(
      pl.kernel,
      out_type=jax.ShapeDtypeStruct((NC_, npad, 16), jnp.float32),
      mesh=mesh,
      scratch_types=[
          pltpu.VMEM_SHARED((npad, 16), jnp.float32),
          pltpu.VMEM((G_ * GPS_, CH_), jnp.int32),
          pltpu.VMEM((grows, 16), jnp.float32),
          pltpu.SemaphoreType.DMA,
          pltpu.SemaphoreType.DMA,
      ],
      compiler_params=_SC_PARAMS,
  )
  def k(dst_hbm, out_hbm, acc, dsta, onesb, lsem, ssem):
    c = lax.axis_index("c")
    s = lax.axis_index("s")
    spc = G_ * GPS_

    _zero_rows(onesb, grows)
    base = s * rpt
    _zero_acc_slice(acc, onesb, base, rpt)

    @pl.loop(0, grows)
    def _(i):
      onesb[i, :] = jnp.full((16,), 1.0, jnp.float32)

    plsc.subcore_barrier()
    chunk0 = c * pcc + s * CPT_

    def drain_s():
      pltpu.make_async_copy(onesb, acc.at[pl.ds(0, grows)], ssem).wait()

    @pl.loop(0, NSB_)
    def _(sb):
      pltpu.async_copy(dst_hbm.at[pl.ds(chunk0 + sb * spc, spc)], dsta,
                       lsem).wait()

      @pl.loop(0, GPS_)
      def _(t):
        @pl.when(t >= 2)
        def _():
          drain_s()
        for j in range(G_):
          pltpu.async_copy(onesb.at[pl.ds(j * CH_, CH_)],
                           acc.at[dsta.at[t * G_ + j]], ssem, add=True)

      drain_s()
      drain_s()

    plsc.subcore_barrier()
    pltpu.sync_copy(acc.at[pl.ds(base, rpt)], out_hbm.at[c, pl.ds(base, rpt)])

  return k(dst2d)


def _tc_table1(w128, rc, n, blk):
  grid = -(-n // blk)

  def body(w_ref, t_ref):
    t_ref[...] = jnp.transpose(w_ref[...], (1, 0))

  return pl.pallas_call(
      body,
      grid=(grid,),
      in_specs=[pl.BlockSpec((rc, blk), lambda i: (0, i))],
      out_specs=pl.BlockSpec((blk, rc), lambda i: (i, 0)),
      out_shape=jax.ShapeDtypeStruct((n, rc), jnp.float32),
  )(w128)


def _tc_indices(ei2, et2, r, n, npad, nchunk_pad, blk):
  grid = nchunk_pad // blk
  nchunk = ei2.shape[1]

  def body(ei_ref, et_ref, idx_ref, dst_ref):
    i = pl.program_id(0)
    row = jax.lax.broadcasted_iota(jnp.int32, (blk, 128), 0) + i * blk
    lane = jax.lax.broadcasted_iota(jnp.int32, (blk, 128), 1)
    gid = row * 128 + lane
    real = row < nchunk
    idx_ref[...] = jnp.where(real, ei_ref[0] * r + et_ref[...], gid % n)
    dst_ref[...] = jnp.where(real, ei_ref[1], n + gid % (npad - n))

  return pl.pallas_call(
      body,
      grid=(grid,),
      in_specs=[
          pl.BlockSpec((2, blk, 128), lambda i: (0, i, 0)),
          pl.BlockSpec((blk, 128), lambda i: (i, 0)),
      ],
      out_specs=[
          pl.BlockSpec((blk, 128), lambda i: (i, 0)),
          pl.BlockSpec((blk, 128), lambda i: (i, 0)),
      ],
      out_shape=[
          jax.ShapeDtypeStruct((nchunk_pad, 128), jnp.int32),
          jax.ShapeDtypeStruct((nchunk_pad, 128), jnp.int32),
      ],
  )(ei2, et2)


def _tc_layer1(degb, s1b, r1pk, b1pk, w2big, nwp, nw, wb):
  grid = nwp // wb

  def body(degb_ref, s1b_ref, r1_ref, b1_ref, w2_ref,
           h_ref, t2_ref, inv_ref):
    deg = degb_ref[0] + degb_ref[1]
    inv = 1.0 / jnp.maximum(deg, 1.0)
    s1 = (s1b_ref[0] + s1b_ref[1]) * inv
    h = jnp.maximum(s1 + r1_ref[...] + b1_ref[...], 0.0)
    h_ref[...] = h
    inv_ref[...] = inv
    t2_ref[...] = jax.lax.dot_general(
        h, w2_ref[...], (((1,), (0,)), ((), ())),
        preferred_element_type=jnp.float32,
        precision=jax.lax.Precision.HIGHEST)

  return pl.pallas_call(
      body,
      grid=(grid,),
      in_specs=[
          pl.BlockSpec((NC_, wb, 128), lambda i: (0, i, 0)),
          pl.BlockSpec((NC_, wb, 128), lambda i: (0, i, 0)),
          pl.BlockSpec((wb, 128), lambda i: (i, 0)),
          pl.BlockSpec((1, 128), lambda i: (0, 0)),
          pl.BlockSpec((128, 1024), lambda i: (0, 0)),
      ],
      out_specs=[
          pl.BlockSpec((wb, 128), lambda i: (i, 0)),
          pl.BlockSpec((wb, 1024), lambda i: (i, 0)),
          pl.BlockSpec((wb, 128), lambda i: (i, 0)),
      ],
      out_shape=[
          jax.ShapeDtypeStruct((nwp, 128), jnp.float32),
          jax.ShapeDtypeStruct((nwp, 1024), jnp.float32),
          jax.ShapeDtypeStruct((nwp, 128), jnp.float32),
      ],
  )(degb, s1b, r1pk, b1pk, w2big)


def _tc_layer2(s2b, invb, hpk, r2big, b2pk, nw, wb):
  grid = -(-nw // wb)

  def body(s2b_ref, inv_ref, h_ref, r2_ref, b2_ref, out_ref):
    z = (s2b_ref[0] + s2b_ref[1]) * inv_ref[...]
    z = z + jax.lax.dot_general(
        h_ref[...], r2_ref[...], (((1,), (0,)), ((), ())),
        preferred_element_type=jnp.float32,
        precision=jax.lax.Precision.HIGHEST)
    z = z + b2_ref[...]
    off = jax.lax.broadcasted_iota(jnp.int32, (wb, 128), 1) % 16

    def segshift(x, sh):
      a = pltpu.roll(x, 128 - sh, 1)
      b = pltpu.roll(x, 16 - sh, 1)
      return jnp.where(off < 16 - sh, a, b)

    m = z
    for sh in (1, 2, 4, 8):
      m = jnp.maximum(m, segshift(m, sh))
    e = jnp.exp(z - m)
    ssum = e
    for sh in (1, 2, 4, 8):
      ssum = ssum + segshift(ssum, sh)
    out_ref[...] = z - m - jnp.log(ssum)

  return pl.pallas_call(
      body,
      grid=(grid,),
      in_specs=[
          pl.BlockSpec((NC_, wb, 128), lambda i: (0, i, 0)),
          pl.BlockSpec((wb, 128), lambda i: (i, 0)),
          pl.BlockSpec((wb, 128), lambda i: (i, 0)),
          pl.BlockSpec((128, 128), lambda i: (0, 0)),
          pl.BlockSpec((1, 128), lambda i: (0, 0)),
      ],
      out_specs=pl.BlockSpec((wb, 128), lambda i: (i, 0)),
      out_shape=jax.ShapeDtypeStruct((nw, 128), jnp.float32),
  )(s2b, invb, hpk, r2big, b2pk)


def kernel(edge_index, edge_type, edge_norm, weight1, root1, bias1,
           weight2, root2, bias2):
  del edge_norm
  r, n, c1 = weight1.shape
  nc2 = weight2.shape[2]
  e = edge_type.shape[0]

  e_pad = NW_ * CPT_ * CH_
  npad = -(-(n + 1) // CH_) * CH_
  ndum = npad - n

  del ndum
  blk = 2048
  ei2 = edge_index.astype(jnp.int32).reshape(2, e // CH_, CH_)
  et2 = edge_type.astype(jnp.int32).reshape(e // CH_, CH_)
  idxs, dstp = _tc_indices(ei2, et2, r, n, npad, e_pad // CH_, 256)

  degp = _sc_degree(dstp, npad)

  w128 = jnp.transpose(weight1, (0, 2, 1)).reshape(r * c1, n)
  table1 = _tc_table1(w128, r * c1, n, blk).reshape(n * r, c1)
  s1p = _sc_gather_add(table1, idxs, dstp, npad)

  nw = n // 8
  nwp = nw + 44
  wb = 256
  w2cat = jnp.transpose(weight2, (1, 0, 2)).reshape(c1, r * nc2)
  w2big = jnp.kron(jnp.eye(8, dtype=jnp.float32), w2cat)
  r2big = jnp.kron(jnp.eye(8, dtype=jnp.float32), root2)
  b1pk = jnp.tile(bias1, 8).reshape(1, 128)
  b2pk = jnp.tile(bias2, 8).reshape(1, 128)
  r1pk = root1.reshape(nw, 128)
  degb = degp.reshape(NC_, npad // 8, 128)
  s1b = s1p.reshape(NC_, npad // 8, 128)
  hpk, t2pk, invb = _tc_layer1(degb, s1b, r1pk, b1pk, w2big, nwp, nw, wb)

  table2 = t2pk.reshape(nwp * 64, nc2)
  s2p = _sc_gather_add(table2, idxs, dstp, npad)

  outpk = _tc_layer2(s2p.reshape(NC_, npad // 8, 128), invb, hpk, r2big,
                     b2pk, nw, wb)
  return outpk.reshape(n, 16)

# --- scband reference (transcript-rebuilt; emitter-appended) ---
"""Pipeline reference for scband-net-14431090114987 (READ-ONLY COPY).

The authoritative reference and input builder live on the scoring server;
editing this copy changes nothing except your own understanding.
"""

import jax, jax.numpy as jnp
import numpy as np

N = 100000   # num_nodes
E = 1600000  # num_edges
R = 8        # num_relations (from dataset.num_relations global)
C1 = 16      # interim_channel
NC = 16      # num_classes (from dataset.num_classes global)


def setup_inputs(seed: int = 0) -> dict:
    key = jax.random.key(seed)
    ks = jax.random.split(key, 8)
    edge_index = jax.random.randint(ks[0], (2, E), 0, N, dtype=jnp.int32)
    edge_type = jax.random.randint(ks[1], (E,), 0, R, dtype=jnp.int32)
    edge_norm = jax.random.uniform(ks[2], (E,), dtype=jnp.float32)
    # layer 1: featureless relational conv -> relation-specific node-id embedding table
    weight1 = jax.random.normal(ks[3], (R, N, C1), dtype=jnp.float32) * 0.05
    root1 = jax.random.normal(ks[4], (N, C1), dtype=jnp.float32) * 0.05
    bias1 = jnp.zeros((C1,), dtype=jnp.float32)
    # layer 2: relational conv interim_channel -> num_classes
    weight2 = jax.random.normal(ks[5], (R, C1, NC), dtype=jnp.float32) * 0.05
    root2 = jax.random.normal(ks[6], (C1, NC), dtype=jnp.float32) * 0.05
    bias2 = jnp.zeros((NC,), dtype=jnp.float32)
    return {
        'edge_index': edge_index,
        'edge_type': edge_type,
        'edge_norm': edge_norm,
        'weight1': weight1,
        'root1': root1,
        'bias1': bias1,
        'weight2': weight2,
        'root2': root2,
        'bias2': bias2,
    }


def reference(edge_index, edge_type, edge_norm, weight1, root1, bias1, weight2, root2, bias2):
    src = edge_index[0]
    dst = edge_index[1]
    # in-degree normalization per destination node
    deg = jax.ops.segment_sum(jnp.ones((E,), dtype=jnp.float32), dst, num_segments=N)
    inv_deg = 1.0 / jnp.clip(deg, 1.0)
    norm_e = inv_deg[dst]
    # ---- layer 1: x = None -> message is relation-specific embedding row of src node
    m1 = weight1[edge_type, src]                       # gather [E, C1]
    agg1 = jax.ops.segment_sum(m1 * norm_e[:, None], dst, num_segments=N)  # scatter-add
    h = jax.nn.relu(agg1 + root1 + bias1)              # [N, C1]
    # ---- layer 2: standard relational conv on h
    w_e = weight2[edge_type]                           # gather [E, C1, NC]
    m2 = jnp.einsum('ec,ecd->ed', h[src], w_e)         # per-edge matmul [E, NC]
    agg2 = jax.ops.segment_sum(m2 * norm_e[:, None], dst, num_segments=N)
    out = agg2 + h @ root2 + bias2                     # [N, NC]
    return jax.nn.log_softmax(out, axis=1)

if __name__ == "__main__":
    import jax
    _d = setup_inputs()
    print(jax.jit(kernel)(*tuple(_d.values())))

</pallas_src>

<mosaic_0001>
#map = affine_map<(d0, d1) -> (0, 0)>
#map1 = affine_map<(d0, d1) -> (0, 0, 0)>
module attributes {stable_mosaic.version = 14 : i64} {
  func.func @k(%arg0: i32, %arg1: i32, %arg2: memref<12544x128xi32, #tpu.memory_space<hbm>>, %arg3: memref<2x100096x16xf32, #tpu.memory_space<hbm>>, %arg4: memref<100096x16xf32, #tpu.memory_space<vmem_shared>>, %arg5: memref<56x128xi32, #tpu.memory_space<vmem>>, %arg6: memref<512x16xf32, #tpu.memory_space<vmem>>, %arg7: memref<!tpu.dma_semaphore, #tpu.memory_space<semaphore_mem>>, %arg8: memref<!tpu.dma_semaphore, #tpu.memory_space<semaphore_mem>>) attributes {dimension_semantics = [#tpu.dimension_semantics<core_parallel>, #tpu.dimension_semantics<subcore_parallel>], iteration_bounds = array<i64: 2, 16>, scalar_prefetch = 0 : i64, scratch_operands = 5 : i64, tpu.core_type = #tpu.core_type<sc_vector_subcore>, window_params = [{transform_indices = #map}, {transform_indices = #map1}]} {
    %scan3A = arith.constant 0 : i32
    %scan3A_0 = arith.constant 512 : i32
    %scan3A_1 = arith.addi %scan3A, %scan3A_0 : i32
    %scan3A_2 = arith.constant 1 : i32
    scf.for %scan3A_27 = %scan3A to %scan3A_1 step %scan3A_2  : i32 {
      %mul3A_28 = arith.constant 1 : i32
      %mul3A_29 = arith.muli %scan3A_27, %mul3A_28 : i32
      %add3A_30 = arith.constant 0 : i32
      %add3A_31 = arith.addi %add3A_30, %mul3A_29 : i32
      %broadcast_in_dim3A = arith.constant 0.000000e+00 : f32
      %broadcast_in_dim3A_32 = vector.broadcast %broadcast_in_dim3A : f32 to vector<16xf32>
      %swap3A = arith.index_cast %add3A_31 : i32 to index
      %swap3A_33 = arith.constant 0 : index
      %swap3A_34 = tpu.vector_load %arg6[%swap3A, %swap3A_33] {strides = array<i32>} : memref<512x16xf32, #tpu.memory_space<vmem>>, vector<1x16xf32>,
      %swap3A_35 = vector.shape_cast %swap3A_34 : vector<1x16xf32> to vector<16xf32>
      %swap3A_36 = vector.shape_cast %broadcast_in_dim3A_32 : vector<16xf32> to vector<1x16xf32>
      tpu.vector_store %arg6[%swap3A, %swap3A_33], %swap3A_36 {strides = array<i32>} : memref<512x16xf32, #tpu.memory_space<vmem>>, vector<1x16xf32>,
    }
    %scan3A_3 = arith.constant 512 : i32
    %mul3A = arith.constant 6256 : i32
    %mul3A_4 = arith.muli %arg1, %mul3A : i32
    %scan3A_5 = arith.constant 0 : i32
    %scan3A_6 = arith.constant 12 : i32
    %scan3A_7 = arith.addi %scan3A_5, %scan3A_6 : i32
    %scan3A_8 = arith.constant 1 : i32
    scf.for %scan3A_27 = %scan3A_5 to %scan3A_7 step %scan3A_8  : i32 {
      %mul3A_28 = arith.constant 1 : i32
      %mul3A_29 = arith.muli %scan3A_27, %mul3A_28 : i32
      %add3A_30 = arith.constant 0 : i32
      %add3A_31 = arith.addi %add3A_30, %mul3A_29 : i32
      %mul3A_32 = arith.constant 512 : i32
      %mul3A_33 = arith.muli %add3A_31, %mul3A_32 : i32
      %add3A_34 = arith.addi %mul3A_4, %mul3A_33 : i32
      "tpu.region"() ({
        %run_scoped3A = tpu.sem_alloc : memref<!tpu.dma_semaphore, #tpu.memory_space<semaphore_mem>>
        %dma_start3A = arith.constant 0 : i32
        %dma_start3A_35 = tpu.memref_slice %arg4[%add3A_34, %dma_start3A] : memref<100096x16xf32, #tpu.memory_space<vmem_shared>> -> memref<512x16xf32, #tpu.memory_space<vmem_shared>>
        %dma_start3A_36 = arith.constant 0 : i32
        %dma_start3A_37 = tpu.memref_slice %arg4[%add3A_34, %dma_start3A_36] : memref<100096x16xf32, #tpu.memory_space<vmem_shared>> -> memref<512x16xf32, #tpu.memory_space<vmem_shared>>
        tpu.enqueue_dma source(%arg6 : memref<512x16xf32, #tpu.memory_space<vmem>>) target(%dma_start3A_37 : memref<512x16xf32, #tpu.memory_space<vmem_shared>>) target_semaphore(%run_scoped3A : memref<!tpu.dma_semaphore, #tpu.memory_space<semaphore_mem>>)
        %dma_wait3A = arith.constant 0 : i32
        %dma_wait3A_38 = tpu.memref_slice %arg4[%add3A_34, %dma_wait3A] : memref<100096x16xf32, #tpu.memory_space<vmem_shared>> -> memref<512x16xf32, #tpu.memory_space<vmem_shared>>
        %dma_wait3A_39 = arith.constant 0 : i32
        %dma_wait3A_40 = tpu.memref_slice %arg4[%add3A_34, %dma_wait3A_39] : memref<100096x16xf32, #tpu.memory_space<vmem_shared>> -> memref<512x16xf32, #tpu.memory_space<vmem_shared>>
        tpu.wait_dma2 semaphore(%run_scoped3A : memref<!tpu.dma_semaphore, #tpu.memory_space<semaphore_mem>>) src(%arg6 : memref<512x16xf32, #tpu.memory_space<vmem>>) dst(%dma_wait3A_40 : memref<512x16xf32, #tpu.memory_space<vmem_shared>>)
        tpu.yield
      }) : () -> ()
    }
    %scan3A_9 = arith.constant 12 : i32
    %add3A = arith.constant 6144 : i32
    %add3A_10 = arith.addi %mul3A_4, %add3A : i32
    "tpu.region"() ({
      %run_scoped3A = tpu.sem_alloc : memref<!tpu.dma_semaphore, #tpu.memory_space<semaphore_mem>>
      %dma_start3A = arith.constant 0 : i32
      %dma_start3A_27 = arith.constant 0 : i32
      %dma_start3A_28 = tpu.memref_slice %arg6[%dma_start3A, %dma_start3A_27] : memref<512x16xf32, #tpu.memory_space<vmem>> -> memref<112x16xf32, #tpu.memory_space<vmem>>
      %dma_start3A_29 = arith.constant 0 : i32
      %dma_start3A_30 = tpu.memref_slice %arg4[%add3A_10, %dma_start3A_29] : memref<100096x16xf32, #tpu.memory_space<vmem_shared>> -> memref<112x16xf32, #tpu.memory_space<vmem_shared>>
      %dma_start3A_31 = arith.constant 0 : i32
      %dma_start3A_32 = tpu.memref_slice %arg4[%add3A_10, %dma_start3A_31] : memref<100096x16xf32, #tpu.memory_space<vmem_shared>> -> memref<112x16xf32, #tpu.memory_space<vmem_shared>>
      %dma_start3A_33 = arith.constant 0 : i32
      %dma_start3A_34 = arith.constant 0 : i32
      %dma_start3A_35 = tpu.memref_slice %arg6[%dma_start3A_33, %dma_start3A_34] : memref<512x16xf32, #tpu.memory_space<vmem>> -> memref<112x16xf32, #tpu.memory_space<vmem>>
      tpu.enqueue_dma source(%dma_start3A_35 : memref<112x16xf32, #tpu.memory_space<vmem>>) target(%dma_start3A_32 : memref<112x16xf32, #tpu.memory_space<vmem_shared>>) target_semaphore(%run_scoped3A : memref<!tpu.dma_semaphore, #tpu.memory_space<semaphore_mem>>)
      %dma_wait3A = arith.constant 0 : i32
      %dma_wait3A_36 = arith.constant 0 : i32
      %dma_wait3A_37 = tpu.memref_slice %arg6[%dma_wait3A, %dma_wait3A_36] : memref<512x16xf32, #tpu.memory_space<vmem>> -> memref<112x16xf32, #tpu.memory_space<vmem>>
      %dma_wait3A_38 = arith.constant 0 : i32
      %dma_wait3A_39 = tpu.memref_slice %arg4[%add3A_10, %dma_wait3A_38] : memref<100096x16xf32, #tpu.memory_space<vmem_shared>> -> memref<112x16xf32, #tpu.memory_space<vmem_shared>>
      %dma_wait3A_40 = arith.constant 0 : i32
      %dma_wait3A_41 = tpu.memref_slice %arg4[%add3A_10, %dma_wait3A_40] : memref<100096x16xf32, #tpu.memory_space<vmem_shared>> -> memref<112x16xf32, #tpu.memory_space<vmem_shared>>
      %dma_wait3A_42 = arith.constant 0 : i32
      %dma_wait3A_43 = arith.constant 0 : i32
      %dma_wait3A_44 = tpu.memref_slice %arg6[%dma_wait3A_42, %dma_wait3A_43] : memref<512x16xf32, #tpu.memory_space<vmem>> -> memref<112x16xf32, #tpu.memory_space<vmem>>
      tpu.wait_dma2 semaphore(%run_scoped3A : memref<!tpu.dma_semaphore, #tpu.memory_space<semaphore_mem>>) src(%dma_wait3A_44 : memref<112x16xf32, #tpu.memory_space<vmem>>) dst(%dma_wait3A_41 : memref<112x16xf32, #tpu.memory_space<vmem_shared>>)
      tpu.yield
    }) : () -> ()
    %scan3A_11 = arith.constant 0 : i32
    %scan3A_12 = arith.constant 512 : i32
    %scan3A_13 = arith.addi %scan3A_11, %scan3A_12 : i32
    %scan3A_14 = arith.constant 1 : i32
    scf.for %scan3A_27 = %scan3A_11 to %scan3A_13 step %scan3A_14  : i32 {
      %mul3A_28 = arith.constant 1 : i32
      %mul3A_29 = arith.muli %scan3A_27, %mul3A_28 : i32
      %add3A_30 = arith.constant 0 : i32
      %add3A_31 = arith.addi %add3A_30, %mul3A_29 : i32
      %broadcast_in_dim3A = arith.constant 1.000000e+00 : f32
      %broadcast_in_dim3A_32 = vector.broadcast %broadcast_in_dim3A : f32 to vector<16xf32>
      %swap3A = arith.index_cast %add3A_31 : i32 to index
      %swap3A_33 = arith.constant 0 : index
      %swap3A_34 = tpu.vector_load %arg6[%swap3A, %swap3A_33] {strides = array<i32>} : memref<512x16xf32, #tpu.memory_space<vmem>>, vector<1x16xf32>,
      %swap3A_35 = vector.shape_cast %swap3A_34 : vector<1x16xf32> to vector<16xf32>
      %swap3A_36 = vector.shape_cast %broadcast_in_dim3A_32 : vector<16xf32> to vector<1x16xf32>
      tpu.vector_store %arg6[%swap3A, %swap3A_33], %swap3A_36 {strides = array<i32>} : memref<512x16xf32, #tpu.memory_space<vmem>>, vector<1x16xf32>,
    }
    %scan3A_15 = arith.constant 512 : i32
    %barrier3A = arith.constant 0 : index
    tpu.barrier barrier_id(%barrier3A)
    %mul3A_16 = arith.constant 6272 : i32
    %mul3A_17 = arith.muli %arg0, %mul3A_16 : i32
    %mul3A_18 = arith.constant 392 : i32
    %mul3A_19 = arith.muli %arg1, %mul3A_18 : i32
    %add3A_20 = arith.addi %mul3A_17, %mul3A_19 : i32
    %scan3A_21 = arith.constant 0 : i32
    %scan3A_22 = arith.constant 7 : i32
    %scan3A_23 = arith.addi %scan3A_21, %scan3A_22 : i32
    %scan3A_24 = arith.constant 1 : i32
    scf.for %scan3A_27 = %scan3A_21 to %scan3A_23 step %scan3A_24  : i32 {
      %mul3A_28 = arith.constant 1 : i32
      %mul3A_29 = arith.muli %scan3A_27, %mul3A_28 : i32
      %add3A_30 = arith.constant 0 : i32
      %add3A_31 = arith.addi %add3A_30, %mul3A_29 : i32
      %mul3A_32 = arith.constant 56 : i32
      %mul3A_33 = arith.muli %add3A_31, %mul3A_32 : i32
      %add3A_34 = arith.addi %add3A_20, %mul3A_33 : i32
      %dma_start3A = arith.constant 0 : i32
      %dma_start3A_35 = tpu.memref_slice %arg2[%add3A_34, %dma_start3A] : memref<12544x128xi32, #tpu.memory_space<hbm>> -> memref<56x128xi32, #tpu.memory_space<hbm>>
      %dma_start3A_36 = arith.constant 0 : i32
      %dma_start3A_37 = tpu.memref_slice %arg2[%add3A_34, %dma_start3A_36] : memref<12544x128xi32, #tpu.memory_space<hbm>> -> memref<56x128xi32, #tpu.memory_space<hbm>>
      tpu.enqueue_dma source(%dma_start3A_37 : memref<56x128xi32, #tpu.memory_space<hbm>>) target(%arg5 : memref<56x128xi32, #tpu.memory_space<vmem>>) target_semaphore(%arg7 : memref<!tpu.dma_semaphore, #tpu.memory_space<semaphore_mem>>)
      %dma_wait3A = arith.constant 0 : i32
      %dma_wait3A_38 = tpu.memref_slice %arg2[%add3A_34, %dma_wait3A] : memref<12544x128xi32, #tpu.memory_space<hbm>> -> memref<56x128xi32, #tpu.memory_space<hbm>>
      %dma_wait3A_39 = arith.constant 0 : i32
      %dma_wait3A_40 = tpu.memref_slice %arg2[%add3A_34, %dma_wait3A_39] : memref<12544x128xi32, #tpu.memory_space<hbm>> -> memref<56x128xi32, #tpu.memory_space<hbm>>
      tpu.wait_dma2 semaphore(%arg7 : memref<!tpu.dma_semaphore, #tpu.memory_space<semaphore_mem>>) src(%dma_wait3A_40 : memref<56x128xi32, #tpu.memory_space<hbm>>) dst(%arg5 : memref<56x128xi32, #tpu.memory_space<vmem>>)
      %scan3A_41 = arith.constant 0 : i32
      %scan3A_42 = arith.constant 14 : i32
      %scan3A_43 = arith.addi %scan3A_41, %scan3A_42 : i32
      %scan3A_44 = arith.constant 1 : i32
      scf.for %scan3A_58 = %scan3A_41 to %scan3A_43 step %scan3A_44  : i32 {
        %mul3A_59 = arith.constant 1 : i32
        %mul3A_60 = arith.muli %scan3A_58, %mul3A_59 : i32
        %add3A_61 = arith.constant 0 : i32
        %add3A_62 = arith.addi %add3A_61, %mul3A_60 : i32
        %ge3A = arith.constant 2 : i32
        %ge3A_63 = arith.cmpi sge, %add3A_62, %ge3A : i32
        %convert_element_type3A = arith.extui %ge3A_63 : i1 to i32
        %cond3A = arith.constant 0 : i32
        %cond3A_64 = arith.cmpi ne, %convert_element_type3A, %cond3A : i32
        scf.if %cond3A_64 {
          %dma_wait3A_117 = arith.constant 0 : i32
          %dma_wait3A_118 = arith.constant 0 : i32
          %dma_wait3A_119 = tpu.memref_slice %arg4[%dma_wait3A_117, %dma_wait3A_118] : memref<100096x16xf32, #tpu.memory_space<vmem_shared>> -> memref<512x16xf32, #tpu.memory_space<vmem_shared>>
          %dma_wait3A_120 = arith.constant 0 : i32
          %dma_wait3A_121 = arith.constant 0 : i32
          %dma_wait3A_122 = tpu.memref_slice %arg4[%dma_wait3A_120, %dma_wait3A_121] : memref<100096x16xf32, #tpu.memory_space<vmem_shared>> -> memref<512x16xf32, #tpu.memory_space<vmem_shared>>
          tpu.wait_dma2 semaphore(%arg8 : memref<!tpu.dma_semaphore, #tpu.memory_space<semaphore_mem>>) src(%arg6 : memref<512x16xf32, #tpu.memory_space<vmem>>) dst(%dma_wait3A_122 : memref<512x16xf32, #tpu.memory_space<vmem_shared>>)
        } else {
        }
        %mul3A_65 = arith.constant 4 : i32
        %mul3A_66 = arith.muli %add3A_62, %mul3A_65 : i32
        %add3A_67 = arith.constant 0 : i32
        %add3A_68 = arith.addi %mul3A_66, %add3A_67 : i32
        %dma_start3A_69 = arith.constant 0 : i32
        %dma_start3A_70 = arith.constant 0 : i32
        %dma_start3A_71 = tpu.memref_slice %arg6[%dma_start3A_69, %dma_start3A_70] : memref<512x16xf32, #tpu.memory_space<vmem>> -> memref<128x16xf32, #tpu.memory_space<vmem>>
        %dma_start3A_72 = arith.constant 0 : i32
        %dma_start3A_73 = tpu.memref_slice %arg5[%add3A_68, %dma_start3A_72] : memref<56x128xi32, #tpu.memory_space<vmem>> -> memref<1x128xi32, #tpu.memory_space<vmem>>
        %dma_start3A_74 = tpu.memref_squeeze %dma_start3A_73 : memref<1x128xi32, #tpu.memory_space<vmem>> -> memref<128xi32, #tpu.memory_space<vmem>>
        %dma_start3A_75 = arith.constant 0 : i32
        %dma_start3A_76 = arith.constant 0 : i32
        %dma_start3A_77 = tpu.memref_slice %arg4[%dma_start3A_75, %dma_start3A_76] : memref<100096x16xf32, #tpu.memory_space<vmem_shared>> -> memref<100096x16xf32, #tpu.memory_space<vmem_shared>>
        tpu.enqueue_indirect_dma source(%dma_start3A_71 : memref<128x16xf32, #tpu.memory_space<vmem>>) target(%dma_start3A_77 : memref<100096x16xf32, #tpu.memory_space<vmem_shared>>) offsets(%dma_start3A_74 : memref<128xi32, #tpu.memory_space<vmem>>) semaphore(%arg8 : memref<!tpu.dma_semaphore, #tpu.memory_space<semaphore_mem>>) {add = true}
        %mul3A_78 = arith.constant 4 : i32
        %mul3A_79 = arith.muli %add3A_62, %mul3A_78 : i32
        %add3A_80 = arith.constant 1 : i32
        %add3A_81 = arith.addi %mul3A_79, %add3A_80 : i32
        %dma_start3A_82 = arith.constant 128 : i32
        %dma_start3A_83 = arith.constant 0 : i32
        %dma_start3A_84 = tpu.memref_slice %arg6[%dma_start3A_82, %dma_start3A_83] : memref<512x16xf32, #tpu.memory_space<vmem>> -> memref<128x16xf32, #tpu.memory_space<vmem>>
        %dma_start3A_85 = arith.constant 0 : i32
        %dma_start3A_86 = tpu.memref_slice %arg5[%add3A_81, %dma_start3A_85] : memref<56x128xi32, #tpu.memory_space<vmem>> -> memref<1x128xi32, #tpu.memory_space<vmem>>
        %dma_start3A_87 = tpu.memref_squeeze %dma_start3A_86 : memref<1x128xi32, #tpu.memory_space<vmem>> -> memref<128xi32, #tpu.memory_space<vmem>>
        %dma_start3A_88 = arith.constant 0 : i32
        %dma_start3A_89 = arith.constant 0 : i32
        %dma_start3A_90 = tpu.memref_slice %arg4[%dma_start3A_88, %dma_start3A_89] : memref<100096x16xf32, #tpu.memory_space<vmem_shared>> -> memref<100096x16xf32, #tpu.memory_space<vmem_shared>>
        tpu.enqueue_indirect_dma source(%dma_start3A_84 : memref<128x16xf32, #tpu.memory_space<vmem>>) target(%dma_start3A_90 : memref<100096x16xf32, #tpu.memory_space<vmem_shared>>) offsets(%dma_start3A_87 : memref<128xi32, #tpu.memory_space<vmem>>) semaphore(%arg8 : memref<!tpu.dma_semaphore, #tpu.memory_space<semaphore_mem>>) {add = true}
        %mul3A_91 = arith.constant 4 : i32
        %mul3A_92 = arith.muli %add3A_62, %mul3A_91 : i32
        %add3A_93 = arith.constant 2 : i32
        %add3A_94 = arith.addi %mul3A_92, %add3A_93 : i32
        %dma_start3A_95 = arith.constant 256 : i32
        %dma_start3A_96 = arith.constant 0 : i32
        %dma_start3A_97 = tpu.memref_slice %arg6[%dma_start3A_95, %dma_start3A_96] : memref<512x16xf32, #tpu.memory_space<vmem>> -> memref<128x16xf32, #tpu.memory_space<vmem>>
        %dma_start3A_98 = arith.constant 0 : i32
        %dma_start3A_99 = tpu.memref_slice %arg5[%add3A_94, %dma_start3A_98] : memref<56x128xi32, #tpu.memory_space<vmem>> -> memref<1x128xi32, #tpu.memory_space<vmem>>
        %dma_start3A_100 = tpu.memref_squeeze %dma_start3A_99 : memref<1x128xi32, #tpu.memory_space<vmem>> -> memref<128xi32, #tpu.memory_space<vmem>>
        %dma_start3A_101 = arith.constant 0 : i32
        %dma_start3A_102 = arith.constant 0 : i32
        %dma_start3A_103 = tpu.memref_slice %arg4[%dma_start3A_101, %dma_start3A_102] : memref<100096x16xf32, #tpu.memory_space<vmem_shared>> -> memref<100096x16xf32, #tpu.memory_space<vmem_shared>>
        tpu.enqueue_indirect_dma source(%dma_start3A_97 : memref<128x16xf32, #tpu.memory_space<vmem>>) target(%dma_start3A_103 : memref<100096x16xf32, #tpu.memory_space<vmem_shared>>) offsets(%dma_start3A_100 : memref<128xi32, #tpu.memory_space<vmem>>) semaphore(%arg8 : memref<!tpu.dma_semaphore, #tpu.memory_space<semaphore_mem>>) {add = true}
        %mul3A_104 = arith.constant 4 : i32
        %mul3A_105 = arith.muli %add3A_62, %mul3A_104 : i32
        %add3A_106 = arith.constant 3 : i32
        %add3A_107 = arith.addi %mul3A_105, %add3A_106 : i32
        %dma_start3A_108 = arith.constant 384 : i32
        %dma_start3A_109 = arith.constant 0 : i32
        %dma_start3A_110 = tpu.memref_slice %arg6[%dma_start3A_108, %dma_start3A_109] : memref<512x16xf32, #tpu.memory_space<vmem>> -> memref<128x16xf32, #tpu.memory_space<vmem>>
        %dma_start3A_111 = arith.constant 0 : i32
        %dma_start3A_112 = tpu.memref_slice %arg5[%add3A_107, %dma_start3A_111] : memref<56x128xi32, #tpu.memory_space<vmem>> -> memref<1x128xi32, #tpu.memory_space<vmem>>
        %dma_start3A_113 = tpu.memref_squeeze %dma_start3A_112 : memref<1x128xi32, #tpu.memory_space<vmem>> -> memref<128xi32, #tpu.memory_space<vmem>>
        %dma_start3A_114 = arith.constant 0 : i32
        %dma_start3A_115 = arith.constant 0 : i32
        %dma_start3A_116 = tpu.memref_slice %arg4[%dma_start3A_114, %dma_start3A_115] : memref<100096x16xf32, #tpu.memory_space<vmem_shared>> -> memref<100096x16xf32, #tpu.memory_space<vmem_shared>>
        tpu.enqueue_indirect_dma source(%dma_start3A_110 : memref<128x16xf32, #tpu.memory_space<vmem>>) target(%dma_start3A_116 : memref<100096x16xf32, #tpu.memory_space<vmem_shared>>) offsets(%dma_start3A_113 : memref<128xi32, #tpu.memory_space<vmem>>) semaphore(%arg8 : memref<!tpu.dma_semaphore, #tpu.memory_space<semaphore_mem>>) {add = true}
      }
      %scan3A_45 = arith.constant 14 : i32
      %dma_wait3A_46 = arith.constant 0 : i32
      %dma_wait3A_47 = arith.constant 0 : i32
      %dma_wait3A_48 = tpu.memref_slice %arg4[%dma_wait3A_46, %dma_wait3A_47] : memref<100096x16xf32, #tpu.memory_space<vmem_shared>> -> memref<512x16xf32, #tpu.memory_space<vmem_shared>>
      %dma_wait3A_49 = arith.constant 0 : i32
      %dma_wait3A_50 = arith.constant 0 : i32
      %dma_wait3A_51 = tpu.memref_slice %arg4[%dma_wait3A_49, %dma_wait3A_50] : memref<100096x16xf32, #tpu.memory_space<vmem_shared>> -> memref<512x16xf32, #tpu.memory_space<vmem_shared>>
      tpu.wait_dma2 semaphore(%arg8 : memref<!tpu.dma_semaphore, #tpu.memory_space<semaphore_mem>>) src(%arg6 : memref<512x16xf32, #tpu.memory_space<vmem>>) dst(%dma_wait3A_51 : memref<512x16xf32, #tpu.memory_space<vmem_shared>>)
      %dma_wait3A_52 = arith.constant 0 : i32
      %dma_wait3A_53 = arith.constant 0 : i32
      %dma_wait3A_54 = tpu.memref_slice %arg4[%dma_wait3A_52, %dma_wait3A_53] : memref<100096x16xf32, #tpu.memory_space<vmem_shared>> -> memref<512x16xf32, #tpu.memory_space<vmem_shared>>
      %dma_wait3A_55 = arith.constant 0 : i32
      %dma_wait3A_56 = arith.constant 0 : i32
      %dma_wait3A_57 = tpu.memref_slice %arg4[%dma_wait3A_55, %dma_wait3A_56] : memref<100096x16xf32, #tpu.memory_space<vmem_shared>> -> memref<512x16xf32, #tpu.memory_space<vmem_shared>>
      tpu.wait_dma2 semaphore(%arg8 : memref<!tpu.dma_semaphore, #tpu.memory_space<semaphore_mem>>) src(%arg6 : memref<512x16xf32, #tpu.memory_space<vmem>>) dst(%dma_wait3A_57 : memref<512x16xf32, #tpu.memory_space<vmem_shared>>)
    }
    %scan3A_25 = arith.constant 7 : i32
    %barrier3A_26 = arith.constant 0 : index
    tpu.barrier barrier_id(%barrier3A_26)
    "tpu.region"() ({
      %run_scoped3A = tpu.sem_alloc : memref<!tpu.dma_semaphore, #tpu.memory_space<semaphore_mem>>
      %dma_start3A = arith.constant 0 : i32
      %dma_start3A_27 = tpu.memref_slice %arg3[%arg0, %mul3A_4, %dma_start3A] : memref<2x100096x16xf32, #tpu.memory_space<hbm>> -> memref<1x6256x16xf32, #tpu.memory_space<hbm>>
      %dma_start3A_28 = tpu.memref_squeeze %dma_start3A_27 : memref<1x6256x16xf32, #tpu.memory_space<hbm>> -> memref<6256x16xf32, #tpu.memory_space<hbm>>
      %dma_start3A_29 = arith.constant 0 : i32
      %dma_start3A_30 = tpu.memref_slice %arg4[%mul3A_4, %dma_start3A_29] : memref<100096x16xf32, #tpu.memory_space<vmem_shared>> -> memref<6256x16xf32, #tpu.memory_space<vmem_shared>>
      tpu.enqueue_dma source(%dma_start3A_30 : memref<6256x16xf32, #tpu.memory_space<vmem_shared>>) target(%dma_start3A_28 : memref<6256x16xf32, #tpu.memory_space<hbm>>) target_semaphore(%run_scoped3A : memref<!tpu.dma_semaphore, #tpu.memory_space<semaphore_mem>>)
      %dma_wait3A = arith.constant 0 : i32
      %dma_wait3A_31 = tpu.memref_slice %arg3[%arg0, %mul3A_4, %dma_wait3A] : memref<2x100096x16xf32, #tpu.memory_space<hbm>> -> memref<1x6256x16xf32, #tpu.memory_space<hbm>>
      %dma_wait3A_32 = tpu.memref_squeeze %dma_wait3A_31 : memref<1x6256x16xf32, #tpu.memory_space<hbm>> -> memref<6256x16xf32, #tpu.memory_space<hbm>>
      %dma_wait3A_33 = arith.constant 0 : i32
      %dma_wait3A_34 = tpu.memref_slice %arg4[%mul3A_4, %dma_wait3A_33] : memref<100096x16xf32, #tpu.memory_space<vmem_shared>> -> memref<6256x16xf32, #tpu.memory_space<vmem_shared>>
      tpu.wait_dma2 semaphore(%run_scoped3A : memref<!tpu.dma_semaphore, #tpu.memory_space<semaphore_mem>>) src(%dma_wait3A_34 : memref<6256x16xf32, #tpu.memory_space<vmem_shared>>) dst(%dma_wait3A_32 : memref<6256x16xf32, #tpu.memory_space<hbm>>)
      tpu.yield
    }) : () -> ()
    return
  }
}

#map = affine_map<(d0, d1) -> (0, 0)>
#map1 = affine_map<(d0, d1) -> (0, 0, 0)>
module attributes {stable_mosaic.version = 14 : i64} {
  func.func @k(%arg0: i32, %arg1: i32, %arg2: memref<12544x128xi32, #tpu.memory_space<hbm>>, %arg3: memref<12544x128xi32, #tpu.memory_space<hbm>>, %arg4: memref<800000x16xf32, #tpu.memory_space<hbm>>, %arg5: memref<2x100096x16xf32, #tpu.memory_space<hbm>>, %arg6: memref<100096x16xf32, #tpu.memory_space<vmem_shared>>, %arg7: memref<56x128xi32, #tpu.memory_space<vmem>>, %arg8: memref<56x128xi32, #tpu.memory_space<vmem>>, %arg9: memref<512x16xf32, #tpu.memory_space<vmem>>, %arg10: memref<512x16xf32, #tpu.memory_space<vmem>>, %arg11: memref<!tpu.dma_semaphore, #tpu.memory_space<semaphore_mem>>, %arg12: memref<!tpu.dma_semaphore, #tpu.memory_space<semaphore_mem>>, %arg13: memref<!tpu.dma_semaphore, #tpu.memory_space<semaphore_mem>>) attributes {dimension_semantics = [#tpu.dimension_semantics<core_parallel>, #tpu.dimension_semantics<subcore_parallel>], iteration_bounds = array<i64: 2, 16>, scalar_prefetch = 0 : i64, scratch_operands = 8 : i64, tpu.core_type = #tpu.core_type<sc_vector_subcore>, window_params = [{transform_indices = #map}, {transform_indices = #map}, {transform_indices = #map}, {transform_indices = #map1}]} {
    %scan3A = arith.constant 0 : i32
    %scan3A_0 = arith.constant 512 : i32
    %scan3A_1 = arith.addi %scan3A, %scan3A_0 : i32
    %scan3A_2 = arith.constant 1 : i32
    scf.for %scan3A_22 = %scan3A to %scan3A_1 step %scan3A_2  : i32 {
      %mul3A_23 = arith.constant 1 : i32
      %mul3A_24 = arith.muli %scan3A_22, %mul3A_23 : i32
      %add3A_25 = arith.constant 0 : i32
      %add3A_26 = arith.addi %add3A_25, %mul3A_24 : i32
      %broadcast_in_dim3A = arith.constant 0.000000e+00 : f32
      %broadcast_in_dim3A_27 = vector.broadcast %broadcast_in_dim3A : f32 to vector<16xf32>
      %swap3A = arith.index_cast %add3A_26 : i32 to index
      %swap3A_28 = arith.constant 0 : index
      %swap3A_29 = tpu.vector_load %arg9[%swap3A, %swap3A_28] {strides = array<i32>} : memref<512x16xf32, #tpu.memory_space<vmem>>, vector<1x16xf32>,
      %swap3A_30 = vector.shape_cast %swap3A_29 : vector<1x16xf32> to vector<16xf32>
      %swap3A_31 = vector.shape_cast %broadcast_in_dim3A_27 : vector<16xf32> to vector<1x16xf32>
      tpu.vector_store %arg9[%swap3A, %swap3A_28], %swap3A_31 {strides = array<i32>} : memref<512x16xf32, #tpu.memory_space<vmem>>, vector<1x16xf32>,
    }
    %scan3A_3 = arith.constant 512 : i32
    %mul3A = arith.constant 6256 : i32
    %mul3A_4 = arith.muli %arg1, %mul3A : i32
    %scan3A_5 = arith.constant 0 : i32
    %scan3A_6 = arith.constant 12 : i32
    %scan3A_7 = arith.addi %scan3A_5, %scan3A_6 : i32
    %scan3A_8 = arith.constant 1 : i32
    scf.for %scan3A_22 = %scan3A_5 to %scan3A_7 step %scan3A_8  : i32 {
      %mul3A_23 = arith.constant 1 : i32
      %mul3A_24 = arith.muli %scan3A_22, %mul3A_23 : i32
      %add3A_25 = arith.constant 0 : i32
      %add3A_26 = arith.addi %add3A_25, %mul3A_24 : i32
      %mul3A_27 = arith.constant 512 : i32
      %mul3A_28 = arith.muli %add3A_26, %mul3A_27 : i32
      %add3A_29 = arith.addi %mul3A_4, %mul3A_28 : i32
      "tpu.region"() ({
        %run_scoped3A = tpu.sem_alloc : memref<!tpu.dma_semaphore, #tpu.memory_space<semaphore_mem>>
        %dma_start3A = arith.constant 0 : i32
        %dma_start3A_30 = tpu.memref_slice %arg6[%add3A_29, %dma_start3A] : memref<100096x16xf32, #tpu.memory_space<vmem_shared>> -> memref<512x16xf32, #tpu.memory_space<vmem_shared>>
        %dma_start3A_31 = arith.constant 0 : i32
        %dma_start3A_32 = tpu.memref_slice %arg6[%add3A_29, %dma_start3A_31] : memref<100096x16xf32, #tpu.memory_space<vmem_shared>> -> memref<512x16xf32, #tpu.memory_space<vmem_shared>>
        tpu.enqueue_dma source(%arg9 : memref<512x16xf32, #tpu.memory_space<vmem>>) target(%dma_start3A_32 : memref<512x16xf32, #tpu.memory_space<vmem_shared>>) target_semaphore(%run_scoped3A : memref<!tpu.dma_semaphore, #tpu.memory_space<semaphore_mem>>)
        %dma_wait3A = arith.constant 0 : i32
        %dma_wait3A_33 = tpu.memref_slice %arg6[%add3A_29, %dma_wait3A] : memref<100096x16xf32, #tpu.memory_space<vmem_shared>> -> memref<512x16xf32, #tpu.memory_space<vmem_shared>>
        %dma_wait3A_34 = arith.constant 0 : i32
        %dma_wait3A_35 = tpu.memref_slice %arg6[%add3A_29, %dma_wait3A_34] : memref<100096x16xf32, #tpu.memory_space<vmem_shared>> -> memref<512x16xf32, #tpu.memory_space<vmem_shared>>
        tpu.wait_dma2 semaphore(%run_scoped3A : memref<!tpu.dma_semaphore, #tpu.memory_space<semaphore_mem>>) src(%arg9 : memref<512x16xf32, #tpu.memory_space<vmem>>) dst(%dma_wait3A_35 : memref<512x16xf32, #tpu.memory_space<vmem_shared>>)
        tpu.yield
      }) : () -> ()
    }
    %scan3A_9 = arith.constant 12 : i32
    %add3A = arith.constant 6144 : i32
    %add3A_10 = arith.addi %mul3A_4, %add3A : i32
    "tpu.region"() ({
      %run_scoped3A = tpu.sem_alloc : memref<!tpu.dma_semaphore, #tpu.memory_space<semaphore_mem>>
      %dma_start3A = arith.constant 0 : i32
      %dma_start3A_22 = arith.constant 0 : i32
      %dma_start3A_23 = tpu.memref_slice %arg9[%dma_start3A, %dma_start3A_22] : memref<512x16xf32, #tpu.memory_space<vmem>> -> memref<112x16xf32, #tpu.memory_space<vmem>>
      %dma_start3A_24 = arith.constant 0 : i32
      %dma_start3A_25 = tpu.memref_slice %arg6[%add3A_10, %dma_start3A_24] : memref<100096x16xf32, #tpu.memory_space<vmem_shared>> -> memref<112x16xf32, #tpu.memory_space<vmem_shared>>
      %dma_start3A_26 = arith.constant 0 : i32
      %dma_start3A_27 = tpu.memref_slice %arg6[%add3A_10, %dma_start3A_26] : memref<100096x16xf32, #tpu.memory_space<vmem_shared>> -> memref<112x16xf32, #tpu.memory_space<vmem_shared>>
      %dma_start3A_28 = arith.constant 0 : i32
      %dma_start3A_29 = arith.constant 0 : i32
      %dma_start3A_30 = tpu.memref_slice %arg9[%dma_start3A_28, %dma_start3A_29] : memref<512x16xf32, #tpu.memory_space<vmem>> -> memref<112x16xf32, #tpu.memory_space<vmem>>
      tpu.enqueue_dma source(%dma_start3A_30 : memref<112x16xf32, #tpu.memory_space<vmem>>) target(%dma_start3A_27 : memref<112x16xf32, #tpu.memory_space<vmem_shared>>) target_semaphore(%run_scoped3A : memref<!tpu.dma_semaphore, #tpu.memory_space<semaphore_mem>>)
      %dma_wait3A = arith.constant 0 : i32
      %dma_wait3A_31 = arith.constant 0 : i32
      %dma_wait3A_32 = tpu.memref_slice %arg9[%dma_wait3A, %dma_wait3A_31] : memref<512x16xf32, #tpu.memory_space<vmem>> -> memref<112x16xf32, #tpu.memory_space<vmem>>
      %dma_wait3A_33 = arith.constant 0 : i32
      %dma_wait3A_34 = tpu.memref_slice %arg6[%add3A_10, %dma_wait3A_33] : memref<100096x16xf32, #tpu.memory_space<vmem_shared>> -> memref<112x16xf32, #tpu.memory_space<vmem_shared>>
      %dma_wait3A_35 = arith.constant 0 : i32
      %dma_wait3A_36 = tpu.memref_slice %arg6[%add3A_10, %dma_wait3A_35] : memref<100096x16xf32, #tpu.memory_space<vmem_shared>> -> memref<112x16xf32, #tpu.memory_space<vmem_shared>>
      %dma_wait3A_37 = arith.constant 0 : i32
      %dma_wait3A_38 = arith.constant 0 : i32
      %dma_wait3A_39 = tpu.memref_slice %arg9[%dma_wait3A_37, %dma_wait3A_38] : memref<512x16xf32, #tpu.memory_space<vmem>> -> memref<112x16xf32, #tpu.memory_space<vmem>>
      tpu.wait_dma2 semaphore(%run_scoped3A : memref<!tpu.dma_semaphore, #tpu.memory_space<semaphore_mem>>) src(%dma_wait3A_39 : memref<112x16xf32, #tpu.memory_space<vmem>>) dst(%dma_wait3A_36 : memref<112x16xf32, #tpu.memory_space<vmem_shared>>)
      tpu.yield
    }) : () -> ()
    %barrier3A = arith.constant 0 : index
    tpu.barrier barrier_id(%barrier3A)
    %mul3A_11 = arith.constant 6272 : i32
    %mul3A_12 = arith.muli %arg0, %mul3A_11 : i32
    %mul3A_13 = arith.constant 392 : i32
    %mul3A_14 = arith.muli %arg1, %mul3A_13 : i32
    %add3A_15 = arith.addi %mul3A_12, %mul3A_14 : i32
    %scan3A_16 = arith.constant 0 : i32
    %scan3A_17 = arith.constant 7 : i32
    %scan3A_18 = arith.addi %scan3A_16, %scan3A_17 : i32
    %scan3A_19 = arith.constant 1 : i32
    scf.for %scan3A_22 = %scan3A_16 to %scan3A_18 step %scan3A_19  : i32 {
      %mul3A_23 = arith.constant 1 : i32
      %mul3A_24 = arith.muli %scan3A_22, %mul3A_23 : i32
      %add3A_25 = arith.constant 0 : i32
      %add3A_26 = arith.addi %add3A_25, %mul3A_24 : i32
      %mul3A_27 = arith.constant 56 : i32
      %mul3A_28 = arith.muli %add3A_26, %mul3A_27 : i32
      %add3A_29 = arith.addi %add3A_15, %mul3A_28 : i32
      %dma_start3A = arith.constant 0 : i32
      %dma_start3A_30 = tpu.memref_slice %arg2[%add3A_29, %dma_start3A] : memref<12544x128xi32, #tpu.memory_space<hbm>> -> memref<56x128xi32, #tpu.memory_space<hbm>>
      %dma_start3A_31 = arith.constant 0 : i32
      %dma_start3A_32 = tpu.memref_slice %arg2[%add3A_29, %dma_start3A_31] : memref<12544x128xi32, #tpu.memory_space<hbm>> -> memref<56x128xi32, #tpu.memory_space<hbm>>
      tpu.enqueue_dma source(%dma_start3A_32 : memref<56x128xi32, #tpu.memory_space<hbm>>) target(%arg7 : memref<56x128xi32, #tpu.memory_space<vmem>>) target_semaphore(%arg11 : memref<!tpu.dma_semaphore, #tpu.memory_space<semaphore_mem>>)
      %dma_start3A_33 = arith.constant 0 : i32
      %dma_start3A_34 = tpu.memref_slice %arg3[%add3A_29, %dma_start3A_33] : memref<12544x128xi32, #tpu.memory_space<hbm>> -> memref<56x128xi32, #tpu.memory_space<hbm>>
      %dma_start3A_35 = arith.constant 0 : i32
      %dma_start3A_36 = tpu.memref_slice %arg3[%add3A_29, %dma_start3A_35] : memref<12544x128xi32, #tpu.memory_space<hbm>> -> memref<56x128xi32, #tpu.memory_space<hbm>>
      tpu.enqueue_dma source(%dma_start3A_36 : memref<56x128xi32, #tpu.memory_space<hbm>>) target(%arg8 : memref<56x128xi32, #tpu.memory_space<vmem>>) target_semaphore(%arg11 : memref<!tpu.dma_semaphore, #tpu.memory_space<semaphore_mem>>)
      %dma_wait3A = arith.constant 0 : i32
      %dma_wait3A_37 = tpu.memref_slice %arg2[%add3A_29, %dma_wait3A] : memref<12544x128xi32, #tpu.memory_space<hbm>> -> memref<56x128xi32, #tpu.memory_space<hbm>>
      %dma_wait3A_38 = arith.constant 0 : i32
      %dma_wait3A_39 = tpu.memref_slice %arg2[%add3A_29, %dma_wait3A_38] : memref<12544x128xi32, #tpu.memory_space<hbm>> -> memref<56x128xi32, #tpu.memory_space<hbm>>
      tpu.wait_dma2 semaphore(%arg11 : memref<!tpu.dma_semaphore, #tpu.memory_space<semaphore_mem>>) src(%dma_wait3A_39 : memref<56x128xi32, #tpu.memory_space<hbm>>) dst(%arg7 : memref<56x128xi32, #tpu.memory_space<vmem>>)
      %dma_wait3A_40 = arith.constant 0 : i32
      %dma_wait3A_41 = tpu.memref_slice %arg3[%add3A_29, %dma_wait3A_40] : memref<12544x128xi32, #tpu.memory_space<hbm>> -> memref<56x128xi32, #tpu.memory_space<hbm>>
      %dma_wait3A_42 = arith.constant 0 : i32
      %dma_wait3A_43 = tpu.memref_slice %arg3[%add3A_29, %dma_wait3A_42] : memref<12544x128xi32, #tpu.memory_space<hbm>> -> memref<56x128xi32, #tpu.memory_space<hbm>>
      tpu.wait_dma2 semaphore(%arg11 : memref<!tpu.dma_semaphore, #tpu.memory_space<semaphore_mem>>) src(%dma_wait3A_43 : memref<56x128xi32, #tpu.memory_space<hbm>>) dst(%arg8 : memref<56x128xi32, #tpu.memory_space<vmem>>)
      %scan3A_44 = arith.constant 0 : i32
      %scan3A_45 = arith.constant 7 : i32
      %scan3A_46 = arith.addi %scan3A_44, %scan3A_45 : i32
      %scan3A_47 = arith.constant 1 : i32
      scf.for %scan3A_107 = %scan3A_44 to %scan3A_46 step %scan3A_47  : i32 {
        %mul3A_108 = arith.constant 2 : i32
        %mul3A_109 = arith.muli %scan3A_107, %mul3A_108 : i32
        %add3A_110 = arith.constant 0 : i32
        %add3A_111 = arith.addi %add3A_110, %mul3A_109 : i32
        %add3A_112 = arith.constant 0 : i32
        %add3A_113 = arith.addi %add3A_111, %add3A_112 : i32
        %gt3A = arith.constant 0 : i32
        %gt3A_114 = arith.cmpi sgt, %add3A_111, %gt3A : i32
        %convert_element_type3A = arith.extui %gt3A_114 : i1 to i32
        %cond3A = arith.constant 0 : i32
        %cond3A_115 = arith.cmpi ne, %convert_element_type3A, %cond3A : i32
        scf.if %cond3A_115 {
          %dma_wait3A_286 = arith.constant 0 : i32
          %dma_wait3A_287 = arith.constant 0 : i32
          %dma_wait3A_288 = tpu.memref_slice %arg4[%dma_wait3A_286, %dma_wait3A_287] : memref<800000x16xf32, #tpu.memory_space<hbm>> -> memref<512x16xf32, #tpu.memory_space<hbm>>
          %dma_wait3A_289 = arith.constant 0 : i32
          %dma_wait3A_290 = arith.constant 0 : i32
          %dma_wait3A_291 = tpu.memref_slice %arg4[%dma_wait3A_289, %dma_wait3A_290] : memref<800000x16xf32, #tpu.memory_space<hbm>> -> memref<512x16xf32, #tpu.memory_space<hbm>>
          tpu.wait_dma2 semaphore(%arg12 : memref<!tpu.dma_semaphore, #tpu.memory_space<semaphore_mem>>) src(%dma_wait3A_291 : memref<512x16xf32, #tpu.memory_space<hbm>>) dst(%arg10 : memref<512x16xf32, #tpu.memory_space<vmem>>)
          %sub3A_292 = arith.constant 1 : i32
          %sub3A_293 = arith.subi %add3A_113, %sub3A_292 : i32
          %mul3A_294 = arith.constant 4 : i32
          %mul3A_295 = arith.muli %sub3A_293, %mul3A_294 : i32
          %add3A_296 = arith.constant 0 : i32
          %add3A_297 = arith.addi %mul3A_295, %add3A_296 : i32
          %dma_start3A_298 = arith.constant 0 : i32
          %dma_start3A_299 = arith.constant 0 : i32
          %dma_start3A_300 = tpu.memref_slice %arg10[%dma_start3A_298, %dma_start3A_299] : memref<512x16xf32, #tpu.memory_space<vmem>> -> memref<128x16xf32, #tpu.memory_space<vmem>>
          %dma_start3A_301 = arith.constant 0 : i32
          %dma_start3A_302 = tpu.memref_slice %arg8[%add3A_297, %dma_start3A_301] : memref<56x128xi32, #tpu.memory_space<vmem>> -> memref<1x128xi32, #tpu.memory_space<vmem>>
          %dma_start3A_303 = tpu.memref_squeeze %dma_start3A_302 : memref<1x128xi32, #tpu.memory_space<vmem>> -> memref<128xi32, #tpu.memory_space<vmem>>
          %dma_start3A_304 = arith.constant 0 : i32
          %dma_start3A_305 = arith.constant 0 : i32
          %dma_start3A_306 = tpu.memref_slice %arg6[%dma_start3A_304, %dma_start3A_305] : memref<100096x16xf32, #tpu.memory_space<vmem_shared>> -> memref<100096x16xf32, #tpu.memory_space<vmem_shared>>
          tpu.enqueue_indirect_dma source(%dma_start3A_300 : memref<128x16xf32, #tpu.memory_space<vmem>>) target(%dma_start3A_306 : memref<100096x16xf32, #tpu.memory_space<vmem_shared>>) offsets(%dma_start3A_303 : memref<128xi32, #tpu.memory_space<vmem>>) semaphore(%arg13 : memref<!tpu.dma_semaphore, #tpu.memory_space<semaphore_mem>>) {add = true}
          %mul3A_307 = arith.constant 4 : i32
          %mul3A_308 = arith.muli %sub3A_293, %mul3A_307 : i32
          %add3A_309 = arith.constant 1 : i32
          %add3A_310 = arith.addi %mul3A_308, %add3A_309 : i32
          %dma_start3A_311 = arith.constant 128 : i32
          %dma_start3A_312 = arith.constant 0 : i32
          %dma_start3A_313 = tpu.memref_slice %arg10[%dma_start3A_311, %dma_start3A_312] : memref<512x16xf32, #tpu.memory_space<vmem>> -> memref<128x16xf32, #tpu.memory_space<vmem>>
          %dma_start3A_314 = arith.constant 0 : i32
          %dma_start3A_315 = tpu.memref_slice %arg8[%add3A_310, %dma_start3A_314] : memref<56x128xi32, #tpu.memory_space<vmem>> -> memref<1x128xi32, #tpu.memory_space<vmem>>
          %dma_start3A_316 = tpu.memref_squeeze %dma_start3A_315 : memref<1x128xi32, #tpu.memory_space<vmem>> -> memref<128xi32, #tpu.memory_space<vmem>>
          %dma_start3A_317 = arith.constant 0 : i32
          %dma_start3A_318 = arith.constant 0 : i32
          %dma_start3A_319 = tpu.memref_slice %arg6[%dma_start3A_317, %dma_start3A_318] : memref<100096x16xf32, #tpu.memory_space<vmem_shared>> -> memref<100096x16xf32, #tpu.memory_space<vmem_shared>>
          tpu.enqueue_indirect_dma source(%dma_start3A_313 : memref<128x16xf32, #tpu.memory_space<vmem>>) target(%dma_start3A_319 : memref<100096x16xf32, #tpu.memory_space<vmem_shared>>) offsets(%dma_start3A_316 : memref<128xi32, #tpu.memory_space<vmem>>) semaphore(%arg13 : memref<!tpu.dma_semaphore, #tpu.memory_space<semaphore_mem>>) {add = true}
          %mul3A_320 = arith.constant 4 : i32
          %mul3A_321 = arith.muli %sub3A_293, %mul3A_320 : i32
          %add3A_322 = arith.constant 2 : i32
          %add3A_323 = arith.addi %mul3A_321, %add3A_322 : i32
          %dma_start3A_324 = arith.constant 256 : i32
          %dma_start3A_325 = arith.constant 0 : i32
          %dma_start3A_326 = tpu.memref_slice %arg10[%dma_start3A_324, %dma_start3A_325] : memref<512x16xf32, #tpu.memory_space<vmem>> -> memref<128x16xf32, #tpu.memory_space<vmem>>
          %dma_start3A_327 = arith.constant 0 : i32
          %dma_start3A_328 = tpu.memref_slice %arg8[%add3A_323, %dma_start3A_327] : memref<56x128xi32, #tpu.memory_space<vmem>> -> memref<1x128xi32, #tpu.memory_space<vmem>>
          %dma_start3A_329 = tpu.memref_squeeze %dma_start3A_328 : memref<1x128xi32, #tpu.memory_space<vmem>> -> memref<128xi32, #tpu.memory_space<vmem>>
          %dma_start3A_330 = arith.constant 0 : i32
          %dma_start3A_331 = arith.constant 0 : i32
          %dma_start3A_332 = tpu.memref_slice %arg6[%dma_start3A_330, %dma_start3A_331] : memref<100096x16xf32, #tpu.memory_space<vmem_shared>> -> memref<100096x16xf32, #tpu.memory_space<vmem_shared>>
          tpu.enqueue_indirect_dma source(%dma_start3A_326 : memref<128x16xf32, #tpu.memory_space<vmem>>) target(%dma_start3A_332 : memref<100096x16xf32, #tpu.memory_space<vmem_shared>>) offsets(%dma_start3A_329 : memref<128xi32, #tpu.memory_space<vmem>>) semaphore(%arg13 : memref<!tpu.dma_semaphore, #tpu.memory_space<semaphore_mem>>) {add = true}
          %mul3A_333 = arith.constant 4 : i32
          %mul3A_334 = arith.muli %sub3A_293, %mul3A_333 : i32
          %add3A_335 = arith.constant 3 : i32
          %add3A_336 = arith.addi %mul3A_334, %add3A_335 : i32
          %dma_start3A_337 = arith.constant 384 : i32
          %dma_start3A_338 = arith.constant 0 : i32
          %dma_start3A_339 = tpu.memref_slice %arg10[%dma_start3A_337, %dma_start3A_338] : memref<512x16xf32, #tpu.memory_space<vmem>> -> memref<128x16xf32, #tpu.memory_space<vmem>>
          %dma_start3A_340 = arith.constant 0 : i32
          %dma_start3A_341 = tpu.memref_slice %arg8[%add3A_336, %dma_start3A_340] : memref<56x128xi32, #tpu.memory_space<vmem>> -> memref<1x128xi32, #tpu.memory_space<vmem>>
          %dma_start3A_342 = tpu.memref_squeeze %dma_start3A_341 : memref<1x128xi32, #tpu.memory_space<vmem>> -> memref<128xi32, #tpu.memory_space<vmem>>
          %dma_start3A_343 = arith.constant 0 : i32
          %dma_start3A_344 = arith.constant 0 : i32
          %dma_start3A_345 = tpu.memref_slice %arg6[%dma_start3A_343, %dma_start3A_344] : memref<100096x16xf32, #tpu.memory_space<vmem_shared>> -> memref<100096x16xf32, #tpu.memory_space<vmem_shared>>
          tpu.enqueue_indirect_dma source(%dma_start3A_339 : memref<128x16xf32, #tpu.memory_space<vmem>>) target(%dma_start3A_345 : memref<100096x16xf32, #tpu.memory_space<vmem_shared>>) offsets(%dma_start3A_342 : memref<128xi32, #tpu.memory_space<vmem>>) semaphore(%arg13 : memref<!tpu.dma_semaphore, #tpu.memory_space<semaphore_mem>>) {add = true}
          %dma_wait3A_346 = arith.constant 0 : i32
          %dma_wait3A_347 = arith.constant 0 : i32
          %dma_wait3A_348 = tpu.memref_slice %arg6[%dma_wait3A_346, %dma_wait3A_347] : memref<100096x16xf32, #tpu.memory_space<vmem_shared>> -> memref<512x16xf32, #tpu.memory_space<vmem_shared>>
          %dma_wait3A_349 = arith.constant 0 : i32
          %dma_wait3A_350 = arith.constant 0 : i32
          %dma_wait3A_351 = tpu.memref_slice %arg6[%dma_wait3A_349, %dma_wait3A_350] : memref<100096x16xf32, #tpu.memory_space<vmem_shared>> -> memref<512x16xf32, #tpu.memory_space<vmem_shared>>
          tpu.wait_dma2 semaphore(%arg13 : memref<!tpu.dma_semaphore, #tpu.memory_space<semaphore_mem>>) src(%arg9 : memref<512x16xf32, #tpu.memory_space<vmem>>) dst(%dma_wait3A_351 : memref<512x16xf32, #tpu.memory_space<vmem_shared>>)
        } else {
        }
        %mul3A_116 = arith.constant 4 : i32
        %mul3A_117 = arith.muli %add3A_113, %mul3A_116 : i32
        %add3A_118 = arith.constant 0 : i32
        %add3A_119 = arith.addi %mul3A_117, %add3A_118 : i32
        %dma_start3A_120 = arith.constant 0 : i32
        %dma_start3A_121 = arith.constant 0 : i32
        %dma_start3A_122 = tpu.memref_slice %arg9[%dma_start3A_120, %dma_start3A_121] : memref<512x16xf32, #tpu.memory_space<vmem>> -> memref<128x16xf32, #tpu.memory_space<vmem>>
        %dma_start3A_123 = arith.constant 0 : i32
        %dma_start3A_124 = tpu.memref_slice %arg7[%add3A_119, %dma_start3A_123] : memref<56x128xi32, #tpu.memory_space<vmem>> -> memref<1x128xi32, #tpu.memory_space<vmem>>
        %dma_start3A_125 = tpu.memref_squeeze %dma_start3A_124 : memref<1x128xi32, #tpu.memory_space<vmem>> -> memref<128xi32, #tpu.memory_space<vmem>>
        %dma_start3A_126 = arith.constant 0 : i32
        %dma_start3A_127 = arith.constant 0 : i32
        %dma_start3A_128 = tpu.memref_slice %arg4[%dma_start3A_126, %dma_start3A_127] : memref<800000x16xf32, #tpu.memory_space<hbm>> -> memref<800000x16xf32, #tpu.memory_space<hbm>>
        tpu.enqueue_indirect_dma source(%dma_start3A_128 : memref<800000x16xf32, #tpu.memory_space<hbm>>) target(%dma_start3A_122 : memref<128x16xf32, #tpu.memory_space<vmem>>) offsets(%dma_start3A_125 : memref<128xi32, #tpu.memory_space<vmem>>) semaphore(%arg12 : memref<!tpu.dma_semaphore, #tpu.memory_space<semaphore_mem>>)
        %mul3A_129 = arith.constant 4 : i32
        %mul3A_130 = arith.muli %add3A_113, %mul3A_129 : i32
        %add3A_131 = arith.constant 1 : i32
        %add3A_132 = arith.addi %mul3A_130, %add3A_131 : i32
        %dma_start3A_133 = arith.constant 128 : i32
        %dma_start3A_134 = arith.constant 0 : i32
        %dma_start3A_135 = tpu.memref_slice %arg9[%dma_start3A_133, %dma_start3A_134] : memref<512x16xf32, #tpu.memory_space<vmem>> -> memref<128x16xf32, #tpu.memory_space<vmem>>
        %dma_start3A_136 = arith.constant 0 : i32
        %dma_start3A_137 = tpu.memref_slice %arg7[%add3A_132, %dma_start3A_136] : memref<56x128xi32, #tpu.memory_space<vmem>> -> memref<1x128xi32, #tpu.memory_space<vmem>>
        %dma_start3A_138 = tpu.memref_squeeze %dma_start3A_137 : memref<1x128xi32, #tpu.memory_space<vmem>> -> memref<128xi32, #tpu.memory_space<vmem>>
        %dma_start3A_139 = arith.constant 0 : i32
        %dma_start3A_140 = arith.constant 0 : i32
        %dma_start3A_141 = tpu.memref_slice %arg4[%dma_start3A_139, %dma_start3A_140] : memref<800000x16xf32, #tpu.memory_space<hbm>> -> memref<800000x16xf32, #tpu.memory_space<hbm>>
        tpu.enqueue_indirect_dma source(%dma_start3A_141 : memref<800000x16xf32, #tpu.memory_space<hbm>>) target(%dma_start3A_135 : memref<128x16xf32, #tpu.memory_space<vmem>>) offsets(%dma_start3A_138 : memref<128xi32, #tpu.memory_space<vmem>>) semaphore(%arg12 : memref<!tpu.dma_semaphore, #tpu.memory_space<semaphore_mem>>)
        %mul3A_142 = arith.constant 4 : i32
        %mul3A_143 = arith.muli %add3A_113, %mul3A_142 : i32
        %add3A_144 = arith.constant 2 : i32
        %add3A_145 = arith.addi %mul3A_143, %add3A_144 : i32
        %dma_start3A_146 = arith.constant 256 : i32
        %dma_start3A_147 = arith.constant 0 : i32
        %dma_start3A_148 = tpu.memref_slice %arg9[%dma_start3A_146, %dma_start3A_147] : memref<512x16xf32, #tpu.memory_space<vmem>> -> memref<128x16xf32, #tpu.memory_space<vmem>>
        %dma_start3A_149 = arith.constant 0 : i32
        %dma_start3A_150 = tpu.memref_slice %arg7[%add3A_145, %dma_start3A_149] : memref<56x128xi32, #tpu.memory_space<vmem>> -> memref<1x128xi32, #tpu.memory_space<vmem>>
        %dma_start3A_151 = tpu.memref_squeeze %dma_start3A_150 : memref<1x128xi32, #tpu.memory_space<vmem>> -> memref<128xi32, #tpu.memory_space<vmem>>
        %dma_start3A_152 = arith.constant 0 : i32
        %dma_start3A_153 = arith.constant 0 : i32
        %dma_start3A_154 = tpu.memref_slice %arg4[%dma_start3A_152, %dma_start3A_153] : memref<800000x16xf32, #tpu.memory_space<hbm>> -> memref<800000x16xf32, #tpu.memory_space<hbm>>
        tpu.enqueue_indirect_dma source(%dma_start3A_154 : memref<800000x16xf32, #tpu.memory_space<hbm>>) target(%dma_start3A_148 : memref<128x16xf32, #tpu.memory_space<vmem>>) offsets(%dma_start3A_151 : memref<128xi32, #tpu.memory_space<vmem>>) semaphore(%arg12 : memref<!tpu.dma_semaphore, #tpu.memory_space<semaphore_mem>>)
        %mul3A_155 = arith.constant 4 : i32
        %mul3A_156 = arith.muli %add3A_113, %mul3A_155 : i32
        %add3A_157 = arith.constant 3 : i32
        %add3A_158 = arith.addi %mul3A_156, %add3A_157 : i32
        %dma_start3A_159 = arith.constant 384 : i32
        %dma_start3A_160 = arith.constant 0 : i32
        %dma_start3A_161 = tpu.memref_slice %arg9[%dma_start3A_159, %dma_start3A_160] : memref<512x16xf32, #tpu.memory_space<vmem>> -> memref<128x16xf32, #tpu.memory_space<vmem>>
        %dma_start3A_162 = arith.constant 0 : i32
        %dma_start3A_163 = tpu.memref_slice %arg7[%add3A_158, %dma_start3A_162] : memref<56x128xi32, #tpu.memory_space<vmem>> -> memref<1x128xi32, #tpu.memory_space<vmem>>
        %dma_start3A_164 = tpu.memref_squeeze %dma_start3A_163 : memref<1x128xi32, #tpu.memory_space<vmem>> -> memref<128xi32, #tpu.memory_space<vmem>>
        %dma_start3A_165 = arith.constant 0 : i32
        %dma_start3A_166 = arith.constant 0 : i32
        %dma_start3A_167 = tpu.memref_slice %arg4[%dma_start3A_165, %dma_start3A_166] : memref<800000x16xf32, #tpu.memory_space<hbm>> -> memref<800000x16xf32, #tpu.memory_space<hbm>>
        tpu.enqueue_indirect_dma source(%dma_start3A_167 : memref<800000x16xf32, #tpu.memory_space<hbm>>) target(%dma_start3A_161 : memref<128x16xf32, #tpu.memory_space<vmem>>) offsets(%dma_start3A_164 : memref<128xi32, #tpu.memory_space<vmem>>) semaphore(%arg12 : memref<!tpu.dma_semaphore, #tpu.memory_space<semaphore_mem>>)
        %add3A_168 = arith.constant 1 : i32
        %add3A_169 = arith.addi %add3A_111, %add3A_168 : i32
        %dma_wait3A_170 = arith.constant 0 : i32
        %dma_wait3A_171 = arith.constant 0 : i32
        %dma_wait3A_172 = tpu.memref_slice %arg4[%dma_wait3A_170, %dma_wait3A_171] : memref<800000x16xf32, #tpu.memory_space<hbm>> -> memref<512x16xf32, #tpu.memory_space<hbm>>
        %dma_wait3A_173 = arith.constant 0 : i32
        %dma_wait3A_174 = arith.constant 0 : i32
        %dma_wait3A_175 = tpu.memref_slice %arg4[%dma_wait3A_173, %dma_wait3A_174] : memref<800000x16xf32, #tpu.memory_space<hbm>> -> memref<512x16xf32, #tpu.memory_space<hbm>>
        tpu.wait_dma2 semaphore(%arg12 : memref<!tpu.dma_semaphore, #tpu.memory_space<semaphore_mem>>) src(%dma_wait3A_175 : memref<512x16xf32, #tpu.memory_space<hbm>>) dst(%arg9 : memref<512x16xf32, #tpu.memory_space<vmem>>)
        %sub3A = arith.constant 1 : i32
        %sub3A_176 = arith.subi %add3A_169, %sub3A : i32
        %mul3A_177 = arith.constant 4 : i32
        %mul3A_178 = arith.muli %sub3A_176, %mul3A_177 : i32
        %add3A_179 = arith.constant 0 : i32
        %add3A_180 = arith.addi %mul3A_178, %add3A_179 : i32
        %dma_start3A_181 = arith.constant 0 : i32
        %dma_start3A_182 = arith.constant 0 : i32
        %dma_start3A_183 = tpu.memref_slice %arg9[%dma_start3A_181, %dma_start3A_182] : memref<512x16xf32, #tpu.memory_space<vmem>> -> memref<128x16xf32, #tpu.memory_space<vmem>>
        %dma_start3A_184 = arith.constant 0 : i32
        %dma_start3A_185 = tpu.memref_slice %arg8[%add3A_180, %dma_start3A_184] : memref<56x128xi32, #tpu.memory_space<vmem>> -> memref<1x128xi32, #tpu.memory_space<vmem>>
        %dma_start3A_186 = tpu.memref_squeeze %dma_start3A_185 : memref<1x128xi32, #tpu.memory_space<vmem>> -> memref<128xi32, #tpu.memory_space<vmem>>
        %dma_start3A_187 = arith.constant 0 : i32
        %dma_start3A_188 = arith.constant 0 : i32
        %dma_start3A_189 = tpu.memref_slice %arg6[%dma_start3A_187, %dma_start3A_188] : memref<100096x16xf32, #tpu.memory_space<vmem_shared>> -> memref<100096x16xf32, #tpu.memory_space<vmem_shared>>
        tpu.enqueue_indirect_dma source(%dma_start3A_183 : memref<128x16xf32, #tpu.memory_space<vmem>>) target(%dma_start3A_189 : memref<100096x16xf32, #tpu.memory_space<vmem_shared>>) offsets(%dma_start3A_186 : memref<128xi32, #tpu.memory_space<vmem>>) semaphore(%arg13 : memref<!tpu.dma_semaphore, #tpu.memory_space<semaphore_mem>>) {add = true}
        %mul3A_190 = arith.constant 4 : i32
        %mul3A_191 = arith.muli %sub3A_176, %mul3A_190 : i32
        %add3A_192 = arith.constant 1 : i32
        %add3A_193 = arith.addi %mul3A_191, %add3A_192 : i32
        %dma_start3A_194 = arith.constant 128 : i32
        %dma_start3A_195 = arith.constant 0 : i32
        %dma_start3A_196 = tpu.memref_slice %arg9[%dma_start3A_194, %dma_start3A_195] : memref<512x16xf32, #tpu.memory_space<vmem>> -> memref<128x16xf32, #tpu.memory_space<vmem>>
        %dma_start3A_197 = arith.constant 0 : i32
        %dma_start3A_198 = tpu.memref_slice %arg8[%add3A_193, %dma_start3A_197] : memref<56x128xi32, #tpu.memory_space<vmem>> -> memref<1x128xi32, #tpu.memory_space<vmem>>
        %dma_start3A_199 = tpu.memref_squeeze %dma_start3A_198 : memref<1x128xi32, #tpu.memory_space<vmem>> -> memref<128xi32, #tpu.memory_space<vmem>>
        %dma_start3A_200 = arith.constant 0 : i32
        %dma_start3A_201 = arith.constant 0 : i32
        %dma_start3A_202 = tpu.memref_slice %arg6[%dma_start3A_200, %dma_start3A_201] : memref<100096x16xf32, #tpu.memory_space<vmem_shared>> -> memref<100096x16xf32, #tpu.memory_space<vmem_shared>>
        tpu.enqueue_indirect_dma source(%dma_start3A_196 : memref<128x16xf32, #tpu.memory_space<vmem>>) target(%dma_start3A_202 : memref<100096x16xf32, #tpu.memory_space<vmem_shared>>) offsets(%dma_start3A_199 : memref<128xi32, #tpu.memory_space<vmem>>) semaphore(%arg13 : memref<!tpu.dma_semaphore, #tpu.memory_space<semaphore_mem>>) {add = true}
        %mul3A_203 = arith.constant 4 : i32
        %mul3A_204 = arith.muli %sub3A_176, %mul3A_203 : i32
        %add3A_205 = arith.constant 2 : i32
        %add3A_206 = arith.addi %mul3A_204, %add3A_205 : i32
        %dma_start3A_207 = arith.constant 256 : i32
        %dma_start3A_208 = arith.constant 0 : i32
        %dma_start3A_209 = tpu.memref_slice %arg9[%dma_start3A_207, %dma_start3A_208] : memref<512x16xf32, #tpu.memory_space<vmem>> -> memref<128x16xf32, #tpu.memory_space<vmem>>
        %dma_start3A_210 = arith.constant 0 : i32
        %dma_start3A_211 = tpu.memref_slice %arg8[%add3A_206, %dma_start3A_210] : memref<56x128xi32, #tpu.memory_space<vmem>> -> memref<1x128xi32, #tpu.memory_space<vmem>>
        %dma_start3A_212 = tpu.memref_squeeze %dma_start3A_211 : memref<1x128xi32, #tpu.memory_space<vmem>> -> memref<128xi32, #tpu.memory_space<vmem>>
        %dma_start3A_213 = arith.constant 0 : i32
        %dma_start3A_214 = arith.constant 0 : i32
        %dma_start3A_215 = tpu.memref_slice %arg6[%dma_start3A_213, %dma_start3A_214] : memref<100096x16xf32, #tpu.memory_space<vmem_shared>> -> memref<100096x16xf32, #tpu.memory_space<vmem_shared>>
        tpu.enqueue_indirect_dma source(%dma_start3A_209 : memref<128x16xf32, #tpu.memory_space<vmem>>) target(%dma_start3A_215 : memref<100096x16xf32, #tpu.memory_space<vmem_shared>>) offsets(%dma_start3A_212 : memref<128xi32, #tpu.memory_space<vmem>>) semaphore(%arg13 : memref<!tpu.dma_semaphore, #tpu.memory_space<semaphore_mem>>) {add = true}
        %mul3A_216 = arith.constant 4 : i32
        %mul3A_217 = arith.muli %sub3A_176, %mul3A_216 : i32
        %add3A_218 = arith.constant 3 : i32
        %add3A_219 = arith.addi %mul3A_217, %add3A_218 : i32
        %dma_start3A_220 = arith.constant 384 : i32
        %dma_start3A_221 = arith.constant 0 : i32
        %dma_start3A_222 = tpu.memref_slice %arg9[%dma_start3A_220, %dma_start3A_221] : memref<512x16xf32, #tpu.memory_space<vmem>> -> memref<128x16xf32, #tpu.memory_space<vmem>>
        %dma_start3A_223 = arith.constant 0 : i32
        %dma_start3A_224 = tpu.memref_slice %arg8[%add3A_219, %dma_start3A_223] : memref<56x128xi32, #tpu.memory_space<vmem>> -> memref<1x128xi32, #tpu.memory_space<vmem>>
        %dma_start3A_225 = tpu.memref_squeeze %dma_start3A_224 : memref<1x128xi32, #tpu.memory_space<vmem>> -> memref<128xi32, #tpu.memory_space<vmem>>
        %dma_start3A_226 = arith.constant 0 : i32
        %dma_start3A_227 = arith.constant 0 : i32
        %dma_start3A_228 = tpu.memref_slice %arg6[%dma_start3A_226, %dma_start3A_227] : memref<100096x16xf32, #tpu.memory_space<vmem_shared>> -> memref<100096x16xf32, #tpu.memory_space<vmem_shared>>
        tpu.enqueue_indirect_dma source(%dma_start3A_222 : memref<128x16xf32, #tpu.memory_space<vmem>>) target(%dma_start3A_228 : memref<100096x16xf32, #tpu.memory_space<vmem_shared>>) offsets(%dma_start3A_225 : memref<128xi32, #tpu.memory_space<vmem>>) semaphore(%arg13 : memref<!tpu.dma_semaphore, #tpu.memory_space<semaphore_mem>>) {add = true}
        %gt3A_229 = arith.constant 0 : i32
        %gt3A_230 = arith.cmpi sgt, %add3A_111, %gt3A_229 : i32
        %convert_element_type3A_231 = arith.extui %gt3A_230 : i1 to i32
        %cond3A_232 = arith.constant 0 : i32
        %cond3A_233 = arith.cmpi ne, %convert_element_type3A_231, %cond3A_232 : i32
        scf.if %cond3A_233 {
          %dma_wait3A_286 = arith.constant 0 : i32
          %dma_wait3A_287 = arith.constant 0 : i32
          %dma_wait3A_288 = tpu.memref_slice %arg6[%dma_wait3A_286, %dma_wait3A_287] : memref<100096x16xf32, #tpu.memory_space<vmem_shared>> -> memref<512x16xf32, #tpu.memory_space<vmem_shared>>
          %dma_wait3A_289 = arith.constant 0 : i32
          %dma_wait3A_290 = arith.constant 0 : i32
          %dma_wait3A_291 = tpu.memref_slice %arg6[%dma_wait3A_289, %dma_wait3A_290] : memref<100096x16xf32, #tpu.memory_space<vmem_shared>> -> memref<512x16xf32, #tpu.memory_space<vmem_shared>>
          tpu.wait_dma2 semaphore(%arg13 : memref<!tpu.dma_semaphore, #tpu.memory_space<semaphore_mem>>) src(%arg10 : memref<512x16xf32, #tpu.memory_space<vmem>>) dst(%dma_wait3A_291 : memref<512x16xf32, #tpu.memory_space<vmem_shared>>)
        } else {
        }
        %mul3A_234 = arith.constant 4 : i32
        %mul3A_235 = arith.muli %add3A_169, %mul3A_234 : i32
        %add3A_236 = arith.constant 0 : i32
        %add3A_237 = arith.addi %mul3A_235, %add3A_236 : i32
        %dma_start3A_238 = arith.constant 0 : i32
        %dma_start3A_239 = arith.constant 0 : i32
        %dma_start3A_240 = tpu.memref_slice %arg10[%dma_start3A_238, %dma_start3A_239] : memref<512x16xf32, #tpu.memory_space<vmem>> -> memref<128x16xf32, #tpu.memory_space<vmem>>
        %dma_start3A_241 = arith.constant 0 : i32
        %dma_start3A_242 = tpu.memref_slice %arg7[%add3A_237, %dma_start3A_241] : memref<56x128xi32, #tpu.memory_space<vmem>> -> memref<1x128xi32, #tpu.memory_space<vmem>>
        %dma_start3A_243 = tpu.memref_squeeze %dma_start3A_242 : memref<1x128xi32, #tpu.memory_space<vmem>> -> memref<128xi32, #tpu.memory_space<vmem>>
        %dma_start3A_244 = arith.constant 0 : i32
        %dma_start3A_245 = arith.constant 0 : i32
        %dma_start3A_246 = tpu.memref_slice %arg4[%dma_start3A_244, %dma_start3A_245] : memref<800000x16xf32, #tpu.memory_space<hbm>> -> memref<800000x16xf32, #tpu.memory_space<hbm>>
        tpu.enqueue_indirect_dma source(%dma_start3A_246 : memref<800000x16xf32, #tpu.memory_space<hbm>>) target(%dma_start3A_240 : memref<128x16xf32, #tpu.memory_space<vmem>>) offsets(%dma_start3A_243 : memref<128xi32, #tpu.memory_space<vmem>>) semaphore(%arg12 : memref<!tpu.dma_semaphore, #tpu.memory_space<semaphore_mem>>)
        %mul3A_247 = arith.constant 4 : i32
        %mul3A_248 = arith.muli %add3A_169, %mul3A_247 : i32
        %add3A_249 = arith.constant 1 : i32
        %add3A_250 = arith.addi %mul3A_248, %add3A_249 : i32
        %dma_start3A_251 = arith.constant 128 : i32
        %dma_start3A_252 = arith.constant 0 : i32
        %dma_start3A_253 = tpu.memref_slice %arg10[%dma_start3A_251, %dma_start3A_252] : memref<512x16xf32, #tpu.memory_space<vmem>> -> memref<128x16xf32, #tpu.memory_space<vmem>>
        %dma_start3A_254 = arith.constant 0 : i32
        %dma_start3A_255 = tpu.memref_slice %arg7[%add3A_250, %dma_start3A_254] : memref<56x128xi32, #tpu.memory_space<vmem>> -> memref<1x128xi32, #tpu.memory_space<vmem>>
        %dma_start3A_256 = tpu.memref_squeeze %dma_start3A_255 : memref<1x128xi32, #tpu.memory_space<vmem>> -> memref<128xi32, #tpu.memory_space<vmem>>
        %dma_start3A_257 = arith.constant 0 : i32
        %dma_start3A_258 = arith.constant 0 : i32
        %dma_start3A_259 = tpu.memref_slice %arg4[%dma_start3A_257, %dma_start3A_258] : memref<800000x16xf32, #tpu.memory_space<hbm>> -> memref<800000x16xf32, #tpu.memory_space<hbm>>
        tpu.enqueue_indirect_dma source(%dma_start3A_259 : memref<800000x16xf32, #tpu.memory_space<hbm>>) target(%dma_start3A_253 : memref<128x16xf32, #tpu.memory_space<vmem>>) offsets(%dma_start3A_256 : memref<128xi32, #tpu.memory_space<vmem>>) semaphore(%arg12 : memref<!tpu.dma_semaphore, #tpu.memory_space<semaphore_mem>>)
        %mul3A_260 = arith.constant 4 : i32
        %mul3A_261 = arith.muli %add3A_169, %mul3A_260 : i32
        %add3A_262 = arith.constant 2 : i32
        %add3A_263 = arith.addi %mul3A_261, %add3A_262 : i32
        %dma_start3A_264 = arith.constant 256 : i32
        %dma_start3A_265 = arith.constant 0 : i32
        %dma_start3A_266 = tpu.memref_slice %arg10[%dma_start3A_264, %dma_start3A_265] : memref<512x16xf32, #tpu.memory_space<vmem>> -> memref<128x16xf32, #tpu.memory_space<vmem>>
        %dma_start3A_267 = arith.constant 0 : i32
        %dma_start3A_268 = tpu.memref_slice %arg7[%add3A_263, %dma_start3A_267] : memref<56x128xi32, #tpu.memory_space<vmem>> -> memref<1x128xi32, #tpu.memory_space<vmem>>
        %dma_start3A_269 = tpu.memref_squeeze %dma_start3A_268 : memref<1x128xi32, #tpu.memory_space<vmem>> -> memref<128xi32, #tpu.memory_space<vmem>>
        %dma_start3A_270 = arith.constant 0 : i32
        %dma_start3A_271 = arith.constant 0 : i32
        %dma_start3A_272 = tpu.memref_slice %arg4[%dma_start3A_270, %dma_start3A_271] : memref<800000x16xf32, #tpu.memory_space<hbm>> -> memref<800000x16xf32, #tpu.memory_space<hbm>>
        tpu.enqueue_indirect_dma source(%dma_start3A_272 : memref<800000x16xf32, #tpu.memory_space<hbm>>) target(%dma_start3A_266 : memref<128x16xf32, #tpu.memory_space<vmem>>) offsets(%dma_start3A_269 : memref<128xi32, #tpu.memory_space<vmem>>) semaphore(%arg12 : memref<!tpu.dma_semaphore, #tpu.memory_space<semaphore_mem>>)
        %mul3A_273 = arith.constant 4 : i32
        %mul3A_274 = arith.muli %add3A_169, %mul3A_273 : i32
        %add3A_275 = arith.constant 3 : i32
        %add3A_276 = arith.addi %mul3A_274, %add3A_275 : i32
        %dma_start3A_277 = arith.constant 384 : i32
        %dma_start3A_278 = arith.constant 0 : i32
        %dma_start3A_279 = tpu.memref_slice %arg10[%dma_start3A_277, %dma_start3A_278] : memref<512x16xf32, #tpu.memory_space<vmem>> -> memref<128x16xf32, #tpu.memory_space<vmem>>
        %dma_start3A_280 = arith.constant 0 : i32
        %dma_start3A_281 = tpu.memref_slice %arg7[%add3A_276, %dma_start3A_280] : memref<56x128xi32, #tpu.memory_space<vmem>> -> memref<1x128xi32, #tpu.memory_space<vmem>>
        %dma_start3A_282 = tpu.memref_squeeze %dma_start3A_281 : memref<1x128xi32, #tpu.memory_space<vmem>> -> memref<128xi32, #tpu.memory_space<vmem>>
        %dma_start3A_283 = arith.constant 0 : i32
        %dma_start3A_284 = arith.constant 0 : i32
        %dma_start3A_285 = tpu.memref_slice %arg4[%dma_start3A_283, %dma_start3A_284] : memref<800000x16xf32, #tpu.memory_space<hbm>> -> memref<800000x16xf32, #tpu.memory_space<hbm>>
        tpu.enqueue_indirect_dma source(%dma_start3A_285 : memref<800000x16xf32, #tpu.memory_space<hbm>>) target(%dma_start3A_279 : memref<128x16xf32, #tpu.memory_space<vmem>>) offsets(%dma_start3A_282 : memref<128xi32, #tpu.memory_space<vmem>>) semaphore(%arg12 : memref<!tpu.dma_semaphore, #tpu.memory_space<semaphore_mem>>)
      }
      %scan3A_48 = arith.constant 7 : i32
      %dma_wait3A_49 = arith.constant 0 : i32
      %dma_wait3A_50 = arith.constant 0 : i32
      %dma_wait3A_51 = tpu.memref_slice %arg4[%dma_wait3A_49, %dma_wait3A_50] : memref<800000x16xf32, #tpu.memory_space<hbm>> -> memref<512x16xf32, #tpu.memory_space<hbm>>
      %dma_wait3A_52 = arith.constant 0 : i32
      %dma_wait3A_53 = arith.constant 0 : i32
      %dma_wait3A_54 = tpu.memref_slice %arg4[%dma_wait3A_52, %dma_wait3A_53] : memref<800000x16xf32, #tpu.memory_space<hbm>> -> memref<512x16xf32, #tpu.memory_space<hbm>>
      tpu.wait_dma2 semaphore(%arg12 : memref<!tpu.dma_semaphore, #tpu.memory_space<semaphore_mem>>) src(%dma_wait3A_54 : memref<512x16xf32, #tpu.memory_space<hbm>>) dst(%arg10 : memref<512x16xf32, #tpu.memory_space<vmem>>)
      %dma_start3A_55 = arith.constant 52 : i32
      %dma_start3A_56 = arith.constant 0 : i32
      %dma_start3A_57 = arith.constant 0 : i32
      %dma_start3A_58 = tpu.memref_slice %arg10[%dma_start3A_56, %dma_start3A_57] : memref<512x16xf32, #tpu.memory_space<vmem>> -> memref<128x16xf32, #tpu.memory_space<vmem>>
      %dma_start3A_59 = arith.constant 0 : i32
      %dma_start3A_60 = tpu.memref_slice %arg8[%dma_start3A_55, %dma_start3A_59] : memref<56x128xi32, #tpu.memory_space<vmem>> -> memref<1x128xi32, #tpu.memory_space<vmem>>
      %dma_start3A_61 = tpu.memref_squeeze %dma_start3A_60 : memref<1x128xi32, #tpu.memory_space<vmem>> -> memref<128xi32, #tpu.memory_space<vmem>>
      %dma_start3A_62 = arith.constant 0 : i32
      %dma_start3A_63 = arith.constant 0 : i32
      %dma_start3A_64 = tpu.memref_slice %arg6[%dma_start3A_62, %dma_start3A_63] : memref<100096x16xf32, #tpu.memory_space<vmem_shared>> -> memref<100096x16xf32, #tpu.memory_space<vmem_shared>>
      tpu.enqueue_indirect_dma source(%dma_start3A_58 : memref<128x16xf32, #tpu.memory_space<vmem>>) target(%dma_start3A_64 : memref<100096x16xf32, #tpu.memory_space<vmem_shared>>) offsets(%dma_start3A_61 : memref<128xi32, #tpu.memory_space<vmem>>) semaphore(%arg13 : memref<!tpu.dma_semaphore, #tpu.memory_space<semaphore_mem>>) {add = true}
      %dma_start3A_65 = arith.constant 53 : i32
      %dma_start3A_66 = arith.constant 128 : i32
      %dma_start3A_67 = arith.constant 0 : i32
      %dma_start3A_68 = tpu.memref_slice %arg10[%dma_start3A_66, %dma_start3A_67] : memref<512x16xf32, #tpu.memory_space<vmem>> -> memref<128x16xf32, #tpu.memory_space<vmem>>
      %dma_start3A_69 = arith.constant 0 : i32
      %dma_start3A_70 = tpu.memref_slice %arg8[%dma_start3A_65, %dma_start3A_69] : memref<56x128xi32, #tpu.memory_space<vmem>> -> memref<1x128xi32, #tpu.memory_space<vmem>>
      %dma_start3A_71 = tpu.memref_squeeze %dma_start3A_70 : memref<1x128xi32, #tpu.memory_space<vmem>> -> memref<128xi32, #tpu.memory_space<vmem>>
      %dma_start3A_72 = arith.constant 0 : i32
      %dma_start3A_73 = arith.constant 0 : i32
      %dma_start3A_74 = tpu.memref_slice %arg6[%dma_start3A_72, %dma_start3A_73] : memref<100096x16xf32, #tpu.memory_space<vmem_shared>> -> memref<100096x16xf32, #tpu.memory_space<vmem_shared>>
      tpu.enqueue_indirect_dma source(%dma_start3A_68 : memref<128x16xf32, #tpu.memory_space<vmem>>) target(%dma_start3A_74 : memref<100096x16xf32, #tpu.memory_space<vmem_shared>>) offsets(%dma_start3A_71 : memref<128xi32, #tpu.memory_space<vmem>>) semaphore(%arg13 : memref<!tpu.dma_semaphore, #tpu.memory_space<semaphore_mem>>) {add = true}
      %dma_start3A_75 = arith.constant 54 : i32
      %dma_start3A_76 = arith.constant 256 : i32
      %dma_start3A_77 = arith.constant 0 : i32
      %dma_start3A_78 = tpu.memref_slice %arg10[%dma_start3A_76, %dma_start3A_77] : memref<512x16xf32, #tpu.memory_space<vmem>> -> memref<128x16xf32, #tpu.memory_space<vmem>>
      %dma_start3A_79 = arith.constant 0 : i32
      %dma_start3A_80 = tpu.memref_slice %arg8[%dma_start3A_75, %dma_start3A_79] : memref<56x128xi32, #tpu.memory_space<vmem>> -> memref<1x128xi32, #tpu.memory_space<vmem>>
      %dma_start3A_81 = tpu.memref_squeeze %dma_start3A_80 : memref<1x128xi32, #tpu.memory_space<vmem>> -> memref<128xi32, #tpu.memory_space<vmem>>
      %dma_start3A_82 = arith.constant 0 : i32
      %dma_start3A_83 = arith.constant 0 : i32
      %dma_start3A_84 = tpu.memref_slice %arg6[%dma_start3A_82, %dma_start3A_83] : memref<100096x16xf32, #tpu.memory_space<vmem_shared>> -> memref<100096x16xf32, #tpu.memory_space<vmem_shared>>
      tpu.enqueue_indirect_dma source(%dma_start3A_78 : memref<128x16xf32, #tpu.memory_space<vmem>>) target(%dma_start3A_84 : memref<100096x16xf32, #tpu.memory_space<vmem_shared>>) offsets(%dma_start3A_81 : memref<128xi32, #tpu.memory_space<vmem>>) semaphore(%arg13 : memref<!tpu.dma_semaphore, #tpu.memory_space<semaphore_mem>>) {add = true}
      %dma_start3A_85 = arith.constant 55 : i32
      %dma_start3A_86 = arith.constant 384 : i32
      %dma_start3A_87 = arith.constant 0 : i32
      %dma_start3A_88 = tpu.memref_slice %arg10[%dma_start3A_86, %dma_start3A_87] : memref<512x16xf32, #tpu.memory_space<vmem>> -> memref<128x16xf32, #tpu.memory_space<vmem>>
      %dma_start3A_89 = arith.constant 0 : i32
      %dma_start3A_90 = tpu.memref_slice %arg8[%dma_start3A_85, %dma_start3A_89] : memref<56x128xi32, #tpu.memory_space<vmem>> -> memref<1x128xi32, #tpu.memory_space<vmem>>
      %dma_start3A_91 = tpu.memref_squeeze %dma_start3A_90 : memref<1x128xi32, #tpu.memory_space<vmem>> -> memref<128xi32, #tpu.memory_space<vmem>>
      %dma_start3A_92 = arith.constant 0 : i32
      %dma_start3A_93 = arith.constant 0 : i32
      %dma_start3A_94 = tpu.memref_slice %arg6[%dma_start3A_92, %dma_start3A_93] : memref<100096x16xf32, #tpu.memory_space<vmem_shared>> -> memref<100096x16xf32, #tpu.memory_space<vmem_shared>>
      tpu.enqueue_indirect_dma source(%dma_start3A_88 : memref<128x16xf32, #tpu.memory_space<vmem>>) target(%dma_start3A_94 : memref<100096x16xf32, #tpu.memory_space<vmem_shared>>) offsets(%dma_start3A_91 : memref<128xi32, #tpu.memory_space<vmem>>) semaphore(%arg13 : memref<!tpu.dma_semaphore, #tpu.memory_space<semaphore_mem>>) {add = true}
      %dma_wait3A_95 = arith.constant 0 : i32
      %dma_wait3A_96 = arith.constant 0 : i32
      %dma_wait3A_97 = tpu.memref_slice %arg6[%dma_wait3A_95, %dma_wait3A_96] : memref<100096x16xf32, #tpu.memory_space<vmem_shared>> -> memref<512x16xf32, #tpu.memory_space<vmem_shared>>
      %dma_wait3A_98 = arith.constant 0 : i32
      %dma_wait3A_99 = arith.constant 0 : i32
      %dma_wait3A_100 = tpu.memref_slice %arg6[%dma_wait3A_98, %dma_wait3A_99] : memref<100096x16xf32, #tpu.memory_space<vmem_shared>> -> memref<512x16xf32, #tpu.memory_space<vmem_shared>>
      tpu.wait_dma2 semaphore(%arg13 : memref<!tpu.dma_semaphore, #tpu.memory_space<semaphore_mem>>) src(%arg9 : memref<512x16xf32, #tpu.memory_space<vmem>>) dst(%dma_wait3A_100 : memref<512x16xf32, #tpu.memory_space<vmem_shared>>)
      %dma_wait3A_101 = arith.constant 0 : i32
      %dma_wait3A_102 = arith.constant 0 : i32
      %dma_wait3A_103 = tpu.memref_slice %arg6[%dma_wait3A_101, %dma_wait3A_102] : memref<100096x16xf32, #tpu.memory_space<vmem_shared>> -> memref<512x16xf32, #tpu.memory_space<vmem_shared>>
      %dma_wait3A_104 = arith.constant 0 : i32
      %dma_wait3A_105 = arith.constant 0 : i32
      %dma_wait3A_106 = tpu.memref_slice %arg6[%dma_wait3A_104, %dma_wait3A_105] : memref<100096x16xf32, #tpu.memory_space<vmem_shared>> -> memref<512x16xf32, #tpu.memory_space<vmem_shared>>
      tpu.wait_dma2 semaphore(%arg13 : memref<!tpu.dma_semaphore, #tpu.memory_space<semaphore_mem>>) src(%arg10 : memref<512x16xf32, #tpu.memory_space<vmem>>) dst(%dma_wait3A_106 : memref<512x16xf32, #tpu.memory_space<vmem_shared>>)
    }
    %scan3A_20 = arith.constant 7 : i32
    %barrier3A_21 = arith.constant 0 : index
    tpu.barrier barrier_id(%barrier3A_21)
    "tpu.region"() ({
      %run_scoped3A = tpu.sem_alloc : memref<!tpu.dma_semaphore, #tpu.memory_space<semaphore_mem>>
      %dma_start3A = arith.constant 0 : i32
      %dma_start3A_22 = tpu.memref_slice %arg5[%arg0, %mul3A_4, %dma_start3A] : memref<2x100096x16xf32, #tpu.memory_space<hbm>> -> memref<1x6256x16xf32, #tpu.memory_space<hbm>>
      %dma_start3A_23 = tpu.memref_squeeze %dma_start3A_22 : memref<1x6256x16xf32, #tpu.memory_space<hbm>> -> memref<6256x16xf32, #tpu.memory_space<hbm>>
      %dma_start3A_24 = arith.constant 0 : i32
      %dma_start3A_25 = tpu.memref_slice %arg6[%mul3A_4, %dma_start3A_24] : memref<100096x16xf32, #tpu.memory_space<vmem_shared>> -> memref<6256x16xf32, #tpu.memory_space<vmem_shared>>
      tpu.enqueue_dma source(%dma_start3A_25 : memref<6256x16xf32, #tpu.memory_space<vmem_shared>>) target(%dma_start3A_23 : memref<6256x16xf32, #tpu.memory_space<hbm>>) target_semaphore(%run_scoped3A : memref<!tpu.dma_semaphore, #tpu.memory_space<semaphore_mem>>)
      %dma_wait3A = arith.constant 0 : i32
      %dma_wait3A_26 = tpu.memref_slice %arg5[%arg0, %mul3A_4, %dma_wait3A] : memref<2x100096x16xf32, #tpu.memory_space<hbm>> -> memref<1x6256x16xf32, #tpu.memory_space<hbm>>
      %dma_wait3A_27 = tpu.memref_squeeze %dma_wait3A_26 : memref<1x6256x16xf32, #tpu.memory_space<hbm>> -> memref<6256x16xf32, #tpu.memory_space<hbm>>
      %dma_wait3A_28 = arith.constant 0 : i32
      %dma_wait3A_29 = tpu.memref_slice %arg6[%mul3A_4, %dma_wait3A_28] : memref<100096x16xf32, #tpu.memory_space<vmem_shared>> -> memref<6256x16xf32, #tpu.memory_space<vmem_shared>>
      tpu.wait_dma2 semaphore(%run_scoped3A : memref<!tpu.dma_semaphore, #tpu.memory_space<semaphore_mem>>) src(%dma_wait3A_29 : memref<6256x16xf32, #tpu.memory_space<vmem_shared>>) dst(%dma_wait3A_27 : memref<6256x16xf32, #tpu.memory_space<hbm>>)
      tpu.yield
    }) : () -> ()
    return
  }
}

#map = affine_map<(d0, d1) -> (0, 0)>
#map1 = affine_map<(d0, d1) -> (0, 0, 0)>
module attributes {stable_mosaic.version = 14 : i64} {
  func.func @k(%arg0: i32, %arg1: i32, %arg2: memref<12544x128xi32, #tpu.memory_space<hbm>>, %arg3: memref<12544x128xi32, #tpu.memory_space<hbm>>, %arg4: memref<802816x16xf32, #tpu.memory_space<hbm>>, %arg5: memref<2x100096x16xf32, #tpu.memory_space<hbm>>, %arg6: memref<100096x16xf32, #tpu.memory_space<vmem_shared>>, %arg7: memref<56x128xi32, #tpu.memory_space<vmem>>, %arg8: memref<56x128xi32, #tpu.memory_space<vmem>>, %arg9: memref<512x16xf32, #tpu.memory_space<vmem>>, %arg10: memref<512x16xf32, #tpu.memory_space<vmem>>, %arg11: memref<!tpu.dma_semaphore, #tpu.memory_space<semaphore_mem>>, %arg12: memref<!tpu.dma_semaphore, #tpu.memory_space<semaphore_mem>>, %arg13: memref<!tpu.dma_semaphore, #tpu.memory_space<semaphore_mem>>) attributes {dimension_semantics = [#tpu.dimension_semantics<core_parallel>, #tpu.dimension_semantics<subcore_parallel>], iteration_bounds = array<i64: 2, 16>, scalar_prefetch = 0 : i64, scratch_operands = 8 : i64, tpu.core_type = #tpu.core_type<sc_vector_subcore>, window_params = [{transform_indices = #map}, {transform_indices = #map}, {transform_indices = #map}, {transform_indices = #map1}]} {
    %scan3A = arith.constant 0 : i32
    %scan3A_0 = arith.constant 512 : i32
    %scan3A_1 = arith.addi %scan3A, %scan3A_0 : i32
    %scan3A_2 = arith.constant 1 : i32
    scf.for %scan3A_22 = %scan3A to %scan3A_1 step %scan3A_2  : i32 {
      %mul3A_23 = arith.constant 1 : i32
      %mul3A_24 = arith.muli %scan3A_22, %mul3A_23 : i32
      %add3A_25 = arith.constant 0 : i32
      %add3A_26 = arith.addi %add3A_25, %mul3A_24 : i32
      %broadcast_in_dim3A = arith.constant 0.000000e+00 : f32
      %broadcast_in_dim3A_27 = vector.broadcast %broadcast_in_dim3A : f32 to vector<16xf32>
      %swap3A = arith.index_cast %add3A_26 : i32 to index
      %swap3A_28 = arith.constant 0 : index
      %swap3A_29 = tpu.vector_load %arg9[%swap3A, %swap3A_28] {strides = array<i32>} : memref<512x16xf32, #tpu.memory_space<vmem>>, vector<1x16xf32>,
      %swap3A_30 = vector.shape_cast %swap3A_29 : vector<1x16xf32> to vector<16xf32>
      %swap3A_31 = vector.shape_cast %broadcast_in_dim3A_27 : vector<16xf32> to vector<1x16xf32>
      tpu.vector_store %arg9[%swap3A, %swap3A_28], %swap3A_31 {strides = array<i32>} : memref<512x16xf32, #tpu.memory_space<vmem>>, vector<1x16xf32>,
    }
    %scan3A_3 = arith.constant 512 : i32
    %mul3A = arith.constant 6256 : i32
    %mul3A_4 = arith.muli %arg1, %mul3A : i32
    %scan3A_5 = arith.constant 0 : i32
    %scan3A_6 = arith.constant 12 : i32
    %scan3A_7 = arith.addi %scan3A_5, %scan3A_6 : i32
    %scan3A_8 = arith.constant 1 : i32
    scf.for %scan3A_22 = %scan3A_5 to %scan3A_7 step %scan3A_8  : i32 {
      %mul3A_23 = arith.constant 1 : i32
      %mul3A_24 = arith.muli %scan3A_22, %mul3A_23 : i32
      %add3A_25 = arith.constant 0 : i32
      %add3A_26 = arith.addi %add3A_25, %mul3A_24 : i32
      %mul3A_27 = arith.constant 512 : i32
      %mul3A_28 = arith.muli %add3A_26, %mul3A_27 : i32
      %add3A_29 = arith.addi %mul3A_4, %mul3A_28 : i32
      "tpu.region"() ({
        %run_scoped3A = tpu.sem_alloc : memref<!tpu.dma_semaphore, #tpu.memory_space<semaphore_mem>>
        %dma_start3A = arith.constant 0 : i32
        %dma_start3A_30 = tpu.memref_slice %arg6[%add3A_29, %dma_start3A] : memref<100096x16xf32, #tpu.memory_space<vmem_shared>> -> memref<512x16xf32, #tpu.memory_space<vmem_shared>>
        %dma_start3A_31 = arith.constant 0 : i32
        %dma_start3A_32 = tpu.memref_slice %arg6[%add3A_29, %dma_start3A_31] : memref<100096x16xf32, #tpu.memory_space<vmem_shared>> -> memref<512x16xf32, #tpu.memory_space<vmem_shared>>
        tpu.enqueue_dma source(%arg9 : memref<512x16xf32, #tpu.memory_space<vmem>>) target(%dma_start3A_32 : memref<512x16xf32, #tpu.memory_space<vmem_shared>>) target_semaphore(%run_scoped3A : memref<!tpu.dma_semaphore, #tpu.memory_space<semaphore_mem>>)
        %dma_wait3A = arith.constant 0 : i32
        %dma_wait3A_33 = tpu.memref_slice %arg6[%add3A_29, %dma_wait3A] : memref<100096x16xf32, #tpu.memory_space<vmem_shared>> -> memref<512x16xf32, #tpu.memory_space<vmem_shared>>
        %dma_wait3A_34 = arith.constant 0 : i32
        %dma_wait3A_35 = tpu.memref_slice %arg6[%add3A_29, %dma_wait3A_34] : memref<100096x16xf32, #tpu.memory_space<vmem_shared>> -> memref<512x16xf32, #tpu.memory_space<vmem_shared>>
        tpu.wait_dma2 semaphore(%run_scoped3A : memref<!tpu.dma_semaphore, #tpu.memory_space<semaphore_mem>>) src(%arg9 : memref<512x16xf32, #tpu.memory_space<vmem>>) dst(%dma_wait3A_35 : memref<512x16xf32, #tpu.memory_space<vmem_shared>>)
        tpu.yield
      }) : () -> ()
    }
    %scan3A_9 = arith.constant 12 : i32
    %add3A = arith.constant 6144 : i32
    %add3A_10 = arith.addi %mul3A_4, %add3A : i32
    "tpu.region"() ({
      %run_scoped3A = tpu.sem_alloc : memref<!tpu.dma_semaphore, #tpu.memory_space<semaphore_mem>>
      %dma_start3A = arith.constant 0 : i32
      %dma_start3A_22 = arith.constant 0 : i32
      %dma_start3A_23 = tpu.memref_slice %arg9[%dma_start3A, %dma_start3A_22] : memref<512x16xf32, #tpu.memory_space<vmem>> -> memref<112x16xf32, #tpu.memory_space<vmem>>
      %dma_start3A_24 = arith.constant 0 : i32
      %dma_start3A_25 = tpu.memref_slice %arg6[%add3A_10, %dma_start3A_24] : memref<100096x16xf32, #tpu.memory_space<vmem_shared>> -> memref<112x16xf32, #tpu.memory_space<vmem_shared>>
      %dma_start3A_26 = arith.constant 0 : i32
      %dma_start3A_27 = tpu.memref_slice %arg6[%add3A_10, %dma_start3A_26] : memref<100096x16xf32, #tpu.memory_space<vmem_shared>> -> memref<112x16xf32, #tpu.memory_space<vmem_shared>>
      %dma_start3A_28 = arith.constant 0 : i32
      %dma_start3A_29 = arith.constant 0 : i32
      %dma_start3A_30 = tpu.memref_slice %arg9[%dma_start3A_28, %dma_start3A_29] : memref<512x16xf32, #tpu.memory_space<vmem>> -> memref<112x16xf32, #tpu.memory_space<vmem>>
      tpu.enqueue_dma source(%dma_start3A_30 : memref<112x16xf32, #tpu.memory_space<vmem>>) target(%dma_start3A_27 : memref<112x16xf32, #tpu.memory_space<vmem_shared>>) target_semaphore(%run_scoped3A : memref<!tpu.dma_semaphore, #tpu.memory_space<semaphore_mem>>)
      %dma_wait3A = arith.constant 0 : i32
      %dma_wait3A_31 = arith.constant 0 : i32
      %dma_wait3A_32 = tpu.memref_slice %arg9[%dma_wait3A, %dma_wait3A_31] : memref<512x16xf32, #tpu.memory_space<vmem>> -> memref<112x16xf32, #tpu.memory_space<vmem>>
      %dma_wait3A_33 = arith.constant 0 : i32
      %dma_wait3A_34 = tpu.memref_slice %arg6[%add3A_10, %dma_wait3A_33] : memref<100096x16xf32, #tpu.memory_space<vmem_shared>> -> memref<112x16xf32, #tpu.memory_space<vmem_shared>>
      %dma_wait3A_35 = arith.constant 0 : i32
      %dma_wait3A_36 = tpu.memref_slice %arg6[%add3A_10, %dma_wait3A_35] : memref<100096x16xf32, #tpu.memory_space<vmem_shared>> -> memref<112x16xf32, #tpu.memory_space<vmem_shared>>
      %dma_wait3A_37 = arith.constant 0 : i32
      %dma_wait3A_38 = arith.constant 0 : i32
      %dma_wait3A_39 = tpu.memref_slice %arg9[%dma_wait3A_37, %dma_wait3A_38] : memref<512x16xf32, #tpu.memory_space<vmem>> -> memref<112x16xf32, #tpu.memory_space<vmem>>
      tpu.wait_dma2 semaphore(%run_scoped3A : memref<!tpu.dma_semaphore, #tpu.memory_space<semaphore_mem>>) src(%dma_wait3A_39 : memref<112x16xf32, #tpu.memory_space<vmem>>) dst(%dma_wait3A_36 : memref<112x16xf32, #tpu.memory_space<vmem_shared>>)
      tpu.yield
    }) : () -> ()
    %barrier3A = arith.constant 0 : index
    tpu.barrier barrier_id(%barrier3A)
    %mul3A_11 = arith.constant 6272 : i32
    %mul3A_12 = arith.muli %arg0, %mul3A_11 : i32
    %mul3A_13 = arith.constant 392 : i32
    %mul3A_14 = arith.muli %arg1, %mul3A_13 : i32
    %add3A_15 = arith.addi %mul3A_12, %mul3A_14 : i32
    %scan3A_16 = arith.constant 0 : i32
    %scan3A_17 = arith.constant 7 : i32
    %scan3A_18 = arith.addi %scan3A_16, %scan3A_17 : i32
    %scan3A_19 = arith.constant 1 : i32
    scf.for %scan3A_22 = %scan3A_16 to %scan3A_18 step %scan3A_19  : i32 {
      %mul3A_23 = arith.constant 1 : i32
      %mul3A_24 = arith.muli %scan3A_22, %mul3A_23 : i32
      %add3A_25 = arith.constant 0 : i32
      %add3A_26 = arith.addi %add3A_25, %mul3A_24 : i32
      %mul3A_27 = arith.constant 56 : i32
      %mul3A_28 = arith.muli %add3A_26, %mul3A_27 : i32
      %add3A_29 = arith.addi %add3A_15, %mul3A_28 : i32
      %dma_start3A = arith.constant 0 : i32
      %dma_start3A_30 = tpu.memref_slice %arg2[%add3A_29, %dma_start3A] : memref<12544x128xi32, #tpu.memory_space<hbm>> -> memref<56x128xi32, #tpu.memory_space<hbm>>
      %dma_start3A_31 = arith.constant 0 : i32
      %dma_start3A_32 = tpu.memref_slice %arg2[%add3A_29, %dma_start3A_31] : memref<12544x128xi32, #tpu.memory_space<hbm>> -> memref<56x128xi32, #tpu.memory_space<hbm>>
      tpu.enqueue_dma source(%dma_start3A_32 : memref<56x128xi32, #tpu.memory_space<hbm>>) target(%arg7 : memref<56x128xi32, #tpu.memory_space<vmem>>) target_semaphore(%arg11 : memref<!tpu.dma_semaphore, #tpu.memory_space<semaphore_mem>>)
      %dma_start3A_33 = arith.constant 0 : i32
      %dma_start3A_34 = tpu.memref_slice %arg3[%add3A_29, %dma_start3A_33] : memref<12544x128xi32, #tpu.memory_space<hbm>> -> memref<56x128xi32, #tpu.memory_space<hbm>>
      %dma_start3A_35 = arith.constant 0 : i32
      %dma_start3A_36 = tpu.memref_slice %arg3[%add3A_29, %dma_start3A_35] : memref<12544x128xi32, #tpu.memory_space<hbm>> -> memref<56x128xi32, #tpu.memory_space<hbm>>
      tpu.enqueue_dma source(%dma_start3A_36 : memref<56x128xi32, #tpu.memory_space<hbm>>) target(%arg8 : memref<56x128xi32, #tpu.memory_space<vmem>>) target_semaphore(%arg11 : memref<!tpu.dma_semaphore, #tpu.memory_space<semaphore_mem>>)
      %dma_wait3A = arith.constant 0 : i32
      %dma_wait3A_37 = tpu.memref_slice %arg2[%add3A_29, %dma_wait3A] : memref<12544x128xi32, #tpu.memory_space<hbm>> -> memref<56x128xi32, #tpu.memory_space<hbm>>
      %dma_wait3A_38 = arith.constant 0 : i32
      %dma_wait3A_39 = tpu.memref_slice %arg2[%add3A_29, %dma_wait3A_38] : memref<12544x128xi32, #tpu.memory_space<hbm>> -> memref<56x128xi32, #tpu.memory_space<hbm>>
      tpu.wait_dma2 semaphore(%arg11 : memref<!tpu.dma_semaphore, #tpu.memory_space<semaphore_mem>>) src(%dma_wait3A_39 : memref<56x128xi32, #tpu.memory_space<hbm>>) dst(%arg7 : memref<56x128xi32, #tpu.memory_space<vmem>>)
      %dma_wait3A_40 = arith.constant 0 : i32
      %dma_wait3A_41 = tpu.memref_slice %arg3[%add3A_29, %dma_wait3A_40] : memref<12544x128xi32, #tpu.memory_space<hbm>> -> memref<56x128xi32, #tpu.memory_space<hbm>>
      %dma_wait3A_42 = arith.constant 0 : i32
      %dma_wait3A_43 = tpu.memref_slice %arg3[%add3A_29, %dma_wait3A_42] : memref<12544x128xi32, #tpu.memory_space<hbm>> -> memref<56x128xi32, #tpu.memory_space<hbm>>
      tpu.wait_dma2 semaphore(%arg11 : memref<!tpu.dma_semaphore, #tpu.memory_space<semaphore_mem>>) src(%dma_wait3A_43 : memref<56x128xi32, #tpu.memory_space<hbm>>) dst(%arg8 : memref<56x128xi32, #tpu.memory_space<vmem>>)
      %scan3A_44 = arith.constant 0 : i32
      %scan3A_45 = arith.constant 7 : i32
      %scan3A_46 = arith.addi %scan3A_44, %scan3A_45 : i32
      %scan3A_47 = arith.constant 1 : i32
      scf.for %scan3A_107 = %scan3A_44 to %scan3A_46 step %scan3A_47  : i32 {
        %mul3A_108 = arith.constant 2 : i32
        %mul3A_109 = arith.muli %scan3A_107, %mul3A_108 : i32
        %add3A_110 = arith.constant 0 : i32
        %add3A_111 = arith.addi %add3A_110, %mul3A_109 : i32
        %add3A_112 = arith.constant 0 : i32
        %add3A_113 = arith.addi %add3A_111, %add3A_112 : i32
        %gt3A = arith.constant 0 : i32
        %gt3A_114 = arith.cmpi sgt, %add3A_111, %gt3A : i32
        %convert_element_type3A = arith.extui %gt3A_114 : i1 to i32
        %cond3A = arith.constant 0 : i32
        %cond3A_115 = arith.cmpi ne, %convert_element_type3A, %cond3A : i32
        scf.if %cond3A_115 {
          %dma_wait3A_286 = arith.constant 0 : i32
          %dma_wait3A_287 = arith.constant 0 : i32
          %dma_wait3A_288 = tpu.memref_slice %arg4[%dma_wait3A_286, %dma_wait3A_287] : memref<802816x16xf32, #tpu.memory_space<hbm>> -> memref<512x16xf32, #tpu.memory_space<hbm>>
          %dma_wait3A_289 = arith.constant 0 : i32
          %dma_wait3A_290 = arith.constant 0 : i32
          %dma_wait3A_291 = tpu.memref_slice %arg4[%dma_wait3A_289, %dma_wait3A_290] : memref<802816x16xf32, #tpu.memory_space<hbm>> -> memref<512x16xf32, #tpu.memory_space<hbm>>
          tpu.wait_dma2 semaphore(%arg12 : memref<!tpu.dma_semaphore, #tpu.memory_space<semaphore_mem>>) src(%dma_wait3A_291 : memref<512x16xf32, #tpu.memory_space<hbm>>) dst(%arg10 : memref<512x16xf32, #tpu.memory_space<vmem>>)
          %sub3A_292 = arith.constant 1 : i32
          %sub3A_293 = arith.subi %add3A_113, %sub3A_292 : i32
          %mul3A_294 = arith.constant 4 : i32
          %mul3A_295 = arith.muli %sub3A_293, %mul3A_294 : i32
          %add3A_296 = arith.constant 0 : i32
          %add3A_297 = arith.addi %mul3A_295, %add3A_296 : i32
          %dma_start3A_298 = arith.constant 0 : i32
          %dma_start3A_299 = arith.constant 0 : i32
          %dma_start3A_300 = tpu.memref_slice %arg10[%dma_start3A_298, %dma_start3A_299] : memref<512x16xf32, #tpu.memory_space<vmem>> -> memref<128x16xf32, #tpu.memory_space<vmem>>
          %dma_start3A_301 = arith.constant 0 : i32
          %dma_start3A_302 = tpu.memref_slice %arg8[%add3A_297, %dma_start3A_301] : memref<56x128xi32, #tpu.memory_space<vmem>> -> memref<1x128xi32, #tpu.memory_space<vmem>>
          %dma_start3A_303 = tpu.memref_squeeze %dma_start3A_302 : memref<1x128xi32, #tpu.memory_space<vmem>> -> memref<128xi32, #tpu.memory_space<vmem>>
          %dma_start3A_304 = arith.constant 0 : i32
          %dma_start3A_305 = arith.constant 0 : i32
          %dma_start3A_306 = tpu.memref_slice %arg6[%dma_start3A_304, %dma_start3A_305] : memref<100096x16xf32, #tpu.memory_space<vmem_shared>> -> memref<100096x16xf32, #tpu.memory_space<vmem_shared>>
          tpu.enqueue_indirect_dma source(%dma_start3A_300 : memref<128x16xf32, #tpu.memory_space<vmem>>) target(%dma_start3A_306 : memref<100096x16xf32, #tpu.memory_space<vmem_shared>>) offsets(%dma_start3A_303 : memref<128xi32, #tpu.memory_space<vmem>>) semaphore(%arg13 : memref<!tpu.dma_semaphore, #tpu.memory_space<semaphore_mem>>) {add = true}
          %mul3A_307 = arith.constant 4 : i32
          %mul3A_308 = arith.muli %sub3A_293, %mul3A_307 : i32
          %add3A_309 = arith.constant 1 : i32
          %add3A_310 = arith.addi %mul3A_308, %add3A_309 : i32
          %dma_start3A_311 = arith.constant 128 : i32
          %dma_start3A_312 = arith.constant 0 : i32
          %dma_start3A_313 = tpu.memref_slice %arg10[%dma_start3A_311, %dma_start3A_312] : memref<512x16xf32, #tpu.memory_space<vmem>> -> memref<128x16xf32, #tpu.memory_space<vmem>>
          %dma_start3A_314 = arith.constant 0 : i32
          %dma_start3A_315 = tpu.memref_slice %arg8[%add3A_310, %dma_start3A_314] : memref<56x128xi32, #tpu.memory_space<vmem>> -> memref<1x128xi32, #tpu.memory_space<vmem>>
          %dma_start3A_316 = tpu.memref_squeeze %dma_start3A_315 : memref<1x128xi32, #tpu.memory_space<vmem>> -> memref<128xi32, #tpu.memory_space<vmem>>
          %dma_start3A_317 = arith.constant 0 : i32
          %dma_start3A_318 = arith.constant 0 : i32
          %dma_start3A_319 = tpu.memref_slice %arg6[%dma_start3A_317, %dma_start3A_318] : memref<100096x16xf32, #tpu.memory_space<vmem_shared>> -> memref<100096x16xf32, #tpu.memory_space<vmem_shared>>
          tpu.enqueue_indirect_dma source(%dma_start3A_313 : memref<128x16xf32, #tpu.memory_space<vmem>>) target(%dma_start3A_319 : memref<100096x16xf32, #tpu.memory_space<vmem_shared>>) offsets(%dma_start3A_316 : memref<128xi32, #tpu.memory_space<vmem>>) semaphore(%arg13 : memref<!tpu.dma_semaphore, #tpu.memory_space<semaphore_mem>>) {add = true}
          %mul3A_320 = arith.constant 4 : i32
          %mul3A_321 = arith.muli %sub3A_293, %mul3A_320 : i32
          %add3A_322 = arith.constant 2 : i32
          %add3A_323 = arith.addi %mul3A_321, %add3A_322 : i32
          %dma_start3A_324 = arith.constant 256 : i32
          %dma_start3A_325 = arith.constant 0 : i32
          %dma_start3A_326 = tpu.memref_slice %arg10[%dma_start3A_324, %dma_start3A_325] : memref<512x16xf32, #tpu.memory_space<vmem>> -> memref<128x16xf32, #tpu.memory_space<vmem>>
          %dma_start3A_327 = arith.constant 0 : i32
          %dma_start3A_328 = tpu.memref_slice %arg8[%add3A_323, %dma_start3A_327] : memref<56x128xi32, #tpu.memory_space<vmem>> -> memref<1x128xi32, #tpu.memory_space<vmem>>
          %dma_start3A_329 = tpu.memref_squeeze %dma_start3A_328 : memref<1x128xi32, #tpu.memory_space<vmem>> -> memref<128xi32, #tpu.memory_space<vmem>>
          %dma_start3A_330 = arith.constant 0 : i32
          %dma_start3A_331 = arith.constant 0 : i32
          %dma_start3A_332 = tpu.memref_slice %arg6[%dma_start3A_330, %dma_start3A_331] : memref<100096x16xf32, #tpu.memory_space<vmem_shared>> -> memref<100096x16xf32, #tpu.memory_space<vmem_shared>>
          tpu.enqueue_indirect_dma source(%dma_start3A_326 : memref<128x16xf32, #tpu.memory_space<vmem>>) target(%dma_start3A_332 : memref<100096x16xf32, #tpu.memory_space<vmem_shared>>) offsets(%dma_start3A_329 : memref<128xi32, #tpu.memory_space<vmem>>) semaphore(%arg13 : memref<!tpu.dma_semaphore, #tpu.memory_space<semaphore_mem>>) {add = true}
          %mul3A_333 = arith.constant 4 : i32
          %mul3A_334 = arith.muli %sub3A_293, %mul3A_333 : i32
          %add3A_335 = arith.constant 3 : i32
          %add3A_336 = arith.addi %mul3A_334, %add3A_335 : i32
          %dma_start3A_337 = arith.constant 384 : i32
          %dma_start3A_338 = arith.constant 0 : i32
          %dma_start3A_339 = tpu.memref_slice %arg10[%dma_start3A_337, %dma_start3A_338] : memref<512x16xf32, #tpu.memory_space<vmem>> -> memref<128x16xf32, #tpu.memory_space<vmem>>
          %dma_start3A_340 = arith.constant 0 : i32
          %dma_start3A_341 = tpu.memref_slice %arg8[%add3A_336, %dma_start3A_340] : memref<56x128xi32, #tpu.memory_space<vmem>> -> memref<1x128xi32, #tpu.memory_space<vmem>>
          %dma_start3A_342 = tpu.memref_squeeze %dma_start3A_341 : memref<1x128xi32, #tpu.memory_space<vmem>> -> memref<128xi32, #tpu.memory_space<vmem>>
          %dma_start3A_343 = arith.constant 0 : i32
          %dma_start3A_344 = arith.constant 0 : i32
          %dma_start3A_345 = tpu.memref_slice %arg6[%dma_start3A_343, %dma_start3A_344] : memref<100096x16xf32, #tpu.memory_space<vmem_shared>> -> memref<100096x16xf32, #tpu.memory_space<vmem_shared>>
          tpu.enqueue_indirect_dma source(%dma_start3A_339 : memref<128x16xf32, #tpu.memory_space<vmem>>) target(%dma_start3A_345 : memref<100096x16xf32, #tpu.memory_space<vmem_shared>>) offsets(%dma_start3A_342 : memref<128xi32, #tpu.memory_space<vmem>>) semaphore(%arg13 : memref<!tpu.dma_semaphore, #tpu.memory_space<semaphore_mem>>) {add = true}
          %dma_wait3A_346 = arith.constant 0 : i32
          %dma_wait3A_347 = arith.constant 0 : i32
          %dma_wait3A_348 = tpu.memref_slice %arg6[%dma_wait3A_346, %dma_wait3A_347] : memref<100096x16xf32, #tpu.memory_space<vmem_shared>> -> memref<512x16xf32, #tpu.memory_space<vmem_shared>>
          %dma_wait3A_349 = arith.constant 0 : i32
          %dma_wait3A_350 = arith.constant 0 : i32
          %dma_wait3A_351 = tpu.memref_slice %arg6[%dma_wait3A_349, %dma_wait3A_350] : memref<100096x16xf32, #tpu.memory_space<vmem_shared>> -> memref<512x16xf32, #tpu.memory_space<vmem_shared>>
          tpu.wait_dma2 semaphore(%arg13 : memref<!tpu.dma_semaphore, #tpu.memory_space<semaphore_mem>>) src(%arg9 : memref<512x16xf32, #tpu.memory_space<vmem>>) dst(%dma_wait3A_351 : memref<512x16xf32, #tpu.memory_space<vmem_shared>>)
        } else {
        }
        %mul3A_116 = arith.constant 4 : i32
        %mul3A_117 = arith.muli %add3A_113, %mul3A_116 : i32
        %add3A_118 = arith.constant 0 : i32
        %add3A_119 = arith.addi %mul3A_117, %add3A_118 : i32
        %dma_start3A_120 = arith.constant 0 : i32
        %dma_start3A_121 = arith.constant 0 : i32
        %dma_start3A_122 = tpu.memref_slice %arg9[%dma_start3A_120, %dma_start3A_121] : memref<512x16xf32, #tpu.memory_space<vmem>> -> memref<128x16xf32, #tpu.memory_space<vmem>>
        %dma_start3A_123 = arith.constant 0 : i32
        %dma_start3A_124 = tpu.memref_slice %arg7[%add3A_119, %dma_start3A_123] : memref<56x128xi32, #tpu.memory_space<vmem>> -> memref<1x128xi32, #tpu.memory_space<vmem>>
        %dma_start3A_125 = tpu.memref_squeeze %dma_start3A_124 : memref<1x128xi32, #tpu.memory_space<vmem>> -> memref<128xi32, #tpu.memory_space<vmem>>
        %dma_start3A_126 = arith.constant 0 : i32
        %dma_start3A_127 = arith.constant 0 : i32
        %dma_start3A_128 = tpu.memref_slice %arg4[%dma_start3A_126, %dma_start3A_127] : memref<802816x16xf32, #tpu.memory_space<hbm>> -> memref<802816x16xf32, #tpu.memory_space<hbm>>
        tpu.enqueue_indirect_dma source(%dma_start3A_128 : memref<802816x16xf32, #tpu.memory_space<hbm>>) target(%dma_start3A_122 : memref<128x16xf32, #tpu.memory_space<vmem>>) offsets(%dma_start3A_125 : memref<128xi32, #tpu.memory_space<vmem>>) semaphore(%arg12 : memref<!tpu.dma_semaphore, #tpu.memory_space<semaphore_mem>>)
        %mul3A_129 = arith.constant 4 : i32
        %mul3A_130 = arith.muli %add3A_113, %mul3A_129 : i32
        %add3A_131 = arith.constant 1 : i32
        %add3A_132 = arith.addi %mul3A_130, %add3A_131 : i32
        %dma_start3A_133 = arith.constant 128 : i32
        %dma_start3A_134 = arith.constant 0 : i32
        %dma_start3A_135 = tpu.memref_slice %arg9[%dma_start3A_133, %dma_start3A_134] : memref<512x16xf32, #tpu.memory_space<vmem>> -> memref<128x16xf32, #tpu.memory_space<vmem>>
        %dma_start3A_136 = arith.constant 0 : i32
        %dma_start3A_137 = tpu.memref_slice %arg7[%add3A_132, %dma_start3A_136] : memref<56x128xi32, #tpu.memory_space<vmem>> -> memref<1x128xi32, #tpu.memory_space<vmem>>
        %dma_start3A_138 = tpu.memref_squeeze %dma_start3A_137 : memref<1x128xi32, #tpu.memory_space<vmem>> -> memref<128xi32, #tpu.memory_space<vmem>>
        %dma_start3A_139 = arith.constant 0 : i32
        %dma_start3A_140 = arith.constant 0 : i32
        %dma_start3A_141 = tpu.memref_slice %arg4[%dma_start3A_139, %dma_start3A_140] : memref<802816x16xf32, #tpu.memory_space<hbm>> -> memref<802816x16xf32, #tpu.memory_space<hbm>>
        tpu.enqueue_indirect_dma source(%dma_start3A_141 : memref<802816x16xf32, #tpu.memory_space<hbm>>) target(%dma_start3A_135 : memref<128x16xf32, #tpu.memory_space<vmem>>) offsets(%dma_start3A_138 : memref<128xi32, #tpu.memory_space<vmem>>) semaphore(%arg12 : memref<!tpu.dma_semaphore, #tpu.memory_space<semaphore_mem>>)
        %mul3A_142 = arith.constant 4 : i32
        %mul3A_143 = arith.muli %add3A_113, %mul3A_142 : i32
        %add3A_144 = arith.constant 2 : i32
        %add3A_145 = arith.addi %mul3A_143, %add3A_144 : i32
        %dma_start3A_146 = arith.constant 256 : i32
        %dma_start3A_147 = arith.constant 0 : i32
        %dma_start3A_148 = tpu.memref_slice %arg9[%dma_start3A_146, %dma_start3A_147] : memref<512x16xf32, #tpu.memory_space<vmem>> -> memref<128x16xf32, #tpu.memory_space<vmem>>
        %dma_start3A_149 = arith.constant 0 : i32
        %dma_start3A_150 = tpu.memref_slice %arg7[%add3A_145, %dma_start3A_149] : memref<56x128xi32, #tpu.memory_space<vmem>> -> memref<1x128xi32, #tpu.memory_space<vmem>>
        %dma_start3A_151 = tpu.memref_squeeze %dma_start3A_150 : memref<1x128xi32, #tpu.memory_space<vmem>> -> memref<128xi32, #tpu.memory_space<vmem>>
        %dma_start3A_152 = arith.constant 0 : i32
        %dma_start3A_153 = arith.constant 0 : i32
        %dma_start3A_154 = tpu.memref_slice %arg4[%dma_start3A_152, %dma_start3A_153] : memref<802816x16xf32, #tpu.memory_space<hbm>> -> memref<802816x16xf32, #tpu.memory_space<hbm>>
        tpu.enqueue_indirect_dma source(%dma_start3A_154 : memref<802816x16xf32, #tpu.memory_space<hbm>>) target(%dma_start3A_148 : memref<128x16xf32, #tpu.memory_space<vmem>>) offsets(%dma_start3A_151 : memref<128xi32, #tpu.memory_space<vmem>>) semaphore(%arg12 : memref<!tpu.dma_semaphore, #tpu.memory_space<semaphore_mem>>)
        %mul3A_155 = arith.constant 4 : i32
        %mul3A_156 = arith.muli %add3A_113, %mul3A_155 : i32
        %add3A_157 = arith.constant 3 : i32
        %add3A_158 = arith.addi %mul3A_156, %add3A_157 : i32
        %dma_start3A_159 = arith.constant 384 : i32
        %dma_start3A_160 = arith.constant 0 : i32
        %dma_start3A_161 = tpu.memref_slice %arg9[%dma_start3A_159, %dma_start3A_160] : memref<512x16xf32, #tpu.memory_space<vmem>> -> memref<128x16xf32, #tpu.memory_space<vmem>>
        %dma_start3A_162 = arith.constant 0 : i32
        %dma_start3A_163 = tpu.memref_slice %arg7[%add3A_158, %dma_start3A_162] : memref<56x128xi32, #tpu.memory_space<vmem>> -> memref<1x128xi32, #tpu.memory_space<vmem>>
        %dma_start3A_164 = tpu.memref_squeeze %dma_start3A_163 : memref<1x128xi32, #tpu.memory_space<vmem>> -> memref<128xi32, #tpu.memory_space<vmem>>
        %dma_start3A_165 = arith.constant 0 : i32
        %dma_start3A_166 = arith.constant 0 : i32
        %dma_start3A_167 = tpu.memref_slice %arg4[%dma_start3A_165, %dma_start3A_166] : memref<802816x16xf32, #tpu.memory_space<hbm>> -> memref<802816x16xf32, #tpu.memory_space<hbm>>
        tpu.enqueue_indirect_dma source(%dma_start3A_167 : memref<802816x16xf32, #tpu.memory_space<hbm>>) target(%dma_start3A_161 : memref<128x16xf32, #tpu.memory_space<vmem>>) offsets(%dma_start3A_164 : memref<128xi32, #tpu.memory_space<vmem>>) semaphore(%arg12 : memref<!tpu.dma_semaphore, #tpu.memory_space<semaphore_mem>>)
        %add3A_168 = arith.constant 1 : i32
        %add3A_169 = arith.addi %add3A_111, %add3A_168 : i32
        %dma_wait3A_170 = arith.constant 0 : i32
        %dma_wait3A_171 = arith.constant 0 : i32
        %dma_wait3A_172 = tpu.memref_slice %arg4[%dma_wait3A_170, %dma_wait3A_171] : memref<802816x16xf32, #tpu.memory_space<hbm>> -> memref<512x16xf32, #tpu.memory_space<hbm>>
        %dma_wait3A_173 = arith.constant 0 : i32
        %dma_wait3A_174 = arith.constant 0 : i32
        %dma_wait3A_175 = tpu.memref_slice %arg4[%dma_wait3A_173, %dma_wait3A_174] : memref<802816x16xf32, #tpu.memory_space<hbm>> -> memref<512x16xf32, #tpu.memory_space<hbm>>
        tpu.wait_dma2 semaphore(%arg12 : memref<!tpu.dma_semaphore, #tpu.memory_space<semaphore_mem>>) src(%dma_wait3A_175 : memref<512x16xf32, #tpu.memory_space<hbm>>) dst(%arg9 : memref<512x16xf32, #tpu.memory_space<vmem>>)
        %sub3A = arith.constant 1 : i32
        %sub3A_176 = arith.subi %add3A_169, %sub3A : i32
        %mul3A_177 = arith.constant 4 : i32
        %mul3A_178 = arith.muli %sub3A_176, %mul3A_177 : i32
        %add3A_179 = arith.constant 0 : i32
        %add3A_180 = arith.addi %mul3A_178, %add3A_179 : i32
        %dma_start3A_181 = arith.constant 0 : i32
        %dma_start3A_182 = arith.constant 0 : i32
        %dma_start3A_183 = tpu.memref_slice %arg9[%dma_start3A_181, %dma_start3A_182] : memref<512x16xf32, #tpu.memory_space<vmem>> -> memref<128x16xf32, #tpu.memory_space<vmem>>
        %dma_start3A_184 = arith.constant 0 : i32
        %dma_start3A_185 = tpu.memref_slice %arg8[%add3A_180, %dma_start3A_184] : memref<56x128xi32, #tpu.memory_space<vmem>> -> memref<1x128xi32, #tpu.memory_space<vmem>>
        %dma_start3A_186 = tpu.memref_squeeze %dma_start3A_185 : memref<1x128xi32, #tpu.memory_space<vmem>> -> memref<128xi32, #tpu.memory_space<vmem>>
        %dma_start3A_187 = arith.constant 0 : i32
        %dma_start3A_188 = arith.constant 0 : i32
        %dma_start3A_189 = tpu.memref_slice %arg6[%dma_start3A_187, %dma_start3A_188] : memref<100096x16xf32, #tpu.memory_space<vmem_shared>> -> memref<100096x16xf32, #tpu.memory_space<vmem_shared>>
        tpu.enqueue_indirect_dma source(%dma_start3A_183 : memref<128x16xf32, #tpu.memory_space<vmem>>) target(%dma_start3A_189 : memref<100096x16xf32, #tpu.memory_space<vmem_shared>>) offsets(%dma_start3A_186 : memref<128xi32, #tpu.memory_space<vmem>>) semaphore(%arg13 : memref<!tpu.dma_semaphore, #tpu.memory_space<semaphore_mem>>) {add = true}
        %mul3A_190 = arith.constant 4 : i32
        %mul3A_191 = arith.muli %sub3A_176, %mul3A_190 : i32
        %add3A_192 = arith.constant 1 : i32
        %add3A_193 = arith.addi %mul3A_191, %add3A_192 : i32
        %dma_start3A_194 = arith.constant 128 : i32
        %dma_start3A_195 = arith.constant 0 : i32
        %dma_start3A_196 = tpu.memref_slice %arg9[%dma_start3A_194, %dma_start3A_195] : memref<512x16xf32, #tpu.memory_space<vmem>> -> memref<128x16xf32, #tpu.memory_space<vmem>>
        %dma_start3A_197 = arith.constant 0 : i32
        %dma_start3A_198 = tpu.memref_slice %arg8[%add3A_193, %dma_start3A_197] : memref<56x128xi32, #tpu.memory_space<vmem>> -> memref<1x128xi32, #tpu.memory_space<vmem>>
        %dma_start3A_199 = tpu.memref_squeeze %dma_start3A_198 : memref<1x128xi32, #tpu.memory_space<vmem>> -> memref<128xi32, #tpu.memory_space<vmem>>
        %dma_start3A_200 = arith.constant 0 : i32
        %dma_start3A_201 = arith.constant 0 : i32
        %dma_start3A_202 = tpu.memref_slice %arg6[%dma_start3A_200, %dma_start3A_201] : memref<100096x16xf32, #tpu.memory_space<vmem_shared>> -> memref<100096x16xf32, #tpu.memory_space<vmem_shared>>
        tpu.enqueue_indirect_dma source(%dma_start3A_196 : memref<128x16xf32, #tpu.memory_space<vmem>>) target(%dma_start3A_202 : memref<100096x16xf32, #tpu.memory_space<vmem_shared>>) offsets(%dma_start3A_199 : memref<128xi32, #tpu.memory_space<vmem>>) semaphore(%arg13 : memref<!tpu.dma_semaphore, #tpu.memory_space<semaphore_mem>>) {add = true}
        %mul3A_203 = arith.constant 4 : i32
        %mul3A_204 = arith.muli %sub3A_176, %mul3A_203 : i32
        %add3A_205 = arith.constant 2 : i32
        %add3A_206 = arith.addi %mul3A_204, %add3A_205 : i32
        %dma_start3A_207 = arith.constant 256 : i32
        %dma_start3A_208 = arith.constant 0 : i32
        %dma_start3A_209 = tpu.memref_slice %arg9[%dma_start3A_207, %dma_start3A_208] : memref<512x16xf32, #tpu.memory_space<vmem>> -> memref<128x16xf32, #tpu.memory_space<vmem>>
        %dma_start3A_210 = arith.constant 0 : i32
        %dma_start3A_211 = tpu.memref_slice %arg8[%add3A_206, %dma_start3A_210] : memref<56x128xi32, #tpu.memory_space<vmem>> -> memref<1x128xi32, #tpu.memory_space<vmem>>
        %dma_start3A_212 = tpu.memref_squeeze %dma_start3A_211 : memref<1x128xi32, #tpu.memory_space<vmem>> -> memref<128xi32, #tpu.memory_space<vmem>>
        %dma_start3A_213 = arith.constant 0 : i32
        %dma_start3A_214 = arith.constant 0 : i32
        %dma_start3A_215 = tpu.memref_slice %arg6[%dma_start3A_213, %dma_start3A_214] : memref<100096x16xf32, #tpu.memory_space<vmem_shared>> -> memref<100096x16xf32, #tpu.memory_space<vmem_shared>>
        tpu.enqueue_indirect_dma source(%dma_start3A_209 : memref<128x16xf32, #tpu.memory_space<vmem>>) target(%dma_start3A_215 : memref<100096x16xf32, #tpu.memory_space<vmem_shared>>) offsets(%dma_start3A_212 : memref<128xi32, #tpu.memory_space<vmem>>) semaphore(%arg13 : memref<!tpu.dma_semaphore, #tpu.memory_space<semaphore_mem>>) {add = true}
        %mul3A_216 = arith.constant 4 : i32
        %mul3A_217 = arith.muli %sub3A_176, %mul3A_216 : i32
        %add3A_218 = arith.constant 3 : i32
        %add3A_219 = arith.addi %mul3A_217, %add3A_218 : i32
        %dma_start3A_220 = arith.constant 384 : i32
        %dma_start3A_221 = arith.constant 0 : i32
        %dma_start3A_222 = tpu.memref_slice %arg9[%dma_start3A_220, %dma_start3A_221] : memref<512x16xf32, #tpu.memory_space<vmem>> -> memref<128x16xf32, #tpu.memory_space<vmem>>
        %dma_start3A_223 = arith.constant 0 : i32
        %dma_start3A_224 = tpu.memref_slice %arg8[%add3A_219, %dma_start3A_223] : memref<56x128xi32, #tpu.memory_space<vmem>> -> memref<1x128xi32, #tpu.memory_space<vmem>>
        %dma_start3A_225 = tpu.memref_squeeze %dma_start3A_224 : memref<1x128xi32, #tpu.memory_space<vmem>> -> memref<128xi32, #tpu.memory_space<vmem>>
        %dma_start3A_226 = arith.constant 0 : i32
        %dma_start3A_227 = arith.constant 0 : i32
        %dma_start3A_228 = tpu.memref_slice %arg6[%dma_start3A_226, %dma_start3A_227] : memref<100096x16xf32, #tpu.memory_space<vmem_shared>> -> memref<100096x16xf32, #tpu.memory_space<vmem_shared>>
        tpu.enqueue_indirect_dma source(%dma_start3A_222 : memref<128x16xf32, #tpu.memory_space<vmem>>) target(%dma_start3A_228 : memref<100096x16xf32, #tpu.memory_space<vmem_shared>>) offsets(%dma_start3A_225 : memref<128xi32, #tpu.memory_space<vmem>>) semaphore(%arg13 : memref<!tpu.dma_semaphore, #tpu.memory_space<semaphore_mem>>) {add = true}
        %gt3A_229 = arith.constant 0 : i32
        %gt3A_230 = arith.cmpi sgt, %add3A_111, %gt3A_229 : i32
        %convert_element_type3A_231 = arith.extui %gt3A_230 : i1 to i32
        %cond3A_232 = arith.constant 0 : i32
        %cond3A_233 = arith.cmpi ne, %convert_element_type3A_231, %cond3A_232 : i32
        scf.if %cond3A_233 {
          %dma_wait3A_286 = arith.constant 0 : i32
          %dma_wait3A_287 = arith.constant 0 : i32
          %dma_wait3A_288 = tpu.memref_slice %arg6[%dma_wait3A_286, %dma_wait3A_287] : memref<100096x16xf32, #tpu.memory_space<vmem_shared>> -> memref<512x16xf32, #tpu.memory_space<vmem_shared>>
          %dma_wait3A_289 = arith.constant 0 : i32
          %dma_wait3A_290 = arith.constant 0 : i32
          %dma_wait3A_291 = tpu.memref_slice %arg6[%dma_wait3A_289, %dma_wait3A_290] : memref<100096x16xf32, #tpu.memory_space<vmem_shared>> -> memref<512x16xf32, #tpu.memory_space<vmem_shared>>
          tpu.wait_dma2 semaphore(%arg13 : memref<!tpu.dma_semaphore, #tpu.memory_space<semaphore_mem>>) src(%arg10 : memref<512x16xf32, #tpu.memory_space<vmem>>) dst(%dma_wait3A_291 : memref<512x16xf32, #tpu.memory_space<vmem_shared>>)
        } else {
        }
        %mul3A_234 = arith.constant 4 : i32
        %mul3A_235 = arith.muli %add3A_169, %mul3A_234 : i32
        %add3A_236 = arith.constant 0 : i32
        %add3A_237 = arith.addi %mul3A_235, %add3A_236 : i32
        %dma_start3A_238 = arith.constant 0 : i32
        %dma_start3A_239 = arith.constant 0 : i32
        %dma_start3A_240 = tpu.memref_slice %arg10[%dma_start3A_238, %dma_start3A_239] : memref<512x16xf32, #tpu.memory_space<vmem>> -> memref<128x16xf32, #tpu.memory_space<vmem>>
        %dma_start3A_241 = arith.constant 0 : i32
        %dma_start3A_242 = tpu.memref_slice %arg7[%add3A_237, %dma_start3A_241] : memref<56x128xi32, #tpu.memory_space<vmem>> -> memref<1x128xi32, #tpu.memory_space<vmem>>
        %dma_start3A_243 = tpu.memref_squeeze %dma_start3A_242 : memref<1x128xi32, #tpu.memory_space<vmem>> -> memref<128xi32, #tpu.memory_space<vmem>>
        %dma_start3A_244 = arith.constant 0 : i32
        %dma_start3A_245 = arith.constant 0 : i32
        %dma_start3A_246 = tpu.memref_slice %arg4[%dma_start3A_244, %dma_start3A_245] : memref<802816x16xf32, #tpu.memory_space<hbm>> -> memref<802816x16xf32, #tpu.memory_space<hbm>>
        tpu.enqueue_indirect_dma source(%dma_start3A_246 : memref<802816x16xf32, #tpu.memory_space<hbm>>) target(%dma_start3A_240 : memref<128x16xf32, #tpu.memory_space<vmem>>) offsets(%dma_start3A_243 : memref<128xi32, #tpu.memory_space<vmem>>) semaphore(%arg12 : memref<!tpu.dma_semaphore, #tpu.memory_space<semaphore_mem>>)
        %mul3A_247 = arith.constant 4 : i32
        %mul3A_248 = arith.muli %add3A_169, %mul3A_247 : i32
        %add3A_249 = arith.constant 1 : i32
        %add3A_250 = arith.addi %mul3A_248, %add3A_249 : i32
        %dma_start3A_251 = arith.constant 128 : i32
        %dma_start3A_252 = arith.constant 0 : i32
        %dma_start3A_253 = tpu.memref_slice %arg10[%dma_start3A_251, %dma_start3A_252] : memref<512x16xf32, #tpu.memory_space<vmem>> -> memref<128x16xf32, #tpu.memory_space<vmem>>
        %dma_start3A_254 = arith.constant 0 : i32
        %dma_start3A_255 = tpu.memref_slice %arg7[%add3A_250, %dma_start3A_254] : memref<56x128xi32, #tpu.memory_space<vmem>> -> memref<1x128xi32, #tpu.memory_space<vmem>>
        %dma_start3A_256 = tpu.memref_squeeze %dma_start3A_255 : memref<1x128xi32, #tpu.memory_space<vmem>> -> memref<128xi32, #tpu.memory_space<vmem>>
        %dma_start3A_257 = arith.constant 0 : i32
        %dma_start3A_258 = arith.constant 0 : i32
        %dma_start3A_259 = tpu.memref_slice %arg4[%dma_start3A_257, %dma_start3A_258] : memref<802816x16xf32, #tpu.memory_space<hbm>> -> memref<802816x16xf32, #tpu.memory_space<hbm>>
        tpu.enqueue_indirect_dma source(%dma_start3A_259 : memref<802816x16xf32, #tpu.memory_space<hbm>>) target(%dma_start3A_253 : memref<128x16xf32, #tpu.memory_space<vmem>>) offsets(%dma_start3A_256 : memref<128xi32, #tpu.memory_space<vmem>>) semaphore(%arg12 : memref<!tpu.dma_semaphore, #tpu.memory_space<semaphore_mem>>)
        %mul3A_260 = arith.constant 4 : i32
        %mul3A_261 = arith.muli %add3A_169, %mul3A_260 : i32
        %add3A_262 = arith.constant 2 : i32
        %add3A_263 = arith.addi %mul3A_261, %add3A_262 : i32
        %dma_start3A_264 = arith.constant 256 : i32
        %dma_start3A_265 = arith.constant 0 : i32
        %dma_start3A_266 = tpu.memref_slice %arg10[%dma_start3A_264, %dma_start3A_265] : memref<512x16xf32, #tpu.memory_space<vmem>> -> memref<128x16xf32, #tpu.memory_space<vmem>>
        %dma_start3A_267 = arith.constant 0 : i32
        %dma_start3A_268 = tpu.memref_slice %arg7[%add3A_263, %dma_start3A_267] : memref<56x128xi32, #tpu.memory_space<vmem>> -> memref<1x128xi32, #tpu.memory_space<vmem>>
        %dma_start3A_269 = tpu.memref_squeeze %dma_start3A_268 : memref<1x128xi32, #tpu.memory_space<vmem>> -> memref<128xi32, #tpu.memory_space<vmem>>
        %dma_start3A_270 = arith.constant 0 : i32
        %dma_start3A_271 = arith.constant 0 : i32
        %dma_start3A_272 = tpu.memref_slice %arg4[%dma_start3A_270, %dma_start3A_271] : memref<802816x16xf32, #tpu.memory_space<hbm>> -> memref<802816x16xf32, #tpu.memory_space<hbm>>
        tpu.enqueue_indirect_dma source(%dma_start3A_272 : memref<802816x16xf32, #tpu.memory_space<hbm>>) target(%dma_start3A_266 : memref<128x16xf32, #tpu.memory_space<vmem>>) offsets(%dma_start3A_269 : memref<128xi32, #tpu.memory_space<vmem>>) semaphore(%arg12 : memref<!tpu.dma_semaphore, #tpu.memory_space<semaphore_mem>>)
        %mul3A_273 = arith.constant 4 : i32
        %mul3A_274 = arith.muli %add3A_169, %mul3A_273 : i32
        %add3A_275 = arith.constant 3 : i32
        %add3A_276 = arith.addi %mul3A_274, %add3A_275 : i32
        %dma_start3A_277 = arith.constant 384 : i32
        %dma_start3A_278 = arith.constant 0 : i32
        %dma_start3A_279 = tpu.memref_slice %arg10[%dma_start3A_277, %dma_start3A_278] : memref<512x16xf32, #tpu.memory_space<vmem>> -> memref<128x16xf32, #tpu.memory_space<vmem>>
        %dma_start3A_280 = arith.constant 0 : i32
        %dma_start3A_281 = tpu.memref_slice %arg7[%add3A_276, %dma_start3A_280] : memref<56x128xi32, #tpu.memory_space<vmem>> -> memref<1x128xi32, #tpu.memory_space<vmem>>
        %dma_start3A_282 = tpu.memref_squeeze %dma_start3A_281 : memref<1x128xi32, #tpu.memory_space<vmem>> -> memref<128xi32, #tpu.memory_space<vmem>>
        %dma_start3A_283 = arith.constant 0 : i32
        %dma_start3A_284 = arith.constant 0 : i32
        %dma_start3A_285 = tpu.memref_slice %arg4[%dma_start3A_283, %dma_start3A_284] : memref<802816x16xf32, #tpu.memory_space<hbm>> -> memref<802816x16xf32, #tpu.memory_space<hbm>>
        tpu.enqueue_indirect_dma source(%dma_start3A_285 : memref<802816x16xf32, #tpu.memory_space<hbm>>) target(%dma_start3A_279 : memref<128x16xf32, #tpu.memory_space<vmem>>) offsets(%dma_start3A_282 : memref<128xi32, #tpu.memory_space<vmem>>) semaphore(%arg12 : memref<!tpu.dma_semaphore, #tpu.memory_space<semaphore_mem>>)
      }
      %scan3A_48 = arith.constant 7 : i32
      %dma_wait3A_49 = arith.constant 0 : i32
      %dma_wait3A_50 = arith.constant 0 : i32
      %dma_wait3A_51 = tpu.memref_slice %arg4[%dma_wait3A_49, %dma_wait3A_50] : memref<802816x16xf32, #tpu.memory_space<hbm>> -> memref<512x16xf32, #tpu.memory_space<hbm>>
      %dma_wait3A_52 = arith.constant 0 : i32
      %dma_wait3A_53 = arith.constant 0 : i32
      %dma_wait3A_54 = tpu.memref_slice %arg4[%dma_wait3A_52, %dma_wait3A_53] : memref<802816x16xf32, #tpu.memory_space<hbm>> -> memref<512x16xf32, #tpu.memory_space<hbm>>
      tpu.wait_dma2 semaphore(%arg12 : memref<!tpu.dma_semaphore, #tpu.memory_space<semaphore_mem>>) src(%dma_wait3A_54 : memref<512x16xf32, #tpu.memory_space<hbm>>) dst(%arg10 : memref<512x16xf32, #tpu.memory_space<vmem>>)
      %dma_start3A_55 = arith.constant 52 : i32
      %dma_start3A_56 = arith.constant 0 : i32
      %dma_start3A_57 = arith.constant 0 : i32
      %dma_start3A_58 = tpu.memref_slice %arg10[%dma_start3A_56, %dma_start3A_57] : memref<512x16xf32, #tpu.memory_space<vmem>> -> memref<128x16xf32, #tpu.memory_space<vmem>>
      %dma_start3A_59 = arith.constant 0 : i32
      %dma_start3A_60 = tpu.memref_slice %arg8[%dma_start3A_55, %dma_start3A_59] : memref<56x128xi32, #tpu.memory_space<vmem>> -> memref<1x128xi32, #tpu.memory_space<vmem>>
      %dma_start3A_61 = tpu.memref_squeeze %dma_start3A_60 : memref<1x128xi32, #tpu.memory_space<vmem>> -> memref<128xi32, #tpu.memory_space<vmem>>
      %dma_start3A_62 = arith.constant 0 : i32
      %dma_start3A_63 = arith.constant 0 : i32
      %dma_start3A_64 = tpu.memref_slice %arg6[%dma_start3A_62, %dma_start3A_63] : memref<100096x16xf32, #tpu.memory_space<vmem_shared>> -> memref<100096x16xf32, #tpu.memory_space<vmem_shared>>
      tpu.enqueue_indirect_dma source(%dma_start3A_58 : memref<128x16xf32, #tpu.memory_space<vmem>>) target(%dma_start3A_64 : memref<100096x16xf32, #tpu.memory_space<vmem_shared>>) offsets(%dma_start3A_61 : memref<128xi32, #tpu.memory_space<vmem>>) semaphore(%arg13 : memref<!tpu.dma_semaphore, #tpu.memory_space<semaphore_mem>>) {add = true}
      %dma_start3A_65 = arith.constant 53 : i32
      %dma_start3A_66 = arith.constant 128 : i32
      %dma_start3A_67 = arith.constant 0 : i32
      %dma_start3A_68 = tpu.memref_slice %arg10[%dma_start3A_66, %dma_start3A_67] : memref<512x16xf32, #tpu.memory_space<vmem>> -> memref<128x16xf32, #tpu.memory_space<vmem>>
      %dma_start3A_69 = arith.constant 0 : i32
      %dma_start3A_70 = tpu.memref_slice %arg8[%dma_start3A_65, %dma_start3A_69] : memref<56x128xi32, #tpu.memory_space<vmem>> -> memref<1x128xi32, #tpu.memory_space<vmem>>
      %dma_start3A_71 = tpu.memref_squeeze %dma_start3A_70 : memref<1x128xi32, #tpu.memory_space<vmem>> -> memref<128xi32, #tpu.memory_space<vmem>>
      %dma_start3A_72 = arith.constant 0 : i32
      %dma_start3A_73 = arith.constant 0 : i32
      %dma_start3A_74 = tpu.memref_slice %arg6[%dma_start3A_72, %dma_start3A_73] : memref<100096x16xf32, #tpu.memory_space<vmem_shared>> -> memref<100096x16xf32, #tpu.memory_space<vmem_shared>>
      tpu.enqueue_indirect_dma source(%dma_start3A_68 : memref<128x16xf32, #tpu.memory_space<vmem>>) target(%dma_start3A_74 : memref<100096x16xf32, #tpu.memory_space<vmem_shared>>) offsets(%dma_start3A_71 : memref<128xi32, #tpu.memory_space<vmem>>) semaphore(%arg13 : memref<!tpu.dma_semaphore, #tpu.memory_space<semaphore_mem>>) {add = true}
      %dma_start3A_75 = arith.constant 54 : i32
      %dma_start3A_76 = arith.constant 256 : i32
      %dma_start3A_77 = arith.constant 0 : i32
      %dma_start3A_78 = tpu.memref_slice %arg10[%dma_start3A_76, %dma_start3A_77] : memref<512x16xf32, #tpu.memory_space<vmem>> -> memref<128x16xf32, #tpu.memory_space<vmem>>
      %dma_start3A_79 = arith.constant 0 : i32
      %dma_start3A_80 = tpu.memref_slice %arg8[%dma_start3A_75, %dma_start3A_79] : memref<56x128xi32, #tpu.memory_space<vmem>> -> memref<1x128xi32, #tpu.memory_space<vmem>>
      %dma_start3A_81 = tpu.memref_squeeze %dma_start3A_80 : memref<1x128xi32, #tpu.memory_space<vmem>> -> memref<128xi32, #tpu.memory_space<vmem>>
      %dma_start3A_82 = arith.constant 0 : i32
      %dma_start3A_83 = arith.constant 0 : i32
      %dma_start3A_84 = tpu.memref_slice %arg6[%dma_start3A_82, %dma_start3A_83] : memref<100096x16xf32, #tpu.memory_space<vmem_shared>> -> memref<100096x16xf32, #tpu.memory_space<vmem_shared>>
      tpu.enqueue_indirect_dma source(%dma_start3A_78 : memref<128x16xf32, #tpu.memory_space<vmem>>) target(%dma_start3A_84 : memref<100096x16xf32, #tpu.memory_space<vmem_shared>>) offsets(%dma_start3A_81 : memref<128xi32, #tpu.memory_space<vmem>>) semaphore(%arg13 : memref<!tpu.dma_semaphore, #tpu.memory_space<semaphore_mem>>) {add = true}
      %dma_start3A_85 = arith.constant 55 : i32
      %dma_start3A_86 = arith.constant 384 : i32
      %dma_start3A_87 = arith.constant 0 : i32
      %dma_start3A_88 = tpu.memref_slice %arg10[%dma_start3A_86, %dma_start3A_87] : memref<512x16xf32, #tpu.memory_space<vmem>> -> memref<128x16xf32, #tpu.memory_space<vmem>>
      %dma_start3A_89 = arith.constant 0 : i32
      %dma_start3A_90 = tpu.memref_slice %arg8[%dma_start3A_85, %dma_start3A_89] : memref<56x128xi32, #tpu.memory_space<vmem>> -> memref<1x128xi32, #tpu.memory_space<vmem>>
      %dma_start3A_91 = tpu.memref_squeeze %dma_start3A_90 : memref<1x128xi32, #tpu.memory_space<vmem>> -> memref<128xi32, #tpu.memory_space<vmem>>
      %dma_start3A_92 = arith.constant 0 : i32
      %dma_start3A_93 = arith.constant 0 : i32
      %dma_start3A_94 = tpu.memref_slice %arg6[%dma_start3A_92, %dma_start3A_93] : memref<100096x16xf32, #tpu.memory_space<vmem_shared>> -> memref<100096x16xf32, #tpu.memory_space<vmem_shared>>
      tpu.enqueue_indirect_dma source(%dma_start3A_88 : memref<128x16xf32, #tpu.memory_space<vmem>>) target(%dma_start3A_94 : memref<100096x16xf32, #tpu.memory_space<vmem_shared>>) offsets(%dma_start3A_91 : memref<128xi32, #tpu.memory_space<vmem>>) semaphore(%arg13 : memref<!tpu.dma_semaphore, #tpu.memory_space<semaphore_mem>>) {add = true}
      %dma_wait3A_95 = arith.constant 0 : i32
      %dma_wait3A_96 = arith.constant 0 : i32
      %dma_wait3A_97 = tpu.memref_slice %arg6[%dma_wait3A_95, %dma_wait3A_96] : memref<100096x16xf32, #tpu.memory_space<vmem_shared>> -> memref<512x16xf32, #tpu.memory_space<vmem_shared>>
      %dma_wait3A_98 = arith.constant 0 : i32
      %dma_wait3A_99 = arith.constant 0 : i32
      %dma_wait3A_100 = tpu.memref_slice %arg6[%dma_wait3A_98, %dma_wait3A_99] : memref<100096x16xf32, #tpu.memory_space<vmem_shared>> -> memref<512x16xf32, #tpu.memory_space<vmem_shared>>
      tpu.wait_dma2 semaphore(%arg13 : memref<!tpu.dma_semaphore, #tpu.memory_space<semaphore_mem>>) src(%arg9 : memref<512x16xf32, #tpu.memory_space<vmem>>) dst(%dma_wait3A_100 : memref<512x16xf32, #tpu.memory_space<vmem_shared>>)
      %dma_wait3A_101 = arith.constant 0 : i32
      %dma_wait3A_102 = arith.constant 0 : i32
      %dma_wait3A_103 = tpu.memref_slice %arg6[%dma_wait3A_101, %dma_wait3A_102] : memref<100096x16xf32, #tpu.memory_space<vmem_shared>> -> memref<512x16xf32, #tpu.memory_space<vmem_shared>>
      %dma_wait3A_104 = arith.constant 0 : i32
      %dma_wait3A_105 = arith.constant 0 : i32
      %dma_wait3A_106 = tpu.memref_slice %arg6[%dma_wait3A_104, %dma_wait3A_105] : memref<100096x16xf32, #tpu.memory_space<vmem_shared>> -> memref<512x16xf32, #tpu.memory_space<vmem_shared>>
      tpu.wait_dma2 semaphore(%arg13 : memref<!tpu.dma_semaphore, #tpu.memory_space<semaphore_mem>>) src(%arg10 : memref<512x16xf32, #tpu.memory_space<vmem>>) dst(%dma_wait3A_106 : memref<512x16xf32, #tpu.memory_space<vmem_shared>>)
    }
    %scan3A_20 = arith.constant 7 : i32
    %barrier3A_21 = arith.constant 0 : index
    tpu.barrier barrier_id(%barrier3A_21)
    "tpu.region"() ({
      %run_scoped3A = tpu.sem_alloc : memref<!tpu.dma_semaphore, #tpu.memory_space<semaphore_mem>>
      %dma_start3A = arith.constant 0 : i32
      %dma_start3A_22 = tpu.memref_slice %arg5[%arg0, %mul3A_4, %dma_start3A] : memref<2x100096x16xf32, #tpu.memory_space<hbm>> -> memref<1x6256x16xf32, #tpu.memory_space<hbm>>
      %dma_start3A_23 = tpu.memref_squeeze %dma_start3A_22 : memref<1x6256x16xf32, #tpu.memory_space<hbm>> -> memref<6256x16xf32, #tpu.memory_space<hbm>>
      %dma_start3A_24 = arith.constant 0 : i32
      %dma_start3A_25 = tpu.memref_slice %arg6[%mul3A_4, %dma_start3A_24] : memref<100096x16xf32, #tpu.memory_space<vmem_shared>> -> memref<6256x16xf32, #tpu.memory_space<vmem_shared>>
      tpu.enqueue_dma source(%dma_start3A_25 : memref<6256x16xf32, #tpu.memory_space<vmem_shared>>) target(%dma_start3A_23 : memref<6256x16xf32, #tpu.memory_space<hbm>>) target_semaphore(%run_scoped3A : memref<!tpu.dma_semaphore, #tpu.memory_space<semaphore_mem>>)
      %dma_wait3A = arith.constant 0 : i32
      %dma_wait3A_26 = tpu.memref_slice %arg5[%arg0, %mul3A_4, %dma_wait3A] : memref<2x100096x16xf32, #tpu.memory_space<hbm>> -> memref<1x6256x16xf32, #tpu.memory_space<hbm>>
      %dma_wait3A_27 = tpu.memref_squeeze %dma_wait3A_26 : memref<1x6256x16xf32, #tpu.memory_space<hbm>> -> memref<6256x16xf32, #tpu.memory_space<hbm>>
      %dma_wait3A_28 = arith.constant 0 : i32
      %dma_wait3A_29 = tpu.memref_slice %arg6[%mul3A_4, %dma_wait3A_28] : memref<100096x16xf32, #tpu.memory_space<vmem_shared>> -> memref<6256x16xf32, #tpu.memory_space<vmem_shared>>
      tpu.wait_dma2 semaphore(%run_scoped3A : memref<!tpu.dma_semaphore, #tpu.memory_space<semaphore_mem>>) src(%dma_wait3A_29 : memref<6256x16xf32, #tpu.memory_space<vmem_shared>>) dst(%dma_wait3A_27 : memref<6256x16xf32, #tpu.memory_space<hbm>>)
      tpu.yield
    }) : () -> ()
    return
  }
}

module attributes {stable_mosaic.version = 14 : i64} {
  func.func @body(%arg0: i32, %arg1: memref<2x256x128xi32, #tpu.memory_space<vmem>>, %arg2: memref<256x128xi32, #tpu.memory_space<vmem>>, %arg3: memref<256x128xi32, #tpu.memory_space<vmem>>, %arg4: memref<256x128xi32, #tpu.memory_space<vmem>>) attributes {dimension_semantics = [#tpu.dimension_semantics<arbitrary>], iteration_bounds = array<i64: 49>, scalar_prefetch = 0 : i64, scratch_operands = 0 : i64, tpu.core_type = #tpu.core_type<tc>, window_params = [{transform_indices = @transform_0, window_bounds = array<i64: 2, 256, 128>}, {transform_indices = @transform_1, window_bounds = array<i64: 256, 128>}, {transform_indices = @transform_2, window_bounds = array<i64: 256, 128>}, {transform_indices = @transform_3, window_bounds = array<i64: 256, 128>}]} {
    %iota3A = tpu.iota {dimensions = array<i32: 0>} : vector<256x128xi32>
    %mul3A = arith.constant 256 : i32
    %mul3A_0 = arith.muli %arg0, %mul3A : i32
    %add3A = vector.broadcast %mul3A_0 : i32 to vector<256x128xi32>
    %add3A_1 = arith.addi %iota3A, %add3A : vector<256x128xi32>
    %iota3A_2 = tpu.iota {dimensions = array<i32: 1>} : vector<256x128xi32>
    %mul3A_3 = arith.constant 128 : i32
    %mul3A_4 = vector.broadcast %mul3A_3 : i32 to vector<256x128xi32>
    %mul3A_5 = arith.muli %add3A_1, %mul3A_4 : vector<256x128xi32>
    %add3A_6 = arith.addi %mul3A_5, %iota3A_2 : vector<256x128xi32>
    %lt3A = arith.constant 12500 : i32
    %lt3A_7 = vector.broadcast %lt3A : i32 to vector<256x128xi32>
    %lt3A_8 = arith.cmpi slt, %add3A_1, %lt3A_7 : vector<256x128xi32>
    %get3A = arith.constant 0 : index
    %get3A_9 = arith.constant 0 : index
    %get3A_10 = arith.constant 0 : index
    %get3A_11 = vector.load %arg1[%get3A, %get3A_9, %get3A_10] : memref<2x256x128xi32, #tpu.memory_space<vmem>>, vector<1x256x128xi32>
    %get3A_12 = vector.shape_cast %get3A_11 : vector<1x256x128xi32> to vector<256x128xi32>
    %mul3A_13 = arith.constant 8 : i32
    %mul3A_14 = vector.broadcast %mul3A_13 : i32 to vector<256x128xi32>
    %mul3A_15 = arith.muli %get3A_12, %mul3A_14 : vector<256x128xi32>
    %get3A_16 = arith.constant 0 : index
    %get3A_17 = arith.constant 0 : index
    %get3A_18 = vector.load %arg2[%get3A_16, %get3A_17] : memref<256x128xi32, #tpu.memory_space<vmem>>, vector<256x128xi32>
    %add3A_19 = arith.addi %mul3A_15, %get3A_18 : vector<256x128xi32>
    %jit3A = arith.constant 100000 : i32
    %eq3A = arith.constant 0 : i32
    %eq3A_20 = arith.cmpi eq, %jit3A, %eq3A : i32
    %jit3A_21 = arith.constant 1 : i32
    %select_n3A = arith.select %eq3A_20, %jit3A_21, %jit3A : i32
    %rem3A = vector.broadcast %select_n3A : i32 to vector<256x128xi32>
    %rem3A_22 = arith.remsi %add3A_6, %rem3A : vector<256x128xi32>
    %ne3A = arith.constant 0 : i32
    %ne3A_23 = vector.broadcast %ne3A : i32 to vector<256x128xi32>
    %ne3A_24 = arith.cmpi ne, %rem3A_22, %ne3A_23 : vector<256x128xi32>
    %lt3A_25 = arith.constant 0 : i32
    %lt3A_26 = vector.broadcast %lt3A_25 : i32 to vector<256x128xi32>
    %lt3A_27 = arith.cmpi slt, %rem3A_22, %lt3A_26 : vector<256x128xi32>
    %lt3A_28 = arith.constant 0 : i32
    %lt3A_29 = arith.cmpi slt, %select_n3A, %lt3A_28 : i32
    %ne3A_30 = vector.broadcast %lt3A_29 : i1 to vector<256x128xi1>
    %ne3A_31 = vector.broadcast %ne3A_30 : vector<256x128xi1> to vector<256x128xi1>
    %ne3A_32 = arith.xori %lt3A_27, %ne3A_31 : vector<256x128xi1>
    %and3A = arith.andi %ne3A_32, %ne3A_24 : vector<256x128xi1>
    %add3A_33 = vector.broadcast %select_n3A : i32 to vector<256x128xi32>
    %add3A_34 = arith.addi %rem3A_22, %add3A_33 : vector<256x128xi32>
    %select_n3A_35 = arith.select %and3A, %add3A_34, %rem3A_22 : vector<256x128xi1>, vector<256x128xi32>
    %select_n3A_36 = arith.select %lt3A_8, %add3A_19, %select_n3A_35 : vector<256x128xi1>, vector<256x128xi32>
    %swap3A = arith.constant 0 : index
    %swap3A_37 = arith.constant 0 : index
    %swap3A_38 = vector.load %arg3[%swap3A, %swap3A_37] : memref<256x128xi32, #tpu.memory_space<vmem>>, vector<256x128xi32>
    tpu.vector_store %arg3[%swap3A, %swap3A_37], %select_n3A_36 {strides = array<i32>} : memref<256x128xi32, #tpu.memory_space<vmem>>, vector<256x128xi32>,
    %get3A_39 = arith.constant 1 : index
    %get3A_40 = arith.constant 0 : index
    %get3A_41 = arith.constant 0 : index
    %get3A_42 = vector.load %arg1[%get3A_39, %get3A_40, %get3A_41] : memref<2x256x128xi32, #tpu.memory_space<vmem>>, vector<1x256x128xi32>
    %get3A_43 = vector.shape_cast %get3A_42 : vector<1x256x128xi32> to vector<256x128xi32>
    %jit3A_44 = arith.constant 96 : i32
    %eq3A_45 = arith.constant 0 : i32
    %eq3A_46 = arith.cmpi eq, %jit3A_44, %eq3A_45 : i32
    %jit3A_47 = arith.constant 1 : i32
    %select_n3A_48 = arith.select %eq3A_46, %jit3A_47, %jit3A_44 : i32
    %rem3A_49 = vector.broadcast %select_n3A_48 : i32 to vector<256x128xi32>
    %rem3A_50 = arith.remsi %add3A_6, %rem3A_49 : vector<256x128xi32>
    %ne3A_51 = arith.constant 0 : i32
    %ne3A_52 = vector.broadcast %ne3A_51 : i32 to vector<256x128xi32>
    %ne3A_53 = arith.cmpi ne, %rem3A_50, %ne3A_52 : vector<256x128xi32>
    %lt3A_54 = arith.constant 0 : i32
    %lt3A_55 = vector.broadcast %lt3A_54 : i32 to vector<256x128xi32>
    %lt3A_56 = arith.cmpi slt, %rem3A_50, %lt3A_55 : vector<256x128xi32>
    %lt3A_57 = arith.constant 0 : i32
    %lt3A_58 = arith.cmpi slt, %select_n3A_48, %lt3A_57 : i32
    %ne3A_59 = vector.broadcast %lt3A_58 : i1 to vector<256x128xi1>
    %ne3A_60 = vector.broadcast %ne3A_59 : vector<256x128xi1> to vector<256x128xi1>
    %ne3A_61 = arith.xori %lt3A_56, %ne3A_60 : vector<256x128xi1>
    %and3A_62 = arith.andi %ne3A_61, %ne3A_53 : vector<256x128xi1>
    %add3A_63 = vector.broadcast %select_n3A_48 : i32 to vector<256x128xi32>
    %add3A_64 = arith.addi %rem3A_50, %add3A_63 : vector<256x128xi32>
    %select_n3A_65 = arith.select %and3A_62, %add3A_64, %rem3A_50 : vector<256x128xi1>, vector<256x128xi32>
    %add3A_66 = arith.constant 100000 : i32
    %add3A_67 = vector.broadcast %add3A_66 : i32 to vector<256x128xi32>
    %add3A_68 = arith.addi %add3A_67, %select_n3A_65 : vector<256x128xi32>
    %select_n3A_69 = arith.select %lt3A_8, %get3A_43, %add3A_68 : vector<256x128xi1>, vector<256x128xi32>
    %swap3A_70 = arith.constant 0 : index
    %swap3A_71 = arith.constant 0 : index
    %swap3A_72 = vector.load %arg4[%swap3A_70, %swap3A_71] : memref<256x128xi32, #tpu.memory_space<vmem>>, vector<256x128xi32>
    tpu.vector_store %arg4[%swap3A_70, %swap3A_71], %select_n3A_69 {strides = array<i32>} : memref<256x128xi32, #tpu.memory_space<vmem>>, vector<256x128xi32>,
    return
  }
  func.func @transform_0(%arg0: i32) -> (i32, i32, i32) {
    %c0_i32 = arith.constant 0 : i32
    %c0_i32_0 = arith.constant 0 : i32
    %c0_i32_1 = arith.constant 0 : i32
    return %c0_i32, %arg0, %c0_i32_0 : i32, i32, i32
  }
  func.func @transform_1(%arg0: i32) -> (i32, i32) {
    %c0_i32 = arith.constant 0 : i32
    %c0_i32_0 = arith.constant 0 : i32
    return %arg0, %c0_i32 : i32, i32
  }
  func.func @transform_2(%arg0: i32) -> (i32, i32) {
    %c0_i32 = arith.constant 0 : i32
    %c0_i32_0 = arith.constant 0 : i32
    return %arg0, %c0_i32 : i32, i32
  }
  func.func @transform_3(%arg0: i32) -> (i32, i32) {
    %c0_i32 = arith.constant 0 : i32
    %c0_i32_0 = arith.constant 0 : i32
    return %arg0, %c0_i32 : i32, i32
  }
}

module attributes {stable_mosaic.version = 14 : i64} {
  func.func @body(%arg0: i32, %arg1: memref<128x2048xf32, #tpu.memory_space<vmem>>, %arg2: memref<2048x128xf32, #tpu.memory_space<vmem>>) attributes {dimension_semantics = [#tpu.dimension_semantics<arbitrary>], iteration_bounds = array<i64: 49>, scalar_prefetch = 0 : i64, scratch_operands = 0 : i64, tpu.core_type = #tpu.core_type<tc>, window_params = [{transform_indices = @transform_0, window_bounds = array<i64: 128, 2048>}, {transform_indices = @transform_1, window_bounds = array<i64: 2048, 128>}]} {
    %get3A = arith.constant 0 : index
    %get3A_0 = arith.constant 0 : index
    %get3A_1 = vector.load %arg1[%get3A, %get3A_0] : memref<128x2048xf32, #tpu.memory_space<vmem>>, vector<128x2048xf32>
    %transpose3A = tpu.transpose %get3A_1, [1, 0] : vector<128x2048xf32> -> vector<2048x128xf32>
    %swap3A = arith.constant 0 : index
    %swap3A_2 = arith.constant 0 : index
    %swap3A_3 = vector.load %arg2[%swap3A, %swap3A_2] : memref<2048x128xf32, #tpu.memory_space<vmem>>, vector<2048x128xf32>
    tpu.vector_store %arg2[%swap3A, %swap3A_2], %transpose3A {strides = array<i32>} : memref<2048x128xf32, #tpu.memory_space<vmem>>, vector<2048x128xf32>,
    return
  }
  func.func @transform_0(%arg0: i32) -> (i32, i32) {
    %c0_i32 = arith.constant 0 : i32
    %c0_i32_0 = arith.constant 0 : i32
    return %c0_i32, %arg0 : i32, i32
  }
  func.func @transform_1(%arg0: i32) -> (i32, i32) {
    %c0_i32 = arith.constant 0 : i32
    %c0_i32_0 = arith.constant 0 : i32
    return %arg0, %c0_i32 : i32, i32
  }
}

module attributes {stable_mosaic.version = 14 : i64} {
  func.func @body(%arg0: i32, %arg1: memref<2x256x128xf32, #tpu.memory_space<vmem>>, %arg2: memref<2x256x128xf32, #tpu.memory_space<vmem>>, %arg3: memref<256x128xf32, #tpu.memory_space<vmem>>, %arg4: memref<1x128xf32, #tpu.memory_space<vmem>>, %arg5: memref<128x1024xf32, #tpu.memory_space<vmem>>, %arg6: memref<256x128xf32, #tpu.memory_space<vmem>>, %arg7: memref<256x1024xf32, #tpu.memory_space<vmem>>, %arg8: memref<256x128xf32, #tpu.memory_space<vmem>>) attributes {dimension_semantics = [#tpu.dimension_semantics<arbitrary>], iteration_bounds = array<i64: 49>, scalar_prefetch = 0 : i64, scratch_operands = 0 : i64, tpu.core_type = #tpu.core_type<tc>, window_params = [{transform_indices = @transform_0, window_bounds = array<i64: 2, 256, 128>}, {transform_indices = @transform_1, window_bounds = array<i64: 2, 256, 128>}, {transform_indices = @transform_2, window_bounds = array<i64: 256, 128>}, {pipeline_mode = #tpu.pipeline_mode<synchronous>, transform_indices = @transform_3, window_bounds = array<i64: 1, 128>}, {pipeline_mode = #tpu.pipeline_mode<synchronous>, transform_indices = @transform_4, window_bounds = array<i64: 128, 1024>}, {transform_indices = @transform_5, window_bounds = array<i64: 256, 128>}, {transform_indices = @transform_6, window_bounds = array<i64: 256, 1024>}, {transform_indices = @transform_7, window_bounds = array<i64: 256, 128>}]} {
    %get3A = arith.constant 0 : index
    %get3A_0 = arith.constant 0 : index
    %get3A_1 = arith.constant 0 : index
    %get3A_2 = vector.load %arg1[%get3A, %get3A_0, %get3A_1] : memref<2x256x128xf32, #tpu.memory_space<vmem>>, vector<1x256x128xf32>
    %get3A_3 = vector.shape_cast %get3A_2 : vector<1x256x128xf32> to vector<256x128xf32>
    %get3A_4 = arith.constant 1 : index
    %get3A_5 = arith.constant 0 : index
    %get3A_6 = arith.constant 0 : index
    %get3A_7 = vector.load %arg1[%get3A_4, %get3A_5, %get3A_6] : memref<2x256x128xf32, #tpu.memory_space<vmem>>, vector<1x256x128xf32>
    %get3A_8 = vector.shape_cast %get3A_7 : vector<1x256x128xf32> to vector<256x128xf32>
    %add3A = arith.addf %get3A_3, %get3A_8 : vector<256x128xf32>
    %max3A = arith.constant 1.000000e+00 : f32
    %max3A_9 = vector.broadcast %max3A : f32 to vector<256x128xf32>
    %max3A_10 = arith.maximumf %add3A, %max3A_9 : vector<256x128xf32>
    %div3A = arith.constant 1.000000e+00 : f32
    %div3A_11 = vector.broadcast %div3A : f32 to vector<256x128xf32>
    %div3A_12 = arith.divf %div3A_11, %max3A_10 : vector<256x128xf32>
    %get3A_13 = arith.constant 0 : index
    %get3A_14 = arith.constant 0 : index
    %get3A_15 = arith.constant 0 : index
    %get3A_16 = vector.load %arg2[%get3A_13, %get3A_14, %get3A_15] : memref<2x256x128xf32, #tpu.memory_space<vmem>>, vector<1x256x128xf32>
    %get3A_17 = vector.shape_cast %get3A_16 : vector<1x256x128xf32> to vector<256x128xf32>
    %get3A_18 = arith.constant 1 : index
    %get3A_19 = arith.constant 0 : index
    %get3A_20 = arith.constant 0 : index
    %get3A_21 = vector.load %arg2[%get3A_18, %get3A_19, %get3A_20] : memref<2x256x128xf32, #tpu.memory_space<vmem>>, vector<1x256x128xf32>
    %get3A_22 = vector.shape_cast %get3A_21 : vector<1x256x128xf32> to vector<256x128xf32>
    %add3A_23 = arith.addf %get3A_17, %get3A_22 : vector<256x128xf32>
    %mul3A = arith.mulf %add3A_23, %div3A_12 : vector<256x128xf32>
    %get3A_24 = arith.constant 0 : index
    %get3A_25 = arith.constant 0 : index
    %get3A_26 = vector.load %arg3[%get3A_24, %get3A_25] : memref<256x128xf32, #tpu.memory_space<vmem>>, vector<256x128xf32>
    %add3A_27 = arith.addf %mul3A, %get3A_26 : vector<256x128xf32>
    %get3A_28 = arith.constant 0 : index
    %get3A_29 = arith.constant 0 : index
    %get3A_30 = vector.load %arg4[%get3A_28, %get3A_29] : memref<1x128xf32, #tpu.memory_space<vmem>>, vector<1x128xf32>
    %add3A_31 = vector.broadcast %get3A_30 : vector<1x128xf32> to vector<256x128xf32>
    %add3A_32 = arith.addf %add3A_27, %add3A_31 : vector<256x128xf32>
    %max3A_33 = arith.constant 0.000000e+00 : f32
    %max3A_34 = vector.broadcast %max3A_33 : f32 to vector<256x128xf32>
    %max3A_35 = arith.maximumf %add3A_32, %max3A_34 : vector<256x128xf32>
    %swap3A = arith.constant 0 : index
    %swap3A_36 = arith.constant 0 : index
    %swap3A_37 = vector.load %arg6[%swap3A, %swap3A_36] : memref<256x128xf32, #tpu.memory_space<vmem>>, vector<256x128xf32>
    tpu.vector_store %arg6[%swap3A, %swap3A_36], %max3A_35 {strides = array<i32>} : memref<256x128xf32, #tpu.memory_space<vmem>>, vector<256x128xf32>,
    %swap3A_38 = arith.constant 0 : index
    %swap3A_39 = arith.constant 0 : index
    %swap3A_40 = vector.load %arg8[%swap3A_38, %swap3A_39] : memref<256x128xf32, #tpu.memory_space<vmem>>, vector<256x128xf32>
    tpu.vector_store %arg8[%swap3A_38, %swap3A_39], %div3A_12 {strides = array<i32>} : memref<256x128xf32, #tpu.memory_space<vmem>>, vector<256x128xf32>,
    %get3A_41 = arith.constant 0 : index
    %get3A_42 = arith.constant 0 : index
    %get3A_43 = vector.load %arg5[%get3A_41, %get3A_42] : memref<128x1024xf32, #tpu.memory_space<vmem>>, vector<128x1024xf32>
    %dot_general3A = arith.constant dense<0.000000e+00> : vector<256x1024xf32>
    %dot_general3A_44 = tpu.matmul %max3A_35, %get3A_43, %dot_general3A {dimension_numbers = #tpu.dot_dimension_numbers<[1], [0], [0], [1], [0, 0, 1, 1], [], []>, precision = #tpu.contract_precision<fp32>, transpose_lhs_hint = false} : vector<256x128xf32>, vector<128x1024xf32>, vector<256x1024xf32> -> vector<256x1024xf32>
    %swap3A_45 = arith.constant 0 : index
    %swap3A_46 = arith.constant 0 : index
    %swap3A_47 = vector.load %arg7[%swap3A_45, %swap3A_46] : memref<256x1024xf32, #tpu.memory_space<vmem>>, vector<256x1024xf32>
    tpu.vector_store %arg7[%swap3A_45, %swap3A_46], %dot_general3A_44 {strides = array<i32>} : memref<256x1024xf32, #tpu.memory_space<vmem>>, vector<256x1024xf32>,
    return
  }
  func.func @transform_0(%arg0: i32) -> (i32, i32, i32) {
    %c0_i32 = arith.constant 0 : i32
    %c0_i32_0 = arith.constant 0 : i32
    %c0_i32_1 = arith.constant 0 : i32
    return %c0_i32, %arg0, %c0_i32_0 : i32, i32, i32
  }
  func.func @transform_1(%arg0: i32) -> (i32, i32, i32) {
    %c0_i32 = arith.constant 0 : i32
    %c0_i32_0 = arith.constant 0 : i32
    %c0_i32_1 = arith.constant 0 : i32
    return %c0_i32, %arg0, %c0_i32_0 : i32, i32, i32
  }
  func.func @transform_2(%arg0: i32) -> (i32, i32) {
    %c0_i32 = arith.constant 0 : i32
    %c0_i32_0 = arith.constant 0 : i32
    return %arg0, %c0_i32 : i32, i32
  }
  func.func @transform_3(%arg0: i32) -> (i32, i32) {
    %c0_i32 = arith.constant 0 : i32
    %c0_i32_0 = arith.constant 0 : i32
    %c0_i32_1 = arith.constant 0 : i32
    return %c0_i32, %c0_i32_0 : i32, i32
  }
  func.func @transform_4(%arg0: i32) -> (i32, i32) {
    %c0_i32 = arith.constant 0 : i32
    %c0_i32_0 = arith.constant 0 : i32
    %c0_i32_1 = arith.constant 0 : i32
    return %c0_i32, %c0_i32_0 : i32, i32
  }
  func.func @transform_5(%arg0: i32) -> (i32, i32) {
    %c0_i32 = arith.constant 0 : i32
    %c0_i32_0 = arith.constant 0 : i32
    return %arg0, %c0_i32 : i32, i32
  }
  func.func @transform_6(%arg0: i32) -> (i32, i32) {
    %c0_i32 = arith.constant 0 : i32
    %c0_i32_0 = arith.constant 0 : i32
    return %arg0, %c0_i32 : i32, i32
  }
  func.func @transform_7(%arg0: i32) -> (i32, i32) {
    %c0_i32 = arith.constant 0 : i32
    %c0_i32_0 = arith.constant 0 : i32
    return %arg0, %c0_i32 : i32, i32
  }
}

module attributes {stable_mosaic.version = 14 : i64} {
  func.func @body(%arg0: i32, %arg1: memref<2x256x128xf32, #tpu.memory_space<vmem>>, %arg2: memref<256x128xf32, #tpu.memory_space<vmem>>, %arg3: memref<256x128xf32, #tpu.memory_space<vmem>>, %arg4: memref<128x128xf32, #tpu.memory_space<vmem>>, %arg5: memref<1x128xf32, #tpu.memory_space<vmem>>, %arg6: memref<256x128xf32, #tpu.memory_space<vmem>>) attributes {dimension_semantics = [#tpu.dimension_semantics<arbitrary>], iteration_bounds = array<i64: 49>, scalar_prefetch = 0 : i64, scratch_operands = 0 : i64, tpu.core_type = #tpu.core_type<tc>, window_params = [{transform_indices = @transform_0, window_bounds = array<i64: 2, 256, 128>}, {transform_indices = @transform_1, window_bounds = array<i64: 256, 128>}, {transform_indices = @transform_2, window_bounds = array<i64: 256, 128>}, {pipeline_mode = #tpu.pipeline_mode<synchronous>, transform_indices = @transform_3, window_bounds = array<i64: 128, 128>}, {pipeline_mode = #tpu.pipeline_mode<synchronous>, transform_indices = @transform_4, window_bounds = array<i64: 1, 128>}, {transform_indices = @transform_5, window_bounds = array<i64: 256, 128>}]} {
    %get3A = arith.constant 0 : index
    %get3A_0 = arith.constant 0 : index
    %get3A_1 = arith.constant 0 : index
    %get3A_2 = vector.load %arg1[%get3A, %get3A_0, %get3A_1] : memref<2x256x128xf32, #tpu.memory_space<vmem>>, vector<1x256x128xf32>
    %get3A_3 = vector.shape_cast %get3A_2 : vector<1x256x128xf32> to vector<256x128xf32>
    %get3A_4 = arith.constant 1 : index
    %get3A_5 = arith.constant 0 : index
    %get3A_6 = arith.constant 0 : index
    %get3A_7 = vector.load %arg1[%get3A_4, %get3A_5, %get3A_6] : memref<2x256x128xf32, #tpu.memory_space<vmem>>, vector<1x256x128xf32>
    %get3A_8 = vector.shape_cast %get3A_7 : vector<1x256x128xf32> to vector<256x128xf32>
    %add3A = arith.addf %get3A_3, %get3A_8 : vector<256x128xf32>
    %get3A_9 = arith.constant 0 : index
    %get3A_10 = arith.constant 0 : index
    %get3A_11 = vector.load %arg2[%get3A_9, %get3A_10] : memref<256x128xf32, #tpu.memory_space<vmem>>, vector<256x128xf32>
    %mul3A = arith.mulf %add3A, %get3A_11 : vector<256x128xf32>
    %get3A_12 = arith.constant 0 : index
    %get3A_13 = arith.constant 0 : index
    %get3A_14 = vector.load %arg3[%get3A_12, %get3A_13] : memref<256x128xf32, #tpu.memory_space<vmem>>, vector<256x128xf32>
    %get3A_15 = arith.constant 0 : index
    %get3A_16 = arith.constant 0 : index
    %get3A_17 = vector.load %arg4[%get3A_15, %get3A_16] : memref<128x128xf32, #tpu.memory_space<vmem>>, vector<128x128xf32>
    %dot_general3A = arith.constant dense<0.000000e+00> : vector<256x128xf32>
    %dot_general3A_18 = tpu.matmul %get3A_14, %get3A_17, %dot_general3A {dimension_numbers = #tpu.dot_dimension_numbers<[1], [0], [0], [1], [0, 0, 1, 1], [], []>, precision = #tpu.contract_precision<fp32>, transpose_lhs_hint = false} : vector<256x128xf32>, vector<128x128xf32>, vector<256x128xf32> -> vector<256x128xf32>
    %add3A_19 = arith.addf %mul3A, %dot_general3A_18 : vector<256x128xf32>
    %get3A_20 = arith.constant 0 : index
    %get3A_21 = arith.constant 0 : index
    %get3A_22 = vector.load %arg5[%get3A_20, %get3A_21] : memref<1x128xf32, #tpu.memory_space<vmem>>, vector<1x128xf32>
    %add3A_23 = vector.broadcast %get3A_22 : vector<1x128xf32> to vector<256x128xf32>
    %add3A_24 = arith.addf %add3A_19, %add3A_23 : vector<256x128xf32>
    %iota3A = tpu.iota {dimensions = array<i32: 1>} : vector<256x128xi32>
    %jit3A = arith.constant 16 : i32
    %eq3A = arith.constant 0 : i32
    %eq3A_25 = arith.cmpi eq, %jit3A, %eq3A : i32
    %jit3A_26 = arith.constant 1 : i32
    %select_n3A = arith.select %eq3A_25, %jit3A_26, %jit3A : i32
    %rem3A = vector.broadcast %select_n3A : i32 to vector<256x128xi32>
    %rem3A_27 = arith.remsi %iota3A, %rem3A : vector<256x128xi32>
    %ne3A = arith.constant 0 : i32
    %ne3A_28 = vector.broadcast %ne3A : i32 to vector<256x128xi32>
    %ne3A_29 = arith.cmpi ne, %rem3A_27, %ne3A_28 : vector<256x128xi32>
    %lt3A = arith.constant 0 : i32
    %lt3A_30 = vector.broadcast %lt3A : i32 to vector<256x128xi32>
    %lt3A_31 = arith.cmpi slt, %rem3A_27, %lt3A_30 : vector<256x128xi32>
    %lt3A_32 = arith.constant 0 : i32
    %lt3A_33 = arith.cmpi slt, %select_n3A, %lt3A_32 : i32
    %ne3A_34 = vector.broadcast %lt3A_33 : i1 to vector<256x128xi1>
    %ne3A_35 = vector.broadcast %ne3A_34 : vector<256x128xi1> to vector<256x128xi1>
    %ne3A_36 = arith.xori %lt3A_31, %ne3A_35 : vector<256x128xi1>
    %and3A = arith.andi %ne3A_36, %ne3A_29 : vector<256x128xi1>
    %add3A_37 = vector.broadcast %select_n3A : i32 to vector<256x128xi32>
    %add3A_38 = arith.addi %rem3A_27, %add3A_37 : vector<256x128xi32>
    %select_n3A_39 = arith.select %and3A, %add3A_38, %rem3A_27 : vector<256x128xi1>, vector<256x128xi32>
    %roll3A = arith.constant 127 : i32
    %roll3A_40 = tpu.dynamic_rotate %add3A_24 by %roll3A dim 1 : vector<256x128xf32>, i32 -> vector<256x128xf32>
    %roll3A_41 = arith.constant 15 : i32
    %roll3A_42 = tpu.dynamic_rotate %add3A_24 by %roll3A_41 dim 1 : vector<256x128xf32>, i32 -> vector<256x128xf32>
    %lt3A_43 = arith.constant 15 : i32
    %lt3A_44 = vector.broadcast %lt3A_43 : i32 to vector<256x128xi32>
    %lt3A_45 = arith.cmpi slt, %select_n3A_39, %lt3A_44 : vector<256x128xi32>
    %select_n3A_46 = arith.select %lt3A_45, %roll3A_40, %roll3A_42 : vector<256x128xi1>, vector<256x128xf32>
    %max3A = arith.maximumf %add3A_24, %select_n3A_46 : vector<256x128xf32>
    %roll3A_47 = arith.constant 126 : i32
    %roll3A_48 = tpu.dynamic_rotate %max3A by %roll3A_47 dim 1 : vector<256x128xf32>, i32 -> vector<256x128xf32>
    %roll3A_49 = arith.constant 14 : i32
    %roll3A_50 = tpu.dynamic_rotate %max3A by %roll3A_49 dim 1 : vector<256x128xf32>, i32 -> vector<256x128xf32>
    %lt3A_51 = arith.constant 14 : i32
    %lt3A_52 = vector.broadcast %lt3A_51 : i32 to vector<256x128xi32>
    %lt3A_53 = arith.cmpi slt, %select_n3A_39, %lt3A_52 : vector<256x128xi32>
    %select_n3A_54 = arith.select %lt3A_53, %roll3A_48, %roll3A_50 : vector<256x128xi1>, vector<256x128xf32>
    %max3A_55 = arith.maximumf %max3A, %select_n3A_54 : vector<256x128xf32>
    %roll3A_56 = arith.constant 124 : i32
    %roll3A_57 = tpu.dynamic_rotate %max3A_55 by %roll3A_56 dim 1 : vector<256x128xf32>, i32 -> vector<256x128xf32>
    %roll3A_58 = arith.constant 12 : i32
    %roll3A_59 = tpu.dynamic_rotate %max3A_55 by %roll3A_58 dim 1 : vector<256x128xf32>, i32 -> vector<256x128xf32>
    %lt3A_60 = arith.constant 12 : i32
    %lt3A_61 = vector.broadcast %lt3A_60 : i32 to vector<256x128xi32>
    %lt3A_62 = arith.cmpi slt, %select_n3A_39, %lt3A_61 : vector<256x128xi32>
    %select_n3A_63 = arith.select %lt3A_62, %roll3A_57, %roll3A_59 : vector<256x128xi1>, vector<256x128xf32>
    %max3A_64 = arith.maximumf %max3A_55, %select_n3A_63 : vector<256x128xf32>
    %roll3A_65 = arith.constant 120 : i32
    %roll3A_66 = tpu.dynamic_rotate %max3A_64 by %roll3A_65 dim 1 : vector<256x128xf32>, i32 -> vector<256x128xf32>
    %roll3A_67 = arith.constant 8 : i32
    %roll3A_68 = tpu.dynamic_rotate %max3A_64 by %roll3A_67 dim 1 : vector<256x128xf32>, i32 -> vector<256x128xf32>
    %lt3A_69 = arith.constant 8 : i32
    %lt3A_70 = vector.broadcast %lt3A_69 : i32 to vector<256x128xi32>
    %lt3A_71 = arith.cmpi slt, %select_n3A_39, %lt3A_70 : vector<256x128xi32>
    %select_n3A_72 = arith.select %lt3A_71, %roll3A_66, %roll3A_68 : vector<256x128xi1>, vector<256x128xf32>
    %max3A_73 = arith.maximumf %max3A_64, %select_n3A_72 : vector<256x128xf32>
    %sub3A = arith.subf %add3A_24, %max3A_73 : vector<256x128xf32>
    %exp3A = math.exp %sub3A : vector<256x128xf32>
    %roll3A_74 = arith.constant 127 : i32
    %roll3A_75 = tpu.dynamic_rotate %exp3A by %roll3A_74 dim 1 : vector<256x128xf32>, i32 -> vector<256x128xf32>
    %roll3A_76 = arith.constant 15 : i32
    %roll3A_77 = tpu.dynamic_rotate %exp3A by %roll3A_76 dim 1 : vector<256x128xf32>, i32 -> vector<256x128xf32>
    %lt3A_78 = arith.constant 15 : i32
    %lt3A_79 = vector.broadcast %lt3A_78 : i32 to vector<256x128xi32>
    %lt3A_80 = arith.cmpi slt, %select_n3A_39, %lt3A_79 : vector<256x128xi32>
    %select_n3A_81 = arith.select %lt3A_80, %roll3A_75, %roll3A_77 : vector<256x128xi1>, vector<256x128xf32>
    %add3A_82 = arith.addf %exp3A, %select_n3A_81 : vector<256x128xf32>
    %roll3A_83 = arith.constant 126 : i32
    %roll3A_84 = tpu.dynamic_rotate %add3A_82 by %roll3A_83 dim 1 : vector<256x128xf32>, i32 -> vector<256x128xf32>
    %roll3A_85 = arith.constant 14 : i32
    %roll3A_86 = tpu.dynamic_rotate %add3A_82 by %roll3A_85 dim 1 : vector<256x128xf32>, i32 -> vector<256x128xf32>
    %lt3A_87 = arith.constant 14 : i32
    %lt3A_88 = vector.broadcast %lt3A_87 : i32 to vector<256x128xi32>
    %lt3A_89 = arith.cmpi slt, %select_n3A_39, %lt3A_88 : vector<256x128xi32>
    %select_n3A_90 = arith.select %lt3A_89, %roll3A_84, %roll3A_86 : vector<256x128xi1>, vector<256x128xf32>
    %add3A_91 = arith.addf %add3A_82, %select_n3A_90 : vector<256x128xf32>
    %roll3A_92 = arith.constant 124 : i32
    %roll3A_93 = tpu.dynamic_rotate %add3A_91 by %roll3A_92 dim 1 : vector<256x128xf32>, i32 -> vector<256x128xf32>
    %roll3A_94 = arith.constant 12 : i32
    %roll3A_95 = tpu.dynamic_rotate %add3A_91 by %roll3A_94 dim 1 : vector<256x128xf32>, i32 -> vector<256x128xf32>
    %lt3A_96 = arith.constant 12 : i32
    %lt3A_97 = vector.broadcast %lt3A_96 : i32 to vector<256x128xi32>
    %lt3A_98 = arith.cmpi slt, %select_n3A_39, %lt3A_97 : vector<256x128xi32>
    %select_n3A_99 = arith.select %lt3A_98, %roll3A_93, %roll3A_95 : vector<256x128xi1>, vector<256x128xf32>
    %add3A_100 = arith.addf %add3A_91, %select_n3A_99 : vector<256x128xf32>
    %roll3A_101 = arith.constant 120 : i32
    %roll3A_102 = tpu.dynamic_rotate %add3A_100 by %roll3A_101 dim 1 : vector<256x128xf32>, i32 -> vector<256x128xf32>
    %roll3A_103 = arith.constant 8 : i32
    %roll3A_104 = tpu.dynamic_rotate %add3A_100 by %roll3A_103 dim 1 : vector<256x128xf32>, i32 -> vector<256x128xf32>
    %lt3A_105 = arith.constant 8 : i32
    %lt3A_106 = vector.broadcast %lt3A_105 : i32 to vector<256x128xi32>
    %lt3A_107 = arith.cmpi slt, %select_n3A_39, %lt3A_106 : vector<256x128xi32>
    %select_n3A_108 = arith.select %lt3A_107, %roll3A_102, %roll3A_104 : vector<256x128xi1>, vector<256x128xf32>
    %add3A_109 = arith.addf %add3A_100, %select_n3A_108 : vector<256x128xf32>
    %sub3A_110 = arith.subf %add3A_24, %max3A_73 : vector<256x128xf32>
    %log3A = math.log %add3A_109 : vector<256x128xf32>
    %sub3A_111 = arith.subf %sub3A_110, %log3A : vector<256x128xf32>
    %swap3A = arith.constant 0 : index
    %swap3A_112 = arith.constant 0 : index
    %swap3A_113 = vector.load %arg6[%swap3A, %swap3A_112] : memref<256x128xf32, #tpu.memory_space<vmem>>, vector<256x128xf32>
    tpu.vector_store %arg6[%swap3A, %swap3A_112], %sub3A_111 {strides = array<i32>} : memref<256x128xf32, #tpu.memory_space<vmem>>, vector<256x128xf32>,
    return
  }
  func.func @transform_0(%arg0: i32) -> (i32, i32, i32) {
    %c0_i32 = arith.constant 0 : i32
    %c0_i32_0 = arith.constant 0 : i32
    %c0_i32_1 = arith.constant 0 : i32
    return %c0_i32, %arg0, %c0_i32_0 : i32, i32, i32
  }
  func.func @transform_1(%arg0: i32) -> (i32, i32) {
    %c0_i32 = arith.constant 0 : i32
    %c0_i32_0 = arith.constant 0 : i32
    return %arg0, %c0_i32 : i32, i32
  }
  func.func @transform_2(%arg0: i32) -> (i32, i32) {
    %c0_i32 = arith.constant 0 : i32
    %c0_i32_0 = arith.constant 0 : i32
    return %arg0, %c0_i32 : i32, i32
  }
  func.func @transform_3(%arg0: i32) -> (i32, i32) {
    %c0_i32 = arith.constant 0 : i32
    %c0_i32_0 = arith.constant 0 : i32
    %c0_i32_1 = arith.constant 0 : i32
    return %c0_i32, %c0_i32_0 : i32, i32
  }
  func.func @transform_4(%arg0: i32) -> (i32, i32) {
    %c0_i32 = arith.constant 0 : i32
    %c0_i32_0 = arith.constant 0 : i32
    %c0_i32_1 = arith.constant 0 : i32
    return %c0_i32, %c0_i32_0 : i32, i32
  }
  func.func @transform_5(%arg0: i32) -> (i32, i32) {
    %c0_i32 = arith.constant 0 : i32
    %c0_i32_0 = arith.constant 0 : i32
    return %arg0, %c0_i32 : i32, i32
  }
}

</mosaic_0001>

<sc_bundles>
// kernel: kernel.12.cloned.1.call-start
scs
__scs_entry_jumppad:
0x0: {  	(pc) =	sbr.rel $0x88, $3  }
0x1: {  	(tag) =	ssettag $0x0;
	lr =	simm.s32 $0x1  }
0x2: {  	[smem:$0x3F99] =	sst lr;
	_ =	strace $0xD0000000  }
0x3: {  	_ = 	snop  }
0x4: {  	_ = 	snop  }
0x5: {  	_ = 	snop  }
0x6: {  	_ = 	snop  }
0x7: {  	_ = 	snop  }
__scs_overlays_trampoline_lowered:
0x8: {  	[smem:$0x3FA8] =	sst s0  }
0x9: {  	[smem:$0x3FA9] =	sst s1  }
0xa: {  	[smem:$0x3FAA] =	sst s2  }
0xb: {  	[smem:$0x3FAB] =	sst s3  }
0xc: {  	[smem:$0x3FAC] =	sst s4  }
0xd: {  	[smem:$0x3FAD] =	sst s5  }
0xe: {  	[smem:$0x3FAE] =	sst s6  }
0xf: {  	[smem:$0x3FAF] =	sst s7  }
0x10: {  	[smem:$0x3FB0] =	sst s8  }
0x11: {  	[smem:$0x3FB1] =	sst s9;
	s0 =	simm.s32 @!p0 $0x0  }
0x12: {  	s1 =	sld [smem:$0x3F97];
	s0 =	simm.s32 @p0 $0x1  }
0x13: {  	[smem:$0x3FB2] =	sst s0;
	s0 =	simm.s32 @!p1 $0x0  }
0x14: {  	s2 =	sld [smem:$0x3F96];
	s0 =	simm.s32 @p1 $0x1  }
0x15: {  	[smem:$0x3FB3] =	sst s0;
	s0 =	simm.s32 @!p2 $0x0  }
0x16: {  	s3 =	sld [smem:$0x3FDB];
	s0 =	simm.s32 @p2 $0x1  }
0x17: {  	s4 =	simm.s32 $0x1BF5;
	[smem:$0x3FB5] =	sst s0  }
0x18: {  	s0 =	sld [smem:$0x3F98];
	_ =	swait.ge [sflag:s4], $0x0  }
0x19: {  	s7 =	sld [smem:$0x3F99]  }
0x1a: {  	s8 =	sadd.s32 $0xFFFFE003, lr  }
0x1b: {  	s9 =	sadd.s32 $0xFFFFFEF7, lr;
	s5 =	simm.s32 $0xFFFFFFFF;
	p2 =	slt.u32 s8, $0xFFFFF086  }
0x1c: {  	p1 =	slt.u32 s9, $0xF7A;
	s5 =	simm.s32 @!p2 $0x0  }
0x1d: {  	s5 =	simm.s32 @p1 $0x1;
	p0 =	seq.s32 s7, s2  }
0x1e: {  	s7 =	smul.u32 @!p0 $0xF7A, s2;
	p2 =	seq.s32 @!p0 s5, $0x0  }
0x1f: {  	s9 =	smul.u32 $0xF7A, s1;
	s8 =	simm.s32 @!p0 $0x1BF5;
	p2 =	por !p2, p0  }
0x20: {  	[sflag:s8] =	ssyncset.s32 @!p0 $0xFFFFF086;
	s6 =	sadd.s32 @!p0 s3, s7;
	s7 =	simm.s32 @!p0 $0x108  }
0x21: {  	s3 =	sadd.s32 s3, s9;
	s6 =	sadd.s32 @!p0 $0x88, s6;
	s7 =	simm.s32 @p2 $0x1082  }
0x22: {  	[simem:s7], [sflag:s8] =	dma.local @!p0 [hbm:s6], $0xF7A  }
0x23: {  	s9 =	sor.u32 $0xD0000000, s2;
	s6 =	simm.s32 $0x108;
	_ =	swait.ge @!p0 [sflag:s8], $0x0  }
0x24: {  	s3 =	sadd.s32 $0x88, s3;
	s6 =	simm.s32 @!p1 $0x1082;
	[sflag:s4] =	ssyncset.s32 $0xFFFFF086  }
0x25: {  	[simem:s6], [sflag:s4] =	dma.local [hbm:s3], $0xF7A  }
0x26: {  	[smem:$0x3F99] =	sst s1;
	(tag) =	ssettag s2;
	_ =	strace s9  }
0x27: {  	s1 =	sld [smem:$0x3FA9]  }
0x28: {  	s2 =	sld [smem:$0x3FAA]  }
0x29: {  	s4 =	sld [smem:$0x3FAC]  }
0x2a: {  	p0 =	seq.s32 s5, $0x0;
	s5 =	sld [smem:$0x3FAD]  }
0x2b: {  	s6 =	sld [smem:$0x3FAE]  }
0x2c: {  	s7 =	sld [smem:$0x3FAF]  }
0x2d: {  	s3 =	simm.s32 $0x108;
	s8 =	sld [smem:$0x3FB0]  }
0x2e: {  	s3 =	simm.s32 @!p0 $0x1082;
	s9 =	sld [smem:$0x3FB1]  }
0x2f: {  	lr =	sadd.s32 s0, s3;
	s0 =	sld [smem:$0x3FA8]  }
0x30: {  	s3 =	sld [smem:$0x3FAB]  }
0x31: {  	[smem:$0x3FB4] =	sst s10  }
0x32: {  	s10 =	sld [smem:$0x3FB2];
	_ =	sdelay $0x3  }
0x33: {  	p0 =	seq.s32 s10, $0x1;
	s10 =	sld [smem:$0x3FB4];
	_ =	sdelay $0x3  }
0x34: {  	[smem:$0x3FB4] =	sst s10  }
0x35: {  	s10 =	sld [smem:$0x3FB3];
	_ =	sdelay $0x3  }
0x36: {  	p1 =	seq.s32 s10, $0x1;
	s10 =	sld [smem:$0x3FB4];
	_ =	sdelay $0x3  }
0x37: {  	[smem:$0x3FB4] =	sst s10  }
0x38: {  	s10 =	sld [smem:$0x3FB5]  }
0x39: {  	_ = 	snop;
	(pc) =	sbr.ind lr, $3  }
0x3a: {  	_ = 	snop  }
0x3b: {  	_ = 	snop  }
0x3c: {  	p2 =	seq.s32 s10, $0x1;
	s10 =	sld [smem:$0x3FB4]  }
0x3d: {  	_ =	shalt  }
0x3e: {  	_ =	shalt  }
0x3f: {  	_ =	shalt  }
0x40: {  	_ =	shalt  }
0x41: {  	_ =	shalt  }
0x42: {  	_ =	shalt  }
0x43: {  	_ =	shalt  }
0x44: {  	_ =	shalt  }
0x45: {  	_ =	shalt  }
0x46: {  	_ =	shalt  }
0x47: {  	_ =	shalt  }
0x48: {  	_ =	shalt  }
0x49: {  	_ =	shalt  }
0x4a: {  	_ =	shalt  }
0x4b: {  	_ =	shalt  }
0x4c: {  	_ =	shalt  }
0x4d: {  	_ =	shalt  }
0x4e: {  	_ =	shalt  }
0x4f: {  	_ =	shalt  }
0x50: {  	_ =	shalt  }
0x51: {  	_ =	shalt  }
0x52: {  	_ =	shalt  }
0x53: {  	_ =	shalt  }
0x54: {  	_ =	shalt  }
0x55: {  	_ =	shalt  }
0x56: {  	_ =	shalt  }
0x57: {  	_ =	shalt  }
0x58: {  	_ =	shalt  }
0x59: {  	_ =	shalt  }
0x5a: {  	_ =	shalt  }
0x5b: {  	_ =	shalt  }
0x5c: {  	_ =	shalt  }
0x5d: {  	_ =	shalt  }
0x5e: {  	_ =	shalt  }
0x5f: {  	_ =	shalt  }
0x60: {  	_ =	shalt  }
0x61: {  	_ =	shalt  }
0x62: {  	_ =	shalt  }
0x63: {  	_ =	shalt  }
0x64: {  	_ =	shalt  }
0x65: {  	_ =	shalt  }
0x66: {  	_ =	shalt  }
0x67: {  	_ =	shalt  }
0x68: {  	_ =	shalt  }
0x69: {  	_ =	shalt  }
0x6a: {  	_ =	shalt  }
0x6b: {  	_ =	shalt  }
0x6c: {  	_ =	shalt  }
0x6d: {  	_ =	shalt  }
0x6e: {  	_ =	shalt  }
0x6f: {  	_ =	shalt  }
0x70: {  	_ =	shalt  }
0x71: {  	_ =	shalt  }
0x72: {  	_ =	shalt  }
0x73: {  	_ =	shalt  }
0x74: {  	_ =	shalt  }
0x75: {  	_ =	shalt  }
0x76: {  	_ =	shalt  }
0x77: {  	_ =	shalt  }
0x78: {  	_ =	shalt  }
0x79: {  	_ =	shalt  }
0x7a: {  	_ =	shalt  }
0x7b: {  	_ =	shalt  }
0x7c: {  	_ =	shalt  }
0x7d: {  	_ =	shalt  }
0x7e: {  	_ =	shalt  }
0x7f: {  	_ =	shalt  }
0x80: {  	_ =	shalt  }
0x81: {  	_ =	shalt  }
0x82: {  	_ =	shalt  }
0x83: {  	_ =	shalt  }
0x84: {  	_ =	shalt  }
0x85: {  	_ =	shalt  }
0x86: {  	_ =	shalt  }
0x87: {  	_ =	shalt  }
.Lfunc_end0:
.L_simem_size_0:
called_computation.2_lowered:
.L_overlay_start_0:
0x88: {  	s2 =	sld [smem:$0x3FD9]  }
0x89: {  	s3 =	sld [smem:$0x3FFE];
	_ =	sdelay $0x1  }
0x8a: {  	s1 =	srdreg.scid  }
0x8b: {  	s0 =	sand.u32 $0x1, s1  }
0x8c: {  	s16 =	sshll.u32 s0, $0xA;
	s2 =	sadd.s32 s3, s2  }
0x8d: {  	s2 =	sadd.s32 s2, s16  }
0x8e: {  	[smem:$0x3FC0] =	sst s2  }
0x8f: {  	_ = 	snop  }
0x90: {  	(tm) =	ssettm $0x1  }
0x91: {  	s17 =	sld [smem:$0x3FFB];
	_ =	sdelay $0x3  }
0x92: {  	_ =	strace s17  }
0x93: {  	s2 =	sld [smem:$0x3FFC];
	_ =	sdelay $0x3  }
0x94: {  	_ =	strace s2  }
0x95: {  	s2 =	sld [smem:$0x3FFD];
	_ =	sdelay $0x3  }
0x96: {  	_ =	strace s2  }
0x97: {  	_ =	strace $0x8FFFFFFF  }
0x98: {  	s18 =	sld [smem:$0x3FDB];
	_ =	sdelay $0x1  }
0x99: {  	s19 =	simm.s32 $_scs_section_size  }
0x9a: {  	s4 =	simm.s32 $_size__tile_overlayer_lowered;
	s5 =	simm.s32 $_tile_overlayer_lowered  }
0x9b: {  	s22 =	simm.s32 $0x1BFF;
	s21 =	sshll.u32 s5, $0x1;
	s2 =	sadd.s32 s19, s18  }
0x9c: {  	s6 =	simm.s32 $0x0;
	s20 =	sshll.u32 s4, $0x1;
	s4 =	sadd.s32 s21, s2  }
0x9d: {  	[timem:s6], [sflag:s22] =	dma.local [hbm:s4], s20  }
0x9e: {  	_ =	swait.ge [sflag:s22], s20  }
0x9f: {  	s3 =	ssub.s32 $0x0, s20;
	[sflag:s22] =	ssyncset.done $0x0  }
0xa0: {  	[sflag:s22] =	ssyncadd.s32 s3;
	_ =	sdelay $0x1  }
0xa1: {  	s23 =	simm.s32 $0x1B8B  }
0xa2: {  	_ =	swait.ge [sflag:s23], $0x1  }
0xa3: {  	[sflag:s23] =	ssyncset.done $0x0  }
0xa4: {  	s25 =	simm.s32 $0x1B8E;
	s24 =	sld [smem:$0x3FFE];
	[sflag:s23] =	ssyncadd.s32 $0xFFFFFFFF  }
0xa5: {  	s26 =	simm.s32 $execute0_lowered;
	[smem:$0x3FD2] =	sst s25  }
0xa6: {  	s4 =	sshll.u32 s26, $0x1;
	_ =	strace $0x80000046;
	[dreg:$0x1] =	wrdreg $0xFFFFFFFF  }
0xa7: {  	s28 =	simm.s32 $_size_execute0_lowered;
	s2 =	sadd.s32 s2, s4;
	[dreg:$0x0] =	wrdreg $0x0  }
0xa8: {  	s4 =	sshll.u32 s28, $0x1;
	[dreg:$0x2] =	wrdreg s2  }
0xa9: {  	[dreg:$0x3] =	wrdreg s4  }
0xaa: {  	[dreg:$0x4] =	wrdreg $0xC0  }
0xab: {  	_ =	task [dreg:s6], $0x5FFFF  }
0xac: {  	[dreg:$0x1] =	wrdreg $0xFFFFFFFF  }
0xad: {  	[dreg:$0x0] =	wrdreg $0x60  }
0xae: {  	[dreg:$0x2] =	wrdreg s24  }
0xaf: {  	[dreg:$0x3] =	wrdreg $0x0  }
0xb0: {  	[dreg:$0x4] =	wrdreg $0xA  }
0xb1: {  	_ =	task.clear_ibuf [dreg:s6], $0x5FFFF;
	_ =	strace $0x90000046  }
0xb2: {  	s29 =	simm.s32 $0xA;
	_ =	strace $0x80000048  }
0xb3: {  	_ =	swait.ge [sflag:s29], $0x1  }
0xb4: {  	[sflag:s29] =	ssyncadd.s32 $0xFFFFFFFF  }
0xb5: {  	_ =	strace $0x90000048  }
0xb6: {  	_ =	sfence  }
0xb7: {  	s30 =	sld [smem:$0x0];
	_ =	sdelay $0x2  }
0xb8: {  	s31 =	sshll.u32 s1, $0xD;
	s1 =	sshrl.u32 s1, $0x2  }
0xb9: {  	s3 =	sand.u32 $0x4000, s31;
	s1 =	sadd.s32 s1, s30  }
0xba: {  	s0 =	sor.u32 s3, s0;
	s1 =	sshll.u32 s1, $0x11  }
0xbb: {  	s0 =	sor.u32 s1, s0  }
0xbc: {  	s0 =	sadd.s32 $0x8F2B, s0  }
0xbd: {  	[sflag:s0] =	ssyncadd.remote.s32 $0x1  }
0xbe: {  	_ =	sfence.sel $0xFFFF  }
0xbf: {  	[dreg:$0x0] =	wrdreg $0xFFFFFFFF;
	(pc) =	sbr.abs _section_cstart, $3  }
0xc0: {  	[dreg:$0x1] =	wrdreg $0xFFFFFFFF  }
0xc1: {  	_ =	task.clear_ibuf [dreg:s6], $0x2FFFF;
	_ =	strace $0x9FFFFFFF  }
0xc2: {  	(tm) =	ssettm $0x7FFFFFFF  }
0xc3: {  	_ =	shalt  }
tec
execute0_lowered:
.L_overlay_start_1:
0x0: {  	(tag) =	ssettag $0x1  }
0x1: {  	s1 =	rddreg [dreg:$0x0]  }
0x2: {  	s2 =	rddreg [dreg:$0x1];
	s3 =	simm.s32 $0x0  }
0x3: {  	s13 =	simm.s32 $0x18780;
	[smem:$0x7FF] =	sst s3  }
0x4: {  	s14 =	simm.s32 $0x18800;
	_ =	strace $0x80000047;
	[dreg:$0x5] =	wrdreg s13  }
0x5: {  	s15 =	simm.s32 $0x18880;
	[dreg:$0x6] =	wrdreg s14  }
0x6: {  	s16 =	simm.s32 $0x1A380;
	[dreg:$0x7] =	wrdreg s15  }
0x7: {  	s17 =	simm.s32 $0x1A400;
	[dreg:$0x8] =	wrdreg s16  }
0x8: {  	s18 =	simm.s32 $0x1A480;
	[dreg:$0x9] =	wrdreg s17  }
0x9: {  	s19 =	simm.s32 $0x18900;
	[dreg:$0xa] =	wrdreg s18  }
0xa: {  	s20 =	simm.s32 $0x18980;
	[dreg:$0xb] =	wrdreg s19  }
0xb: {  	s21 =	simm.s32 $0x18A00;
	[dreg:$0xc] =	wrdreg s20  }
0xc: {  	s22 =	simm.s32 $0x18A80;
	[dreg:$0xd] =	wrdreg s21  }
0xd: {  	s23 =	simm.s32 $0x1A500;
	[dreg:$0xe] =	wrdreg s22  }
0xe: {  	s24 =	simm.s32 $0x1A580;
	[dreg:$0xf] =	wrdreg s23  }
0xf: {  	s25 =	simm.s32 $0x1A600;
	[dreg:$0x10] =	wrdreg s24  }
0x10: {  	s26 =	simm.s32 $0x1A680;
	[dreg:$0x11] =	wrdreg s25  }
0x11: {  	s6 =	simm.s32 $0x18B80;
	[dreg:$0x12] =	wrdreg s26  }
0x12: {  	s7 =	simm.s32 $0x18C00;
	[dreg:$0x14] =	wrdreg s6  }
0x13: {  	s9 =	simm.s32 $0x18C80;
	[dreg:$0x15] =	wrdreg s7  }
0x14: {  	s10 =	simm.s32 $0x1A700;
	[dreg:$0x16] =	wrdreg s9  }
0x15: {  	s11 =	simm.s32 $0x1A780;
	[dreg:$0x17] =	wrdreg s10  }
0x16: {  	s12 =	simm.s32 $0x1A800;
	[dreg:$0x18] =	wrdreg s11  }
0x17: {  	[dreg:$0x19] =	wrdreg s12;
	s13 =	simm.s32 $0x1A880  }
0x18: {  	s14 =	simm.s32 $0x18D00;
	[dreg:$0x1a] =	wrdreg s13  }
0x19: {  	s15 =	simm.s32 $0x18D80;
	[dreg:$0x1b] =	wrdreg s14  }
0x1a: {  	s16 =	simm.s32 $0x18E00;
	[dreg:$0x1c] =	wrdreg s15  }
0x1b: {  	s17 =	simm.s32 $0x18E80;
	[dreg:$0x1d] =	wrdreg s16  }
0x1c: {  	s18 =	simm.s32 $0x1A900;
	[dreg:$0x1e] =	wrdreg s17  }
0x1d: {  	s19 =	simm.s32 $0x1A980;
	[dreg:$0x1f] =	wrdreg s18  }
0x1e: {  	s20 =	simm.s32 $0x1AA00;
	[smem:$0x7A5] =	sst s19  }
0x1f: {  	s21 =	simm.s32 $0x1AA80;
	[smem:$0x7A6] =	sst s20  }
0x20: {  	s22 =	simm.s32 $0x18F00;
	[smem:$0x7A7] =	sst s21  }
0x21: {  	s23 =	simm.s32 $0x18F80;
	[smem:$0x7A8] =	sst s22  }
0x22: {  	s24 =	simm.s32 $0x19000;
	[smem:$0x7A9] =	sst s23  }
0x23: {  	s25 =	simm.s32 $0x19080;
	[smem:$0x7AA] =	sst s24  }
0x24: {  	s26 =	simm.s32 $0x1AB00;
	[smem:$0x7AB] =	sst s25  }
0x25: {  	s6 =	simm.s32 $0x1AC00;
	[smem:$0x7AC] =	sst s26  }
0x26: {  	s7 =	simm.s32 $0x1AC80;
	[smem:$0x7AE] =	sst s6  }
0x27: {  	s9 =	simm.s32 $0x19100;
	[smem:$0x7AF] =	sst s7  }
0x28: {  	s10 =	simm.s32 $0x19180;
	[smem:$0x7B0] =	sst s9  }
0x29: {  	s11 =	simm.s32 $0x19200;
	[smem:$0x7B1] =	sst s10  }
0x2a: {  	s12 =	simm.s32 $0x19280;
	[smem:$0x7B2] =	sst s11  }
0x2b: {  	[smem:$0x7B3] =	sst s12;
	s13 =	simm.s32 $0x1AD00  }
0x2c: {  	s14 =	simm.s32 $0x1AD80;
	[smem:$0x7B4] =	sst s13  }
0x2d: {  	s15 =	simm.s32 $0x1AE00;
	[smem:$0x7B5] =	sst s14  }
0x2e: {  	s16 =	simm.s32 $0x1AE80;
	[smem:$0x7B6] =	sst s15  }
0x2f: {  	s17 =	simm.s32 $0x19300;
	[smem:$0x7B7] =	sst s16  }
0x30: {  	s18 =	simm.s32 $0x19380;
	[smem:$0x7B8] =	sst s17  }
0x31: {  	s19 =	simm.s32 $0x19400;
	[smem:$0x7B9] =	sst s18  }
0x32: {  	s20 =	simm.s32 $0x19480;
	[smem:$0x7BA] =	sst s19  }
0x33: {  	s21 =	simm.s32 $0x1AF00;
	[smem:$0x7BB] =	sst s20  }
0x34: {  	s22 =	simm.s32 $0x1AF80;
	[smem:$0x7BC] =	sst s21  }
0x35: {  	s23 =	simm.s32 $0x1B000;
	[smem:$0x7BD] =	sst s22  }
0x36: {  	s24 =	simm.s32 $0x1B080;
	[smem:$0x7BE] =	sst s23  }
0x37: {  	s25 =	simm.s32 $0x19500;
	[smem:$0x7BF] =	sst s24  }
0x38: {  	s26 =	simm.s32 $0x19580;
	[smem:$0x7C0] =	sst s25  }
0x39: {  	s6 =	simm.s32 $0x19680;
	[smem:$0x7C1] =	sst s26  }
0x3a: {  	s7 =	simm.s32 $0x1B100;
	[smem:$0x7C3] =	sst s6  }
0x3b: {  	s9 =	simm.s32 $0x1B180;
	[smem:$0x7C4] =	sst s7  }
0x3c: {  	s10 =	simm.s32 $0x1B200;
	[smem:$0x7C5] =	sst s9  }
0x3d: {  	s11 =	simm.s32 $0x1B280;
	[smem:$0x7C6] =	sst s10  }
0x3e: {  	s12 =	simm.s32 $0x19700;
	[smem:$0x7C7] =	sst s11  }
0x3f: {  	[smem:$0x7C8] =	sst s12;
	s13 =	simm.s32 $0x19780  }
0x40: {  	s14 =	simm.s32 $0x19800;
	[smem:$0x7C9] =	sst s13  }
0x41: {  	s15 =	simm.s32 $0x19880;
	[smem:$0x7CA] =	sst s14  }
0x42: {  	s16 =	simm.s32 $0x1B300;
	[smem:$0x7CB] =	sst s15  }
0x43: {  	s17 =	simm.s32 $0x1B380;
	[smem:$0x7CC] =	sst s16  }
0x44: {  	s18 =	simm.s32 $0x1B400;
	[smem:$0x7CD] =	sst s17  }
0x45: {  	s20 =	simm.s32 $0x1B480;
	[smem:$0x7CE] =	sst s18  }
0x46: {  	s7 =	simm.s32 $0x19900;
	[smem:$0x7CF] =	sst s20  }
0x47: {  	s21 =	simm.s32 $0x19980;
	[smem:$0x7D0] =	sst s7  }
0x48: {  	s22 =	simm.s32 $0x19A00;
	[smem:$0x7D1] =	sst s21  }
0x49: {  	s23 =	simm.s32 $0x19A80;
	[smem:$0x7D2] =	sst s22  }
0x4a: {  	s24 =	simm.s32 $0x1B500;
	[smem:$0x7D3] =	sst s23  }
0x4b: {  	s25 =	simm.s32 $0x1B580;
	[smem:$0x7D4] =	sst s24  }
0x4c: {  	s9 =	simm.s32 $0x1B600;
	[smem:$0x7D5] =	sst s25  }
0x4d: {  	s10 =	simm.s32 $0x1B680;
	[smem:$0x7D6] =	sst s9  }
0x4e: {  	s11 =	simm.s32 $0x19B00;
	[smem:$0x7D7] =	sst s10  }
0x4f: {  	[smem:$0x7D8] =	sst s11;
	s13 =	simm.s32 $0x19B80  }
0x50: {  	s14 =	simm.s32 $0x19C00;
	[smem:$0x7D9] =	sst s13  }
0x51: {  	s16 =	simm.s32 $0x19C80;
	[smem:$0x7DB] =	sst s14  }
0x52: {  	s0 =	srdreg.scid;
	s17 =	simm.s32 $0x1B700;
	[smem:$0x7DD] =	sst s16  }
0x53: {  	s8 =	stileid.u32;
	s18 =	simm.s32 $0x1B780;
	[smem:$0x7DE] =	sst s17  }
0x54: {  	s0 =	sand.u32 $0x1, s0;
	s21 =	simm.s32 $0x1B880;
	[smem:$0x7E0] =	sst s18  }
0x55: {  	s4 =	smul.u32 $0x18800, s0;
	s23 =	simm.s32 $0x19D00;
	[smem:$0x7E4] =	sst s21  }
0x56: {  	s5 =	smul.u32 $0x1880, s8;
	s25 =	simm.s32 $0x19D80;
	[smem:$0x7E6] =	sst s23  }
0x57: {  	s4 =	sadd.s32 s4, s1;
	s9 =	simm.s32 $0x19E80;
	[smem:$0x7E8] =	sst s25  }
0x58: {  	s4 =	sadd.s32 s5, s4;
	s11 =	simm.s32 $0x1B900;
	[smem:$0x7EC] =	sst s9  }
0x59: {  	s5 =	sadd.s32 $0x3C00, s4;
	[smem:$0x7EE] =	sst s11  }
0x5a: {  	s4 =	sadd.s32 $0x1EC200, s4;
	[dreg:$0x3] =	wrdreg s5  }
0x5b: {  	s19 =	smul.u32 $0x187000, s0;
	s13 =	simm.s32 $0x1B980;
	[dreg:$0x4] =	wrdreg s4  }
0x5c: {  	s6 =	smul.u32 $0x18700, s8;
	s17 =	simm.s32 $0x1BA80;
	[smem:$0x7F0] =	sst s13  }
0x5d: {  	s0 =	ssub.s32 $0x2, s0;
	s21 =	simm.s32 $0x19F80;
	[smem:$0x7F4] =	sst s17  }
0x5e: {  	s8 =	smul.u32 $0x61C00, s8;
	s23 =	simm.s32 $0x1A080;
	[smem:$0x7F8] =	sst s21  }
0x5f: {  	s26 =	sshrl.u32 s0, $0x1;
	s25 =	simm.s32 $0x1BB80;
	[smem:$0x7FA] =	sst s23  }
0x60: {  	s0 =	ssub.s32 s0, s26;
	s5 =	simm.s32 $0x18B00;
	[smem:$0x7FC] =	sst s25  }
0x61: {  	s12 =	sshrl.u32 s8, $0x2;
	s0 =	smax.u32 s0, $0x1;
	[dreg:$0x13] =	wrdreg s5  }
0x62: {  	s28 =	simm.s32 $0x1C700;
	s7 =	sadd.s32 s12, s2;
	[smem:$0x7DF] =	sst s0  }
0x63: {  	s29 =	simm.s32 $0x1CF00;
	s5 =	simm.s32 $0x1AB80;
	[smem:$0x7F5] =	sst s7  }
0x64: {  	s30 =	simm.s32 $0x1D700;
	s15 =	sadd.s32 $0x18000, s7;
	[smem:$0x7AD] =	sst s5  }
0x65: {  	s31 =	simm.s32 $0x2;
	s20 =	sadd.s32 $0x2000, s7;
	[smem:$0x7DA] =	sst s15  }
0x66: {  	s9 =	simm.s32 $0x4;
	s22 =	sadd.s32 $0x4000, s7;
	[smem:$0x7E1] =	sst s20  }
0x67: {  	s11 =	simm.s32 $0x1A100;
	s24 =	sadd.s32 $0x6000, s7;
	[smem:$0x7E3] =	sst s22  }
0x68: {  	s4 =	sadd.s32 $0x65800, s1;
	s26 =	sadd.s32 $0x8000, s7;
	[smem:$0x7E5] =	sst s24  }
0x69: {  	s23 =	simm.s32 $0x1A300;
	s8 =	sadd.s32 $0xA000, s7;
	[smem:$0x7E7] =	sst s26  }
0x6a: {  	s21 =	simm.s32 $0x1BC00;
	s10 =	sadd.s32 $0xC000, s7;
	[smem:$0x7E9] =	sst s8  }
0x6b: {  	s13 =	simm.s32 $0x1A200;
	s12 =	sadd.s32 $0xE000, s7;
	[smem:$0x7EB] =	sst s10  }
0x6c: {  	s17 =	simm.s32 $0x1BE00;
	s14 =	sadd.s32 $0x10000, s7;
	[smem:$0x7ED] =	sst s12  }
0x6d: {  	s16 =	sadd.s32 $0x12000, s7;
	s18 =	sadd.s32 $0x14000, s7;
	[smem:$0x7EF] =	sst s14  }
0x6e: {  	s0 =	simm.s32 $0x1E700;
	s5 =	simm.s32 $0x19600;
	[smem:$0x7F1] =	sst s16  }
0x6f: {  	s15 =	simm.s32 $0x1BA00;
	[smem:$0x7F3] =	sst s18;
	s20 =	sadd.s32 $0x16000, s7  }
0x70: {  	s22 =	simm.s32 $0x1A000;
	s24 =	simm.s32 $0x1BB00;
	s7 =	simm.s32 $0x1F700  }
0x71: {  	s8 =	simm.s32 $0x3;
	s10 =	simm.s32 $0x1BC80;
	[smem:$0x7C2] =	sst s5  }
0x72: {  	s12 =	simm.s32 $0x1A180;
	s14 =	simm.s32 $0x1A280;
	[smem:$0x7F2] =	sst s15  }
0x73: {  	s16 =	simm.s32 $0x1BD80;
	s18 =	simm.s32 $0x1BE80;
	[smem:$0x7F6] =	sst s20  }
0x74: {  	s5 =	sadd.s32 s6, s19;
	s19 =	simm.s32 $0x1B800;
	[smem:$0x7F9] =	sst s22  }
0x75: {  	s20 =	simm.s32 $0x1BF00;
	s22 =	simm.s32 $0x18700;
	[smem:$0x7FB] =	sst s24  }
0x76: {  	s24 =	simm.s32 $0x1;
	s15 =	simm.s32 $0x1BD00;
	s5 =	sshrl.u32 s5, $0x3  }
0x77: {  	[smem:$0x7E2] =	sst s19;
	s19 =	simm.s32 $0x19F00;
	s1 =	sadd.s32 s5, s1  }
0x78: {  	s5 =	sadd.s32 s6, s2;
	s6 =	simm.s32 $0x19E00;
	[smem:$0x7F7] =	sst s19  }
0x79: {  	s19 =	simm.s32 $0x0;
	s1 =	sadd.s32 $0x21D200, s1;
	[smem:$0x7EA] =	sst s6  }
0x7a: {  	s26 =	sshrl.u32 s5, $0x3;
	s6 =	simm.s32 $0x1EF00;
	[smem:$0x7DC] =	sst s1  }
0x7b: {  	v0 =	vimm.f32 $0.0e+00;
	[smem:$0x7FD] =	sst s26;
	s26 =	simm.s32 $0x80;
	s1 =	simm.s32 $0x1DF00  }
.LBB2_1:
0x7c: {  	[smem:$0x7A4] =	sst s19;
	s5 =	simm.s32 $0x40;
	s19 =	simm.s32 $0x0  }
.LBB2_2:
0x7d: {  	p0 =	sne.s32 s5, $0x7FC0;
	[tilespmem:s19+$0x1BF00] =	vst v0;
	s19 =	smov.u32 s5;
	s5 =	sadd.s32 $0x40, s5  }
.Ltmp0:
0x7e: {  	(pc) =	sbr.rel @p0 .LBB2_2-.Ltmp0, $2  }
0x7f: {  	_ =	sdelay $0x2  }
0x80: {  	s19 =	sshra.s32 s19, $0x2  }
0x81: {  	s5 =	sld [smem:$0x7F5];
	_ =	sdelay $0x1  }
0x82: {  	[tilespmem:s19+$0x1BF00] =	vst v0  }
0x83: {  	[spmem:s5] =	stream.linear.scatter [tilespmem:s20], [sflag:$0x4], $0x2000, $0x38;
	[tilespmem:$0x1FF00] =	vst v63  }
0x84: {  	_ =	swait.ge [sflag:s9], $0x2000  }
0x85: {  	s19 =	sld [smem:$0x7E1]  }
0x86: {  	[sflag:s9] =	ssyncset.done $0x0  }
0x87: {  	[sflag:s9] =	ssyncadd.s32 $0xFFFFE000  }
0x88: {  	[spmem:s19] =	stream.linear.scatter [tilespmem:s20], [sflag:$0x4], $0x2000, $0x38;
	[tilespmem:$0x1FF00] =	vst v63  }
0x89: {  	_ =	swait.ge [sflag:s9], $0x2000  }
0x8a: {  	s25 =	sld [smem:$0x7E3]  }
0x8b: {  	[sflag:s9] =	ssyncset.done $0x0  }
0x8c: {  	[sflag:s9] =	ssyncadd.s32 $0xFFFFE000  }
0x8d: {  	[spmem:s25] =	stream.linear.scatter [tilespmem:s20], [sflag:$0x4], $0x2000, $0x38;
	[tilespmem:$0x1FF00] =	vst v63  }
0x8e: {  	_ =	swait.ge [sflag:s9], $0x2000  }
0x8f: {  	s19 =	sld [smem:$0x7E5]  }
0x90: {  	[sflag:s9] =	ssyncset.done $0x0  }
0x91: {  	[sflag:s9] =	ssyncadd.s32 $0xFFFFE000  }
0x92: {  	[spmem:s19] =	stream.linear.scatter [tilespmem:s20], [sflag:$0x4], $0x2000, $0x38;
	[tilespmem:$0x1FF00] =	vst v63  }
0x93: {  	_ =	swait.ge [sflag:s9], $0x2000  }
0x94: {  	s25 =	sld [smem:$0x7E7]  }
0x95: {  	[sflag:s9] =	ssyncset.done $0x0  }
0x96: {  	[sflag:s9] =	ssyncadd.s32 $0xFFFFE000  }
0x97: {  	[spmem:s25] =	stream.linear.scatter [tilespmem:s20], [sflag:$0x4], $0x2000, $0x38;
	[tilespmem:$0x1FF00] =	vst v63  }
0x98: {  	_ =	swait.ge [sflag:s9], $0x2000  }
0x99: {  	s19 =	sld [smem:$0x7E9]  }
0x9a: {  	[sflag:s9] =	ssyncset.done $0x0  }
0x9b: {  	[sflag:s9] =	ssyncadd.s32 $0xFFFFE000  }
0x9c: {  	[spmem:s19] =	stream.linear.scatter [tilespmem:s20], [sflag:$0x4], $0x2000, $0x38;
	[tilespmem:$0x1FF00] =	vst v63  }
0x9d: {  	_ =	swait.ge [sflag:s9], $0x2000  }
0x9e: {  	s25 =	sld [smem:$0x7EB]  }
0x9f: {  	[sflag:s9] =	ssyncset.done $0x0  }
0xa0: {  	[sflag:s9] =	ssyncadd.s32 $0xFFFFE000  }
0xa1: {  	[spmem:s25] =	stream.linear.scatter [tilespmem:s20], [sflag:$0x4], $0x2000, $0x38;
	[tilespmem:$0x1FF00] =	vst v63  }
0xa2: {  	_ =	swait.ge [sflag:s9], $0x2000  }
0xa3: {  	s19 =	sld [smem:$0x7ED]  }
0xa4: {  	[sflag:s9] =	ssyncset.done $0x0  }
0xa5: {  	[sflag:s9] =	ssyncadd.s32 $0xFFFFE000  }
0xa6: {  	[spmem:s19] =	stream.linear.scatter [tilespmem:s20], [sflag:$0x4], $0x2000, $0x38;
	[tilespmem:$0x1FF00] =	vst v63  }
0xa7: {  	_ =	swait.ge [sflag:s9], $0x2000  }
0xa8: {  	s25 =	sld [smem:$0x7EF]  }
0xa9: {  	[sflag:s9] =	ssyncset.done $0x0  }
0xaa: {  	[sflag:s9] =	ssyncadd.s32 $0xFFFFE000  }
0xab: {  	[spmem:s25] =	stream.linear.scatter [tilespmem:s20], [sflag:$0x4], $0x2000, $0x38;
	[tilespmem:$0x1FF00] =	vst v63  }
0xac: {  	_ =	swait.ge [sflag:s9], $0x2000  }
0xad: {  	s19 =	sld [smem:$0x7F1]  }
0xae: {  	[sflag:s9] =	ssyncset.done $0x0  }
0xaf: {  	[sflag:s9] =	ssyncadd.s32 $0xFFFFE000  }
0xb0: {  	[spmem:s19] =	stream.linear.scatter [tilespmem:s20], [sflag:$0x4], $0x2000, $0x38;
	[tilespmem:$0x1FF00] =	vst v63  }
0xb1: {  	_ =	swait.ge [sflag:s9], $0x2000  }
0xb2: {  	s25 =	sld [smem:$0x7F3]  }
0xb3: {  	[sflag:s9] =	ssyncset.done $0x0  }
0xb4: {  	[sflag:s9] =	ssyncadd.s32 $0xFFFFE000  }
0xb5: {  	[spmem:s25] =	stream.linear.scatter [tilespmem:s20], [sflag:$0x4], $0x2000, $0x38;
	[tilespmem:$0x1FF00] =	vst v63  }
0xb6: {  	_ =	swait.ge [sflag:s9], $0x2000  }
0xb7: {  	s19 =	sld [smem:$0x7F6]  }
0xb8: {  	[sflag:s9] =	ssyncset.done $0x0  }
0xb9: {  	[sflag:s9] =	ssyncadd.s32 $0xFFFFE000  }
0xba: {  	[spmem:s19] =	stream.linear.scatter [tilespmem:s20], [sflag:$0x4], $0x2000, $0x38;
	[tilespmem:$0x1FF00] =	vst v63  }
0xbb: {  	_ =	swait.ge [sflag:s9], $0x2000  }
0xbc: {  	s25 =	sld [smem:$0x7DA]  }
0xbd: {  	[sflag:s9] =	ssyncset.done $0x0  }
0xbe: {  	[sflag:s9] =	ssyncadd.s32 $0xFFFFE000  }
0xbf: {  	[spmem:s25] =	stream.linear.scatter [tilespmem:s20], [sflag:$0x4], $0x700, $0x38;
	[tilespmem:$0x1FF00] =	vst v63  }
0xc0: {  	_ =	swait.ge [sflag:s9], $0x700  }
0xc1: {  	[sflag:s9] =	ssyncset.done $0x0  }
0xc2: {  	[sflag:s9] =	ssyncadd.s32 $0xFFFFF900  }
0xc3: {  	[bflag:$0x0] =	sbarrier.arrive $0xFFFF  }
0xc4: {  	s19 =	rddreg [dreg:$0x4]  }
0xc5: {  	s25 =	rddreg [dreg:$0x3];
	s5 =	sadd.s32 $0x0, s19  }
0xc6: {  	[tilespmem:s22], [sflag:$0x1] =	stream.linear.gather [hbm4b:s5+s3], $0x1C00, $0x38;
	[tilespmem:$0x1FF00] =	vst v63  }
0xc7: {  	s9 =	sadd.s32 $0x0, s25  }
0xc8: {  	[tilespmem:s23], [sflag:$0x1] =	stream.linear.gather [hbm4b:s9+s3], $0x1C00, $0x38;
	[tilespmem:$0x1FF00] =	vst v63  }
0xc9: {  	_ =	swait.ge [sflag:s24], $0x1C00  }
0xca: {  	[sflag:s24] =	ssyncset.done $0x0  }
0xcb: {  	[sflag:s24] =	ssyncadd.s32 $0xFFFFE400  }
0xcc: {  	_ =	swait.ge [sflag:s24], $0x1C00  }
0xcd: {  	[sflag:s24] =	ssyncset.done $0x0  }
0xce: {  	[sflag:s24] =	ssyncadd.s32 $0xFFFFE400  }
0xcf: {  	[tilespmem:s20], [sflag:$0x2] =	stream.indirect.gather [hbm4b:s4+s26], $0x10, s22, s26, $0xb8;
	[tilespmem:$0x1FF00] =	vst v63  }
0xd0: {  	s19 =	rddreg [dreg:$0x5]  }
0xd1: {  	[tilespmem:s28], [sflag:$0x2] =	stream.indirect.gather [hbm4b:s4+s26], $0x10, s19, s26, $0xb8;
	[tilespmem:$0x1FF00] =	vst v63  }
0xd2: {  	s25 =	rddreg [dreg:$0x6]  }
0xd3: {  	[tilespmem:s29], [sflag:$0x2] =	stream.indirect.gather [hbm4b:s4+s26], $0x10, s25, s26, $0xb8;
	[tilespmem:$0x1FF00] =	vst v63  }
0xd4: {  	s9 =	rddreg [dreg:$0x7]  }
0xd5: {  	[tilespmem:s30], [sflag:$0x2] =	stream.indirect.gather [hbm4b:s4+s26], $0x10, s9, s26, $0xb8;
	[tilespmem:$0x1FF00] =	vst v63  }
0xd6: {  	_ =	swait.ge [sflag:s31], $0x2000  }
0xd7: {  	[sflag:s31] =	ssyncset.done $0x0  }
0xd8: {  	[sflag:s31] =	ssyncadd.s32 $0xFFFFE000  }
0xd9: {  	[spmem:s2] =	stream.indirect.scatter.add.f32 [tilespmem:s20], [sflag:$0x3], $0x10, s23, s26, $0xb8;
	[tilespmem:$0x1FF00] =	vst v63  }
0xda: {  	s19 =	rddreg [dreg:$0x8]  }
0xdb: {  	[spmem:s2] =	stream.indirect.scatter.add.f32 [tilespmem:s28], [sflag:$0x3], $0x10, s19, s26, $0xb8;
	[tilespmem:$0x1FF00] =	vst v63  }
0xdc: {  	s25 =	rddreg [dreg:$0x9]  }
0xdd: {  	[spmem:s2] =	stream.indirect.scatter.add.f32 [tilespmem:s29], [sflag:$0x3], $0x10, s25, s26, $0xb8;
	[tilespmem:$0x1FF00] =	vst v63  }
0xde: {  	s9 =	rddreg [dreg:$0xa]  }
0xdf: {  	[spmem:s2] =	stream.indirect.scatter.add.f32 [tilespmem:s30], [sflag:$0x3], $0x10, s9, s26, $0xb8;
	[tilespmem:$0x1FF00] =	vst v63  }
0xe0: {  	s25 =	rddreg [dreg:$0xb]  }
0xe1: {  	[tilespmem:s1], [sflag:$0x2] =	stream.indirect.gather [hbm4b:s4+s26], $0x10, s25, s26, $0xb8;
	[tilespmem:$0x1FF00] =	vst v63  }
0xe2: {  	s9 =	rddreg [dreg:$0xc]  }
0xe3: {  	[tilespmem:s0], [sflag:$0x2] =	stream.indirect.gather [hbm4b:s4+s26], $0x10, s9, s26, $0xb8;
	[tilespmem:$0x1FF00] =	vst v63  }
0xe4: {  	s25 =	rddreg [dreg:$0xd]  }
0xe5: {  	[tilespmem:s6], [sflag:$0x2] =	stream.indirect.gather [hbm4b:s4+s26], $0x10, s25, s26, $0xb8;
	[tilespmem:$0x1FF00] =	vst v63  }
0xe6: {  	s9 =	rddreg [dreg:$0xe]  }
0xe7: {  	[tilespmem:s7], [sflag:$0x2] =	stream.indirect.gather [hbm4b:s4+s26], $0x10, s9, s26, $0xb8;
	[tilespmem:$0x1FF00] =	vst v63  }
0xe8: {  	_ =	swait.ge [sflag:s31], $0x2000  }
0xe9: {  	[sflag:s31] =	ssyncset.done $0x0  }
0xea: {  	s25 =	rddreg [dreg:$0xf];
	[sflag:s31] =	ssyncadd.s32 $0xFFFFE000  }
0xeb: {  	[spmem:s2] =	stream.indirect.scatter.add.f32 [tilespmem:s1], [sflag:$0x3], $0x10, s25, s26, $0xb8;
	[tilespmem:$0x1FF00] =	vst v63  }
0xec: {  	s9 =	rddreg [dreg:$0x10]  }
0xed: {  	[spmem:s2] =	stream.indirect.scatter.add.f32 [tilespmem:s0], [sflag:$0x3], $0x10, s9, s26, $0xb8;
	[tilespmem:$0x1FF00] =	vst v63  }
0xee: {  	s25 =	rddreg [dreg:$0x11]  }
0xef: {  	[spmem:s2] =	stream.indirect.scatter.add.f32 [tilespmem:s6], [sflag:$0x3], $0x10, s25, s26, $0xb8;
	[tilespmem:$0x1FF00] =	vst v63  }
0xf0: {  	s9 =	rddreg [dreg:$0x12]  }
0xf1: {  	[spmem:s2] =	stream.indirect.scatter.add.f32 [tilespmem:s7], [sflag:$0x3], $0x10, s9, s26, $0xb8;
	[tilespmem:$0x1FF00] =	vst v63  }
0xf2: {  	_ =	swait.ge [sflag:s8], $0x2000  }
0xf3: {  	[sflag:s8] =	ssyncset.done $0x0  }
0xf4: {  	s25 =	rddreg [dreg:$0x13];
	[sflag:s8] =	ssyncadd.s32 $0xFFFFE000  }
0xf5: {  	[tilespmem:s20], [sflag:$0x2] =	stream.indirect.gather [hbm4b:s4+s26], $0x10, s25, s26, $0xb8;
	[tilespmem:$0x1FF00] =	vst v63  }
0xf6: {  	s9 =	rddreg [dreg:$0x14]  }
0xf7: {  	[tilespmem:s28], [sflag:$0x2] =	stream.indirect.gather [hbm4b:s4+s26], $0x10, s9, s26, $0xb8;
	[tilespmem:$0x1FF00] =	vst v63  }
0xf8: {  	s25 =	rddreg [dreg:$0x15]  }
0xf9: {  	[tilespmem:s29], [sflag:$0x2] =	stream.indirect.gather [hbm4b:s4+s26], $0x10, s25, s26, $0xb8;
	[tilespmem:$0x1FF00] =	vst v63  }
0xfa: {  	s9 =	rddreg [dreg:$0x16]  }
0xfb: {  	[tilespmem:s30], [sflag:$0x2] =	stream.indirect.gather [hbm4b:s4+s26], $0x10, s9, s26, $0xb8;
	[tilespmem:$0x1FF00] =	vst v63  }
0xfc: {  	_ =	swait.ge [sflag:s31], $0x2000  }
0xfd: {  	[sflag:s31] =	ssyncset.done $0x0  }
0xfe: {  	s25 =	rddreg [dreg:$0x17];
	[sflag:s31] =	ssyncadd.s32 $0xFFFFE000  }
0xff: {  	[spmem:s2] =	stream.indirect.scatter.add.f32 [tilespmem:s20], [sflag:$0x3], $0x10, s25, s26, $0xb8;
	[tilespmem:$0x1FF00] =	vst v63  }
0x100: {  	s9 =	rddreg [dreg:$0x18]  }
0x101: {  	[spmem:s2] =	stream.indirect.scatter.add.f32 [tilespmem:s28], [sflag:$0x3], $0x10, s9, s26, $0xb8;
	[tilespmem:$0x1FF00] =	vst v63  }
0x102: {  	s25 =	rddreg [dreg:$0x19]  }
0x103: {  	[spmem:s2] =	stream.indirect.scatter.add.f32 [tilespmem:s29], [sflag:$0x3], $0x10, s25, s26, $0xb8;
	[tilespmem:$0x1FF00] =	vst v63  }
0x104: {  	s9 =	rddreg [dreg:$0x1a]  }
0x105: {  	[spmem:s2] =	stream.indirect.scatter.add.f32 [tilespmem:s30], [sflag:$0x3], $0x10, s9, s26, $0xb8;
	[tilespmem:$0x1FF00] =	vst v63  }
0x106: {  	_ =	swait.ge [sflag:s8], $0x2000  }
0x107: {  	[sflag:s8] =	ssyncset.done $0x0  }
0x108: {  	s25 =	rddreg [dreg:$0x1b];
	[sflag:s8] =	ssyncadd.s32 $0xFFFFE000  }
0x109: {  	[tilespmem:s1], [sflag:$0x2] =	stream.indirect.gather [hbm4b:s4+s26], $0x10, s25, s26, $0xb8;
	[tilespmem:$0x1FF00] =	vst v63  }
0x10a: {  	s9 =	rddreg [dreg:$0x1c]  }
0x10b: {  	[tilespmem:s0], [sflag:$0x2] =	stream.indirect.gather [hbm4b:s4+s26], $0x10, s9, s26, $0xb8;
	[tilespmem:$0x1FF00] =	vst v63  }
0x10c: {  	s25 =	rddreg [dreg:$0x1d]  }
0x10d: {  	[tilespmem:s6], [sflag:$0x2] =	stream.indirect.gather [hbm4b:s4+s26], $0x10, s25, s26, $0xb8;
	[tilespmem:$0x1FF00] =	vst v63  }
0x10e: {  	s9 =	rddreg [dreg:$0x1e]  }
0x10f: {  	[tilespmem:s7], [sflag:$0x2] =	stream.indirect.gather [hbm4b:s4+s26], $0x10, s9, s26, $0xb8;
	[tilespmem:$0x1FF00] =	vst v63  }
0x110: {  	_ =	swait.ge [sflag:s31], $0x2000  }
0x111: {  	s25 =	rddreg [dreg:$0x1f];
	[sflag:s31] =	ssyncset.done $0x0  }
0x112: {  	s9 =	sld [smem:$0x7A5];
	[sflag:s31] =	ssyncadd.s32 $0xFFFFE000  }
0x113: {  	[spmem:s2] =	stream.indirect.scatter.add.f32 [tilespmem:s1], [sflag:$0x3], $0x10, s25, s26, $0xb8;
	[tilespmem:$0x1FF00] =	vst v63  }
0x114: {  	s25 =	sld [smem:$0x7A6]  }
0x115: {  	[spmem:s2] =	stream.indirect.scatter.add.f32 [tilespmem:s0], [sflag:$0x3], $0x10, s9, s26, $0xb8;
	[tilespmem:$0x1FF00] =	vst v63  }
0x116: {  	s9 =	sld [smem:$0x7A7]  }
0x117: {  	[spmem:s2] =	stream.indirect.scatter.add.f32 [tilespmem:s6], [sflag:$0x3], $0x10, s25, s26, $0xb8;
	[tilespmem:$0x1FF00] =	vst v63  }
0x118: {  	_ = 	snop  }
0x119: {  	[spmem:s2] =	stream.indirect.scatter.add.f32 [tilespmem:s7], [sflag:$0x3], $0x10, s9, s26, $0xb8;
	[tilespmem:$0x1FF00] =	vst v63  }
0x11a: {  	_ =	swait.ge [sflag:s8], $0x2000  }
0x11b: {  	s25 =	sld [smem:$0x7A8]  }
0x11c: {  	[sflag:s8] =	ssyncset.done $0x0  }
0x11d: {  	s9 =	sld [smem:$0x7A9];
	[sflag:s8] =	ssyncadd.s32 $0xFFFFE000  }
0x11e: {  	[tilespmem:s20], [sflag:$0x2] =	stream.indirect.gather [hbm4b:s4+s26], $0x10, s25, s26, $0xb8;
	[tilespmem:$0x1FF00] =	vst v63  }
0x11f: {  	s25 =	sld [smem:$0x7AA]  }
0x120: {  	[tilespmem:s28], [sflag:$0x2] =	stream.indirect.gather [hbm4b:s4+s26], $0x10, s9, s26, $0xb8;
	[tilespmem:$0x1FF00] =	vst v63  }
0x121: {  	s9 =	sld [smem:$0x7AB]  }
0x122: {  	[tilespmem:s29], [sflag:$0x2] =	stream.indirect.gather [hbm4b:s4+s26], $0x10, s25, s26, $0xb8;
	[tilespmem:$0x1FF00] =	vst v63  }
0x123: {  	_ = 	snop  }
0x124: {  	[tilespmem:s30], [sflag:$0x2] =	stream.indirect.gather [hbm4b:s4+s26], $0x10, s9, s26, $0xb8;
	[tilespmem:$0x1FF00] =	vst v63  }
0x125: {  	_ =	swait.ge [sflag:s31], $0x2000  }
0x126: {  	s25 =	sld [smem:$0x7AC]  }
0x127: {  	[sflag:s31] =	ssyncset.done $0x0  }
0x128: {  	s9 =	sld [smem:$0x7AD];
	[sflag:s31] =	ssyncadd.s32 $0xFFFFE000  }
0x129: {  	[spmem:s2] =	stream.indirect.scatter.add.f32 [tilespmem:s20], [sflag:$0x3], $0x10, s25, s26, $0xb8;
	[tilespmem:$0x1FF00] =	vst v63  }
0x12a: {  	s25 =	sld [smem:$0x7AE]  }
0x12b: {  	[spmem:s2] =	stream.indirect.scatter.add.f32 [tilespmem:s28], [sflag:$0x3], $0x10, s9, s26, $0xb8;
	[tilespmem:$0x1FF00] =	vst v63  }
0x12c: {  	s9 =	sld [smem:$0x7AF]  }
0x12d: {  	[spmem:s2] =	stream.indirect.scatter.add.f32 [tilespmem:s29], [sflag:$0x3], $0x10, s25, s26, $0xb8;
	[tilespmem:$0x1FF00] =	vst v63  }
0x12e: {  	_ = 	snop  }
0x12f: {  	[spmem:s2] =	stream.indirect.scatter.add.f32 [tilespmem:s30], [sflag:$0x3], $0x10, s9, s26, $0xb8;
	[tilespmem:$0x1FF00] =	vst v63  }
0x130: {  	_ =	swait.ge [sflag:s8], $0x2000  }
0x131: {  	s25 =	sld [smem:$0x7B0]  }
0x132: {  	[sflag:s8] =	ssyncset.done $0x0  }
0x133: {  	s9 =	sld [smem:$0x7B1];
	[sflag:s8] =	ssyncadd.s32 $0xFFFFE000  }
0x134: {  	[tilespmem:s1], [sflag:$0x2] =	stream.indirect.gather [hbm4b:s4+s26], $0x10, s25, s26, $0xb8;
	[tilespmem:$0x1FF00] =	vst v63  }
0x135: {  	s25 =	sld [smem:$0x7B2]  }
0x136: {  	[tilespmem:s0], [sflag:$0x2] =	stream.indirect.gather [hbm4b:s4+s26], $0x10, s9, s26, $0xb8;
	[tilespmem:$0x1FF00] =	vst v63  }
0x137: {  	s9 =	sld [smem:$0x7B3]  }
0x138: {  	[tilespmem:s6], [sflag:$0x2] =	stream.indirect.gather [hbm4b:s4+s26], $0x10, s25, s26, $0xb8;
	[tilespmem:$0x1FF00] =	vst v63  }
0x139: {  	_ = 	snop  }
0x13a: {  	[tilespmem:s7], [sflag:$0x2] =	stream.indirect.gather [hbm4b:s4+s26], $0x10, s9, s26, $0xb8;
	[tilespmem:$0x1FF00] =	vst v63  }
0x13b: {  	_ =	swait.ge [sflag:s31], $0x2000  }
0x13c: {  	s25 =	sld [smem:$0x7B4]  }
0x13d: {  	[sflag:s31] =	ssyncset.done $0x0  }
0x13e: {  	s9 =	sld [smem:$0x7B5];
	[sflag:s31] =	ssyncadd.s32 $0xFFFFE000  }
0x13f: {  	[spmem:s2] =	stream.indirect.scatter.add.f32 [tilespmem:s1], [sflag:$0x3], $0x10, s25, s26, $0xb8;
	[tilespmem:$0x1FF00] =	vst v63  }
0x140: {  	s25 =	sld [smem:$0x7B6]  }
0x141: {  	[spmem:s2] =	stream.indirect.scatter.add.f32 [tilespmem:s0], [sflag:$0x3], $0x10, s9, s26, $0xb8;
	[tilespmem:$0x1FF00] =	vst v63  }
0x142: {  	s9 =	sld [smem:$0x7B7]  }
0x143: {  	[spmem:s2] =	stream.indirect.scatter.add.f32 [tilespmem:s6], [sflag:$0x3], $0x10, s25, s26, $0xb8;
	[tilespmem:$0x1FF00] =	vst v63  }
0x144: {  	_ = 	snop  }
0x145: {  	[spmem:s2] =	stream.indirect.scatter.add.f32 [tilespmem:s7], [sflag:$0x3], $0x10, s9, s26, $0xb8;
	[tilespmem:$0x1FF00] =	vst v63  }
0x146: {  	_ =	swait.ge [sflag:s8], $0x2000  }
0x147: {  	s25 =	sld [smem:$0x7B8]  }
0x148: {  	[sflag:s8] =	ssyncset.done $0x0  }
0x149: {  	s9 =	sld [smem:$0x7B9];
	[sflag:s8] =	ssyncadd.s32 $0xFFFFE000  }
0x14a: {  	[tilespmem:s20], [sflag:$0x2] =	stream.indirect.gather [hbm4b:s4+s26], $0x10, s25, s26, $0xb8;
	[tilespmem:$0x1FF00] =	vst v63  }
0x14b: {  	s25 =	sld [smem:$0x7BA]  }
0x14c: {  	[tilespmem:s28], [sflag:$0x2] =	stream.indirect.gather [hbm4b:s4+s26], $0x10, s9, s26, $0xb8;
	[tilespmem:$0x1FF00] =	vst v63  }
0x14d: {  	s9 =	sld [smem:$0x7BB]  }
0x14e: {  	[tilespmem:s29], [sflag:$0x2] =	stream.indirect.gather [hbm4b:s4+s26], $0x10, s25, s26, $0xb8;
	[tilespmem:$0x1FF00] =	vst v63  }
0x14f: {  	_ = 	snop  }
0x150: {  	[tilespmem:s30], [sflag:$0x2] =	stream.indirect.gather [hbm4b:s4+s26], $0x10, s9, s26, $0xb8;
	[tilespmem:$0x1FF00] =	vst v63  }
0x151: {  	_ =	swait.ge [sflag:s31], $0x2000  }
0x152: {  	s25 =	sld [smem:$0x7BC]  }
0x153: {  	[sflag:s31] =	ssyncset.done $0x0  }
0x154: {  	s9 =	sld [smem:$0x7BD];
	[sflag:s31] =	ssyncadd.s32 $0xFFFFE000  }
0x155: {  	[spmem:s2] =	stream.indirect.scatter.add.f32 [tilespmem:s20], [sflag:$0x3], $0x10, s25, s26, $0xb8;
	[tilespmem:$0x1FF00] =	vst v63  }
0x156: {  	s25 =	sld [smem:$0x7BE]  }
0x157: {  	[spmem:s2] =	stream.indirect.scatter.add.f32 [tilespmem:s28], [sflag:$0x3], $0x10, s9, s26, $0xb8;
	[tilespmem:$0x1FF00] =	vst v63  }
0x158: {  	s9 =	sld [smem:$0x7BF]  }
0x159: {  	[spmem:s2] =	stream.indirect.scatter.add.f32 [tilespmem:s29], [sflag:$0x3], $0x10, s25, s26, $0xb8;
	[tilespmem:$0x1FF00] =	vst v63  }
0x15a: {  	_ = 	snop  }
0x15b: {  	[spmem:s2] =	stream.indirect.scatter.add.f32 [tilespmem:s30], [sflag:$0x3], $0x10, s9, s26, $0xb8;
	[tilespmem:$0x1FF00] =	vst v63  }
0x15c: {  	_ =	swait.ge [sflag:s8], $0x2000  }
0x15d: {  	s25 =	sld [smem:$0x7C0]  }
0x15e: {  	[sflag:s8] =	ssyncset.done $0x0  }
0x15f: {  	s9 =	sld [smem:$0x7C1];
	[sflag:s8] =	ssyncadd.s32 $0xFFFFE000  }
0x160: {  	[tilespmem:s1], [sflag:$0x2] =	stream.indirect.gather [hbm4b:s4+s26], $0x10, s25, s26, $0xb8;
	[tilespmem:$0x1FF00] =	vst v63  }
0x161: {  	s25 =	sld [smem:$0x7C2]  }
0x162: {  	[tilespmem:s0], [sflag:$0x2] =	stream.indirect.gather [hbm4b:s4+s26], $0x10, s9, s26, $0xb8;
	[tilespmem:$0x1FF00] =	vst v63  }
0x163: {  	s9 =	sld [smem:$0x7C3]  }
0x164: {  	[tilespmem:s6], [sflag:$0x2] =	stream.indirect.gather [hbm4b:s4+s26], $0x10, s25, s26, $0xb8;
	[tilespmem:$0x1FF00] =	vst v63  }
0x165: {  	_ = 	snop  }
0x166: {  	[tilespmem:s7], [sflag:$0x2] =	stream.indirect.gather [hbm4b:s4+s26], $0x10, s9, s26, $0xb8;
	[tilespmem:$0x1FF00] =	vst v63  }
0x167: {  	_ =	swait.ge [sflag:s31], $0x2000  }
0x168: {  	s25 =	sld [smem:$0x7C4]  }
0x169: {  	[sflag:s31] =	ssyncset.done $0x0  }
0x16a: {  	s9 =	sld [smem:$0x7C5];
	[sflag:s31] =	ssyncadd.s32 $0xFFFFE000  }
0x16b: {  	[spmem:s2] =	stream.indirect.scatter.add.f32 [tilespmem:s1], [sflag:$0x3], $0x10, s25, s26, $0xb8;
	[tilespmem:$0x1FF00] =	vst v63  }
0x16c: {  	s25 =	sld [smem:$0x7C6]  }
0x16d: {  	[spmem:s2] =	stream.indirect.scatter.add.f32 [tilespmem:s0], [sflag:$0x3], $0x10, s9, s26, $0xb8;
	[tilespmem:$0x1FF00] =	vst v63  }
0x16e: {  	s9 =	sld [smem:$0x7C7]  }
0x16f: {  	[spmem:s2] =	stream.indirect.scatter.add.f32 [tilespmem:s6], [sflag:$0x3], $0x10, s25, s26, $0xb8;
	[tilespmem:$0x1FF00] =	vst v63  }
0x170: {  	_ = 	snop  }
0x171: {  	[spmem:s2] =	stream.indirect.scatter.add.f32 [tilespmem:s7], [sflag:$0x3], $0x10, s9, s26, $0xb8;
	[tilespmem:$0x1FF00] =	vst v63  }
0x172: {  	_ =	swait.ge [sflag:s8], $0x2000  }
0x173: {  	s25 =	sld [smem:$0x7C8]  }
0x174: {  	[sflag:s8] =	ssyncset.done $0x0  }
0x175: {  	s9 =	sld [smem:$0x7C9];
	[sflag:s8] =	ssyncadd.s32 $0xFFFFE000  }
0x176: {  	[tilespmem:s20], [sflag:$0x2] =	stream.indirect.gather [hbm4b:s4+s26], $0x10, s25, s26, $0xb8;
	[tilespmem:$0x1FF00] =	vst v63  }
0x177: {  	s25 =	sld [smem:$0x7CA]  }
0x178: {  	[tilespmem:s28], [sflag:$0x2] =	stream.indirect.gather [hbm4b:s4+s26], $0x10, s9, s26, $0xb8;
	[tilespmem:$0x1FF00] =	vst v63  }
0x179: {  	s9 =	sld [smem:$0x7CB]  }
0x17a: {  	[tilespmem:s29], [sflag:$0x2] =	stream.indirect.gather [hbm4b:s4+s26], $0x10, s25, s26, $0xb8;
	[tilespmem:$0x1FF00] =	vst v63  }
0x17b: {  	_ = 	snop  }
0x17c: {  	[tilespmem:s30], [sflag:$0x2] =	stream.indirect.gather [hbm4b:s4+s26], $0x10, s9, s26, $0xb8;
	[tilespmem:$0x1FF00] =	vst v63  }
0x17d: {  	_ =	swait.ge [sflag:s31], $0x2000  }
0x17e: {  	s25 =	sld [smem:$0x7CC]  }
0x17f: {  	[sflag:s31] =	ssyncset.done $0x0  }
0x180: {  	s9 =	sld [smem:$0x7CD];
	[sflag:s31] =	ssyncadd.s32 $0xFFFFE000  }
0x181: {  	[spmem:s2] =	stream.indirect.scatter.add.f32 [tilespmem:s20], [sflag:$0x3], $0x10, s25, s26, $0xb8;
	[tilespmem:$0x1FF00] =	vst v63  }
0x182: {  	s25 =	sld [smem:$0x7CE]  }
0x183: {  	[spmem:s2] =	stream.indirect.scatter.add.f32 [tilespmem:s28], [sflag:$0x3], $0x10, s9, s26, $0xb8;
	[tilespmem:$0x1FF00] =	vst v63  }
0x184: {  	s9 =	sld [smem:$0x7CF]  }
0x185: {  	[spmem:s2] =	stream.indirect.scatter.add.f32 [tilespmem:s29], [sflag:$0x3], $0x10, s25, s26, $0xb8;
	[tilespmem:$0x1FF00] =	vst v63  }
0x186: {  	_ = 	snop  }
0x187: {  	[spmem:s2] =	stream.indirect.scatter.add.f32 [tilespmem:s30], [sflag:$0x3], $0x10, s9, s26, $0xb8;
	[tilespmem:$0x1FF00] =	vst v63  }
0x188: {  	_ =	swait.ge [sflag:s8], $0x2000  }
0x189: {  	s25 =	sld [smem:$0x7D0]  }
0x18a: {  	[sflag:s8] =	ssyncset.done $0x0  }
0x18b: {  	s9 =	sld [smem:$0x7D1];
	[sflag:s8] =	ssyncadd.s32 $0xFFFFE000  }
0x18c: {  	[tilespmem:s1], [sflag:$0x2] =	stream.indirect.gather [hbm4b:s4+s26], $0x10, s25, s26, $0xb8;
	[tilespmem:$0x1FF00] =	vst v63  }
0x18d: {  	s25 =	sld [smem:$0x7D2]  }
0x18e: {  	[tilespmem:s0], [sflag:$0x2] =	stream.indirect.gather [hbm4b:s4+s26], $0x10, s9, s26, $0xb8;
	[tilespmem:$0x1FF00] =	vst v63  }
0x18f: {  	s9 =	sld [smem:$0x7D3]  }
0x190: {  	[tilespmem:s6], [sflag:$0x2] =	stream.indirect.gather [hbm4b:s4+s26], $0x10, s25, s26, $0xb8;
	[tilespmem:$0x1FF00] =	vst v63  }
0x191: {  	_ = 	snop  }
0x192: {  	[tilespmem:s7], [sflag:$0x2] =	stream.indirect.gather [hbm4b:s4+s26], $0x10, s9, s26, $0xb8;
	[tilespmem:$0x1FF00] =	vst v63  }
0x193: {  	_ =	swait.ge [sflag:s31], $0x2000  }
0x194: {  	s25 =	sld [smem:$0x7D4]  }
0x195: {  	[sflag:s31] =	ssyncset.done $0x0  }
0x196: {  	s9 =	sld [smem:$0x7D5];
	[sflag:s31] =	ssyncadd.s32 $0xFFFFE000  }
0x197: {  	[spmem:s2] =	stream.indirect.scatter.add.f32 [tilespmem:s1], [sflag:$0x3], $0x10, s25, s26, $0xb8;
	[tilespmem:$0x1FF00] =	vst v63  }
0x198: {  	s25 =	sld [smem:$0x7D6]  }
0x199: {  	[spmem:s2] =	stream.indirect.scatter.add.f32 [tilespmem:s0], [sflag:$0x3], $0x10, s9, s26, $0xb8;
	[tilespmem:$0x1FF00] =	vst v63  }
0x19a: {  	s9 =	sld [smem:$0x7D7]  }
0x19b: {  	[spmem:s2] =	stream.indirect.scatter.add.f32 [tilespmem:s6], [sflag:$0x3], $0x10, s25, s26, $0xb8;
	[tilespmem:$0x1FF00] =	vst v63  }
0x19c: {  	_ = 	snop  }
0x19d: {  	[spmem:s2] =	stream.indirect.scatter.add.f32 [tilespmem:s7], [sflag:$0x3], $0x10, s9, s26, $0xb8;
	[tilespmem:$0x1FF00] =	vst v63  }
0x19e: {  	_ =	swait.ge [sflag:s8], $0x2000  }
0x19f: {  	s25 =	sld [smem:$0x7D8]  }
0x1a0: {  	[sflag:s8] =	ssyncset.done $0x0  }
0x1a1: {  	s9 =	sld [smem:$0x7D9];
	[sflag:s8] =	ssyncadd.s32 $0xFFFFE000  }
0x1a2: {  	[tilespmem:s20], [sflag:$0x2] =	stream.indirect.gather [hbm4b:s4+s26], $0x10, s25, s26, $0xb8;
	[tilespmem:$0x1FF00] =	vst v63  }
0x1a3: {  	s25 =	sld [smem:$0x7DB]  }
0x1a4: {  	[tilespmem:s28], [sflag:$0x2] =	stream.indirect.gather [hbm4b:s4+s26], $0x10, s9, s26, $0xb8;
	[tilespmem:$0x1FF00] =	vst v63  }
0x1a5: {  	s9 =	sld [smem:$0x7DD]  }
0x1a6: {  	[tilespmem:s29], [sflag:$0x2] =	stream.indirect.gather [hbm4b:s4+s26], $0x10, s25, s26, $0xb8;
	[tilespmem:$0x1FF00] =	vst v63  }
0x1a7: {  	_ = 	snop  }
0x1a8: {  	[tilespmem:s30], [sflag:$0x2] =	stream.indirect.gather [hbm4b:s4+s26], $0x10, s9, s26, $0xb8;
	[tilespmem:$0x1FF00] =	vst v63  }
0x1a9: {  	_ =	swait.ge [sflag:s31], $0x2000  }
0x1aa: {  	s25 =	sld [smem:$0x7DE]  }
0x1ab: {  	[sflag:s31] =	ssyncset.done $0x0  }
0x1ac: {  	s9 =	sld [smem:$0x7E0];
	[sflag:s31] =	ssyncadd.s32 $0xFFFFE000  }
0x1ad: {  	[spmem:s2] =	stream.indirect.scatter.add.f32 [tilespmem:s20], [sflag:$0x3], $0x10, s25, s26, $0xb8;
	[tilespmem:$0x1FF00] =	vst v63  }
0x1ae: {  	s25 =	sld [smem:$0x7E2]  }
0x1af: {  	[spmem:s2] =	stream.indirect.scatter.add.f32 [tilespmem:s28], [sflag:$0x3], $0x10, s9, s26, $0xb8;
	[tilespmem:$0x1FF00] =	vst v63  }
0x1b0: {  	s9 =	sld [smem:$0x7E4]  }
0x1b1: {  	[spmem:s2] =	stream.indirect.scatter.add.f32 [tilespmem:s29], [sflag:$0x3], $0x10, s25, s26, $0xb8;
	[tilespmem:$0x1FF00] =	vst v63  }
0x1b2: {  	_ = 	snop  }
0x1b3: {  	[spmem:s2] =	stream.indirect.scatter.add.f32 [tilespmem:s30], [sflag:$0x3], $0x10, s9, s26, $0xb8;
	[tilespmem:$0x1FF00] =	vst v63  }
0x1b4: {  	_ =	swait.ge [sflag:s8], $0x2000  }
0x1b5: {  	s25 =	sld [smem:$0x7E6]  }
0x1b6: {  	[sflag:s8] =	ssyncset.done $0x0  }
0x1b7: {  	s9 =	sld [smem:$0x7E8];
	[sflag:s8] =	ssyncadd.s32 $0xFFFFE000  }
0x1b8: {  	[tilespmem:s1], [sflag:$0x2] =	stream.indirect.gather [hbm4b:s4+s26], $0x10, s25, s26, $0xb8;
	[tilespmem:$0x1FF00] =	vst v63  }
0x1b9: {  	s25 =	sld [smem:$0x7EA]  }
0x1ba: {  	[tilespmem:s0], [sflag:$0x2] =	stream.indirect.gather [hbm4b:s4+s26], $0x10, s9, s26, $0xb8;
	[tilespmem:$0x1FF00] =	vst v63  }
0x1bb: {  	s9 =	sld [smem:$0x7EC]  }
0x1bc: {  	[tilespmem:s6], [sflag:$0x2] =	stream.indirect.gather [hbm4b:s4+s26], $0x10, s25, s26, $0xb8;
	[tilespmem:$0x1FF00] =	vst v63  }
0x1bd: {  	_ = 	snop  }
0x1be: {  	[tilespmem:s7], [sflag:$0x2] =	stream.indirect.gather [hbm4b:s4+s26], $0x10, s9, s26, $0xb8;
	[tilespmem:$0x1FF00] =	vst v63  }
0x1bf: {  	_ =	swait.ge [sflag:s31], $0x2000  }
0x1c0: {  	s25 =	sld [smem:$0x7EE]  }
0x1c1: {  	[sflag:s31] =	ssyncset.done $0x0  }
0x1c2: {  	s9 =	sld [smem:$0x7F0];
	[sflag:s31] =	ssyncadd.s32 $0xFFFFE000  }
0x1c3: {  	[spmem:s2] =	stream.indirect.scatter.add.f32 [tilespmem:s1], [sflag:$0x3], $0x10, s25, s26, $0xb8;
	[tilespmem:$0x1FF00] =	vst v63  }
0x1c4: {  	s25 =	sld [smem:$0x7F2]  }
0x1c5: {  	[spmem:s2] =	stream.indirect.scatter.add.f32 [tilespmem:s0], [sflag:$0x3], $0x10, s9, s26, $0xb8;
	[tilespmem:$0x1FF00] =	vst v63  }
0x1c6: {  	s9 =	sld [smem:$0x7F4]  }
0x1c7: {  	[spmem:s2] =	stream.indirect.scatter.add.f32 [tilespmem:s6], [sflag:$0x3], $0x10, s25, s26, $0xb8;
	[tilespmem:$0x1FF00] =	vst v63  }
0x1c8: {  	_ = 	snop  }
0x1c9: {  	[spmem:s2] =	stream.indirect.scatter.add.f32 [tilespmem:s7], [sflag:$0x3], $0x10, s9, s26, $0xb8;
	[tilespmem:$0x1FF00] =	vst v63  }
0x1ca: {  	_ =	swait.ge [sflag:s8], $0x2000  }
0x1cb: {  	s25 =	sld [smem:$0x7F7]  }
0x1cc: {  	[sflag:s8] =	ssyncset.done $0x0  }
0x1cd: {  	s9 =	sld [smem:$0x7F8];
	[sflag:s8] =	ssyncadd.s32 $0xFFFFE000  }
0x1ce: {  	[tilespmem:s20], [sflag:$0x2] =	stream.indirect.gather [hbm4b:s4+s26], $0x10, s25, s26, $0xb8;
	[tilespmem:$0x1FF00] =	vst v63  }
0x1cf: {  	s25 =	sld [smem:$0x7F9]  }
0x1d0: {  	[tilespmem:s28], [sflag:$0x2] =	stream.indirect.gather [hbm4b:s4+s26], $0x10, s9, s26, $0xb8;
	[tilespmem:$0x1FF00] =	vst v63  }
0x1d1: {  	s9 =	sld [smem:$0x7FA]  }
0x1d2: {  	[tilespmem:s29], [sflag:$0x2] =	stream.indirect.gather [hbm4b:s4+s26], $0x10, s25, s26, $0xb8;
	[tilespmem:$0x1FF00] =	vst v63  }
0x1d3: {  	_ = 	snop  }
0x1d4: {  	[tilespmem:s30], [sflag:$0x2] =	stream.indirect.gather [hbm4b:s4+s26], $0x10, s9, s26, $0xb8;
	[tilespmem:$0x1FF00] =	vst v63  }
0x1d5: {  	_ =	swait.ge [sflag:s31], $0x2000  }
0x1d6: {  	s19 =	sld [smem:$0x7FB]  }
0x1d7: {  	[sflag:s31] =	ssyncset.done $0x0  }
0x1d8: {  	s25 =	sld [smem:$0x7FC];
	[sflag:s31] =	ssyncadd.s32 $0xFFFFE000  }
0x1d9: {  	[spmem:s2] =	stream.indirect.scatter.add.f32 [tilespmem:s20], [sflag:$0x3], $0x10, s19, s26, $0xb8;
	[tilespmem:$0x1FF00] =	vst v63  }
0x1da: {  	_ = 	snop  }
0x1db: {  	[spmem:s2] =	stream.indirect.scatter.add.f32 [tilespmem:s28], [sflag:$0x3], $0x10, s25, s26, $0xb8;
	[tilespmem:$0x1FF00] =	vst v63  }
0x1dc: {  	_ = 	snop  }
0x1dd: {  	[spmem:s2] =	stream.indirect.scatter.add.f32 [tilespmem:s29], [sflag:$0x3], $0x10, s21, s26, $0xb8;
	[tilespmem:$0x1FF00] =	vst v63  }
0x1de: {  	_ = 	snop  }
0x1df: {  	[spmem:s2] =	stream.indirect.scatter.add.f32 [tilespmem:s30], [sflag:$0x3], $0x10, s10, s26, $0xb8;
	[tilespmem:$0x1FF00] =	vst v63  }
0x1e0: {  	_ =	swait.ge [sflag:s8], $0x2000  }
0x1e1: {  	[sflag:s8] =	ssyncset.done $0x0  }
0x1e2: {  	[sflag:s8] =	ssyncadd.s32 $0xFFFFE000  }
0x1e3: {  	[tilespmem:s1], [sflag:$0x2] =	stream.indirect.gather [hbm4b:s4+s26], $0x10, s11, s26, $0xb8;
	[tilespmem:$0x1FF00] =	vst v63  }
0x1e4: {  	_ = 	snop  }
0x1e5: {  	[tilespmem:s0], [sflag:$0x2] =	stream.indirect.gather [hbm4b:s4+s26], $0x10, s12, s26, $0xb8;
	[tilespmem:$0x1FF00] =	vst v63  }
0x1e6: {  	_ = 	snop  }
0x1e7: {  	[tilespmem:s6], [sflag:$0x2] =	stream.indirect.gather [hbm4b:s4+s26], $0x10, s13, s26, $0xb8;
	[tilespmem:$0x1FF00] =	vst v63  }
0x1e8: {  	_ = 	snop  }
0x1e9: {  	[tilespmem:s7], [sflag:$0x2] =	stream.indirect.gather [hbm4b:s4+s26], $0x10, s14, s26, $0xb8;
	[tilespmem:$0x1FF00] =	vst v63  }
0x1ea: {  	_ =	swait.ge [sflag:s31], $0x2000  }
0x1eb: {  	[sflag:s31] =	ssyncset.done $0x0  }
0x1ec: {  	[sflag:s31] =	ssyncadd.s32 $0xFFFFE000  }
0x1ed: {  	[spmem:s2] =	stream.indirect.scatter.add.f32 [tilespmem:s1], [sflag:$0x3], $0x10, s15, s26, $0xb8;
	[tilespmem:$0x1FF00] =	vst v63  }
0x1ee: {  	_ = 	snop  }
0x1ef: {  	[spmem:s2] =	stream.indirect.scatter.add.f32 [tilespmem:s0], [sflag:$0x3], $0x10, s16, s26, $0xb8;
	[tilespmem:$0x1FF00] =	vst v63  }
0x1f0: {  	_ = 	snop  }
0x1f1: {  	[spmem:s2] =	stream.indirect.scatter.add.f32 [tilespmem:s6], [sflag:$0x3], $0x10, s17, s26, $0xb8;
	[tilespmem:$0x1FF00] =	vst v63  }
0x1f2: {  	_ = 	snop  }
0x1f3: {  	[spmem:s2] =	stream.indirect.scatter.add.f32 [tilespmem:s7], [sflag:$0x3], $0x10, s18, s26, $0xb8;
	[tilespmem:$0x1FF00] =	vst v63  }
0x1f4: {  	_ =	swait.ge [sflag:s8], $0x2000  }
0x1f5: {  	[sflag:s8] =	ssyncset.done $0x0  }
0x1f6: {  	[sflag:s8] =	ssyncadd.s32 $0xFFFFE000  }
0x1f7: {  	s5 =	simm.s32 $0x700;
	_ =	swait.ge [sflag:s8], $0x2000  }
0x1f8: {  	s25 =	simm.s32 $0x380;
	s19 =	rddreg [dreg:$0x4];
	[sflag:s8] =	ssyncset.done $0x0  }
.LBB2_4:
0x1f9: {  	[sflag:s8] =	ssyncadd.s32 $0xFFFFE000;
	s9 =	rddreg [dreg:$0x3];
	s19 =	sadd.s32 s25, s19  }
0x1fa: {  	[tilespmem:s22], [sflag:$0x1] =	stream.linear.gather [hbm4b:s19+s3], $0x1C00, $0x38;
	[tilespmem:$0x1FF00] =	vst v63  }
0x1fb: {  	s9 =	sadd.s32 s25, s9  }
0x1fc: {  	[tilespmem:s23], [sflag:$0x1] =	stream.linear.gather [hbm4b:s9+s3], $0x1C00, $0x38;
	[tilespmem:$0x1FF00] =	vst v63  }
0x1fd: {  	_ =	swait.ge [sflag:s24], $0x1C00  }
0x1fe: {  	[sflag:s24] =	ssyncset.done $0x0  }
0x1ff: {  	[sflag:s24] =	ssyncadd.s32 $0xFFFFE400  }
0x200: {  	_ =	swait.ge [sflag:s24], $0x1C00  }
0x201: {  	[sflag:s24] =	ssyncset.done $0x0  }
0x202: {  	[sflag:s24] =	ssyncadd.s32 $0xFFFFE400  }
0x203: {  	[tilespmem:s20], [sflag:$0x2] =	stream.indirect.gather [hbm4b:s4+s26], $0x10, s22, s26, $0xb8;
	[tilespmem:$0x1FF00] =	vst v63  }
0x204: {  	s9 =	rddreg [dreg:$0x5]  }
0x205: {  	[tilespmem:s28], [sflag:$0x2] =	stream.indirect.gather [hbm4b:s4+s26], $0x10, s9, s26, $0xb8;
	[tilespmem:$0x1FF00] =	vst v63  }
0x206: {  	s19 =	rddreg [dreg:$0x6]  }
0x207: {  	[tilespmem:s29], [sflag:$0x2] =	stream.indirect.gather [hbm4b:s4+s26], $0x10, s19, s26, $0xb8;
	[tilespmem:$0x1FF00] =	vst v63  }
0x208: {  	s9 =	rddreg [dreg:$0x7]  }
0x209: {  	[tilespmem:s30], [sflag:$0x2] =	stream.indirect.gather [hbm4b:s4+s26], $0x10, s9, s26, $0xb8;
	[tilespmem:$0x1FF00] =	vst v63  }
0x20a: {  	_ =	swait.ge [sflag:s31], $0x2000  }
0x20b: {  	[sflag:s31] =	ssyncset.done $0x0  }
0x20c: {  	[sflag:s31] =	ssyncadd.s32 $0xFFFFE000  }
0x20d: {  	[spmem:s2] =	stream.indirect.scatter.add.f32 [tilespmem:s20], [sflag:$0x3], $0x10, s23, s26, $0xb8;
	[tilespmem:$0x1FF00] =	vst v63  }
0x20e: {  	s9 =	rddreg [dreg:$0x8]  }
0x20f: {  	[spmem:s2] =	stream.indirect.scatter.add.f32 [tilespmem:s28], [sflag:$0x3], $0x10, s9, s26, $0xb8;
	[tilespmem:$0x1FF00] =	vst v63  }
0x210: {  	s19 =	rddreg [dreg:$0x9]  }
0x211: {  	[spmem:s2] =	stream.indirect.scatter.add.f32 [tilespmem:s29], [sflag:$0x3], $0x10, s19, s26, $0xb8;
	[tilespmem:$0x1FF00] =	vst v63  }
0x212: {  	s9 =	rddreg [dreg:$0xa]  }
0x213: {  	[spmem:s2] =	stream.indirect.scatter.add.f32 [tilespmem:s30], [sflag:$0x3], $0x10, s9, s26, $0xb8;
	[tilespmem:$0x1FF00] =	vst v63  }
0x214: {  	s19 =	rddreg [dreg:$0xb]  }
0x215: {  	[tilespmem:s1], [sflag:$0x2] =	stream.indirect.gather [hbm4b:s4+s26], $0x10, s19, s26, $0xb8;
	[tilespmem:$0x1FF00] =	vst v63  }
0x216: {  	s9 =	rddreg [dreg:$0xc]  }
0x217: {  	[tilespmem:s0], [sflag:$0x2] =	stream.indirect.gather [hbm4b:s4+s26], $0x10, s9, s26, $0xb8;
	[tilespmem:$0x1FF00] =	vst v63  }
0x218: {  	s19 =	rddreg [dreg:$0xd]  }
0x219: {  	[tilespmem:s6], [sflag:$0x2] =	stream.indirect.gather [hbm4b:s4+s26], $0x10, s19, s26, $0xb8;
	[tilespmem:$0x1FF00] =	vst v63  }
0x21a: {  	s9 =	rddreg [dreg:$0xe]  }
0x21b: {  	[tilespmem:s7], [sflag:$0x2] =	stream.indirect.gather [hbm4b:s4+s26], $0x10, s9, s26, $0xb8;
	[tilespmem:$0x1FF00] =	vst v63  }
0x21c: {  	_ =	swait.ge [sflag:s31], $0x2000  }
0x21d: {  	[sflag:s31] =	ssyncset.done $0x0  }
0x21e: {  	s9 =	rddreg [dreg:$0xf];
	[sflag:s31] =	ssyncadd.s32 $0xFFFFE000  }
0x21f: {  	[spmem:s2] =	stream.indirect.scatter.add.f32 [tilespmem:s1], [sflag:$0x3], $0x10, s9, s26, $0xb8;
	[tilespmem:$0x1FF00] =	vst v63  }
0x220: {  	s19 =	rddreg [dreg:$0x10]  }
0x221: {  	[spmem:s2] =	stream.indirect.scatter.add.f32 [tilespmem:s0], [sflag:$0x3], $0x10, s19, s26, $0xb8;
	[tilespmem:$0x1FF00] =	vst v63  }
0x222: {  	s9 =	rddreg [dreg:$0x11]  }
0x223: {  	[spmem:s2] =	stream.indirect.scatter.add.f32 [tilespmem:s6], [sflag:$0x3], $0x10, s9, s26, $0xb8;
	[tilespmem:$0x1FF00] =	vst v63  }
0x224: {  	s19 =	rddreg [dreg:$0x12]  }
0x225: {  	[spmem:s2] =	stream.indirect.scatter.add.f32 [tilespmem:s7], [sflag:$0x3], $0x10, s19, s26, $0xb8;
	[tilespmem:$0x1FF00] =	vst v63  }
0x226: {  	_ =	swait.ge [sflag:s8], $0x2000  }
0x227: {  	[sflag:s8] =	ssyncset.done $0x0  }
0x228: {  	s9 =	rddreg [dreg:$0x13];
	[sflag:s8] =	ssyncadd.s32 $0xFFFFE000  }
0x229: {  	[tilespmem:s20], [sflag:$0x2] =	stream.indirect.gather [hbm4b:s4+s26], $0x10, s9, s26, $0xb8;
	[tilespmem:$0x1FF00] =	vst v63  }
0x22a: {  	s19 =	rddreg [dreg:$0x14]  }
0x22b: {  	[tilespmem:s28], [sflag:$0x2] =	stream.indirect.gather [hbm4b:s4+s26], $0x10, s19, s26, $0xb8;
	[tilespmem:$0x1FF00] =	vst v63  }
0x22c: {  	s9 =	rddreg [dreg:$0x15]  }
0x22d: {  	[tilespmem:s29], [sflag:$0x2] =	stream.indirect.gather [hbm4b:s4+s26], $0x10, s9, s26, $0xb8;
	[tilespmem:$0x1FF00] =	vst v63  }
0x22e: {  	s19 =	rddreg [dreg:$0x16]  }
0x22f: {  	[tilespmem:s30], [sflag:$0x2] =	stream.indirect.gather [hbm4b:s4+s26], $0x10, s19, s26, $0xb8;
	[tilespmem:$0x1FF00] =	vst v63  }
0x230: {  	_ =	swait.ge [sflag:s31], $0x2000  }
0x231: {  	[sflag:s31] =	ssyncset.done $0x0  }
0x232: {  	s9 =	rddreg [dreg:$0x17];
	[sflag:s31] =	ssyncadd.s32 $0xFFFFE000  }
0x233: {  	[spmem:s2] =	stream.indirect.scatter.add.f32 [tilespmem:s20], [sflag:$0x3], $0x10, s9, s26, $0xb8;
	[tilespmem:$0x1FF00] =	vst v63  }
0x234: {  	s19 =	rddreg [dreg:$0x18]  }
0x235: {  	[spmem:s2] =	stream.indirect.scatter.add.f32 [tilespmem:s28], [sflag:$0x3], $0x10, s19, s26, $0xb8;
	[tilespmem:$0x1FF00] =	vst v63  }
0x236: {  	s9 =	rddreg [dreg:$0x19]  }
0x237: {  	[spmem:s2] =	stream.indirect.scatter.add.f32 [tilespmem:s29], [sflag:$0x3], $0x10, s9, s26, $0xb8;
	[tilespmem:$0x1FF00] =	vst v63  }
0x238: {  	s19 =	rddreg [dreg:$0x1a]  }
0x239: {  	[spmem:s2] =	stream.indirect.scatter.add.f32 [tilespmem:s30], [sflag:$0x3], $0x10, s19, s26, $0xb8;
	[tilespmem:$0x1FF00] =	vst v63  }
0x23a: {  	_ =	swait.ge [sflag:s8], $0x2000  }
0x23b: {  	[sflag:s8] =	ssyncset.done $0x0  }
0x23c: {  	s9 =	rddreg [dreg:$0x1b];
	[sflag:s8] =	ssyncadd.s32 $0xFFFFE000  }
0x23d: {  	[tilespmem:s1], [sflag:$0x2] =	stream.indirect.gather [hbm4b:s4+s26], $0x10, s9, s26, $0xb8;
	[tilespmem:$0x1FF00] =	vst v63  }
0x23e: {  	s19 =	rddreg [dreg:$0x1c]  }
0x23f: {  	[tilespmem:s0], [sflag:$0x2] =	stream.indirect.gather [hbm4b:s4+s26], $0x10, s19, s26, $0xb8;
	[tilespmem:$0x1FF00] =	vst v63  }
0x240: {  	s9 =	rddreg [dreg:$0x1d]  }
0x241: {  	[tilespmem:s6], [sflag:$0x2] =	stream.indirect.gather [hbm4b:s4+s26], $0x10, s9, s26, $0xb8;
	[tilespmem:$0x1FF00] =	vst v63  }
0x242: {  	s19 =	rddreg [dreg:$0x1e]  }
0x243: {  	[tilespmem:s7], [sflag:$0x2] =	stream.indirect.gather [hbm4b:s4+s26], $0x10, s19, s26, $0xb8;
	[tilespmem:$0x1FF00] =	vst v63  }
0x244: {  	_ =	swait.ge [sflag:s31], $0x2000  }
0x245: {  	s9 =	rddreg [dreg:$0x1f];
	[sflag:s31] =	ssyncset.done $0x0  }
0x246: {  	s19 =	sld [smem:$0x7A5];
	[sflag:s31] =	ssyncadd.s32 $0xFFFFE000  }
0x247: {  	[spmem:s2] =	stream.indirect.scatter.add.f32 [tilespmem:s1], [sflag:$0x3], $0x10, s9, s26, $0xb8;
	[tilespmem:$0x1FF00] =	vst v63  }
0x248: {  	s9 =	sld [smem:$0x7A6]  }
0x249: {  	[spmem:s2] =	stream.indirect.scatter.add.f32 [tilespmem:s0], [sflag:$0x3], $0x10, s19, s26, $0xb8;
	[tilespmem:$0x1FF00] =	vst v63  }
0x24a: {  	s19 =	sld [smem:$0x7A7]  }
0x24b: {  	[spmem:s2] =	stream.indirect.scatter.add.f32 [tilespmem:s6], [sflag:$0x3], $0x10, s9, s26, $0xb8;
	[tilespmem:$0x1FF00] =	vst v63  }
0x24c: {  	_ = 	snop  }
0x24d: {  	[spmem:s2] =	stream.indirect.scatter.add.f32 [tilespmem:s7], [sflag:$0x3], $0x10, s19, s26, $0xb8;
	[tilespmem:$0x1FF00] =	vst v63  }
0x24e: {  	_ =	swait.ge [sflag:s8], $0x2000  }
0x24f: {  	s9 =	sld [smem:$0x7A8]  }
0x250: {  	[sflag:s8] =	ssyncset.done $0x0  }
0x251: {  	s19 =	sld [smem:$0x7A9];
	[sflag:s8] =	ssyncadd.s32 $0xFFFFE000  }
0x252: {  	[tilespmem:s20], [sflag:$0x2] =	stream.indirect.gather [hbm4b:s4+s26], $0x10, s9, s26, $0xb8;
	[tilespmem:$0x1FF00] =	vst v63  }
0x253: {  	s9 =	sld [smem:$0x7AA]  }
0x254: {  	[tilespmem:s28], [sflag:$0x2] =	stream.indirect.gather [hbm4b:s4+s26], $0x10, s19, s26, $0xb8;
	[tilespmem:$0x1FF00] =	vst v63  }
0x255: {  	s19 =	sld [smem:$0x7AB]  }
0x256: {  	[tilespmem:s29], [sflag:$0x2] =	stream.indirect.gather [hbm4b:s4+s26], $0x10, s9, s26, $0xb8;
	[tilespmem:$0x1FF00] =	vst v63  }
0x257: {  	_ = 	snop  }
0x258: {  	[tilespmem:s30], [sflag:$0x2] =	stream.indirect.gather [hbm4b:s4+s26], $0x10, s19, s26, $0xb8;
	[tilespmem:$0x1FF00] =	vst v63  }
0x259: {  	_ =	swait.ge [sflag:s31], $0x2000  }
0x25a: {  	s9 =	sld [smem:$0x7AC]  }
0x25b: {  	[sflag:s31] =	ssyncset.done $0x0  }
0x25c: {  	s19 =	sld [smem:$0x7AD];
	[sflag:s31] =	ssyncadd.s32 $0xFFFFE000  }
0x25d: {  	[spmem:s2] =	stream.indirect.scatter.add.f32 [tilespmem:s20], [sflag:$0x3], $0x10, s9, s26, $0xb8;
	[tilespmem:$0x1FF00] =	vst v63  }
0x25e: {  	s9 =	sld [smem:$0x7AE]  }
0x25f: {  	[spmem:s2] =	stream.indirect.scatter.add.f32 [tilespmem:s28], [sflag:$0x3], $0x10, s19, s26, $0xb8;
	[tilespmem:$0x1FF00] =	vst v63  }
0x260: {  	s19 =	sld [smem:$0x7AF]  }
0x261: {  	[spmem:s2] =	stream.indirect.scatter.add.f32 [tilespmem:s29], [sflag:$0x3], $0x10, s9, s26, $0xb8;
	[tilespmem:$0x1FF00] =	vst v63  }
0x262: {  	_ = 	snop  }
0x263: {  	[spmem:s2] =	stream.indirect.scatter.add.f32 [tilespmem:s30], [sflag:$0x3], $0x10, s19, s26, $0xb8;
	[tilespmem:$0x1FF00] =	vst v63  }
0x264: {  	_ =	swait.ge [sflag:s8], $0x2000  }
0x265: {  	s9 =	sld [smem:$0x7B0]  }
0x266: {  	[sflag:s8] =	ssyncset.done $0x0  }
0x267: {  	s19 =	sld [smem:$0x7B1];
	[sflag:s8] =	ssyncadd.s32 $0xFFFFE000  }
0x268: {  	[tilespmem:s1], [sflag:$0x2] =	stream.indirect.gather [hbm4b:s4+s26], $0x10, s9, s26, $0xb8;
	[tilespmem:$0x1FF00] =	vst v63  }
0x269: {  	s9 =	sld [smem:$0x7B2]  }
0x26a: {  	[tilespmem:s0], [sflag:$0x2] =	stream.indirect.gather [hbm4b:s4+s26], $0x10, s19, s26, $0xb8;
	[tilespmem:$0x1FF00] =	vst v63  }
0x26b: {  	s19 =	sld [smem:$0x7B3]  }
0x26c: {  	[tilespmem:s6], [sflag:$0x2] =	stream.indirect.gather [hbm4b:s4+s26], $0x10, s9, s26, $0xb8;
	[tilespmem:$0x1FF00] =	vst v63  }
0x26d: {  	_ = 	snop  }
0x26e: {  	[tilespmem:s7], [sflag:$0x2] =	stream.indirect.gather [hbm4b:s4+s26], $0x10, s19, s26, $0xb8;
	[tilespmem:$0x1FF00] =	vst v63  }
0x26f: {  	_ =	swait.ge [sflag:s31], $0x2000  }
0x270: {  	s9 =	sld [smem:$0x7B4]  }
0x271: {  	[sflag:s31] =	ssyncset.done $0x0  }
0x272: {  	s19 =	sld [smem:$0x7B5];
	[sflag:s31] =	ssyncadd.s32 $0xFFFFE000  }
0x273: {  	[spmem:s2] =	stream.indirect.scatter.add.f32 [tilespmem:s1], [sflag:$0x3], $0x10, s9, s26, $0xb8;
	[tilespmem:$0x1FF00] =	vst v63  }
0x274: {  	s9 =	sld [smem:$0x7B6]  }
0x275: {  	[spmem:s2] =	stream.indirect.scatter.add.f32 [tilespmem:s0], [sflag:$0x3], $0x10, s19, s26, $0xb8;
	[tilespmem:$0x1FF00] =	vst v63  }
0x276: {  	s19 =	sld [smem:$0x7B7]  }
0x277: {  	[spmem:s2] =	stream.indirect.scatter.add.f32 [tilespmem:s6], [sflag:$0x3], $0x10, s9, s26, $0xb8;
	[tilespmem:$0x1FF00] =	vst v63  }
0x278: {  	_ = 	snop  }
0x279: {  	[spmem:s2] =	stream.indirect.scatter.add.f32 [tilespmem:s7], [sflag:$0x3], $0x10, s19, s26, $0xb8;
	[tilespmem:$0x1FF00] =	vst v63  }
0x27a: {  	_ =	swait.ge [sflag:s8], $0x2000  }
0x27b: {  	s9 =	sld [smem:$0x7B8]  }
0x27c: {  	[sflag:s8] =	ssyncset.done $0x0  }
0x27d: {  	s19 =	sld [smem:$0x7B9];
	[sflag:s8] =	ssyncadd.s32 $0xFFFFE000  }
0x27e: {  	[tilespmem:s20], [sflag:$0x2] =	stream.indirect.gather [hbm4b:s4+s26], $0x10, s9, s26, $0xb8;
	[tilespmem:$0x1FF00] =	vst v63  }
0x27f: {  	s9 =	sld [smem:$0x7BA]  }
0x280: {  	[tilespmem:s28], [sflag:$0x2] =	stream.indirect.gather [hbm4b:s4+s26], $0x10, s19, s26, $0xb8;
	[tilespmem:$0x1FF00] =	vst v63  }
0x281: {  	s19 =	sld [smem:$0x7BB]  }
0x282: {  	[tilespmem:s29], [sflag:$0x2] =	stream.indirect.gather [hbm4b:s4+s26], $0x10, s9, s26, $0xb8;
	[tilespmem:$0x1FF00] =	vst v63  }
0x283: {  	_ = 	snop  }
0x284: {  	[tilespmem:s30], [sflag:$0x2] =	stream.indirect.gather [hbm4b:s4+s26], $0x10, s19, s26, $0xb8;
	[tilespmem:$0x1FF00] =	vst v63  }
0x285: {  	_ =	swait.ge [sflag:s31], $0x2000  }
0x286: {  	s9 =	sld [smem:$0x7BC]  }
0x287: {  	[sflag:s31] =	ssyncset.done $0x0  }
0x288: {  	s19 =	sld [smem:$0x7BD];
	[sflag:s31] =	ssyncadd.s32 $0xFFFFE000  }
0x289: {  	[spmem:s2] =	stream.indirect.scatter.add.f32 [tilespmem:s20], [sflag:$0x3], $0x10, s9, s26, $0xb8;
	[tilespmem:$0x1FF00] =	vst v63  }
0x28a: {  	s9 =	sld [smem:$0x7BE]  }
0x28b: {  	[spmem:s2] =	stream.indirect.scatter.add.f32 [tilespmem:s28], [sflag:$0x3], $0x10, s19, s26, $0xb8;
	[tilespmem:$0x1FF00] =	vst v63  }
0x28c: {  	s19 =	sld [smem:$0x7BF]  }
0x28d: {  	[spmem:s2] =	stream.indirect.scatter.add.f32 [tilespmem:s29], [sflag:$0x3], $0x10, s9, s26, $0xb8;
	[tilespmem:$0x1FF00] =	vst v63  }
0x28e: {  	_ = 	snop  }
0x28f: {  	[spmem:s2] =	stream.indirect.scatter.add.f32 [tilespmem:s30], [sflag:$0x3], $0x10, s19, s26, $0xb8;
	[tilespmem:$0x1FF00] =	vst v63  }
0x290: {  	_ =	swait.ge [sflag:s8], $0x2000  }
0x291: {  	s9 =	sld [smem:$0x7C0]  }
0x292: {  	[sflag:s8] =	ssyncset.done $0x0  }
0x293: {  	s19 =	sld [smem:$0x7C1];
	[sflag:s8] =	ssyncadd.s32 $0xFFFFE000  }
0x294: {  	[tilespmem:s1], [sflag:$0x2] =	stream.indirect.gather [hbm4b:s4+s26], $0x10, s9, s26, $0xb8;
	[tilespmem:$0x1FF00] =	vst v63  }
0x295: {  	s9 =	sld [smem:$0x7C2]  }
0x296: {  	[tilespmem:s0], [sflag:$0x2] =	stream.indirect.gather [hbm4b:s4+s26], $0x10, s19, s26, $0xb8;
	[tilespmem:$0x1FF00] =	vst v63  }
0x297: {  	s19 =	sld [smem:$0x7C3]  }
0x298: {  	[tilespmem:s6], [sflag:$0x2] =	stream.indirect.gather [hbm4b:s4+s26], $0x10, s9, s26, $0xb8;
	[tilespmem:$0x1FF00] =	vst v63  }
0x299: {  	_ = 	snop  }
0x29a: {  	[tilespmem:s7], [sflag:$0x2] =	stream.indirect.gather [hbm4b:s4+s26], $0x10, s19, s26, $0xb8;
	[tilespmem:$0x1FF00] =	vst v63  }
0x29b: {  	_ =	swait.ge [sflag:s31], $0x2000  }
0x29c: {  	s9 =	sld [smem:$0x7C4]  }
0x29d: {  	[sflag:s31] =	ssyncset.done $0x0  }
0x29e: {  	s19 =	sld [smem:$0x7C5];
	[sflag:s31] =	ssyncadd.s32 $0xFFFFE000  }
0x29f: {  	[spmem:s2] =	stream.indirect.scatter.add.f32 [tilespmem:s1], [sflag:$0x3], $0x10, s9, s26, $0xb8;
	[tilespmem:$0x1FF00] =	vst v63  }
0x2a0: {  	s9 =	sld [smem:$0x7C6]  }
0x2a1: {  	[spmem:s2] =	stream.indirect.scatter.add.f32 [tilespmem:s0], [sflag:$0x3], $0x10, s19, s26, $0xb8;
	[tilespmem:$0x1FF00] =	vst v63  }
0x2a2: {  	s19 =	sld [smem:$0x7C7]  }
0x2a3: {  	[spmem:s2] =	stream.indirect.scatter.add.f32 [tilespmem:s6], [sflag:$0x3], $0x10, s9, s26, $0xb8;
	[tilespmem:$0x1FF00] =	vst v63  }
0x2a4: {  	_ = 	snop  }
0x2a5: {  	[spmem:s2] =	stream.indirect.scatter.add.f32 [tilespmem:s7], [sflag:$0x3], $0x10, s19, s26, $0xb8;
	[tilespmem:$0x1FF00] =	vst v63  }
0x2a6: {  	_ =	swait.ge [sflag:s8], $0x2000  }
0x2a7: {  	s9 =	sld [smem:$0x7C8]  }
0x2a8: {  	[sflag:s8] =	ssyncset.done $0x0  }
0x2a9: {  	s19 =	sld [smem:$0x7C9];
	[sflag:s8] =	ssyncadd.s32 $0xFFFFE000  }
0x2aa: {  	[tilespmem:s20], [sflag:$0x2] =	stream.indirect.gather [hbm4b:s4+s26], $0x10, s9, s26, $0xb8;
	[tilespmem:$0x1FF00] =	vst v63  }
0x2ab: {  	s9 =	sld [smem:$0x7CA]  }
0x2ac: {  	[tilespmem:s28], [sflag:$0x2] =	stream.indirect.gather [hbm4b:s4+s26], $0x10, s19, s26, $0xb8;
	[tilespmem:$0x1FF00] =	vst v63  }
0x2ad: {  	s19 =	sld [smem:$0x7CB]  }
0x2ae: {  	[tilespmem:s29], [sflag:$0x2] =	stream.indirect.gather [hbm4b:s4+s26], $0x10, s9, s26, $0xb8;
	[tilespmem:$0x1FF00] =	vst v63  }
0x2af: {  	_ = 	snop  }
0x2b0: {  	[tilespmem:s30], [sflag:$0x2] =	stream.indirect.gather [hbm4b:s4+s26], $0x10, s19, s26, $0xb8;
	[tilespmem:$0x1FF00] =	vst v63  }
0x2b1: {  	_ =	swait.ge [sflag:s31], $0x2000  }
0x2b2: {  	s9 =	sld [smem:$0x7CC]  }
0x2b3: {  	[sflag:s31] =	ssyncset.done $0x0  }
0x2b4: {  	s19 =	sld [smem:$0x7CD];
	[sflag:s31] =	ssyncadd.s32 $0xFFFFE000  }
0x2b5: {  	[spmem:s2] =	stream.indirect.scatter.add.f32 [tilespmem:s20], [sflag:$0x3], $0x10, s9, s26, $0xb8;
	[tilespmem:$0x1FF00] =	vst v63  }
0x2b6: {  	s9 =	sld [smem:$0x7CE]  }
0x2b7: {  	[spmem:s2] =	stream.indirect.scatter.add.f32 [tilespmem:s28], [sflag:$0x3], $0x10, s19, s26, $0xb8;
	[tilespmem:$0x1FF00] =	vst v63  }
0x2b8: {  	s19 =	sld [smem:$0x7CF]  }
0x2b9: {  	[spmem:s2] =	stream.indirect.scatter.add.f32 [tilespmem:s29], [sflag:$0x3], $0x10, s9, s26, $0xb8;
	[tilespmem:$0x1FF00] =	vst v63  }
0x2ba: {  	_ = 	snop  }
0x2bb: {  	[spmem:s2] =	stream.indirect.scatter.add.f32 [tilespmem:s30], [sflag:$0x3], $0x10, s19, s26, $0xb8;
	[tilespmem:$0x1FF00] =	vst v63  }
0x2bc: {  	_ =	swait.ge [sflag:s8], $0x2000  }
0x2bd: {  	s9 =	sld [smem:$0x7D0]  }
0x2be: {  	[sflag:s8] =	ssyncset.done $0x0  }
0x2bf: {  	s19 =	sld [smem:$0x7D1];
	[sflag:s8] =	ssyncadd.s32 $0xFFFFE000  }
0x2c0: {  	[tilespmem:s1], [sflag:$0x2] =	stream.indirect.gather [hbm4b:s4+s26], $0x10, s9, s26, $0xb8;
	[tilespmem:$0x1FF00] =	vst v63  }
0x2c1: {  	s9 =	sld [smem:$0x7D2]  }
0x2c2: {  	[tilespmem:s0], [sflag:$0x2] =	stream.indirect.gather [hbm4b:s4+s26], $0x10, s19, s26, $0xb8;
	[tilespmem:$0x1FF00] =	vst v63  }
0x2c3: {  	s19 =	sld [smem:$0x7D3]  }
0x2c4: {  	[tilespmem:s6], [sflag:$0x2] =	stream.indirect.gather [hbm4b:s4+s26], $0x10, s9, s26, $0xb8;
	[tilespmem:$0x1FF00] =	vst v63  }
0x2c5: {  	_ = 	snop  }
0x2c6: {  	[tilespmem:s7], [sflag:$0x2] =	stream.indirect.gather [hbm4b:s4+s26], $0x10, s19, s26, $0xb8;
	[tilespmem:$0x1FF00] =	vst v63  }
0x2c7: {  	_ =	swait.ge [sflag:s31], $0x2000  }
0x2c8: {  	s9 =	sld [smem:$0x7D4]  }
0x2c9: {  	[sflag:s31] =	ssyncset.done $0x0  }
0x2ca: {  	s19 =	sld [smem:$0x7D5];
	[sflag:s31] =	ssyncadd.s32 $0xFFFFE000  }
0x2cb: {  	[spmem:s2] =	stream.indirect.scatter.add.f32 [tilespmem:s1], [sflag:$0x3], $0x10, s9, s26, $0xb8;
	[tilespmem:$0x1FF00] =	vst v63  }
0x2cc: {  	s9 =	sld [smem:$0x7D6]  }
0x2cd: {  	[spmem:s2] =	stream.indirect.scatter.add.f32 [tilespmem:s0], [sflag:$0x3], $0x10, s19, s26, $0xb8;
	[tilespmem:$0x1FF00] =	vst v63  }
0x2ce: {  	s19 =	sld [smem:$0x7D7]  }
0x2cf: {  	[spmem:s2] =	stream.indirect.scatter.add.f32 [tilespmem:s6], [sflag:$0x3], $0x10, s9, s26, $0xb8;
	[tilespmem:$0x1FF00] =	vst v63  }
0x2d0: {  	_ = 	snop  }
0x2d1: {  	[spmem:s2] =	stream.indirect.scatter.add.f32 [tilespmem:s7], [sflag:$0x3], $0x10, s19, s26, $0xb8;
	[tilespmem:$0x1FF00] =	vst v63  }
0x2d2: {  	_ =	swait.ge [sflag:s8], $0x2000  }
0x2d3: {  	s9 =	sld [smem:$0x7D8]  }
0x2d4: {  	[sflag:s8] =	ssyncset.done $0x0  }
0x2d5: {  	s19 =	sld [smem:$0x7D9];
	[sflag:s8] =	ssyncadd.s32 $0xFFFFE000  }
0x2d6: {  	[tilespmem:s20], [sflag:$0x2] =	stream.indirect.gather [hbm4b:s4+s26], $0x10, s9, s26, $0xb8;
	[tilespmem:$0x1FF00] =	vst v63  }
0x2d7: {  	s9 =	sld [smem:$0x7DB]  }
0x2d8: {  	[tilespmem:s28], [sflag:$0x2] =	stream.indirect.gather [hbm4b:s4+s26], $0x10, s19, s26, $0xb8;
	[tilespmem:$0x1FF00] =	vst v63  }
0x2d9: {  	s19 =	sld [smem:$0x7DD]  }
0x2da: {  	[tilespmem:s29], [sflag:$0x2] =	stream.indirect.gather [hbm4b:s4+s26], $0x10, s9, s26, $0xb8;
	[tilespmem:$0x1FF00] =	vst v63  }
0x2db: {  	_ = 	snop  }
0x2dc: {  	[tilespmem:s30], [sflag:$0x2] =	stream.indirect.gather [hbm4b:s4+s26], $0x10, s19, s26, $0xb8;
	[tilespmem:$0x1FF00] =	vst v63  }
0x2dd: {  	_ =	swait.ge [sflag:s31], $0x2000  }
0x2de: {  	s9 =	sld [smem:$0x7DE]  }
0x2df: {  	[sflag:s31] =	ssyncset.done $0x0  }
0x2e0: {  	s19 =	sld [smem:$0x7E0];
	[sflag:s31] =	ssyncadd.s32 $0xFFFFE000  }
0x2e1: {  	[spmem:s2] =	stream.indirect.scatter.add.f32 [tilespmem:s20], [sflag:$0x3], $0x10, s9, s26, $0xb8;
	[tilespmem:$0x1FF00] =	vst v63  }
0x2e2: {  	s9 =	sld [smem:$0x7E2]  }
0x2e3: {  	[spmem:s2] =	stream.indirect.scatter.add.f32 [tilespmem:s28], [sflag:$0x3], $0x10, s19, s26, $0xb8;
	[tilespmem:$0x1FF00] =	vst v63  }
0x2e4: {  	s19 =	sld [smem:$0x7E4]  }
0x2e5: {  	[spmem:s2] =	stream.indirect.scatter.add.f32 [tilespmem:s29], [sflag:$0x3], $0x10, s9, s26, $0xb8;
	[tilespmem:$0x1FF00] =	vst v63  }
0x2e6: {  	_ = 	snop  }
0x2e7: {  	[spmem:s2] =	stream.indirect.scatter.add.f32 [tilespmem:s30], [sflag:$0x3], $0x10, s19, s26, $0xb8;
	[tilespmem:$0x1FF00] =	vst v63  }
0x2e8: {  	_ =	swait.ge [sflag:s8], $0x2000  }
0x2e9: {  	s9 =	sld [smem:$0x7E6]  }
0x2ea: {  	[sflag:s8] =	ssyncset.done $0x0  }
0x2eb: {  	s19 =	sld [smem:$0x7E8];
	[sflag:s8] =	ssyncadd.s32 $0xFFFFE000  }
0x2ec: {  	[tilespmem:s1], [sflag:$0x2] =	stream.indirect.gather [hbm4b:s4+s26], $0x10, s9, s26, $0xb8;
	[tilespmem:$0x1FF00] =	vst v63  }
0x2ed: {  	s9 =	sld [smem:$0x7EA]  }
0x2ee: {  	[tilespmem:s0], [sflag:$0x2] =	stream.indirect.gather [hbm4b:s4+s26], $0x10, s19, s26, $0xb8;
	[tilespmem:$0x1FF00] =	vst v63  }
0x2ef: {  	s19 =	sld [smem:$0x7EC]  }
0x2f0: {  	[tilespmem:s6], [sflag:$0x2] =	stream.indirect.gather [hbm4b:s4+s26], $0x10, s9, s26, $0xb8;
	[tilespmem:$0x1FF00] =	vst v63  }
0x2f1: {  	_ = 	snop  }
0x2f2: {  	[tilespmem:s7], [sflag:$0x2] =	stream.indirect.gather [hbm4b:s4+s26], $0x10, s19, s26, $0xb8;
	[tilespmem:$0x1FF00] =	vst v63  }
0x2f3: {  	_ =	swait.ge [sflag:s31], $0x2000  }
0x2f4: {  	s9 =	sld [smem:$0x7EE]  }
0x2f5: {  	[sflag:s31] =	ssyncset.done $0x0  }
0x2f6: {  	s19 =	sld [smem:$0x7F0];
	[sflag:s31] =	ssyncadd.s32 $0xFFFFE000  }
0x2f7: {  	[spmem:s2] =	stream.indirect.scatter.add.f32 [tilespmem:s1], [sflag:$0x3], $0x10, s9, s26, $0xb8;
	[tilespmem:$0x1FF00] =	vst v63  }
0x2f8: {  	s9 =	sld [smem:$0x7F2]  }
0x2f9: {  	[spmem:s2] =	stream.indirect.scatter.add.f32 [tilespmem:s0], [sflag:$0x3], $0x10, s19, s26, $0xb8;
	[tilespmem:$0x1FF00] =	vst v63  }
0x2fa: {  	s19 =	sld [smem:$0x7F4]  }
0x2fb: {  	[spmem:s2] =	stream.indirect.scatter.add.f32 [tilespmem:s6], [sflag:$0x3], $0x10, s9, s26, $0xb8;
	[tilespmem:$0x1FF00] =	vst v63  }
0x2fc: {  	_ = 	snop  }
0x2fd: {  	[spmem:s2] =	stream.indirect.scatter.add.f32 [tilespmem:s7], [sflag:$0x3], $0x10, s19, s26, $0xb8;
	[tilespmem:$0x1FF00] =	vst v63  }
0x2fe: {  	_ =	swait.ge [sflag:s8], $0x2000  }
0x2ff: {  	s9 =	sld [smem:$0x7F7]  }
0x300: {  	[sflag:s8] =	ssyncset.done $0x0  }
0x301: {  	s19 =	sld [smem:$0x7F8];
	[sflag:s8] =	ssyncadd.s32 $0xFFFFE000  }
0x302: {  	[tilespmem:s20], [sflag:$0x2] =	stream.indirect.gather [hbm4b:s4+s26], $0x10, s9, s26, $0xb8;
	[tilespmem:$0x1FF00] =	vst v63  }
0x303: {  	s9 =	sld [smem:$0x7F9]  }
0x304: {  	[tilespmem:s28], [sflag:$0x2] =	stream.indirect.gather [hbm4b:s4+s26], $0x10, s19, s26, $0xb8;
	[tilespmem:$0x1FF00] =	vst v63  }
0x305: {  	s19 =	sld [smem:$0x7FA]  }
0x306: {  	[tilespmem:s29], [sflag:$0x2] =	stream.indirect.gather [hbm4b:s4+s26], $0x10, s9, s26, $0xb8;
	[tilespmem:$0x1FF00] =	vst v63  }
0x307: {  	_ = 	snop  }
0x308: {  	[tilespmem:s30], [sflag:$0x2] =	stream.indirect.gather [hbm4b:s4+s26], $0x10, s19, s26, $0xb8;
	[tilespmem:$0x1FF00] =	vst v63  }
0x309: {  	_ =	swait.ge [sflag:s31], $0x2000  }
0x30a: {  	s9 =	sld [smem:$0x7FB]  }
0x30b: {  	[sflag:s31] =	ssyncset.done $0x0  }
0x30c: {  	s19 =	sld [smem:$0x7FC];
	[sflag:s31] =	ssyncadd.s32 $0xFFFFE000  }
0x30d: {  	[spmem:s2] =	stream.indirect.scatter.add.f32 [tilespmem:s20], [sflag:$0x3], $0x10, s9, s26, $0xb8;
	[tilespmem:$0x1FF00] =	vst v63  }
0x30e: {  	s21 =	smov.u32 s5  }
0x30f: {  	[spmem:s2] =	stream.indirect.scatter.add.f32 [tilespmem:s28], [sflag:$0x3], $0x10, s19, s26, $0xb8;
	[tilespmem:$0x1FF00] =	vst v63  }
0x310: {  	s25 =	smov.u32 s21;
	s21 =	simm.s32 $0x1BC00  }
0x311: {  	[spmem:s2] =	stream.indirect.scatter.add.f32 [tilespmem:s29], [sflag:$0x3], $0x10, s21, s26, $0xb8;
	[tilespmem:$0x1FF00] =	vst v63  }
0x312: {  	_ = 	snop  }
0x313: {  	[spmem:s2] =	stream.indirect.scatter.add.f32 [tilespmem:s30], [sflag:$0x3], $0x10, s10, s26, $0xb8;
	[tilespmem:$0x1FF00] =	vst v63  }
0x314: {  	_ =	swait.ge [sflag:s8], $0x2000  }
0x315: {  	[sflag:s8] =	ssyncset.done $0x0  }
0x316: {  	[sflag:s8] =	ssyncadd.s32 $0xFFFFE000  }
0x317: {  	[tilespmem:s1], [sflag:$0x2] =	stream.indirect.gather [hbm4b:s4+s26], $0x10, s11, s26, $0xb8;
	[tilespmem:$0x1FF00] =	vst v63  }
0x318: {  	_ = 	snop  }
0x319: {  	[tilespmem:s0], [sflag:$0x2] =	stream.indirect.gather [hbm4b:s4+s26], $0x10, s12, s26, $0xb8;
	[tilespmem:$0x1FF00] =	vst v63  }
0x31a: {  	_ = 	snop  }
0x31b: {  	[tilespmem:s6], [sflag:$0x2] =	stream.indirect.gather [hbm4b:s4+s26], $0x10, s13, s26, $0xb8;
	[tilespmem:$0x1FF00] =	vst v63  }
0x31c: {  	_ = 	snop  }
0x31d: {  	[tilespmem:s7], [sflag:$0x2] =	stream.indirect.gather [hbm4b:s4+s26], $0x10, s14, s26, $0xb8;
	[tilespmem:$0x1FF00] =	vst v63  }
0x31e: {  	_ =	swait.ge [sflag:s31], $0x2000  }
0x31f: {  	[sflag:s31] =	ssyncset.done $0x0  }
0x320: {  	[sflag:s31] =	ssyncadd.s32 $0xFFFFE000  }
0x321: {  	[spmem:s2] =	stream.indirect.scatter.add.f32 [tilespmem:s1], [sflag:$0x3], $0x10, s15, s26, $0xb8;
	[tilespmem:$0x1FF00] =	vst v63  }
0x322: {  	_ = 	snop  }
0x323: {  	[spmem:s2] =	stream.indirect.scatter.add.f32 [tilespmem:s0], [sflag:$0x3], $0x10, s16, s26, $0xb8;
	[tilespmem:$0x1FF00] =	vst v63  }
0x324: {  	_ = 	snop  }
0x325: {  	[spmem:s2] =	stream.indirect.scatter.add.f32 [tilespmem:s6], [sflag:$0x3], $0x10, s17, s26, $0xb8;
	[tilespmem:$0x1FF00] =	vst v63  }
0x326: {  	p0 =	sne.s32 s5, $0x1500  }
0x327: {  	[spmem:s2] =	stream.indirect.scatter.add.f32 [tilespmem:s7], [sflag:$0x3], $0x10, s18, s26, $0xb8;
	[tilespmem:$0x1FF00] =	vst v63  }
.Ltmp1:
0x328: {  	_ =	swait.ge [sflag:s8], $0x2000;
	(pc) =	sbr.rel @p0 .LBB2_4-.Ltmp1, $4  }
0x329: {  	[sflag:s8] =	ssyncset.done $0x0  }
0x32a: {  	[sflag:s8] =	ssyncadd.s32 $0xFFFFE000  }
0x32b: {  	_ =	swait.ge [sflag:s8], $0x2000  }
0x32c: {  	s5 =	sadd.s32 $0x380, s5;
	s19 =	rddreg [dreg:$0x4];
	[sflag:s8] =	ssyncset.done $0x0  }
0x32d: {  	s5 =	rddreg [dreg:$0x3];
	[sflag:s8] =	ssyncadd.s32 $0xFFFFE000;
	s9 =	sadd.s32 s25, s19  }
0x32e: {  	[tilespmem:s22], [sflag:$0x1] =	stream.linear.gather [hbm4b:s9+s3], $0x1C00, $0x38;
	[tilespmem:$0x1FF00] =	vst v63  }
0x32f: {  	s5 =	sadd.s32 s25, s5  }
0x330: {  	[tilespmem:s23], [sflag:$0x1] =	stream.linear.gather [hbm4b:s5+s3], $0x1C00, $0x38;
	[tilespmem:$0x1FF00] =	vst v63  }
0x331: {  	_ =	swait.ge [sflag:s24], $0x1C00  }
0x332: {  	[sflag:s24] =	ssyncset.done $0x0  }
0x333: {  	[sflag:s24] =	ssyncadd.s32 $0xFFFFE400  }
0x334: {  	_ =	swait.ge [sflag:s24], $0x1C00  }
0x335: {  	[sflag:s24] =	ssyncset.done $0x0  }
0x336: {  	[sflag:s24] =	ssyncadd.s32 $0xFFFFE400  }
0x337: {  	[tilespmem:s20], [sflag:$0x2] =	stream.indirect.gather [hbm4b:s4+s26], $0x10, s22, s26, $0xb8;
	[tilespmem:$0x1FF00] =	vst v63  }
0x338: {  	s9 =	rddreg [dreg:$0x5]  }
0x339: {  	[tilespmem:s28], [sflag:$0x2] =	stream.indirect.gather [hbm4b:s4+s26], $0x10, s9, s26, $0xb8;
	[tilespmem:$0x1FF00] =	vst v63  }
0x33a: {  	s19 =	rddreg [dreg:$0x6]  }
0x33b: {  	[tilespmem:s29], [sflag:$0x2] =	stream.indirect.gather [hbm4b:s4+s26], $0x10, s19, s26, $0xb8;
	[tilespmem:$0x1FF00] =	vst v63  }
0x33c: {  	s25 =	rddreg [dreg:$0x7]  }
0x33d: {  	[tilespmem:s30], [sflag:$0x2] =	stream.indirect.gather [hbm4b:s4+s26], $0x10, s25, s26, $0xb8;
	[tilespmem:$0x1FF00] =	vst v63  }
0x33e: {  	_ =	swait.ge [sflag:s31], $0x2000  }
0x33f: {  	[sflag:s31] =	ssyncset.done $0x0  }
0x340: {  	[sflag:s31] =	ssyncadd.s32 $0xFFFFE000  }
0x341: {  	[spmem:s2] =	stream.indirect.scatter.add.f32 [tilespmem:s20], [sflag:$0x3], $0x10, s23, s26, $0xb8;
	[tilespmem:$0x1FF00] =	vst v63  }
0x342: {  	s9 =	rddreg [dreg:$0x8]  }
0x343: {  	[spmem:s2] =	stream.indirect.scatter.add.f32 [tilespmem:s28], [sflag:$0x3], $0x10, s9, s26, $0xb8;
	[tilespmem:$0x1FF00] =	vst v63  }
0x344: {  	s19 =	rddreg [dreg:$0x9]  }
0x345: {  	[spmem:s2] =	stream.indirect.scatter.add.f32 [tilespmem:s29], [sflag:$0x3], $0x10, s19, s26, $0xb8;
	[tilespmem:$0x1FF00] =	vst v63  }
0x346: {  	s25 =	rddreg [dreg:$0xa]  }
0x347: {  	[spmem:s2] =	stream.indirect.scatter.add.f32 [tilespmem:s30], [sflag:$0x3], $0x10, s25, s26, $0xb8;
	[tilespmem:$0x1FF00] =	vst v63  }
0x348: {  	s19 =	rddreg [dreg:$0xb]  }
0x349: {  	[tilespmem:s1], [sflag:$0x2] =	stream.indirect.gather [hbm4b:s4+s26], $0x10, s19, s26, $0xb8;
	[tilespmem:$0x1FF00] =	vst v63  }
0x34a: {  	s25 =	rddreg [dreg:$0xc]  }
0x34b: {  	[tilespmem:s0], [sflag:$0x2] =	stream.indirect.gather [hbm4b:s4+s26], $0x10, s25, s26, $0xb8;
	[tilespmem:$0x1FF00] =	vst v63  }
0x34c: {  	s19 =	rddreg [dreg:$0xd]  }
0x34d: {  	[tilespmem:s6], [sflag:$0x2] =	stream.indirect.gather [hbm4b:s4+s26], $0x10, s19, s26, $0xb8;
	[tilespmem:$0x1FF00] =	vst v63  }
0x34e: {  	s25 =	rddreg [dreg:$0xe]  }
0x34f: {  	[tilespmem:s7], [sflag:$0x2] =	stream.indirect.gather [hbm4b:s4+s26], $0x10, s25, s26, $0xb8;
	[tilespmem:$0x1FF00] =	vst v63  }
0x350: {  	_ =	swait.ge [sflag:s31], $0x2000  }
0x351: {  	[sflag:s31] =	ssyncset.done $0x0  }
0x352: {  	s19 =	rddreg [dreg:$0xf];
	[sflag:s31] =	ssyncadd.s32 $0xFFFFE000  }
0x353: {  	[spmem:s2] =	stream.indirect.scatter.add.f32 [tilespmem:s1], [sflag:$0x3], $0x10, s19, s26, $0xb8;
	[tilespmem:$0x1FF00] =	vst v63  }
0x354: {  	s25 =	rddreg [dreg:$0x10]  }
0x355: {  	[spmem:s2] =	stream.indirect.scatter.add.f32 [tilespmem:s0], [sflag:$0x3], $0x10, s25, s26, $0xb8;
	[tilespmem:$0x1FF00] =	vst v63  }
0x356: {  	s19 =	rddreg [dreg:$0x11]  }
0x357: {  	[spmem:s2] =	stream.indirect.scatter.add.f32 [tilespmem:s6], [sflag:$0x3], $0x10, s19, s26, $0xb8;
	[tilespmem:$0x1FF00] =	vst v63  }
0x358: {  	s25 =	rddreg [dreg:$0x12]  }
0x359: {  	[spmem:s2] =	stream.indirect.scatter.add.f32 [tilespmem:s7], [sflag:$0x3], $0x10, s25, s26, $0xb8;
	[tilespmem:$0x1FF00] =	vst v63  }
0x35a: {  	_ =	swait.ge [sflag:s8], $0x2000  }
0x35b: {  	[sflag:s8] =	ssyncset.done $0x0  }
0x35c: {  	s19 =	rddreg [dreg:$0x13];
	[sflag:s8] =	ssyncadd.s32 $0xFFFFE000  }
0x35d: {  	[tilespmem:s20], [sflag:$0x2] =	stream.indirect.gather [hbm4b:s4+s26], $0x10, s19, s26, $0xb8;
	[tilespmem:$0x1FF00] =	vst v63  }
0x35e: {  	s25 =	rddreg [dreg:$0x14]  }
0x35f: {  	[tilespmem:s28], [sflag:$0x2] =	stream.indirect.gather [hbm4b:s4+s26], $0x10, s25, s26, $0xb8;
	[tilespmem:$0x1FF00] =	vst v63  }
0x360: {  	s19 =	rddreg [dreg:$0x15]  }
0x361: {  	[tilespmem:s29], [sflag:$0x2] =	stream.indirect.gather [hbm4b:s4+s26], $0x10, s19, s26, $0xb8;
	[tilespmem:$0x1FF00] =	vst v63  }
0x362: {  	s25 =	rddreg [dreg:$0x16]  }
0x363: {  	[tilespmem:s30], [sflag:$0x2] =	stream.indirect.gather [hbm4b:s4+s26], $0x10, s25, s26, $0xb8;
	[tilespmem:$0x1FF00] =	vst v63  }
0x364: {  	_ =	swait.ge [sflag:s31], $0x2000  }
0x365: {  	[sflag:s31] =	ssyncset.done $0x0  }
0x366: {  	s19 =	rddreg [dreg:$0x17];
	[sflag:s31] =	ssyncadd.s32 $0xFFFFE000  }
0x367: {  	[spmem:s2] =	stream.indirect.scatter.add.f32 [tilespmem:s20], [sflag:$0x3], $0x10, s19, s26, $0xb8;
	[tilespmem:$0x1FF00] =	vst v63  }
0x368: {  	s25 =	rddreg [dreg:$0x18]  }
0x369: {  	[spmem:s2] =	stream.indirect.scatter.add.f32 [tilespmem:s28], [sflag:$0x3], $0x10, s25, s26, $0xb8;
	[tilespmem:$0x1FF00] =	vst v63  }
0x36a: {  	s19 =	rddreg [dreg:$0x19]  }
0x36b: {  	[spmem:s2] =	stream.indirect.scatter.add.f32 [tilespmem:s29], [sflag:$0x3], $0x10, s19, s26, $0xb8;
	[tilespmem:$0x1FF00] =	vst v63  }
0x36c: {  	s25 =	rddreg [dreg:$0x1a]  }
0x36d: {  	[spmem:s2] =	stream.indirect.scatter.add.f32 [tilespmem:s30], [sflag:$0x3], $0x10, s25, s26, $0xb8;
	[tilespmem:$0x1FF00] =	vst v63  }
0x36e: {  	_ =	swait.ge [sflag:s8], $0x2000  }
0x36f: {  	[sflag:s8] =	ssyncset.done $0x0  }
0x370: {  	s19 =	rddreg [dreg:$0x1b];
	[sflag:s8] =	ssyncadd.s32 $0xFFFFE000  }
0x371: {  	[tilespmem:s1], [sflag:$0x2] =	stream.indirect.gather [hbm4b:s4+s26], $0x10, s19, s26, $0xb8;
	[tilespmem:$0x1FF00] =	vst v63  }
0x372: {  	s25 =	rddreg [dreg:$0x1c]  }
0x373: {  	[tilespmem:s0], [sflag:$0x2] =	stream.indirect.gather [hbm4b:s4+s26], $0x10, s25, s26, $0xb8;
	[tilespmem:$0x1FF00] =	vst v63  }
0x374: {  	s19 =	rddreg [dreg:$0x1d]  }
0x375: {  	[tilespmem:s6], [sflag:$0x2] =	stream.indirect.gather [hbm4b:s4+s26], $0x10, s19, s26, $0xb8;
	[tilespmem:$0x1FF00] =	vst v63  }
0x376: {  	s25 =	rddreg [dreg:$0x1e]  }
0x377: {  	[tilespmem:s7], [sflag:$0x2] =	stream.indirect.gather [hbm4b:s4+s26], $0x10, s25, s26, $0xb8;
	[tilespmem:$0x1FF00] =	vst v63  }
0x378: {  	_ =	swait.ge [sflag:s31], $0x2000  }
0x379: {  	s19 =	rddreg [dreg:$0x1f];
	[sflag:s31] =	ssyncset.done $0x0  }
0x37a: {  	s25 =	sld [smem:$0x7A5];
	[sflag:s31] =	ssyncadd.s32 $0xFFFFE000  }
0x37b: {  	[spmem:s2] =	stream.indirect.scatter.add.f32 [tilespmem:s1], [sflag:$0x3], $0x10, s19, s26, $0xb8;
	[tilespmem:$0x1FF00] =	vst v63  }
0x37c: {  	s19 =	sld [smem:$0x7A6]  }
0x37d: {  	[spmem:s2] =	stream.indirect.scatter.add.f32 [tilespmem:s0], [sflag:$0x3], $0x10, s25, s26, $0xb8;
	[tilespmem:$0x1FF00] =	vst v63  }
0x37e: {  	s25 =	sld [smem:$0x7A7]  }
0x37f: {  	[spmem:s2] =	stream.indirect.scatter.add.f32 [tilespmem:s6], [sflag:$0x3], $0x10, s19, s26, $0xb8;
	[tilespmem:$0x1FF00] =	vst v63  }
0x380: {  	_ = 	snop  }
0x381: {  	[spmem:s2] =	stream.indirect.scatter.add.f32 [tilespmem:s7], [sflag:$0x3], $0x10, s25, s26, $0xb8;
	[tilespmem:$0x1FF00] =	vst v63  }
0x382: {  	_ =	swait.ge [sflag:s8], $0x2000  }
0x383: {  	s19 =	sld [smem:$0x7A8]  }
0x384: {  	[sflag:s8] =	ssyncset.done $0x0  }
0x385: {  	s25 =	sld [smem:$0x7A9];
	[sflag:s8] =	ssyncadd.s32 $0xFFFFE000  }
0x386: {  	[tilespmem:s20], [sflag:$0x2] =	stream.indirect.gather [hbm4b:s4+s26], $0x10, s19, s26, $0xb8;
	[tilespmem:$0x1FF00] =	vst v63  }
0x387: {  	s19 =	sld [smem:$0x7AA]  }
0x388: {  	[tilespmem:s28], [sflag:$0x2] =	stream.indirect.gather [hbm4b:s4+s26], $0x10, s25, s26, $0xb8;
	[tilespmem:$0x1FF00] =	vst v63  }
0x389: {  	s25 =	sld [smem:$0x7AB]  }
0x38a: {  	[tilespmem:s29], [sflag:$0x2] =	stream.indirect.gather [hbm4b:s4+s26], $0x10, s19, s26, $0xb8;
	[tilespmem:$0x1FF00] =	vst v63  }
0x38b: {  	_ = 	snop  }
0x38c: {  	[tilespmem:s30], [sflag:$0x2] =	stream.indirect.gather [hbm4b:s4+s26], $0x10, s25, s26, $0xb8;
	[tilespmem:$0x1FF00] =	vst v63  }
0x38d: {  	_ =	swait.ge [sflag:s31], $0x2000  }
0x38e: {  	s19 =	sld [smem:$0x7AC]  }
0x38f: {  	[sflag:s31] =	ssyncset.done $0x0  }
0x390: {  	s25 =	sld [smem:$0x7AD];
	[sflag:s31] =	ssyncadd.s32 $0xFFFFE000  }
0x391: {  	[spmem:s2] =	stream.indirect.scatter.add.f32 [tilespmem:s20], [sflag:$0x3], $0x10, s19, s26, $0xb8;
	[tilespmem:$0x1FF00] =	vst v63  }
0x392: {  	s19 =	sld [smem:$0x7AE]  }
0x393: {  	[spmem:s2] =	stream.indirect.scatter.add.f32 [tilespmem:s28], [sflag:$0x3], $0x10, s25, s26, $0xb8;
	[tilespmem:$0x1FF00] =	vst v63  }
0x394: {  	s25 =	sld [smem:$0x7AF]  }
0x395: {  	[spmem:s2] =	stream.indirect.scatter.add.f32 [tilespmem:s29], [sflag:$0x3], $0x10, s19, s26, $0xb8;
	[tilespmem:$0x1FF00] =	vst v63  }
0x396: {  	_ = 	snop  }
0x397: {  	[spmem:s2] =	stream.indirect.scatter.add.f32 [tilespmem:s30], [sflag:$0x3], $0x10, s25, s26, $0xb8;
	[tilespmem:$0x1FF00] =	vst v63  }
0x398: {  	_ =	swait.ge [sflag:s8], $0x2000  }
0x399: {  	s19 =	sld [smem:$0x7B0]  }
0x39a: {  	[sflag:s8] =	ssyncset.done $0x0  }
0x39b: {  	s25 =	sld [smem:$0x7B1];
	[sflag:s8] =	ssyncadd.s32 $0xFFFFE000  }
0x39c: {  	[tilespmem:s1], [sflag:$0x2] =	stream.indirect.gather [hbm4b:s4+s26], $0x10, s19, s26, $0xb8;
	[tilespmem:$0x1FF00] =	vst v63  }
0x39d: {  	s19 =	sld [smem:$0x7B2]  }
0x39e: {  	[tilespmem:s0], [sflag:$0x2] =	stream.indirect.gather [hbm4b:s4+s26], $0x10, s25, s26, $0xb8;
	[tilespmem:$0x1FF00] =	vst v63  }
0x39f: {  	s25 =	sld [smem:$0x7B3]  }
0x3a0: {  	[tilespmem:s6], [sflag:$0x2] =	stream.indirect.gather [hbm4b:s4+s26], $0x10, s19, s26, $0xb8;
	[tilespmem:$0x1FF00] =	vst v63  }
0x3a1: {  	_ = 	snop  }
0x3a2: {  	[tilespmem:s7], [sflag:$0x2] =	stream.indirect.gather [hbm4b:s4+s26], $0x10, s25, s26, $0xb8;
	[tilespmem:$0x1FF00] =	vst v63  }
0x3a3: {  	_ =	swait.ge [sflag:s31], $0x2000  }
0x3a4: {  	s19 =	sld [smem:$0x7B4]  }
0x3a5: {  	[sflag:s31] =	ssyncset.done $0x0  }
0x3a6: {  	s25 =	sld [smem:$0x7B5];
	[sflag:s31] =	ssyncadd.s32 $0xFFFFE000  }
0x3a7: {  	[spmem:s2] =	stream.indirect.scatter.add.f32 [tilespmem:s1], [sflag:$0x3], $0x10, s19, s26, $0xb8;
	[tilespmem:$0x1FF00] =	vst v63  }
0x3a8: {  	s19 =	sld [smem:$0x7B6]  }
0x3a9: {  	[spmem:s2] =	stream.indirect.scatter.add.f32 [tilespmem:s0], [sflag:$0x3], $0x10, s25, s26, $0xb8;
	[tilespmem:$0x1FF00] =	vst v63  }
0x3aa: {  	s25 =	sld [smem:$0x7B7]  }
0x3ab: {  	[spmem:s2] =	stream.indirect.scatter.add.f32 [tilespmem:s6], [sflag:$0x3], $0x10, s19, s26, $0xb8;
	[tilespmem:$0x1FF00] =	vst v63  }
0x3ac: {  	_ = 	snop  }
0x3ad: {  	[spmem:s2] =	stream.indirect.scatter.add.f32 [tilespmem:s7], [sflag:$0x3], $0x10, s25, s26, $0xb8;
	[tilespmem:$0x1FF00] =	vst v63  }
0x3ae: {  	_ =	swait.ge [sflag:s8], $0x2000  }
0x3af: {  	s19 =	sld [smem:$0x7B8]  }
0x3b0: {  	[sflag:s8] =	ssyncset.done $0x0  }
0x3b1: {  	s25 =	sld [smem:$0x7B9];
	[sflag:s8] =	ssyncadd.s32 $0xFFFFE000  }
0x3b2: {  	[tilespmem:s20], [sflag:$0x2] =	stream.indirect.gather [hbm4b:s4+s26], $0x10, s19, s26, $0xb8;
	[tilespmem:$0x1FF00] =	vst v63  }
0x3b3: {  	s19 =	sld [smem:$0x7BA]  }
0x3b4: {  	[tilespmem:s28], [sflag:$0x2] =	stream.indirect.gather [hbm4b:s4+s26], $0x10, s25, s26, $0xb8;
	[tilespmem:$0x1FF00] =	vst v63  }
0x3b5: {  	s25 =	sld [smem:$0x7BB]  }
0x3b6: {  	[tilespmem:s29], [sflag:$0x2] =	stream.indirect.gather [hbm4b:s4+s26], $0x10, s19, s26, $0xb8;
	[tilespmem:$0x1FF00] =	vst v63  }
0x3b7: {  	_ = 	snop  }
0x3b8: {  	[tilespmem:s30], [sflag:$0x2] =	stream.indirect.gather [hbm4b:s4+s26], $0x10, s25, s26, $0xb8;
	[tilespmem:$0x1FF00] =	vst v63  }
0x3b9: {  	_ =	swait.ge [sflag:s31], $0x2000  }
0x3ba: {  	s19 =	sld [smem:$0x7BC]  }
0x3bb: {  	[sflag:s31] =	ssyncset.done $0x0  }
0x3bc: {  	s25 =	sld [smem:$0x7BD];
	[sflag:s31] =	ssyncadd.s32 $0xFFFFE000  }
0x3bd: {  	[spmem:s2] =	stream.indirect.scatter.add.f32 [tilespmem:s20], [sflag:$0x3], $0x10, s19, s26, $0xb8;
	[tilespmem:$0x1FF00] =	vst v63  }
0x3be: {  	s19 =	sld [smem:$0x7BE]  }
0x3bf: {  	[spmem:s2] =	stream.indirect.scatter.add.f32 [tilespmem:s28], [sflag:$0x3], $0x10, s25, s26, $0xb8;
	[tilespmem:$0x1FF00] =	vst v63  }
0x3c0: {  	s25 =	sld [smem:$0x7BF]  }
0x3c1: {  	[spmem:s2] =	stream.indirect.scatter.add.f32 [tilespmem:s29], [sflag:$0x3], $0x10, s19, s26, $0xb8;
	[tilespmem:$0x1FF00] =	vst v63  }
0x3c2: {  	_ = 	snop  }
0x3c3: {  	[spmem:s2] =	stream.indirect.scatter.add.f32 [tilespmem:s30], [sflag:$0x3], $0x10, s25, s26, $0xb8;
	[tilespmem:$0x1FF00] =	vst v63  }
0x3c4: {  	_ =	swait.ge [sflag:s8], $0x2000  }
0x3c5: {  	s19 =	sld [smem:$0x7C0]  }
0x3c6: {  	[sflag:s8] =	ssyncset.done $0x0  }
0x3c7: {  	s25 =	sld [smem:$0x7C1];
	[sflag:s8] =	ssyncadd.s32 $0xFFFFE000  }
0x3c8: {  	[tilespmem:s1], [sflag:$0x2] =	stream.indirect.gather [hbm4b:s4+s26], $0x10, s19, s26, $0xb8;
	[tilespmem:$0x1FF00] =	vst v63  }
0x3c9: {  	s19 =	sld [smem:$0x7C2]  }
0x3ca: {  	[tilespmem:s0], [sflag:$0x2] =	stream.indirect.gather [hbm4b:s4+s26], $0x10, s25, s26, $0xb8;
	[tilespmem:$0x1FF00] =	vst v63  }
0x3cb: {  	s25 =	sld [smem:$0x7C3]  }
0x3cc: {  	[tilespmem:s6], [sflag:$0x2] =	stream.indirect.gather [hbm4b:s4+s26], $0x10, s19, s26, $0xb8;
	[tilespmem:$0x1FF00] =	vst v63  }
0x3cd: {  	_ = 	snop  }
0x3ce: {  	[tilespmem:s7], [sflag:$0x2] =	stream.indirect.gather [hbm4b:s4+s26], $0x10, s25, s26, $0xb8;
	[tilespmem:$0x1FF00] =	vst v63  }
0x3cf: {  	_ =	swait.ge [sflag:s31], $0x2000  }
0x3d0: {  	s19 =	sld [smem:$0x7C4]  }
0x3d1: {  	[sflag:s31] =	ssyncset.done $0x0  }
0x3d2: {  	s25 =	sld [smem:$0x7C5];
	[sflag:s31] =	ssyncadd.s32 $0xFFFFE000  }
0x3d3: {  	[spmem:s2] =	stream.indirect.scatter.add.f32 [tilespmem:s1], [sflag:$0x3], $0x10, s19, s26, $0xb8;
	[tilespmem:$0x1FF00] =	vst v63  }
0x3d4: {  	s19 =	sld [smem:$0x7C6]  }
0x3d5: {  	[spmem:s2] =	stream.indirect.scatter.add.f32 [tilespmem:s0], [sflag:$0x3], $0x10, s25, s26, $0xb8;
	[tilespmem:$0x1FF00] =	vst v63  }
0x3d6: {  	s25 =	sld [smem:$0x7C7]  }
0x3d7: {  	[spmem:s2] =	stream.indirect.scatter.add.f32 [tilespmem:s6], [sflag:$0x3], $0x10, s19, s26, $0xb8;
	[tilespmem:$0x1FF00] =	vst v63  }
0x3d8: {  	_ = 	snop  }
0x3d9: {  	[spmem:s2] =	stream.indirect.scatter.add.f32 [tilespmem:s7], [sflag:$0x3], $0x10, s25, s26, $0xb8;
	[tilespmem:$0x1FF00] =	vst v63  }
0x3da: {  	_ =	swait.ge [sflag:s8], $0x2000  }
0x3db: {  	s19 =	sld [smem:$0x7C8]  }
0x3dc: {  	[sflag:s8] =	ssyncset.done $0x0  }
0x3dd: {  	s25 =	sld [smem:$0x7C9];
	[sflag:s8] =	ssyncadd.s32 $0xFFFFE000  }
0x3de: {  	[tilespmem:s20], [sflag:$0x2] =	stream.indirect.gather [hbm4b:s4+s26], $0x10, s19, s26, $0xb8;
	[tilespmem:$0x1FF00] =	vst v63  }
0x3df: {  	s19 =	sld [smem:$0x7CA]  }
0x3e0: {  	[tilespmem:s28], [sflag:$0x2] =	stream.indirect.gather [hbm4b:s4+s26], $0x10, s25, s26, $0xb8;
	[tilespmem:$0x1FF00] =	vst v63  }
0x3e1: {  	s25 =	sld [smem:$0x7CB]  }
0x3e2: {  	[tilespmem:s29], [sflag:$0x2] =	stream.indirect.gather [hbm4b:s4+s26], $0x10, s19, s26, $0xb8;
	[tilespmem:$0x1FF00] =	vst v63  }
0x3e3: {  	_ = 	snop  }
0x3e4: {  	[tilespmem:s30], [sflag:$0x2] =	stream.indirect.gather [hbm4b:s4+s26], $0x10, s25, s26, $0xb8;
	[tilespmem:$0x1FF00] =	vst v63  }
0x3e5: {  	_ =	swait.ge [sflag:s31], $0x2000  }
0x3e6: {  	s19 =	sld [smem:$0x7CC]  }
0x3e7: {  	[sflag:s31] =	ssyncset.done $0x0  }
0x3e8: {  	s25 =	sld [smem:$0x7CD];
	[sflag:s31] =	ssyncadd.s32 $0xFFFFE000  }
0x3e9: {  	[spmem:s2] =	stream.indirect.scatter.add.f32 [tilespmem:s20], [sflag:$0x3], $0x10, s19, s26, $0xb8;
	[tilespmem:$0x1FF00] =	vst v63  }
0x3ea: {  	s19 =	sld [smem:$0x7CE]  }
0x3eb: {  	[spmem:s2] =	stream.indirect.scatter.add.f32 [tilespmem:s28], [sflag:$0x3], $0x10, s25, s26, $0xb8;
	[tilespmem:$0x1FF00] =	vst v63  }
0x3ec: {  	s25 =	sld [smem:$0x7CF]  }
0x3ed: {  	[spmem:s2] =	stream.indirect.scatter.add.f32 [tilespmem:s29], [sflag:$0x3], $0x10, s19, s26, $0xb8;
	[tilespmem:$0x1FF00] =	vst v63  }
0x3ee: {  	_ = 	snop  }
0x3ef: {  	[spmem:s2] =	stream.indirect.scatter.add.f32 [tilespmem:s30], [sflag:$0x3], $0x10, s25, s26, $0xb8;
	[tilespmem:$0x1FF00] =	vst v63  }
0x3f0: {  	_ =	swait.ge [sflag:s8], $0x2000  }
0x3f1: {  	s19 =	sld [smem:$0x7D0]  }
0x3f2: {  	[sflag:s8] =	ssyncset.done $0x0  }
0x3f3: {  	s25 =	sld [smem:$0x7D1];
	[sflag:s8] =	ssyncadd.s32 $0xFFFFE000  }
0x3f4: {  	[tilespmem:s1], [sflag:$0x2] =	stream.indirect.gather [hbm4b:s4+s26], $0x10, s19, s26, $0xb8;
	[tilespmem:$0x1FF00] =	vst v63  }
0x3f5: {  	s19 =	sld [smem:$0x7D2]  }
0x3f6: {  	[tilespmem:s0], [sflag:$0x2] =	stream.indirect.gather [hbm4b:s4+s26], $0x10, s25, s26, $0xb8;
	[tilespmem:$0x1FF00] =	vst v63  }
0x3f7: {  	s25 =	sld [smem:$0x7D3]  }
0x3f8: {  	[tilespmem:s6], [sflag:$0x2] =	stream.indirect.gather [hbm4b:s4+s26], $0x10, s19, s26, $0xb8;
	[tilespmem:$0x1FF00] =	vst v63  }
0x3f9: {  	_ = 	snop  }
0x3fa: {  	[tilespmem:s7], [sflag:$0x2] =	stream.indirect.gather [hbm4b:s4+s26], $0x10, s25, s26, $0xb8;
	[tilespmem:$0x1FF00] =	vst v63  }
0x3fb: {  	_ =	swait.ge [sflag:s31], $0x2000  }
0x3fc: {  	s19 =	sld [smem:$0x7D4]  }
0x3fd: {  	[sflag:s31] =	ssyncset.done $0x0  }
0x3fe: {  	s25 =	sld [smem:$0x7D5];
	[sflag:s31] =	ssyncadd.s32 $0xFFFFE000  }
0x3ff: {  	[spmem:s2] =	stream.indirect.scatter.add.f32 [tilespmem:s1], [sflag:$0x3], $0x10, s19, s26, $0xb8;
	[tilespmem:$0x1FF00] =	vst v63  }
0x400: {  	s19 =	sld [smem:$0x7D6]  }
0x401: {  	[spmem:s2] =	stream.indirect.scatter.add.f32 [tilespmem:s0], [sflag:$0x3], $0x10, s25, s26, $0xb8;
	[tilespmem:$0x1FF00] =	vst v63  }
0x402: {  	s25 =	sld [smem:$0x7D7]  }
0x403: {  	[spmem:s2] =	stream.indirect.scatter.add.f32 [tilespmem:s6], [sflag:$0x3], $0x10, s19, s26, $0xb8;
	[tilespmem:$0x1FF00] =	vst v63  }
0x404: {  	_ = 	snop  }
0x405: {  	[spmem:s2] =	stream.indirect.scatter.add.f32 [tilespmem:s7], [sflag:$0x3], $0x10, s25, s26, $0xb8;
	[tilespmem:$0x1FF00] =	vst v63  }
0x406: {  	_ =	swait.ge [sflag:s8], $0x2000  }
0x407: {  	s19 =	sld [smem:$0x7D8]  }
0x408: {  	[sflag:s8] =	ssyncset.done $0x0  }
0x409: {  	s25 =	sld [smem:$0x7D9];
	[sflag:s8] =	ssyncadd.s32 $0xFFFFE000  }
0x40a: {  	[tilespmem:s20], [sflag:$0x2] =	stream.indirect.gather [hbm4b:s4+s26], $0x10, s19, s26, $0xb8;
	[tilespmem:$0x1FF00] =	vst v63  }
0x40b: {  	s19 =	sld [smem:$0x7DB]  }
0x40c: {  	[tilespmem:s28], [sflag:$0x2] =	stream.indirect.gather [hbm4b:s4+s26], $0x10, s25, s26, $0xb8;
	[tilespmem:$0x1FF00] =	vst v63  }
0x40d: {  	s25 =	sld [smem:$0x7DD]  }
0x40e: {  	[tilespmem:s29], [sflag:$0x2] =	stream.indirect.gather [hbm4b:s4+s26], $0x10, s19, s26, $0xb8;
	[tilespmem:$0x1FF00] =	vst v63  }
0x40f: {  	_ = 	snop  }
0x410: {  	[tilespmem:s30], [sflag:$0x2] =	stream.indirect.gather [hbm4b:s4+s26], $0x10, s25, s26, $0xb8;
	[tilespmem:$0x1FF00] =	vst v63  }
0x411: {  	_ =	swait.ge [sflag:s31], $0x2000  }
0x412: {  	s19 =	sld [smem:$0x7DE]  }
0x413: {  	[sflag:s31] =	ssyncset.done $0x0  }
0x414: {  	s25 =	sld [smem:$0x7E0];
	[sflag:s31] =	ssyncadd.s32 $0xFFFFE000  }
0x415: {  	[spmem:s2] =	stream.indirect.scatter.add.f32 [tilespmem:s20], [sflag:$0x3], $0x10, s19, s26, $0xb8;
	[tilespmem:$0x1FF00] =	vst v63  }
0x416: {  	s19 =	sld [smem:$0x7E2]  }
0x417: {  	[spmem:s2] =	stream.indirect.scatter.add.f32 [tilespmem:s28], [sflag:$0x3], $0x10, s25, s26, $0xb8;
	[tilespmem:$0x1FF00] =	vst v63  }
0x418: {  	s25 =	sld [smem:$0x7E4]  }
0x419: {  	[spmem:s2] =	stream.indirect.scatter.add.f32 [tilespmem:s29], [sflag:$0x3], $0x10, s19, s26, $0xb8;
	[tilespmem:$0x1FF00] =	vst v63  }
0x41a: {  	_ = 	snop  }
0x41b: {  	[spmem:s2] =	stream.indirect.scatter.add.f32 [tilespmem:s30], [sflag:$0x3], $0x10, s25, s26, $0xb8;
	[tilespmem:$0x1FF00] =	vst v63  }
0x41c: {  	_ =	swait.ge [sflag:s8], $0x2000  }
0x41d: {  	s19 =	sld [smem:$0x7E6]  }
0x41e: {  	[sflag:s8] =	ssyncset.done $0x0  }
0x41f: {  	s25 =	sld [smem:$0x7E8];
	[sflag:s8] =	ssyncadd.s32 $0xFFFFE000  }
0x420: {  	[tilespmem:s1], [sflag:$0x2] =	stream.indirect.gather [hbm4b:s4+s26], $0x10, s19, s26, $0xb8;
	[tilespmem:$0x1FF00] =	vst v63  }
0x421: {  	s19 =	sld [smem:$0x7EA]  }
0x422: {  	[tilespmem:s0], [sflag:$0x2] =	stream.indirect.gather [hbm4b:s4+s26], $0x10, s25, s26, $0xb8;
	[tilespmem:$0x1FF00] =	vst v63  }
0x423: {  	s25 =	sld [smem:$0x7EC]  }
0x424: {  	[tilespmem:s6], [sflag:$0x2] =	stream.indirect.gather [hbm4b:s4+s26], $0x10, s19, s26, $0xb8;
	[tilespmem:$0x1FF00] =	vst v63  }
0x425: {  	_ = 	snop  }
0x426: {  	[tilespmem:s7], [sflag:$0x2] =	stream.indirect.gather [hbm4b:s4+s26], $0x10, s25, s26, $0xb8;
	[tilespmem:$0x1FF00] =	vst v63  }
0x427: {  	_ =	swait.ge [sflag:s31], $0x2000  }
0x428: {  	s19 =	sld [smem:$0x7EE]  }
0x429: {  	[sflag:s31] =	ssyncset.done $0x0  }
0x42a: {  	s25 =	sld [smem:$0x7F0];
	[sflag:s31] =	ssyncadd.s32 $0xFFFFE000  }
0x42b: {  	[spmem:s2] =	stream.indirect.scatter.add.f32 [tilespmem:s1], [sflag:$0x3], $0x10, s19, s26, $0xb8;
	[tilespmem:$0x1FF00] =	vst v63  }
0x42c: {  	s19 =	sld [smem:$0x7F2]  }
0x42d: {  	[spmem:s2] =	stream.indirect.scatter.add.f32 [tilespmem:s0], [sflag:$0x3], $0x10, s25, s26, $0xb8;
	[tilespmem:$0x1FF00] =	vst v63  }
0x42e: {  	s25 =	sld [smem:$0x7F4]  }
0x42f: {  	[spmem:s2] =	stream.indirect.scatter.add.f32 [tilespmem:s6], [sflag:$0x3], $0x10, s19, s26, $0xb8;
	[tilespmem:$0x1FF00] =	vst v63  }
0x430: {  	_ = 	snop  }
0x431: {  	[spmem:s2] =	stream.indirect.scatter.add.f32 [tilespmem:s7], [sflag:$0x3], $0x10, s25, s26, $0xb8;
	[tilespmem:$0x1FF00] =	vst v63  }
0x432: {  	_ =	swait.ge [sflag:s8], $0x2000  }
0x433: {  	s19 =	sld [smem:$0x7F7]  }
0x434: {  	[sflag:s8] =	ssyncset.done $0x0  }
0x435: {  	s25 =	sld [smem:$0x7F8];
	[sflag:s8] =	ssyncadd.s32 $0xFFFFE000  }
0x436: {  	[tilespmem:s20], [sflag:$0x2] =	stream.indirect.gather [hbm4b:s4+s26], $0x10, s19, s26, $0xb8;
	[tilespmem:$0x1FF00] =	vst v63  }
0x437: {  	s19 =	sld [smem:$0x7F9]  }
0x438: {  	[tilespmem:s28], [sflag:$0x2] =	stream.indirect.gather [hbm4b:s4+s26], $0x10, s25, s26, $0xb8;
	[tilespmem:$0x1FF00] =	vst v63  }
0x439: {  	s25 =	sld [smem:$0x7FA]  }
0x43a: {  	[tilespmem:s29], [sflag:$0x2] =	stream.indirect.gather [hbm4b:s4+s26], $0x10, s19, s26, $0xb8;
	[tilespmem:$0x1FF00] =	vst v63  }
0x43b: {  	_ = 	snop  }
0x43c: {  	[tilespmem:s30], [sflag:$0x2] =	stream.indirect.gather [hbm4b:s4+s26], $0x10, s25, s26, $0xb8;
	[tilespmem:$0x1FF00] =	vst v63  }
0x43d: {  	_ =	swait.ge [sflag:s31], $0x2000  }
0x43e: {  	s19 =	sld [smem:$0x7FB]  }
0x43f: {  	[sflag:s31] =	ssyncset.done $0x0  }
0x440: {  	s25 =	sld [smem:$0x7FC];
	[sflag:s31] =	ssyncadd.s32 $0xFFFFE000  }
0x441: {  	[spmem:s2] =	stream.indirect.scatter.add.f32 [tilespmem:s20], [sflag:$0x3], $0x10, s19, s26, $0xb8;
	[tilespmem:$0x1FF00] =	vst v63  }
0x442: {  	_ = 	snop  }
0x443: {  	[spmem:s2] =	stream.indirect.scatter.add.f32 [tilespmem:s28], [sflag:$0x3], $0x10, s25, s26, $0xb8;
	[tilespmem:$0x1FF00] =	vst v63  }
0x444: {  	_ = 	snop  }
0x445: {  	[spmem:s2] =	stream.indirect.scatter.add.f32 [tilespmem:s29], [sflag:$0x3], $0x10, s21, s26, $0xb8;
	[tilespmem:$0x1FF00] =	vst v63  }
0x446: {  	_ = 	snop  }
0x447: {  	[spmem:s2] =	stream.indirect.scatter.add.f32 [tilespmem:s30], [sflag:$0x3], $0x10, s10, s26, $0xb8;
	[tilespmem:$0x1FF00] =	vst v63  }
0x448: {  	_ =	swait.ge [sflag:s8], $0x2000  }
0x449: {  	[sflag:s8] =	ssyncset.done $0x0  }
0x44a: {  	[sflag:s8] =	ssyncadd.s32 $0xFFFFE000  }
0x44b: {  	[tilespmem:s1], [sflag:$0x2] =	stream.indirect.gather [hbm4b:s4+s26], $0x10, s11, s26, $0xb8;
	[tilespmem:$0x1FF00] =	vst v63  }
0x44c: {  	_ = 	snop  }
0x44d: {  	[tilespmem:s0], [sflag:$0x2] =	stream.indirect.gather [hbm4b:s4+s26], $0x10, s12, s26, $0xb8;
	[tilespmem:$0x1FF00] =	vst v63  }
0x44e: {  	_ = 	snop  }
0x44f: {  	[tilespmem:s6], [sflag:$0x2] =	stream.indirect.gather [hbm4b:s4+s26], $0x10, s13, s26, $0xb8;
	[tilespmem:$0x1FF00] =	vst v63  }
0x450: {  	_ = 	snop  }
0x451: {  	[tilespmem:s7], [sflag:$0x2] =	stream.indirect.gather [hbm4b:s4+s26], $0x10, s14, s26, $0xb8;
	[tilespmem:$0x1FF00] =	vst v63  }
0x452: {  	_ =	swait.ge [sflag:s31], $0x2000  }
0x453: {  	[sflag:s31] =	ssyncset.done $0x0  }
0x454: {  	[sflag:s31] =	ssyncadd.s32 $0xFFFFE000  }
0x455: {  	[spmem:s2] =	stream.indirect.scatter.add.f32 [tilespmem:s1], [sflag:$0x3], $0x10, s15, s26, $0xb8;
	[tilespmem:$0x1FF00] =	vst v63  }
0x456: {  	_ = 	snop  }
0x457: {  	[spmem:s2] =	stream.indirect.scatter.add.f32 [tilespmem:s0], [sflag:$0x3], $0x10, s16, s26, $0xb8;
	[tilespmem:$0x1FF00] =	vst v63  }
0x458: {  	_ = 	snop  }
0x459: {  	[spmem:s2] =	stream.indirect.scatter.add.f32 [tilespmem:s6], [sflag:$0x3], $0x10, s17, s26, $0xb8;
	[tilespmem:$0x1FF00] =	vst v63  }
0x45a: {  	_ = 	snop  }
0x45b: {  	[spmem:s2] =	stream.indirect.scatter.add.f32 [tilespmem:s7], [sflag:$0x3], $0x10, s18, s26, $0xb8;
	[tilespmem:$0x1FF00] =	vst v63  }
0x45c: {  	_ =	swait.ge [sflag:s8], $0x2000  }
0x45d: {  	[sflag:s8] =	ssyncset.done $0x0  }
0x45e: {  	[sflag:s8] =	ssyncadd.s32 $0xFFFFE000  }
0x45f: {  	_ =	swait.ge [sflag:s8], $0x2000  }
0x460: {  	[sflag:s8] =	ssyncset.done $0x0  }
0x461: {  	[sflag:s8] =	ssyncadd.s32 $0xFFFFE000  }
0x462: {  	[bflag:$0x0] =	sbarrier.arrive $0xFFFF  }
0x463: {  	s19 =	sld [smem:$0x7DC]  }
0x464: {  	s9 =	stileid.u32;
	s25 =	sld [smem:$0x7FD]  }
0x465: {  	s5 =	sshll.u32 s9, $0x6  }
0x466: {  	s9 =	simm.s32 $0x4;
	s5 =	sor.u32 $0x1C04, s5  }
0x467: {  	[hbm:s19], [sflag:s5] =	dma.local [spmem:s25], $0x30E0  }
0x468: {  	_ =	swait.ge [sflag:s9], $0x30E0  }
0x469: {  	s5 =	sld [smem:$0x7A4]  }
0x46a: {  	s25 =	sld [smem:$0x7DF];
	_ =	sdelay $0x1  }
0x46b: {  	s19 =	sadd.s32 $0x1, s5  }
0x46c: {  	p0 =	sne.s32 s19, s25  }
.Ltmp2:
0x46d: {  	_ = 	snop;
	(pc) =	sbr.rel @p0 .LBB2_1-.Ltmp2, $3  }
0x46e: {  	_ =	sdelay $0x1  }
0x46f: {  	[sflag:s9] =	ssyncset.done $0x0  }
0x470: {  	[sflag:s9] =	ssyncadd.s32 $0xFFFFCF20  }
0x471: {  	_ =	sfence.sel $0x180000  }
0x472: {  	[bflag:$0x0] =	sbarrier.arrive $0xFFFF  }
0x473: {  	_ =	strace $0x90000047  }
0x474: {  	s0 =	stileid.u32;
	[bflag:$0x2] =	sbarrier.arrive $0xFFFF  }
0x475: {  	p0 =	sne.s32 s0, $0x0;
	s0 =	rddreg [dreg:$0x2]  }
0x476: {  	s0 =	sadd.s32 @!p0 $0x100000, s0  }
0x477: {  	[sflag:s0] =	ssyncadd.tile.s32 @!p0 $0x1;
	_ =	shalt  }
.Lfunc_end2:
_tile_overlayer_lowered:
.L_overlay_start_2:
0x478: {  	(tag) =	ssettag $0x2  }
0x479: {  	s0 =	rddreg [dreg:$0x0];
	s2 =	stileid.u32  }
0x47a: {  	s1 =	rddreg [dreg:$0x1];
	p0 =	sne.s32 s2, $0x0  }
0x47b: {  	s3 =	rddreg [dreg:$0x2];
	[bflag:$0x3] =	sbarrier.arrive $0xFFFF;
	s2 =	simm.s32 @!p0 $0x1C04  }
0x47c: {  	[timem:s3], [sflag:s2] =	dma.local @!p0 [hbm:s0], s1  }
0x47d: {  	s0 =	simm.s32 @!p0 $0x4  }
0x47e: {  	_ =	swait.ge @!p0 [sflag:s0], s1  }
0x47f: {  	s1 =	ssub.s32 @!p0 $0x0, s1;
	[sflag:s0] =	ssyncset.done @!p0 $0x0  }
0x480: {  	[sflag:s0] =	ssyncadd.s32 @!p0 s1  }
0x481: {  	[bflag:$0x3] =	sbarrier.arrive $0xFFFF  }
0x482: {  	_ =	shalt  }

// kernel: kernel.15.cloned.1.call-start
scs
__scs_entry_jumppad:
0x0: {  	(pc) =	sbr.rel $0x88, $3  }
0x1: {  	(tag) =	ssettag $0x0;
	lr =	simm.s32 $0x1  }
0x2: {  	[smem:$0x3F99] =	sst lr;
	_ =	strace $0xD0000000  }
0x3: {  	_ = 	snop  }
0x4: {  	_ = 	snop  }
0x5: {  	_ = 	snop  }
0x6: {  	_ = 	snop  }
0x7: {  	_ = 	snop  }
__scs_overlays_trampoline_lowered:
0x8: {  	[smem:$0x3FA8] =	sst s0  }
0x9: {  	[smem:$0x3FA9] =	sst s1  }
0xa: {  	[smem:$0x3FAA] =	sst s2  }
0xb: {  	[smem:$0x3FAB] =	sst s3  }
0xc: {  	[smem:$0x3FAC] =	sst s4  }
0xd: {  	[smem:$0x3FAD] =	sst s5  }
0xe: {  	[smem:$0x3FAE] =	sst s6  }
0xf: {  	[smem:$0x3FAF] =	sst s7  }
0x10: {  	[smem:$0x3FB0] =	sst s8  }
0x11: {  	[smem:$0x3FB1] =	sst s9;
	s0 =	simm.s32 @!p0 $0x0  }
0x12: {  	s1 =	sld [smem:$0x3F97];
	s0 =	simm.s32 @p0 $0x1  }
0x13: {  	[smem:$0x3FB2] =	sst s0;
	s0 =	simm.s32 @!p1 $0x0  }
0x14: {  	s2 =	sld [smem:$0x3F96];
	s0 =	simm.s32 @p1 $0x1  }
0x15: {  	[smem:$0x3FB3] =	sst s0;
	s0 =	simm.s32 @!p2 $0x0  }
0x16: {  	s3 =	sld [smem:$0x3FDB];
	s0 =	simm.s32 @p2 $0x1  }
0x17: {  	s4 =	simm.s32 $0x1BF5;
	[smem:$0x3FB5] =	sst s0  }
0x18: {  	s0 =	sld [smem:$0x3F98];
	_ =	swait.ge [sflag:s4], $0x0  }
0x19: {  	s7 =	sld [smem:$0x3F99]  }
0x1a: {  	s8 =	sadd.s32 $0xFFFFE003, lr  }
0x1b: {  	s9 =	sadd.s32 $0xFFFFFEF7, lr;
	s5 =	simm.s32 $0xFFFFFFFF;
	p2 =	slt.u32 s8, $0xFFFFF086  }
0x1c: {  	p1 =	slt.u32 s9, $0xF7A;
	s5 =	simm.s32 @!p2 $0x0  }
0x1d: {  	s5 =	simm.s32 @p1 $0x1;
	p0 =	seq.s32 s7, s2  }
0x1e: {  	s7 =	smul.u32 @!p0 $0xF7A, s2;
	p2 =	seq.s32 @!p0 s5, $0x0  }
0x1f: {  	s9 =	smul.u32 $0xF7A, s1;
	s8 =	simm.s32 @!p0 $0x1BF5;
	p2 =	por !p2, p0  }
0x20: {  	[sflag:s8] =	ssyncset.s32 @!p0 $0xFFFFF086;
	s6 =	sadd.s32 @!p0 s3, s7;
	s7 =	simm.s32 @!p0 $0x108  }
0x21: {  	s3 =	sadd.s32 s3, s9;
	s6 =	sadd.s32 @!p0 $0x88, s6;
	s7 =	simm.s32 @p2 $0x1082  }
0x22: {  	[simem:s7], [sflag:s8] =	dma.local @!p0 [hbm:s6], $0xF7A  }
0x23: {  	s9 =	sor.u32 $0xD0000000, s2;
	s6 =	simm.s32 $0x108;
	_ =	swait.ge @!p0 [sflag:s8], $0x0  }
0x24: {  	s3 =	sadd.s32 $0x88, s3;
	s6 =	simm.s32 @!p1 $0x1082;
	[sflag:s4] =	ssyncset.s32 $0xFFFFF086  }
0x25: {  	[simem:s6], [sflag:s4] =	dma.local [hbm:s3], $0xF7A  }
0x26: {  	[smem:$0x3F99] =	sst s1;
	(tag) =	ssettag s2;
	_ =	strace s9  }
0x27: {  	s1 =	sld [smem:$0x3FA9]  }
0x28: {  	s2 =	sld [smem:$0x3FAA]  }
0x29: {  	s4 =	sld [smem:$0x3FAC]  }
0x2a: {  	p0 =	seq.s32 s5, $0x0;
	s5 =	sld [smem:$0x3FAD]  }
0x2b: {  	s6 =	sld [smem:$0x3FAE]  }
0x2c: {  	s7 =	sld [smem:$0x3FAF]  }
0x2d: {  	s3 =	simm.s32 $0x108;
	s8 =	sld [smem:$0x3FB0]  }
0x2e: {  	s3 =	simm.s32 @!p0 $0x1082;
	s9 =	sld [smem:$0x3FB1]  }
0x2f: {  	lr =	sadd.s32 s0, s3;
	s0 =	sld [smem:$0x3FA8]  }
0x30: {  	s3 =	sld [smem:$0x3FAB]  }
0x31: {  	[smem:$0x3FB4] =	sst s10  }
0x32: {  	s10 =	sld [smem:$0x3FB2];
	_ =	sdelay $0x3  }
0x33: {  	p0 =	seq.s32 s10, $0x1;
	s10 =	sld [smem:$0x3FB4];
	_ =	sdelay $0x3  }
0x34: {  	[smem:$0x3FB4] =	sst s10  }
0x35: {  	s10 =	sld [smem:$0x3FB3];
	_ =	sdelay $0x3  }
0x36: {  	p1 =	seq.s32 s10, $0x1;
	s10 =	sld [smem:$0x3FB4];
	_ =	sdelay $0x3  }
0x37: {  	[smem:$0x3FB4] =	sst s10  }
0x38: {  	s10 =	sld [smem:$0x3FB5]  }
0x39: {  	_ = 	snop;
	(pc) =	sbr.ind lr, $3  }
0x3a: {  	_ = 	snop  }
0x3b: {  	_ = 	snop  }
0x3c: {  	p2 =	seq.s32 s10, $0x1;
	s10 =	sld [smem:$0x3FB4]  }
0x3d: {  	_ =	shalt  }
0x3e: {  	_ =	shalt  }
0x3f: {  	_ =	shalt  }
0x40: {  	_ =	shalt  }
0x41: {  	_ =	shalt  }
0x42: {  	_ =	shalt  }
0x43: {  	_ =	shalt  }
0x44: {  	_ =	shalt  }
0x45: {  	_ =	shalt  }
0x46: {  	_ =	shalt  }
0x47: {  	_ =	shalt  }
0x48: {  	_ =	shalt  }
0x49: {  	_ =	shalt  }
0x4a: {  	_ =	shalt  }
0x4b: {  	_ =	shalt  }
0x4c: {  	_ =	shalt  }
0x4d: {  	_ =	shalt  }
0x4e: {  	_ =	shalt  }
0x4f: {  	_ =	shalt  }
0x50: {  	_ =	shalt  }
0x51: {  	_ =	shalt  }
0x52: {  	_ =	shalt  }
0x53: {  	_ =	shalt  }
0x54: {  	_ =	shalt  }
0x55: {  	_ =	shalt  }
0x56: {  	_ =	shalt  }
0x57: {  	_ =	shalt  }
0x58: {  	_ =	shalt  }
0x59: {  	_ =	shalt  }
0x5a: {  	_ =	shalt  }
0x5b: {  	_ =	shalt  }
0x5c: {  	_ =	shalt  }
0x5d: {  	_ =	shalt  }
0x5e: {  	_ =	shalt  }
0x5f: {  	_ =	shalt  }
0x60: {  	_ =	shalt  }
0x61: {  	_ =	shalt  }
0x62: {  	_ =	shalt  }
0x63: {  	_ =	shalt  }
0x64: {  	_ =	shalt  }
0x65: {  	_ =	shalt  }
0x66: {  	_ =	shalt  }
0x67: {  	_ =	shalt  }
0x68: {  	_ =	shalt  }
0x69: {  	_ =	shalt  }
0x6a: {  	_ =	shalt  }
0x6b: {  	_ =	shalt  }
0x6c: {  	_ =	shalt  }
0x6d: {  	_ =	shalt  }
0x6e: {  	_ =	shalt  }
0x6f: {  	_ =	shalt  }
0x70: {  	_ =	shalt  }
0x71: {  	_ =	shalt  }
0x72: {  	_ =	shalt  }
0x73: {  	_ =	shalt  }
0x74: {  	_ =	shalt  }
0x75: {  	_ =	shalt  }
0x76: {  	_ =	shalt  }
0x77: {  	_ =	shalt  }
0x78: {  	_ =	shalt  }
0x79: {  	_ =	shalt  }
0x7a: {  	_ =	shalt  }
0x7b: {  	_ =	shalt  }
0x7c: {  	_ =	shalt  }
0x7d: {  	_ =	shalt  }
0x7e: {  	_ =	shalt  }
0x7f: {  	_ =	shalt  }
0x80: {  	_ =	shalt  }
0x81: {  	_ =	shalt  }
0x82: {  	_ =	shalt  }
0x83: {  	_ =	shalt  }
0x84: {  	_ =	shalt  }
0x85: {  	_ =	shalt  }
0x86: {  	_ =	shalt  }
0x87: {  	_ =	shalt  }
.Lfunc_end0:
.L_simem_size_0:
called_computation.3_lowered:
.L_overlay_start_0:
0x88: {  	s2 =	sld [smem:$0x3FD9]  }
0x89: {  	s3 =	sld [smem:$0x3FFE];
	_ =	sdelay $0x1  }
0x8a: {  	s1 =	srdreg.scid  }
0x8b: {  	s0 =	sand.u32 $0x1, s1  }
0x8c: {  	s16 =	sshll.u32 s0, $0xA;
	s2 =	sadd.s32 s3, s2  }
0x8d: {  	s2 =	sadd.s32 s2, s16  }
0x8e: {  	[smem:$0x3FC0] =	sst s2  }
0x8f: {  	_ = 	snop  }
0x90: {  	(tm) =	ssettm $0x1  }
0x91: {  	s17 =	sld [smem:$0x3FFB];
	_ =	sdelay $0x3  }
0x92: {  	_ =	strace s17  }
0x93: {  	s2 =	sld [smem:$0x3FFC];
	_ =	sdelay $0x3  }
0x94: {  	_ =	strace s2  }
0x95: {  	s2 =	sld [smem:$0x3FFD];
	_ =	sdelay $0x3  }
0x96: {  	_ =	strace s2  }
0x97: {  	_ =	strace $0x8FFFFFFF  }
0x98: {  	s18 =	sld [smem:$0x3FDB];
	_ =	sdelay $0x1  }
0x99: {  	s19 =	simm.s32 $_scs_section_size  }
0x9a: {  	s4 =	simm.s32 $_size__tile_overlayer_lowered;
	s5 =	simm.s32 $_tile_overlayer_lowered  }
0x9b: {  	s22 =	simm.s32 $0x1BFF;
	s21 =	sshll.u32 s5, $0x1;
	s2 =	sadd.s32 s19, s18  }
0x9c: {  	s6 =	simm.s32 $0x0;
	s20 =	sshll.u32 s4, $0x1;
	s4 =	sadd.s32 s21, s2  }
0x9d: {  	[timem:s6], [sflag:s22] =	dma.local [hbm:s4], s20  }
0x9e: {  	_ =	swait.ge [sflag:s22], s20  }
0x9f: {  	s3 =	ssub.s32 $0x0, s20;
	[sflag:s22] =	ssyncset.done $0x0  }
0xa0: {  	[sflag:s22] =	ssyncadd.s32 s3;
	_ =	sdelay $0x1  }
0xa1: {  	s23 =	simm.s32 $0x1B8B  }
0xa2: {  	_ =	swait.ge [sflag:s23], $0x1  }
0xa3: {  	[sflag:s23] =	ssyncset.done $0x0  }
0xa4: {  	s25 =	simm.s32 $0x1B8E;
	s24 =	sld [smem:$0x3FFE];
	[sflag:s23] =	ssyncadd.s32 $0xFFFFFFFF  }
0xa5: {  	s26 =	simm.s32 $execute0_lowered;
	[smem:$0x3FD2] =	sst s25  }
0xa6: {  	s4 =	sshll.u32 s26, $0x1;
	_ =	strace $0x8000004F;
	[dreg:$0x1] =	wrdreg $0xFFFFFFFF  }
0xa7: {  	s28 =	simm.s32 $_size_execute0_lowered;
	s2 =	sadd.s32 s2, s4;
	[dreg:$0x0] =	wrdreg $0x0  }
0xa8: {  	s4 =	sshll.u32 s28, $0x1;
	[dreg:$0x2] =	wrdreg s2  }
0xa9: {  	[dreg:$0x3] =	wrdreg s4  }
0xaa: {  	[dreg:$0x4] =	wrdreg $0xC0  }
0xab: {  	_ =	task [dreg:s6], $0x5FFFF  }
0xac: {  	[dreg:$0x1] =	wrdreg $0xFFFFFFFF  }
0xad: {  	[dreg:$0x0] =	wrdreg $0x60  }
0xae: {  	[dreg:$0x2] =	wrdreg s24  }
0xaf: {  	[dreg:$0x3] =	wrdreg $0x0  }
0xb0: {  	[dreg:$0x4] =	wrdreg $0x9  }
0xb1: {  	_ =	task.clear_ibuf [dreg:s6], $0x5FFFF;
	_ =	strace $0x9000004F  }
0xb2: {  	s29 =	simm.s32 $0x9;
	_ =	strace $0x80000051  }
0xb3: {  	_ =	swait.ge [sflag:s29], $0x1  }
0xb4: {  	[sflag:s29] =	ssyncadd.s32 $0xFFFFFFFF  }
0xb5: {  	_ =	strace $0x90000051  }
0xb6: {  	_ =	sfence  }
0xb7: {  	s30 =	sld [smem:$0x0];
	_ =	sdelay $0x2  }
0xb8: {  	s31 =	sshll.u32 s1, $0xD;
	s1 =	sshrl.u32 s1, $0x2  }
0xb9: {  	s3 =	sand.u32 $0x4000, s31;
	s1 =	sadd.s32 s1, s30  }
0xba: {  	s0 =	sor.u32 s3, s0;
	s1 =	sshll.u32 s1, $0x11  }
0xbb: {  	s0 =	sor.u32 s1, s0  }
0xbc: {  	s0 =	sadd.s32 $0x8F2B, s0  }
0xbd: {  	[sflag:s0] =	ssyncadd.remote.s32 $0x1  }
0xbe: {  	_ =	sfence.sel $0xFFFF  }
0xbf: {  	[dreg:$0x0] =	wrdreg $0xFFFFFFFF;
	(pc) =	sbr.abs _section_cstart, $3  }
0xc0: {  	[dreg:$0x1] =	wrdreg $0xFFFFFFFF  }
0xc1: {  	_ =	task.clear_ibuf [dreg:s6], $0x2FFFF;
	_ =	strace $0x9FFFFFFF  }
0xc2: {  	(tm) =	ssettm $0x7FFFFFFF  }
0xc3: {  	_ =	shalt  }
tec
execute0_lowered:
.L_overlay_start_1:
0x0: {  	(tag) =	ssettag $0x1  }
0x1: {  	s1 =	rddreg [dreg:$0x0]  }
0x2: {  	s2 =	rddreg [dreg:$0x1];
	s3 =	simm.s32 $0x0  }
0x3: {  	s13 =	simm.s32 $0x18780;
	[smem:$0x7FF] =	sst s3  }
0x4: {  	s14 =	simm.s32 $0x18800;
	_ =	strace $0x80000050;
	[dreg:$0x5] =	wrdreg s13  }
0x5: {  	s15 =	simm.s32 $0x18880;
	[dreg:$0x6] =	wrdreg s14  }
0x6: {  	s16 =	simm.s32 $0x1A380;
	[dreg:$0x7] =	wrdreg s15  }
0x7: {  	s17 =	simm.s32 $0x1A400;
	[dreg:$0x8] =	wrdreg s16  }
0x8: {  	s18 =	simm.s32 $0x1A480;
	[dreg:$0x9] =	wrdreg s17  }
0x9: {  	s19 =	simm.s32 $0x18900;
	[dreg:$0xa] =	wrdreg s18  }
0xa: {  	s20 =	simm.s32 $0x18980;
	[dreg:$0xb] =	wrdreg s19  }
0xb: {  	s21 =	simm.s32 $0x18A00;
	[dreg:$0xc] =	wrdreg s20  }
0xc: {  	s22 =	simm.s32 $0x18A80;
	[dreg:$0xd] =	wrdreg s21  }
0xd: {  	s23 =	simm.s32 $0x1A500;
	[dreg:$0xe] =	wrdreg s22  }
0xe: {  	s24 =	simm.s32 $0x1A580;
	[dreg:$0xf] =	wrdreg s23  }
0xf: {  	s25 =	simm.s32 $0x1A600;
	[dreg:$0x10] =	wrdreg s24  }
0x10: {  	s26 =	simm.s32 $0x1A680;
	[dreg:$0x11] =	wrdreg s25  }
0x11: {  	s6 =	simm.s32 $0x18B80;
	[dreg:$0x12] =	wrdreg s26  }
0x12: {  	s7 =	simm.s32 $0x18C00;
	[dreg:$0x14] =	wrdreg s6  }
0x13: {  	s9 =	simm.s32 $0x18C80;
	[dreg:$0x15] =	wrdreg s7  }
0x14: {  	s10 =	simm.s32 $0x1A700;
	[dreg:$0x16] =	wrdreg s9  }
0x15: {  	s11 =	simm.s32 $0x1A780;
	[dreg:$0x17] =	wrdreg s10  }
0x16: {  	s12 =	simm.s32 $0x1A800;
	[dreg:$0x18] =	wrdreg s11  }
0x17: {  	[dreg:$0x19] =	wrdreg s12;
	s13 =	simm.s32 $0x1A880  }
0x18: {  	s14 =	simm.s32 $0x18D00;
	[dreg:$0x1a] =	wrdreg s13  }
0x19: {  	s15 =	simm.s32 $0x18D80;
	[dreg:$0x1b] =	wrdreg s14  }
0x1a: {  	s16 =	simm.s32 $0x18E00;
	[dreg:$0x1c] =	wrdreg s15  }
0x1b: {  	s17 =	simm.s32 $0x18E80;
	[dreg:$0x1d] =	wrdreg s16  }
0x1c: {  	s18 =	simm.s32 $0x1A900;
	[dreg:$0x1e] =	wrdreg s17  }
0x1d: {  	s19 =	simm.s32 $0x1A980;
	[dreg:$0x1f] =	wrdreg s18  }
0x1e: {  	s20 =	simm.s32 $0x1AA00;
	[smem:$0x7A5] =	sst s19  }
0x1f: {  	s21 =	simm.s32 $0x1AA80;
	[smem:$0x7A6] =	sst s20  }
0x20: {  	s22 =	simm.s32 $0x18F00;
	[smem:$0x7A7] =	sst s21  }
0x21: {  	s23 =	simm.s32 $0x18F80;
	[smem:$0x7A8] =	sst s22  }
0x22: {  	s24 =	simm.s32 $0x19000;
	[smem:$0x7A9] =	sst s23  }
0x23: {  	s25 =	simm.s32 $0x19080;
	[smem:$0x7AA] =	sst s24  }
0x24: {  	s26 =	simm.s32 $0x1AB00;
	[smem:$0x7AB] =	sst s25  }
0x25: {  	s6 =	simm.s32 $0x1AC00;
	[smem:$0x7AC] =	sst s26  }
0x26: {  	s7 =	simm.s32 $0x1AC80;
	[smem:$0x7AE] =	sst s6  }
0x27: {  	s9 =	simm.s32 $0x19100;
	[smem:$0x7AF] =	sst s7  }
0x28: {  	s10 =	simm.s32 $0x19180;
	[smem:$0x7B0] =	sst s9  }
0x29: {  	s11 =	simm.s32 $0x19200;
	[smem:$0x7B1] =	sst s10  }
0x2a: {  	s12 =	simm.s32 $0x19280;
	[smem:$0x7B2] =	sst s11  }
0x2b: {  	[smem:$0x7B3] =	sst s12;
	s13 =	simm.s32 $0x1AD00  }
0x2c: {  	s14 =	simm.s32 $0x1AD80;
	[smem:$0x7B4] =	sst s13  }
0x2d: {  	s15 =	simm.s32 $0x1AE00;
	[smem:$0x7B5] =	sst s14  }
0x2e: {  	s16 =	simm.s32 $0x1AE80;
	[smem:$0x7B6] =	sst s15  }
0x2f: {  	s17 =	simm.s32 $0x19300;
	[smem:$0x7B7] =	sst s16  }
0x30: {  	s18 =	simm.s32 $0x19380;
	[smem:$0x7B8] =	sst s17  }
0x31: {  	s19 =	simm.s32 $0x19400;
	[smem:$0x7B9] =	sst s18  }
0x32: {  	s20 =	simm.s32 $0x19480;
	[smem:$0x7BA] =	sst s19  }
0x33: {  	s21 =	simm.s32 $0x1AF00;
	[smem:$0x7BB] =	sst s20  }
0x34: {  	s22 =	simm.s32 $0x1AF80;
	[smem:$0x7BC] =	sst s21  }
0x35: {  	s23 =	simm.s32 $0x1B000;
	[smem:$0x7BD] =	sst s22  }
0x36: {  	s24 =	simm.s32 $0x1B080;
	[smem:$0x7BE] =	sst s23  }
0x37: {  	s25 =	simm.s32 $0x19500;
	[smem:$0x7BF] =	sst s24  }
0x38: {  	s26 =	simm.s32 $0x19580;
	[smem:$0x7C0] =	sst s25  }
0x39: {  	s6 =	simm.s32 $0x19680;
	[smem:$0x7C1] =	sst s26  }
0x3a: {  	s7 =	simm.s32 $0x1B100;
	[smem:$0x7C3] =	sst s6  }
0x3b: {  	s9 =	simm.s32 $0x1B180;
	[smem:$0x7C4] =	sst s7  }
0x3c: {  	s10 =	simm.s32 $0x1B200;
	[smem:$0x7C5] =	sst s9  }
0x3d: {  	s11 =	simm.s32 $0x1B280;
	[smem:$0x7C6] =	sst s10  }
0x3e: {  	s12 =	simm.s32 $0x19700;
	[smem:$0x7C7] =	sst s11  }
0x3f: {  	[smem:$0x7C8] =	sst s12;
	s13 =	simm.s32 $0x19780  }
0x40: {  	s14 =	simm.s32 $0x19800;
	[smem:$0x7C9] =	sst s13  }
0x41: {  	s15 =	simm.s32 $0x19880;
	[smem:$0x7CA] =	sst s14  }
0x42: {  	s16 =	simm.s32 $0x1B300;
	[smem:$0x7CB] =	sst s15  }
0x43: {  	s17 =	simm.s32 $0x1B380;
	[smem:$0x7CC] =	sst s16  }
0x44: {  	s18 =	simm.s32 $0x1B400;
	[smem:$0x7CD] =	sst s17  }
0x45: {  	s20 =	simm.s32 $0x1B480;
	[smem:$0x7CE] =	sst s18  }
0x46: {  	s7 =	simm.s32 $0x19900;
	[smem:$0x7CF] =	sst s20  }
0x47: {  	s21 =	simm.s32 $0x19980;
	[smem:$0x7D0] =	sst s7  }
0x48: {  	s22 =	simm.s32 $0x19A00;
	[smem:$0x7D1] =	sst s21  }
0x49: {  	s23 =	simm.s32 $0x19A80;
	[smem:$0x7D2] =	sst s22  }
0x4a: {  	s24 =	simm.s32 $0x1B500;
	[smem:$0x7D3] =	sst s23  }
0x4b: {  	s25 =	simm.s32 $0x1B580;
	[smem:$0x7D4] =	sst s24  }
0x4c: {  	s9 =	simm.s32 $0x1B600;
	[smem:$0x7D5] =	sst s25  }
0x4d: {  	s10 =	simm.s32 $0x1B680;
	[smem:$0x7D6] =	sst s9  }
0x4e: {  	s11 =	simm.s32 $0x19B00;
	[smem:$0x7D7] =	sst s10  }
0x4f: {  	[smem:$0x7D8] =	sst s11;
	s13 =	simm.s32 $0x19B80  }
0x50: {  	s14 =	simm.s32 $0x19C00;
	[smem:$0x7D9] =	sst s13  }
0x51: {  	s16 =	simm.s32 $0x19C80;
	[smem:$0x7DB] =	sst s14  }
0x52: {  	s0 =	srdreg.scid;
	s17 =	simm.s32 $0x1B700;
	[smem:$0x7DD] =	sst s16  }
0x53: {  	s8 =	stileid.u32;
	s18 =	simm.s32 $0x1B780;
	[smem:$0x7DE] =	sst s17  }
0x54: {  	s0 =	sand.u32 $0x1, s0;
	s21 =	simm.s32 $0x1B880;
	[smem:$0x7E0] =	sst s18  }
0x55: {  	s4 =	smul.u32 $0x18800, s0;
	s23 =	simm.s32 $0x19D00;
	[smem:$0x7E4] =	sst s21  }
0x56: {  	s5 =	smul.u32 $0x1880, s8;
	s25 =	simm.s32 $0x19D80;
	[smem:$0x7E6] =	sst s23  }
0x57: {  	s4 =	sadd.s32 s4, s1;
	s9 =	simm.s32 $0x19E80;
	[smem:$0x7E8] =	sst s25  }
0x58: {  	s4 =	sadd.s32 s5, s4;
	s11 =	simm.s32 $0x1B900;
	[smem:$0x7EC] =	sst s9  }
0x59: {  	s5 =	sadd.s32 $0x3C00, s4;
	[smem:$0x7EE] =	sst s11  }
0x5a: {  	s4 =	sadd.s32 $0x1EC200, s4;
	[dreg:$0x3] =	wrdreg s5  }
0x5b: {  	s19 =	smul.u32 $0x187000, s0;
	s13 =	simm.s32 $0x1B980;
	[dreg:$0x4] =	wrdreg s4  }
0x5c: {  	s6 =	smul.u32 $0x18700, s8;
	s17 =	simm.s32 $0x1BA80;
	[smem:$0x7F0] =	sst s13  }
0x5d: {  	s0 =	ssub.s32 $0x2, s0;
	s21 =	simm.s32 $0x19F80;
	[smem:$0x7F4] =	sst s17  }
0x5e: {  	s8 =	smul.u32 $0x61C00, s8;
	s23 =	simm.s32 $0x1A080;
	[smem:$0x7F8] =	sst s21  }
0x5f: {  	s26 =	sshrl.u32 s0, $0x1;
	s25 =	simm.s32 $0x1BB80;
	[smem:$0x7FA] =	sst s23  }
0x60: {  	s0 =	ssub.s32 s0, s26;
	s5 =	simm.s32 $0x18B00;
	[smem:$0x7FC] =	sst s25  }
0x61: {  	s12 =	sshrl.u32 s8, $0x2;
	s0 =	smax.u32 s0, $0x1;
	[dreg:$0x13] =	wrdreg s5  }
0x62: {  	s28 =	simm.s32 $0x1C700;
	s7 =	sadd.s32 s12, s2;
	[smem:$0x7DF] =	sst s0  }
0x63: {  	s29 =	simm.s32 $0x1CF00;
	s5 =	simm.s32 $0x1AB80;
	[smem:$0x7F5] =	sst s7  }
0x64: {  	s30 =	simm.s32 $0x1D700;
	s15 =	sadd.s32 $0x18000, s7;
	[smem:$0x7AD] =	sst s5  }
0x65: {  	s31 =	simm.s32 $0x2;
	s20 =	sadd.s32 $0x2000, s7;
	[smem:$0x7DA] =	sst s15  }
0x66: {  	s9 =	simm.s32 $0x4;
	s22 =	sadd.s32 $0x4000, s7;
	[smem:$0x7E1] =	sst s20  }
0x67: {  	s11 =	simm.s32 $0x1A100;
	s24 =	sadd.s32 $0x6000, s7;
	[smem:$0x7E3] =	sst s22  }
0x68: {  	s4 =	sadd.s32 $0x27F200, s1;
	s26 =	sadd.s32 $0x8000, s7;
	[smem:$0x7E5] =	sst s24  }
0x69: {  	s23 =	simm.s32 $0x1A300;
	s8 =	sadd.s32 $0xA000, s7;
	[smem:$0x7E7] =	sst s26  }
0x6a: {  	s21 =	simm.s32 $0x1BC00;
	s10 =	sadd.s32 $0xC000, s7;
	[smem:$0x7E9] =	sst s8  }
0x6b: {  	s13 =	simm.s32 $0x1A200;
	s12 =	sadd.s32 $0xE000, s7;
	[smem:$0x7EB] =	sst s10  }
0x6c: {  	s17 =	simm.s32 $0x1BE00;
	s14 =	sadd.s32 $0x10000, s7;
	[smem:$0x7ED] =	sst s12  }
0x6d: {  	s16 =	sadd.s32 $0x12000, s7;
	s18 =	sadd.s32 $0x14000, s7;
	[smem:$0x7EF] =	sst s14  }
0x6e: {  	s0 =	simm.s32 $0x1E700;
	s5 =	simm.s32 $0x19600;
	[smem:$0x7F1] =	sst s16  }
0x6f: {  	s15 =	simm.s32 $0x1BA00;
	[smem:$0x7F3] =	sst s18;
	s20 =	sadd.s32 $0x16000, s7  }
0x70: {  	s22 =	simm.s32 $0x1A000;
	s24 =	simm.s32 $0x1BB00;
	s7 =	simm.s32 $0x1F700  }
0x71: {  	s8 =	simm.s32 $0x3;
	s10 =	simm.s32 $0x1BC80;
	[smem:$0x7C2] =	sst s5  }
0x72: {  	s12 =	simm.s32 $0x1A180;
	s14 =	simm.s32 $0x1A280;
	[smem:$0x7F2] =	sst s15  }
0x73: {  	s16 =	simm.s32 $0x1BD80;
	s18 =	simm.s32 $0x1BE80;
	[smem:$0x7F6] =	sst s20  }
0x74: {  	s5 =	sadd.s32 s6, s19;
	s19 =	simm.s32 $0x1B800;
	[smem:$0x7F9] =	sst s22  }
0x75: {  	s20 =	simm.s32 $0x1BF00;
	s22 =	simm.s32 $0x18700;
	[smem:$0x7FB] =	sst s24  }
0x76: {  	s24 =	simm.s32 $0x1;
	s15 =	simm.s32 $0x1BD00;
	s5 =	sshrl.u32 s5, $0x3  }
0x77: {  	[smem:$0x7E2] =	sst s19;
	s19 =	simm.s32 $0x19F00;
	s1 =	sadd.s32 s5, s1  }
0x78: {  	s5 =	sadd.s32 s6, s2;
	s6 =	simm.s32 $0x19E00;
	[smem:$0x7F7] =	sst s19  }
0x79: {  	s19 =	simm.s32 $0x0;
	s1 =	sadd.s32 $0x34C00, s1;
	[smem:$0x7EA] =	sst s6  }
0x7a: {  	s26 =	sshrl.u32 s5, $0x3;
	s6 =	simm.s32 $0x1EF00;
	[smem:$0x7DC] =	sst s1  }
0x7b: {  	v0 =	vimm.f32 $0.0e+00;
	[smem:$0x7FD] =	sst s26;
	s26 =	simm.s32 $0x80;
	s1 =	simm.s32 $0x1DF00  }
.LBB2_1:
0x7c: {  	[smem:$0x7A4] =	sst s19;
	s5 =	simm.s32 $0x40;
	s19 =	simm.s32 $0x0  }
.LBB2_2:
0x7d: {  	p0 =	sne.s32 s5, $0x7FC0;
	[tilespmem:s19+$0x1BF00] =	vst v0;
	s19 =	smov.u32 s5;
	s5 =	sadd.s32 $0x40, s5  }
.Ltmp0:
0x7e: {  	(pc) =	sbr.rel @p0 .LBB2_2-.Ltmp0, $2  }
0x7f: {  	_ =	sdelay $0x2  }
0x80: {  	s19 =	sshra.s32 s19, $0x2  }
0x81: {  	s5 =	sld [smem:$0x7F5];
	_ =	sdelay $0x1  }
0x82: {  	[tilespmem:s19+$0x1BF00] =	vst v0  }
0x83: {  	[spmem:s5] =	stream.linear.scatter [tilespmem:s20], [sflag:$0x4], $0x2000, $0x38;
	[tilespmem:$0x1FF00] =	vst v63  }
0x84: {  	_ =	swait.ge [sflag:s9], $0x2000  }
0x85: {  	s19 =	sld [smem:$0x7E1]  }
0x86: {  	[sflag:s9] =	ssyncset.done $0x0  }
0x87: {  	[sflag:s9] =	ssyncadd.s32 $0xFFFFE000  }
0x88: {  	[spmem:s19] =	stream.linear.scatter [tilespmem:s20], [sflag:$0x4], $0x2000, $0x38;
	[tilespmem:$0x1FF00] =	vst v63  }
0x89: {  	_ =	swait.ge [sflag:s9], $0x2000  }
0x8a: {  	s25 =	sld [smem:$0x7E3]  }
0x8b: {  	[sflag:s9] =	ssyncset.done $0x0  }
0x8c: {  	[sflag:s9] =	ssyncadd.s32 $0xFFFFE000  }
0x8d: {  	[spmem:s25] =	stream.linear.scatter [tilespmem:s20], [sflag:$0x4], $0x2000, $0x38;
	[tilespmem:$0x1FF00] =	vst v63  }
0x8e: {  	_ =	swait.ge [sflag:s9], $0x2000  }
0x8f: {  	s19 =	sld [smem:$0x7E5]  }
0x90: {  	[sflag:s9] =	ssyncset.done $0x0  }
0x91: {  	[sflag:s9] =	ssyncadd.s32 $0xFFFFE000  }
0x92: {  	[spmem:s19] =	stream.linear.scatter [tilespmem:s20], [sflag:$0x4], $0x2000, $0x38;
	[tilespmem:$0x1FF00] =	vst v63  }
0x93: {  	_ =	swait.ge [sflag:s9], $0x2000  }
0x94: {  	s25 =	sld [smem:$0x7E7]  }
0x95: {  	[sflag:s9] =	ssyncset.done $0x0  }
0x96: {  	[sflag:s9] =	ssyncadd.s32 $0xFFFFE000  }
0x97: {  	[spmem:s25] =	stream.linear.scatter [tilespmem:s20], [sflag:$0x4], $0x2000, $0x38;
	[tilespmem:$0x1FF00] =	vst v63  }
0x98: {  	_ =	swait.ge [sflag:s9], $0x2000  }
0x99: {  	s19 =	sld [smem:$0x7E9]  }
0x9a: {  	[sflag:s9] =	ssyncset.done $0x0  }
0x9b: {  	[sflag:s9] =	ssyncadd.s32 $0xFFFFE000  }
0x9c: {  	[spmem:s19] =	stream.linear.scatter [tilespmem:s20], [sflag:$0x4], $0x2000, $0x38;
	[tilespmem:$0x1FF00] =	vst v63  }
0x9d: {  	_ =	swait.ge [sflag:s9], $0x2000  }
0x9e: {  	s25 =	sld [smem:$0x7EB]  }
0x9f: {  	[sflag:s9] =	ssyncset.done $0x0  }
0xa0: {  	[sflag:s9] =	ssyncadd.s32 $0xFFFFE000  }
0xa1: {  	[spmem:s25] =	stream.linear.scatter [tilespmem:s20], [sflag:$0x4], $0x2000, $0x38;
	[tilespmem:$0x1FF00] =	vst v63  }
0xa2: {  	_ =	swait.ge [sflag:s9], $0x2000  }
0xa3: {  	s19 =	sld [smem:$0x7ED]  }
0xa4: {  	[sflag:s9] =	ssyncset.done $0x0  }
0xa5: {  	[sflag:s9] =	ssyncadd.s32 $0xFFFFE000  }
0xa6: {  	[spmem:s19] =	stream.linear.scatter [tilespmem:s20], [sflag:$0x4], $0x2000, $0x38;
	[tilespmem:$0x1FF00] =	vst v63  }
0xa7: {  	_ =	swait.ge [sflag:s9], $0x2000  }
0xa8: {  	s25 =	sld [smem:$0x7EF]  }
0xa9: {  	[sflag:s9] =	ssyncset.done $0x0  }
0xaa: {  	[sflag:s9] =	ssyncadd.s32 $0xFFFFE000  }
0xab: {  	[spmem:s25] =	stream.linear.scatter [tilespmem:s20], [sflag:$0x4], $0x2000, $0x38;
	[tilespmem:$0x1FF00] =	vst v63  }
0xac: {  	_ =	swait.ge [sflag:s9], $0x2000  }
0xad: {  	s19 =	sld [smem:$0x7F1]  }
0xae: {  	[sflag:s9] =	ssyncset.done $0x0  }
0xaf: {  	[sflag:s9] =	ssyncadd.s32 $0xFFFFE000  }
0xb0: {  	[spmem:s19] =	stream.linear.scatter [tilespmem:s20], [sflag:$0x4], $0x2000, $0x38;
	[tilespmem:$0x1FF00] =	vst v63  }
0xb1: {  	_ =	swait.ge [sflag:s9], $0x2000  }
0xb2: {  	s25 =	sld [smem:$0x7F3]  }
0xb3: {  	[sflag:s9] =	ssyncset.done $0x0  }
0xb4: {  	[sflag:s9] =	ssyncadd.s32 $0xFFFFE000  }
0xb5: {  	[spmem:s25] =	stream.linear.scatter [tilespmem:s20], [sflag:$0x4], $0x2000, $0x38;
	[tilespmem:$0x1FF00] =	vst v63  }
0xb6: {  	_ =	swait.ge [sflag:s9], $0x2000  }
0xb7: {  	s19 =	sld [smem:$0x7F6]  }
0xb8: {  	[sflag:s9] =	ssyncset.done $0x0  }
0xb9: {  	[sflag:s9] =	ssyncadd.s32 $0xFFFFE000  }
0xba: {  	[spmem:s19] =	stream.linear.scatter [tilespmem:s20], [sflag:$0x4], $0x2000, $0x38;
	[tilespmem:$0x1FF00] =	vst v63  }
0xbb: {  	_ =	swait.ge [sflag:s9], $0x2000  }
0xbc: {  	s25 =	sld [smem:$0x7DA]  }
0xbd: {  	[sflag:s9] =	ssyncset.done $0x0  }
0xbe: {  	[sflag:s9] =	ssyncadd.s32 $0xFFFFE000  }
0xbf: {  	[spmem:s25] =	stream.linear.scatter [tilespmem:s20], [sflag:$0x4], $0x700, $0x38;
	[tilespmem:$0x1FF00] =	vst v63  }
0xc0: {  	_ =	swait.ge [sflag:s9], $0x700  }
0xc1: {  	[sflag:s9] =	ssyncset.done $0x0  }
0xc2: {  	[sflag:s9] =	ssyncadd.s32 $0xFFFFF900  }
0xc3: {  	[bflag:$0x0] =	sbarrier.arrive $0xFFFF  }
0xc4: {  	s19 =	rddreg [dreg:$0x4]  }
0xc5: {  	s25 =	rddreg [dreg:$0x3];
	s5 =	sadd.s32 $0x0, s19  }
0xc6: {  	[tilespmem:s22], [sflag:$0x1] =	stream.linear.gather [hbm4b:s5+s3], $0x1C00, $0x38;
	[tilespmem:$0x1FF00] =	vst v63  }
0xc7: {  	s9 =	sadd.s32 $0x0, s25  }
0xc8: {  	[tilespmem:s23], [sflag:$0x1] =	stream.linear.gather [hbm4b:s9+s3], $0x1C00, $0x38;
	[tilespmem:$0x1FF00] =	vst v63  }
0xc9: {  	_ =	swait.ge [sflag:s24], $0x1C00  }
0xca: {  	[sflag:s24] =	ssyncset.done $0x0  }
0xcb: {  	[sflag:s24] =	ssyncadd.s32 $0xFFFFE400  }
0xcc: {  	_ =	swait.ge [sflag:s24], $0x1C00  }
0xcd: {  	[sflag:s24] =	ssyncset.done $0x0  }
0xce: {  	[sflag:s24] =	ssyncadd.s32 $0xFFFFE400  }
0xcf: {  	[tilespmem:s20], [sflag:$0x2] =	stream.indirect.gather [hbm4b:s4+s26], $0x10, s22, s26, $0xb8;
	[tilespmem:$0x1FF00] =	vst v63  }
0xd0: {  	s19 =	rddreg [dreg:$0x5]  }
0xd1: {  	[tilespmem:s28], [sflag:$0x2] =	stream.indirect.gather [hbm4b:s4+s26], $0x10, s19, s26, $0xb8;
	[tilespmem:$0x1FF00] =	vst v63  }
0xd2: {  	s25 =	rddreg [dreg:$0x6]  }
0xd3: {  	[tilespmem:s29], [sflag:$0x2] =	stream.indirect.gather [hbm4b:s4+s26], $0x10, s25, s26, $0xb8;
	[tilespmem:$0x1FF00] =	vst v63  }
0xd4: {  	s9 =	rddreg [dreg:$0x7]  }
0xd5: {  	[tilespmem:s30], [sflag:$0x2] =	stream.indirect.gather [hbm4b:s4+s26], $0x10, s9, s26, $0xb8;
	[tilespmem:$0x1FF00] =	vst v63  }
0xd6: {  	_ =	swait.ge [sflag:s31], $0x2000  }
0xd7: {  	[sflag:s31] =	ssyncset.done $0x0  }
0xd8: {  	[sflag:s31] =	ssyncadd.s32 $0xFFFFE000  }
0xd9: {  	[spmem:s2] =	stream.indirect.scatter.add.f32 [tilespmem:s20], [sflag:$0x3], $0x10, s23, s26, $0xb8;
	[tilespmem:$0x1FF00] =	vst v63  }
0xda: {  	s19 =	rddreg [dreg:$0x8]  }
0xdb: {  	[spmem:s2] =	stream.indirect.scatter.add.f32 [tilespmem:s28], [sflag:$0x3], $0x10, s19, s26, $0xb8;
	[tilespmem:$0x1FF00] =	vst v63  }
0xdc: {  	s25 =	rddreg [dreg:$0x9]  }
0xdd: {  	[spmem:s2] =	stream.indirect.scatter.add.f32 [tilespmem:s29], [sflag:$0x3], $0x10, s25, s26, $0xb8;
	[tilespmem:$0x1FF00] =	vst v63  }
0xde: {  	s9 =	rddreg [dreg:$0xa]  }
0xdf: {  	[spmem:s2] =	stream.indirect.scatter.add.f32 [tilespmem:s30], [sflag:$0x3], $0x10, s9, s26, $0xb8;
	[tilespmem:$0x1FF00] =	vst v63  }
0xe0: {  	s25 =	rddreg [dreg:$0xb]  }
0xe1: {  	[tilespmem:s1], [sflag:$0x2] =	stream.indirect.gather [hbm4b:s4+s26], $0x10, s25, s26, $0xb8;
	[tilespmem:$0x1FF00] =	vst v63  }
0xe2: {  	s9 =	rddreg [dreg:$0xc]  }
0xe3: {  	[tilespmem:s0], [sflag:$0x2] =	stream.indirect.gather [hbm4b:s4+s26], $0x10, s9, s26, $0xb8;
	[tilespmem:$0x1FF00] =	vst v63  }
0xe4: {  	s25 =	rddreg [dreg:$0xd]  }
0xe5: {  	[tilespmem:s6], [sflag:$0x2] =	stream.indirect.gather [hbm4b:s4+s26], $0x10, s25, s26, $0xb8;
	[tilespmem:$0x1FF00] =	vst v63  }
0xe6: {  	s9 =	rddreg [dreg:$0xe]  }
0xe7: {  	[tilespmem:s7], [sflag:$0x2] =	stream.indirect.gather [hbm4b:s4+s26], $0x10, s9, s26, $0xb8;
	[tilespmem:$0x1FF00] =	vst v63  }
0xe8: {  	_ =	swait.ge [sflag:s31], $0x2000  }
0xe9: {  	[sflag:s31] =	ssyncset.done $0x0  }
0xea: {  	s25 =	rddreg [dreg:$0xf];
	[sflag:s31] =	ssyncadd.s32 $0xFFFFE000  }
0xeb: {  	[spmem:s2] =	stream.indirect.scatter.add.f32 [tilespmem:s1], [sflag:$0x3], $0x10, s25, s26, $0xb8;
	[tilespmem:$0x1FF00] =	vst v63  }
0xec: {  	s9 =	rddreg [dreg:$0x10]  }
0xed: {  	[spmem:s2] =	stream.indirect.scatter.add.f32 [tilespmem:s0], [sflag:$0x3], $0x10, s9, s26, $0xb8;
	[tilespmem:$0x1FF00] =	vst v63  }
0xee: {  	s25 =	rddreg [dreg:$0x11]  }
0xef: {  	[spmem:s2] =	stream.indirect.scatter.add.f32 [tilespmem:s6], [sflag:$0x3], $0x10, s25, s26, $0xb8;
	[tilespmem:$0x1FF00] =	vst v63  }
0xf0: {  	s9 =	rddreg [dreg:$0x12]  }
0xf1: {  	[spmem:s2] =	stream.indirect.scatter.add.f32 [tilespmem:s7], [sflag:$0x3], $0x10, s9, s26, $0xb8;
	[tilespmem:$0x1FF00] =	vst v63  }
0xf2: {  	_ =	swait.ge [sflag:s8], $0x2000  }
0xf3: {  	[sflag:s8] =	ssyncset.done $0x0  }
0xf4: {  	s25 =	rddreg [dreg:$0x13];
	[sflag:s8] =	ssyncadd.s32 $0xFFFFE000  }
0xf5: {  	[tilespmem:s20], [sflag:$0x2] =	stream.indirect.gather [hbm4b:s4+s26], $0x10, s25, s26, $0xb8;
	[tilespmem:$0x1FF00] =	vst v63  }
0xf6: {  	s9 =	rddreg [dreg:$0x14]  }
0xf7: {  	[tilespmem:s28], [sflag:$0x2] =	stream.indirect.gather [hbm4b:s4+s26], $0x10, s9, s26, $0xb8;
	[tilespmem:$0x1FF00] =	vst v63  }
0xf8: {  	s25 =	rddreg [dreg:$0x15]  }
0xf9: {  	[tilespmem:s29], [sflag:$0x2] =	stream.indirect.gather [hbm4b:s4+s26], $0x10, s25, s26, $0xb8;
	[tilespmem:$0x1FF00] =	vst v63  }
0xfa: {  	s9 =	rddreg [dreg:$0x16]  }
0xfb: {  	[tilespmem:s30], [sflag:$0x2] =	stream.indirect.gather [hbm4b:s4+s26], $0x10, s9, s26, $0xb8;
	[tilespmem:$0x1FF00] =	vst v63  }
0xfc: {  	_ =	swait.ge [sflag:s31], $0x2000  }
0xfd: {  	[sflag:s31] =	ssyncset.done $0x0  }
0xfe: {  	s25 =	rddreg [dreg:$0x17];
	[sflag:s31] =	ssyncadd.s32 $0xFFFFE000  }
0xff: {  	[spmem:s2] =	stream.indirect.scatter.add.f32 [tilespmem:s20], [sflag:$0x3], $0x10, s25, s26, $0xb8;
	[tilespmem:$0x1FF00] =	vst v63  }
0x100: {  	s9 =	rddreg [dreg:$0x18]  }
0x101: {  	[spmem:s2] =	stream.indirect.scatter.add.f32 [tilespmem:s28], [sflag:$0x3], $0x10, s9, s26, $0xb8;
	[tilespmem:$0x1FF00] =	vst v63  }
0x102: {  	s25 =	rddreg [dreg:$0x19]  }
0x103: {  	[spmem:s2] =	stream.indirect.scatter.add.f32 [tilespmem:s29], [sflag:$0x3], $0x10, s25, s26, $0xb8;
	[tilespmem:$0x1FF00] =	vst v63  }
0x104: {  	s9 =	rddreg [dreg:$0x1a]  }
0x105: {  	[spmem:s2] =	stream.indirect.scatter.add.f32 [tilespmem:s30], [sflag:$0x3], $0x10, s9, s26, $0xb8;
	[tilespmem:$0x1FF00] =	vst v63  }
0x106: {  	_ =	swait.ge [sflag:s8], $0x2000  }
0x107: {  	[sflag:s8] =	ssyncset.done $0x0  }
0x108: {  	s25 =	rddreg [dreg:$0x1b];
	[sflag:s8] =	ssyncadd.s32 $0xFFFFE000  }
0x109: {  	[tilespmem:s1], [sflag:$0x2] =	stream.indirect.gather [hbm4b:s4+s26], $0x10, s25, s26, $0xb8;
	[tilespmem:$0x1FF00] =	vst v63  }
0x10a: {  	s9 =	rddreg [dreg:$0x1c]  }
0x10b: {  	[tilespmem:s0], [sflag:$0x2] =	stream.indirect.gather [hbm4b:s4+s26], $0x10, s9, s26, $0xb8;
	[tilespmem:$0x1FF00] =	vst v63  }
0x10c: {  	s25 =	rddreg [dreg:$0x1d]  }
0x10d: {  	[tilespmem:s6], [sflag:$0x2] =	stream.indirect.gather [hbm4b:s4+s26], $0x10, s25, s26, $0xb8;
	[tilespmem:$0x1FF00] =	vst v63  }
0x10e: {  	s9 =	rddreg [dreg:$0x1e]  }
0x10f: {  	[tilespmem:s7], [sflag:$0x2] =	stream.indirect.gather [hbm4b:s4+s26], $0x10, s9, s26, $0xb8;
	[tilespmem:$0x1FF00] =	vst v63  }
0x110: {  	_ =	swait.ge [sflag:s31], $0x2000  }
0x111: {  	s25 =	rddreg [dreg:$0x1f];
	[sflag:s31] =	ssyncset.done $0x0  }
0x112: {  	s9 =	sld [smem:$0x7A5];
	[sflag:s31] =	ssyncadd.s32 $0xFFFFE000  }
0x113: {  	[spmem:s2] =	stream.indirect.scatter.add.f32 [tilespmem:s1], [sflag:$0x3], $0x10, s25, s26, $0xb8;
	[tilespmem:$0x1FF00] =	vst v63  }
0x114: {  	s25 =	sld [smem:$0x7A6]  }
0x115: {  	[spmem:s2] =	stream.indirect.scatter.add.f32 [tilespmem:s0], [sflag:$0x3], $0x10, s9, s26, $0xb8;
	[tilespmem:$0x1FF00] =	vst v63  }
0x116: {  	s9 =	sld [smem:$0x7A7]  }
0x117: {  	[spmem:s2] =	stream.indirect.scatter.add.f32 [tilespmem:s6], [sflag:$0x3], $0x10, s25, s26, $0xb8;
	[tilespmem:$0x1FF00] =	vst v63  }
0x118: {  	_ = 	snop  }
0x119: {  	[spmem:s2] =	stream.indirect.scatter.add.f32 [tilespmem:s7], [sflag:$0x3], $0x10, s9, s26, $0xb8;
	[tilespmem:$0x1FF00] =	vst v63  }
0x11a: {  	_ =	swait.ge [sflag:s8], $0x2000  }
0x11b: {  	s25 =	sld [smem:$0x7A8]  }
0x11c: {  	[sflag:s8] =	ssyncset.done $0x0  }
0x11d: {  	s9 =	sld [smem:$0x7A9];
	[sflag:s8] =	ssyncadd.s32 $0xFFFFE000  }
0x11e: {  	[tilespmem:s20], [sflag:$0x2] =	stream.indirect.gather [hbm4b:s4+s26], $0x10, s25, s26, $0xb8;
	[tilespmem:$0x1FF00] =	vst v63  }
0x11f: {  	s25 =	sld [smem:$0x7AA]  }
0x120: {  	[tilespmem:s28], [sflag:$0x2] =	stream.indirect.gather [hbm4b:s4+s26], $0x10, s9, s26, $0xb8;
	[tilespmem:$0x1FF00] =	vst v63  }
0x121: {  	s9 =	sld [smem:$0x7AB]  }
0x122: {  	[tilespmem:s29], [sflag:$0x2] =	stream.indirect.gather [hbm4b:s4+s26], $0x10, s25, s26, $0xb8;
	[tilespmem:$0x1FF00] =	vst v63  }
0x123: {  	_ = 	snop  }
0x124: {  	[tilespmem:s30], [sflag:$0x2] =	stream.indirect.gather [hbm4b:s4+s26], $0x10, s9, s26, $0xb8;
	[tilespmem:$0x1FF00] =	vst v63  }
0x125: {  	_ =	swait.ge [sflag:s31], $0x2000  }
0x126: {  	s25 =	sld [smem:$0x7AC]  }
0x127: {  	[sflag:s31] =	ssyncset.done $0x0  }
0x128: {  	s9 =	sld [smem:$0x7AD];
	[sflag:s31] =	ssyncadd.s32 $0xFFFFE000  }
0x129: {  	[spmem:s2] =	stream.indirect.scatter.add.f32 [tilespmem:s20], [sflag:$0x3], $0x10, s25, s26, $0xb8;
	[tilespmem:$0x1FF00] =	vst v63  }
0x12a: {  	s25 =	sld [smem:$0x7AE]  }
0x12b: {  	[spmem:s2] =	stream.indirect.scatter.add.f32 [tilespmem:s28], [sflag:$0x3], $0x10, s9, s26, $0xb8;
	[tilespmem:$0x1FF00] =	vst v63  }
0x12c: {  	s9 =	sld [smem:$0x7AF]  }
0x12d: {  	[spmem:s2] =	stream.indirect.scatter.add.f32 [tilespmem:s29], [sflag:$0x3], $0x10, s25, s26, $0xb8;
	[tilespmem:$0x1FF00] =	vst v63  }
0x12e: {  	_ = 	snop  }
0x12f: {  	[spmem:s2] =	stream.indirect.scatter.add.f32 [tilespmem:s30], [sflag:$0x3], $0x10, s9, s26, $0xb8;
	[tilespmem:$0x1FF00] =	vst v63  }
0x130: {  	_ =	swait.ge [sflag:s8], $0x2000  }
0x131: {  	s25 =	sld [smem:$0x7B0]  }
0x132: {  	[sflag:s8] =	ssyncset.done $0x0  }
0x133: {  	s9 =	sld [smem:$0x7B1];
	[sflag:s8] =	ssyncadd.s32 $0xFFFFE000  }
0x134: {  	[tilespmem:s1], [sflag:$0x2] =	stream.indirect.gather [hbm4b:s4+s26], $0x10, s25, s26, $0xb8;
	[tilespmem:$0x1FF00] =	vst v63  }
0x135: {  	s25 =	sld [smem:$0x7B2]  }
0x136: {  	[tilespmem:s0], [sflag:$0x2] =	stream.indirect.gather [hbm4b:s4+s26], $0x10, s9, s26, $0xb8;
	[tilespmem:$0x1FF00] =	vst v63  }
0x137: {  	s9 =	sld [smem:$0x7B3]  }
0x138: {  	[tilespmem:s6], [sflag:$0x2] =	stream.indirect.gather [hbm4b:s4+s26], $0x10, s25, s26, $0xb8;
	[tilespmem:$0x1FF00] =	vst v63  }
0x139: {  	_ = 	snop  }
0x13a: {  	[tilespmem:s7], [sflag:$0x2] =	stream.indirect.gather [hbm4b:s4+s26], $0x10, s9, s26, $0xb8;
	[tilespmem:$0x1FF00] =	vst v63  }
0x13b: {  	_ =	swait.ge [sflag:s31], $0x2000  }
0x13c: {  	s25 =	sld [smem:$0x7B4]  }
0x13d: {  	[sflag:s31] =	ssyncset.done $0x0  }
0x13e: {  	s9 =	sld [smem:$0x7B5];
	[sflag:s31] =	ssyncadd.s32 $0xFFFFE000  }
0x13f: {  	[spmem:s2] =	stream.indirect.scatter.add.f32 [tilespmem:s1], [sflag:$0x3], $0x10, s25, s26, $0xb8;
	[tilespmem:$0x1FF00] =	vst v63  }
0x140: {  	s25 =	sld [smem:$0x7B6]  }
0x141: {  	[spmem:s2] =	stream.indirect.scatter.add.f32 [tilespmem:s0], [sflag:$0x3], $0x10, s9, s26, $0xb8;
	[tilespmem:$0x1FF00] =	vst v63  }
0x142: {  	s9 =	sld [smem:$0x7B7]  }
0x143: {  	[spmem:s2] =	stream.indirect.scatter.add.f32 [tilespmem:s6], [sflag:$0x3], $0x10, s25, s26, $0xb8;
	[tilespmem:$0x1FF00] =	vst v63  }
0x144: {  	_ = 	snop  }
0x145: {  	[spmem:s2] =	stream.indirect.scatter.add.f32 [tilespmem:s7], [sflag:$0x3], $0x10, s9, s26, $0xb8;
	[tilespmem:$0x1FF00] =	vst v63  }
0x146: {  	_ =	swait.ge [sflag:s8], $0x2000  }
0x147: {  	s25 =	sld [smem:$0x7B8]  }
0x148: {  	[sflag:s8] =	ssyncset.done $0x0  }
0x149: {  	s9 =	sld [smem:$0x7B9];
	[sflag:s8] =	ssyncadd.s32 $0xFFFFE000  }
0x14a: {  	[tilespmem:s20], [sflag:$0x2] =	stream.indirect.gather [hbm4b:s4+s26], $0x10, s25, s26, $0xb8;
	[tilespmem:$0x1FF00] =	vst v63  }
0x14b: {  	s25 =	sld [smem:$0x7BA]  }
0x14c: {  	[tilespmem:s28], [sflag:$0x2] =	stream.indirect.gather [hbm4b:s4+s26], $0x10, s9, s26, $0xb8;
	[tilespmem:$0x1FF00] =	vst v63  }
0x14d: {  	s9 =	sld [smem:$0x7BB]  }
0x14e: {  	[tilespmem:s29], [sflag:$0x2] =	stream.indirect.gather [hbm4b:s4+s26], $0x10, s25, s26, $0xb8;
	[tilespmem:$0x1FF00] =	vst v63  }
0x14f: {  	_ = 	snop  }
0x150: {  	[tilespmem:s30], [sflag:$0x2] =	stream.indirect.gather [hbm4b:s4+s26], $0x10, s9, s26, $0xb8;
	[tilespmem:$0x1FF00] =	vst v63  }
0x151: {  	_ =	swait.ge [sflag:s31], $0x2000  }
0x152: {  	s25 =	sld [smem:$0x7BC]  }
0x153: {  	[sflag:s31] =	ssyncset.done $0x0  }
0x154: {  	s9 =	sld [smem:$0x7BD];
	[sflag:s31] =	ssyncadd.s32 $0xFFFFE000  }
0x155: {  	[spmem:s2] =	stream.indirect.scatter.add.f32 [tilespmem:s20], [sflag:$0x3], $0x10, s25, s26, $0xb8;
	[tilespmem:$0x1FF00] =	vst v63  }
0x156: {  	s25 =	sld [smem:$0x7BE]  }
0x157: {  	[spmem:s2] =	stream.indirect.scatter.add.f32 [tilespmem:s28], [sflag:$0x3], $0x10, s9, s26, $0xb8;
	[tilespmem:$0x1FF00] =	vst v63  }
0x158: {  	s9 =	sld [smem:$0x7BF]  }
0x159: {  	[spmem:s2] =	stream.indirect.scatter.add.f32 [tilespmem:s29], [sflag:$0x3], $0x10, s25, s26, $0xb8;
	[tilespmem:$0x1FF00] =	vst v63  }
0x15a: {  	_ = 	snop  }
0x15b: {  	[spmem:s2] =	stream.indirect.scatter.add.f32 [tilespmem:s30], [sflag:$0x3], $0x10, s9, s26, $0xb8;
	[tilespmem:$0x1FF00] =	vst v63  }
0x15c: {  	_ =	swait.ge [sflag:s8], $0x2000  }
0x15d: {  	s25 =	sld [smem:$0x7C0]  }
0x15e: {  	[sflag:s8] =	ssyncset.done $0x0  }
0x15f: {  	s9 =	sld [smem:$0x7C1];
	[sflag:s8] =	ssyncadd.s32 $0xFFFFE000  }
0x160: {  	[tilespmem:s1], [sflag:$0x2] =	stream.indirect.gather [hbm4b:s4+s26], $0x10, s25, s26, $0xb8;
	[tilespmem:$0x1FF00] =	vst v63  }
0x161: {  	s25 =	sld [smem:$0x7C2]  }
0x162: {  	[tilespmem:s0], [sflag:$0x2] =	stream.indirect.gather [hbm4b:s4+s26], $0x10, s9, s26, $0xb8;
	[tilespmem:$0x1FF00] =	vst v63  }
0x163: {  	s9 =	sld [smem:$0x7C3]  }
0x164: {  	[tilespmem:s6], [sflag:$0x2] =	stream.indirect.gather [hbm4b:s4+s26], $0x10, s25, s26, $0xb8;
	[tilespmem:$0x1FF00] =	vst v63  }
0x165: {  	_ = 	snop  }
0x166: {  	[tilespmem:s7], [sflag:$0x2] =	stream.indirect.gather [hbm4b:s4+s26], $0x10, s9, s26, $0xb8;
	[tilespmem:$0x1FF00] =	vst v63  }
0x167: {  	_ =	swait.ge [sflag:s31], $0x2000  }
0x168: {  	s25 =	sld [smem:$0x7C4]  }
0x169: {  	[sflag:s31] =	ssyncset.done $0x0  }
0x16a: {  	s9 =	sld [smem:$0x7C5];
	[sflag:s31] =	ssyncadd.s32 $0xFFFFE000  }
0x16b: {  	[spmem:s2] =	stream.indirect.scatter.add.f32 [tilespmem:s1], [sflag:$0x3], $0x10, s25, s26, $0xb8;
	[tilespmem:$0x1FF00] =	vst v63  }
0x16c: {  	s25 =	sld [smem:$0x7C6]  }
0x16d: {  	[spmem:s2] =	stream.indirect.scatter.add.f32 [tilespmem:s0], [sflag:$0x3], $0x10, s9, s26, $0xb8;
	[tilespmem:$0x1FF00] =	vst v63  }
0x16e: {  	s9 =	sld [smem:$0x7C7]  }
0x16f: {  	[spmem:s2] =	stream.indirect.scatter.add.f32 [tilespmem:s6], [sflag:$0x3], $0x10, s25, s26, $0xb8;
	[tilespmem:$0x1FF00] =	vst v63  }
0x170: {  	_ = 	snop  }
0x171: {  	[spmem:s2] =	stream.indirect.scatter.add.f32 [tilespmem:s7], [sflag:$0x3], $0x10, s9, s26, $0xb8;
	[tilespmem:$0x1FF00] =	vst v63  }
0x172: {  	_ =	swait.ge [sflag:s8], $0x2000  }
0x173: {  	s25 =	sld [smem:$0x7C8]  }
0x174: {  	[sflag:s8] =	ssyncset.done $0x0  }
0x175: {  	s9 =	sld [smem:$0x7C9];
	[sflag:s8] =	ssyncadd.s32 $0xFFFFE000  }
0x176: {  	[tilespmem:s20], [sflag:$0x2] =	stream.indirect.gather [hbm4b:s4+s26], $0x10, s25, s26, $0xb8;
	[tilespmem:$0x1FF00] =	vst v63  }
0x177: {  	s25 =	sld [smem:$0x7CA]  }
0x178: {  	[tilespmem:s28], [sflag:$0x2] =	stream.indirect.gather [hbm4b:s4+s26], $0x10, s9, s26, $0xb8;
	[tilespmem:$0x1FF00] =	vst v63  }
0x179: {  	s9 =	sld [smem:$0x7CB]  }
0x17a: {  	[tilespmem:s29], [sflag:$0x2] =	stream.indirect.gather [hbm4b:s4+s26], $0x10, s25, s26, $0xb8;
	[tilespmem:$0x1FF00] =	vst v63  }
0x17b: {  	_ = 	snop  }
0x17c: {  	[tilespmem:s30], [sflag:$0x2] =	stream.indirect.gather [hbm4b:s4+s26], $0x10, s9, s26, $0xb8;
	[tilespmem:$0x1FF00] =	vst v63  }
0x17d: {  	_ =	swait.ge [sflag:s31], $0x2000  }
0x17e: {  	s25 =	sld [smem:$0x7CC]  }
0x17f: {  	[sflag:s31] =	ssyncset.done $0x0  }
0x180: {  	s9 =	sld [smem:$0x7CD];
	[sflag:s31] =	ssyncadd.s32 $0xFFFFE000  }
0x181: {  	[spmem:s2] =	stream.indirect.scatter.add.f32 [tilespmem:s20], [sflag:$0x3], $0x10, s25, s26, $0xb8;
	[tilespmem:$0x1FF00] =	vst v63  }
0x182: {  	s25 =	sld [smem:$0x7CE]  }
0x183: {  	[spmem:s2] =	stream.indirect.scatter.add.f32 [tilespmem:s28], [sflag:$0x3], $0x10, s9, s26, $0xb8;
	[tilespmem:$0x1FF00] =	vst v63  }
0x184: {  	s9 =	sld [smem:$0x7CF]  }
0x185: {  	[spmem:s2] =	stream.indirect.scatter.add.f32 [tilespmem:s29], [sflag:$0x3], $0x10, s25, s26, $0xb8;
	[tilespmem:$0x1FF00] =	vst v63  }
0x186: {  	_ = 	snop  }
0x187: {  	[spmem:s2] =	stream.indirect.scatter.add.f32 [tilespmem:s30], [sflag:$0x3], $0x10, s9, s26, $0xb8;
	[tilespmem:$0x1FF00] =	vst v63  }
0x188: {  	_ =	swait.ge [sflag:s8], $0x2000  }
0x189: {  	s25 =	sld [smem:$0x7D0]  }
0x18a: {  	[sflag:s8] =	ssyncset.done $0x0  }
0x18b: {  	s9 =	sld [smem:$0x7D1];
	[sflag:s8] =	ssyncadd.s32 $0xFFFFE000  }
0x18c: {  	[tilespmem:s1], [sflag:$0x2] =	stream.indirect.gather [hbm4b:s4+s26], $0x10, s25, s26, $0xb8;
	[tilespmem:$0x1FF00] =	vst v63  }
0x18d: {  	s25 =	sld [smem:$0x7D2]  }
0x18e: {  	[tilespmem:s0], [sflag:$0x2] =	stream.indirect.gather [hbm4b:s4+s26], $0x10, s9, s26, $0xb8;
	[tilespmem:$0x1FF00] =	vst v63  }
0x18f: {  	s9 =	sld [smem:$0x7D3]  }
0x190: {  	[tilespmem:s6], [sflag:$0x2] =	stream.indirect.gather [hbm4b:s4+s26], $0x10, s25, s26, $0xb8;
	[tilespmem:$0x1FF00] =	vst v63  }
0x191: {  	_ = 	snop  }
0x192: {  	[tilespmem:s7], [sflag:$0x2] =	stream.indirect.gather [hbm4b:s4+s26], $0x10, s9, s26, $0xb8;
	[tilespmem:$0x1FF00] =	vst v63  }
0x193: {  	_ =	swait.ge [sflag:s31], $0x2000  }
0x194: {  	s25 =	sld [smem:$0x7D4]  }
0x195: {  	[sflag:s31] =	ssyncset.done $0x0  }
0x196: {  	s9 =	sld [smem:$0x7D5];
	[sflag:s31] =	ssyncadd.s32 $0xFFFFE000  }
0x197: {  	[spmem:s2] =	stream.indirect.scatter.add.f32 [tilespmem:s1], [sflag:$0x3], $0x10, s25, s26, $0xb8;
	[tilespmem:$0x1FF00] =	vst v63  }
0x198: {  	s25 =	sld [smem:$0x7D6]  }
0x199: {  	[spmem:s2] =	stream.indirect.scatter.add.f32 [tilespmem:s0], [sflag:$0x3], $0x10, s9, s26, $0xb8;
	[tilespmem:$0x1FF00] =	vst v63  }
0x19a: {  	s9 =	sld [smem:$0x7D7]  }
0x19b: {  	[spmem:s2] =	stream.indirect.scatter.add.f32 [tilespmem:s6], [sflag:$0x3], $0x10, s25, s26, $0xb8;
	[tilespmem:$0x1FF00] =	vst v63  }
0x19c: {  	_ = 	snop  }
0x19d: {  	[spmem:s2] =	stream.indirect.scatter.add.f32 [tilespmem:s7], [sflag:$0x3], $0x10, s9, s26, $0xb8;
	[tilespmem:$0x1FF00] =	vst v63  }
0x19e: {  	_ =	swait.ge [sflag:s8], $0x2000  }
0x19f: {  	s25 =	sld [smem:$0x7D8]  }
0x1a0: {  	[sflag:s8] =	ssyncset.done $0x0  }
0x1a1: {  	s9 =	sld [smem:$0x7D9];
	[sflag:s8] =	ssyncadd.s32 $0xFFFFE000  }
0x1a2: {  	[tilespmem:s20], [sflag:$0x2] =	stream.indirect.gather [hbm4b:s4+s26], $0x10, s25, s26, $0xb8;
	[tilespmem:$0x1FF00] =	vst v63  }
0x1a3: {  	s25 =	sld [smem:$0x7DB]  }
0x1a4: {  	[tilespmem:s28], [sflag:$0x2] =	stream.indirect.gather [hbm4b:s4+s26], $0x10, s9, s26, $0xb8;
	[tilespmem:$0x1FF00] =	vst v63  }
0x1a5: {  	s9 =	sld [smem:$0x7DD]  }
0x1a6: {  	[tilespmem:s29], [sflag:$0x2] =	stream.indirect.gather [hbm4b:s4+s26], $0x10, s25, s26, $0xb8;
	[tilespmem:$0x1FF00] =	vst v63  }
0x1a7: {  	_ = 	snop  }
0x1a8: {  	[tilespmem:s30], [sflag:$0x2] =	stream.indirect.gather [hbm4b:s4+s26], $0x10, s9, s26, $0xb8;
	[tilespmem:$0x1FF00] =	vst v63  }
0x1a9: {  	_ =	swait.ge [sflag:s31], $0x2000  }
0x1aa: {  	s25 =	sld [smem:$0x7DE]  }
0x1ab: {  	[sflag:s31] =	ssyncset.done $0x0  }
0x1ac: {  	s9 =	sld [smem:$0x7E0];
	[sflag:s31] =	ssyncadd.s32 $0xFFFFE000  }
0x1ad: {  	[spmem:s2] =	stream.indirect.scatter.add.f32 [tilespmem:s20], [sflag:$0x3], $0x10, s25, s26, $0xb8;
	[tilespmem:$0x1FF00] =	vst v63  }
0x1ae: {  	s25 =	sld [smem:$0x7E2]  }
0x1af: {  	[spmem:s2] =	stream.indirect.scatter.add.f32 [tilespmem:s28], [sflag:$0x3], $0x10, s9, s26, $0xb8;
	[tilespmem:$0x1FF00] =	vst v63  }
0x1b0: {  	s9 =	sld [smem:$0x7E4]  }
0x1b1: {  	[spmem:s2] =	stream.indirect.scatter.add.f32 [tilespmem:s29], [sflag:$0x3], $0x10, s25, s26, $0xb8;
	[tilespmem:$0x1FF00] =	vst v63  }
0x1b2: {  	_ = 	snop  }
0x1b3: {  	[spmem:s2] =	stream.indirect.scatter.add.f32 [tilespmem:s30], [sflag:$0x3], $0x10, s9, s26, $0xb8;
	[tilespmem:$0x1FF00] =	vst v63  }
0x1b4: {  	_ =	swait.ge [sflag:s8], $0x2000  }
0x1b5: {  	s25 =	sld [smem:$0x7E6]  }
0x1b6: {  	[sflag:s8] =	ssyncset.done $0x0  }
0x1b7: {  	s9 =	sld [smem:$0x7E8];
	[sflag:s8] =	ssyncadd.s32 $0xFFFFE000  }
0x1b8: {  	[tilespmem:s1], [sflag:$0x2] =	stream.indirect.gather [hbm4b:s4+s26], $0x10, s25, s26, $0xb8;
	[tilespmem:$0x1FF00] =	vst v63  }
0x1b9: {  	s25 =	sld [smem:$0x7EA]  }
0x1ba: {  	[tilespmem:s0], [sflag:$0x2] =	stream.indirect.gather [hbm4b:s4+s26], $0x10, s9, s26, $0xb8;
	[tilespmem:$0x1FF00] =	vst v63  }
0x1bb: {  	s9 =	sld [smem:$0x7EC]  }
0x1bc: {  	[tilespmem:s6], [sflag:$0x2] =	stream.indirect.gather [hbm4b:s4+s26], $0x10, s25, s26, $0xb8;
	[tilespmem:$0x1FF00] =	vst v63  }
0x1bd: {  	_ = 	snop  }
0x1be: {  	[tilespmem:s7], [sflag:$0x2] =	stream.indirect.gather [hbm4b:s4+s26], $0x10, s9, s26, $0xb8;
	[tilespmem:$0x1FF00] =	vst v63  }
0x1bf: {  	_ =	swait.ge [sflag:s31], $0x2000  }
0x1c0: {  	s25 =	sld [smem:$0x7EE]  }
0x1c1: {  	[sflag:s31] =	ssyncset.done $0x0  }
0x1c2: {  	s9 =	sld [smem:$0x7F0];
	[sflag:s31] =	ssyncadd.s32 $0xFFFFE000  }
0x1c3: {  	[spmem:s2] =	stream.indirect.scatter.add.f32 [tilespmem:s1], [sflag:$0x3], $0x10, s25, s26, $0xb8;
	[tilespmem:$0x1FF00] =	vst v63  }
0x1c4: {  	s25 =	sld [smem:$0x7F2]  }
0x1c5: {  	[spmem:s2] =	stream.indirect.scatter.add.f32 [tilespmem:s0], [sflag:$0x3], $0x10, s9, s26, $0xb8;
	[tilespmem:$0x1FF00] =	vst v63  }
0x1c6: {  	s9 =	sld [smem:$0x7F4]  }
0x1c7: {  	[spmem:s2] =	stream.indirect.scatter.add.f32 [tilespmem:s6], [sflag:$0x3], $0x10, s25, s26, $0xb8;
	[tilespmem:$0x1FF00] =	vst v63  }
0x1c8: {  	_ = 	snop  }
0x1c9: {  	[spmem:s2] =	stream.indirect.scatter.add.f32 [tilespmem:s7], [sflag:$0x3], $0x10, s9, s26, $0xb8;
	[tilespmem:$0x1FF00] =	vst v63  }
0x1ca: {  	_ =	swait.ge [sflag:s8], $0x2000  }
0x1cb: {  	s25 =	sld [smem:$0x7F7]  }
0x1cc: {  	[sflag:s8] =	ssyncset.done $0x0  }
0x1cd: {  	s9 =	sld [smem:$0x7F8];
	[sflag:s8] =	ssyncadd.s32 $0xFFFFE000  }
0x1ce: {  	[tilespmem:s20], [sflag:$0x2] =	stream.indirect.gather [hbm4b:s4+s26], $0x10, s25, s26, $0xb8;
	[tilespmem:$0x1FF00] =	vst v63  }
0x1cf: {  	s25 =	sld [smem:$0x7F9]  }
0x1d0: {  	[tilespmem:s28], [sflag:$0x2] =	stream.indirect.gather [hbm4b:s4+s26], $0x10, s9, s26, $0xb8;
	[tilespmem:$0x1FF00] =	vst v63  }
0x1d1: {  	s9 =	sld [smem:$0x7FA]  }
0x1d2: {  	[tilespmem:s29], [sflag:$0x2] =	stream.indirect.gather [hbm4b:s4+s26], $0x10, s25, s26, $0xb8;
	[tilespmem:$0x1FF00] =	vst v63  }
0x1d3: {  	_ = 	snop  }
0x1d4: {  	[tilespmem:s30], [sflag:$0x2] =	stream.indirect.gather [hbm4b:s4+s26], $0x10, s9, s26, $0xb8;
	[tilespmem:$0x1FF00] =	vst v63  }
0x1d5: {  	_ =	swait.ge [sflag:s31], $0x2000  }
0x1d6: {  	s19 =	sld [smem:$0x7FB]  }
0x1d7: {  	[sflag:s31] =	ssyncset.done $0x0  }
0x1d8: {  	s25 =	sld [smem:$0x7FC];
	[sflag:s31] =	ssyncadd.s32 $0xFFFFE000  }
0x1d9: {  	[spmem:s2] =	stream.indirect.scatter.add.f32 [tilespmem:s20], [sflag:$0x3], $0x10, s19, s26, $0xb8;
	[tilespmem:$0x1FF00] =	vst v63  }
0x1da: {  	_ = 	snop  }
0x1db: {  	[spmem:s2] =	stream.indirect.scatter.add.f32 [tilespmem:s28], [sflag:$0x3], $0x10, s25, s26, $0xb8;
	[tilespmem:$0x1FF00] =	vst v63  }
0x1dc: {  	_ = 	snop  }
0x1dd: {  	[spmem:s2] =	stream.indirect.scatter.add.f32 [tilespmem:s29], [sflag:$0x3], $0x10, s21, s26, $0xb8;
	[tilespmem:$0x1FF00] =	vst v63  }
0x1de: {  	_ = 	snop  }
0x1df: {  	[spmem:s2] =	stream.indirect.scatter.add.f32 [tilespmem:s30], [sflag:$0x3], $0x10, s10, s26, $0xb8;
	[tilespmem:$0x1FF00] =	vst v63  }
0x1e0: {  	_ =	swait.ge [sflag:s8], $0x2000  }
0x1e1: {  	[sflag:s8] =	ssyncset.done $0x0  }
0x1e2: {  	[sflag:s8] =	ssyncadd.s32 $0xFFFFE000  }
0x1e3: {  	[tilespmem:s1], [sflag:$0x2] =	stream.indirect.gather [hbm4b:s4+s26], $0x10, s11, s26, $0xb8;
	[tilespmem:$0x1FF00] =	vst v63  }
0x1e4: {  	_ = 	snop  }
0x1e5: {  	[tilespmem:s0], [sflag:$0x2] =	stream.indirect.gather [hbm4b:s4+s26], $0x10, s12, s26, $0xb8;
	[tilespmem:$0x1FF00] =	vst v63  }
0x1e6: {  	_ = 	snop  }
0x1e7: {  	[tilespmem:s6], [sflag:$0x2] =	stream.indirect.gather [hbm4b:s4+s26], $0x10, s13, s26, $0xb8;
	[tilespmem:$0x1FF00] =	vst v63  }
0x1e8: {  	_ = 	snop  }
0x1e9: {  	[tilespmem:s7], [sflag:$0x2] =	stream.indirect.gather [hbm4b:s4+s26], $0x10, s14, s26, $0xb8;
	[tilespmem:$0x1FF00] =	vst v63  }
0x1ea: {  	_ =	swait.ge [sflag:s31], $0x2000  }
0x1eb: {  	[sflag:s31] =	ssyncset.done $0x0  }
0x1ec: {  	[sflag:s31] =	ssyncadd.s32 $0xFFFFE000  }
0x1ed: {  	[spmem:s2] =	stream.indirect.scatter.add.f32 [tilespmem:s1], [sflag:$0x3], $0x10, s15, s26, $0xb8;
	[tilespmem:$0x1FF00] =	vst v63  }
0x1ee: {  	_ = 	snop  }
0x1ef: {  	[spmem:s2] =	stream.indirect.scatter.add.f32 [tilespmem:s0], [sflag:$0x3], $0x10, s16, s26, $0xb8;
	[tilespmem:$0x1FF00] =	vst v63  }
0x1f0: {  	_ = 	snop  }
0x1f1: {  	[spmem:s2] =	stream.indirect.scatter.add.f32 [tilespmem:s6], [sflag:$0x3], $0x10, s17, s26, $0xb8;
	[tilespmem:$0x1FF00] =	vst v63  }
0x1f2: {  	_ = 	snop  }
0x1f3: {  	[spmem:s2] =	stream.indirect.scatter.add.f32 [tilespmem:s7], [sflag:$0x3], $0x10, s18, s26, $0xb8;
	[tilespmem:$0x1FF00] =	vst v63  }
0x1f4: {  	_ =	swait.ge [sflag:s8], $0x2000  }
0x1f5: {  	[sflag:s8] =	ssyncset.done $0x0  }
0x1f6: {  	[sflag:s8] =	ssyncadd.s32 $0xFFFFE000  }
0x1f7: {  	s5 =	simm.s32 $0x700;
	_ =	swait.ge [sflag:s8], $0x2000  }
0x1f8: {  	s25 =	simm.s32 $0x380;
	s19 =	rddreg [dreg:$0x4];
	[sflag:s8] =	ssyncset.done $0x0  }
.LBB2_4:
0x1f9: {  	[sflag:s8] =	ssyncadd.s32 $0xFFFFE000;
	s9 =	rddreg [dreg:$0x3];
	s19 =	sadd.s32 s25, s19  }
0x1fa: {  	[tilespmem:s22], [sflag:$0x1] =	stream.linear.gather [hbm4b:s19+s3], $0x1C00, $0x38;
	[tilespmem:$0x1FF00] =	vst v63  }
0x1fb: {  	s9 =	sadd.s32 s25, s9  }
0x1fc: {  	[tilespmem:s23], [sflag:$0x1] =	stream.linear.gather [hbm4b:s9+s3], $0x1C00, $0x38;
	[tilespmem:$0x1FF00] =	vst v63  }
0x1fd: {  	_ =	swait.ge [sflag:s24], $0x1C00  }
0x1fe: {  	[sflag:s24] =	ssyncset.done $0x0  }
0x1ff: {  	[sflag:s24] =	ssyncadd.s32 $0xFFFFE400  }
0x200: {  	_ =	swait.ge [sflag:s24], $0x1C00  }
0x201: {  	[sflag:s24] =	ssyncset.done $0x0  }
0x202: {  	[sflag:s24] =	ssyncadd.s32 $0xFFFFE400  }
0x203: {  	[tilespmem:s20], [sflag:$0x2] =	stream.indirect.gather [hbm4b:s4+s26], $0x10, s22, s26, $0xb8;
	[tilespmem:$0x1FF00] =	vst v63  }
0x204: {  	s9 =	rddreg [dreg:$0x5]  }
0x205: {  	[tilespmem:s28], [sflag:$0x2] =	stream.indirect.gather [hbm4b:s4+s26], $0x10, s9, s26, $0xb8;
	[tilespmem:$0x1FF00] =	vst v63  }
0x206: {  	s19 =	rddreg [dreg:$0x6]  }
0x207: {  	[tilespmem:s29], [sflag:$0x2] =	stream.indirect.gather [hbm4b:s4+s26], $0x10, s19, s26, $0xb8;
	[tilespmem:$0x1FF00] =	vst v63  }
0x208: {  	s9 =	rddreg [dreg:$0x7]  }
0x209: {  	[tilespmem:s30], [sflag:$0x2] =	stream.indirect.gather [hbm4b:s4+s26], $0x10, s9, s26, $0xb8;
	[tilespmem:$0x1FF00] =	vst v63  }
0x20a: {  	_ =	swait.ge [sflag:s31], $0x2000  }
0x20b: {  	[sflag:s31] =	ssyncset.done $0x0  }
0x20c: {  	[sflag:s31] =	ssyncadd.s32 $0xFFFFE000  }
0x20d: {  	[spmem:s2] =	stream.indirect.scatter.add.f32 [tilespmem:s20], [sflag:$0x3], $0x10, s23, s26, $0xb8;
	[tilespmem:$0x1FF00] =	vst v63  }
0x20e: {  	s9 =	rddreg [dreg:$0x8]  }
0x20f: {  	[spmem:s2] =	stream.indirect.scatter.add.f32 [tilespmem:s28], [sflag:$0x3], $0x10, s9, s26, $0xb8;
	[tilespmem:$0x1FF00] =	vst v63  }
0x210: {  	s19 =	rddreg [dreg:$0x9]  }
0x211: {  	[spmem:s2] =	stream.indirect.scatter.add.f32 [tilespmem:s29], [sflag:$0x3], $0x10, s19, s26, $0xb8;
	[tilespmem:$0x1FF00] =	vst v63  }
0x212: {  	s9 =	rddreg [dreg:$0xa]  }
0x213: {  	[spmem:s2] =	stream.indirect.scatter.add.f32 [tilespmem:s30], [sflag:$0x3], $0x10, s9, s26, $0xb8;
	[tilespmem:$0x1FF00] =	vst v63  }
0x214: {  	s19 =	rddreg [dreg:$0xb]  }
0x215: {  	[tilespmem:s1], [sflag:$0x2] =	stream.indirect.gather [hbm4b:s4+s26], $0x10, s19, s26, $0xb8;
	[tilespmem:$0x1FF00] =	vst v63  }
0x216: {  	s9 =	rddreg [dreg:$0xc]  }
0x217: {  	[tilespmem:s0], [sflag:$0x2] =	stream.indirect.gather [hbm4b:s4+s26], $0x10, s9, s26, $0xb8;
	[tilespmem:$0x1FF00] =	vst v63  }
0x218: {  	s19 =	rddreg [dreg:$0xd]  }
0x219: {  	[tilespmem:s6], [sflag:$0x2] =	stream.indirect.gather [hbm4b:s4+s26], $0x10, s19, s26, $0xb8;
	[tilespmem:$0x1FF00] =	vst v63  }
0x21a: {  	s9 =	rddreg [dreg:$0xe]  }
0x21b: {  	[tilespmem:s7], [sflag:$0x2] =	stream.indirect.gather [hbm4b:s4+s26], $0x10, s9, s26, $0xb8;
	[tilespmem:$0x1FF00] =	vst v63  }
0x21c: {  	_ =	swait.ge [sflag:s31], $0x2000  }
0x21d: {  	[sflag:s31] =	ssyncset.done $0x0  }
0x21e: {  	s9 =	rddreg [dreg:$0xf];
	[sflag:s31] =	ssyncadd.s32 $0xFFFFE000  }
0x21f: {  	[spmem:s2] =	stream.indirect.scatter.add.f32 [tilespmem:s1], [sflag:$0x3], $0x10, s9, s26, $0xb8;
	[tilespmem:$0x1FF00] =	vst v63  }
0x220: {  	s19 =	rddreg [dreg:$0x10]  }
0x221: {  	[spmem:s2] =	stream.indirect.scatter.add.f32 [tilespmem:s0], [sflag:$0x3], $0x10, s19, s26, $0xb8;
	[tilespmem:$0x1FF00] =	vst v63  }
0x222: {  	s9 =	rddreg [dreg:$0x11]  }
0x223: {  	[spmem:s2] =	stream.indirect.scatter.add.f32 [tilespmem:s6], [sflag:$0x3], $0x10, s9, s26, $0xb8;
	[tilespmem:$0x1FF00] =	vst v63  }
0x224: {  	s19 =	rddreg [dreg:$0x12]  }
0x225: {  	[spmem:s2] =	stream.indirect.scatter.add.f32 [tilespmem:s7], [sflag:$0x3], $0x10, s19, s26, $0xb8;
	[tilespmem:$0x1FF00] =	vst v63  }
0x226: {  	_ =	swait.ge [sflag:s8], $0x2000  }
0x227: {  	[sflag:s8] =	ssyncset.done $0x0  }
0x228: {  	s9 =	rddreg [dreg:$0x13];
	[sflag:s8] =	ssyncadd.s32 $0xFFFFE000  }
0x229: {  	[tilespmem:s20], [sflag:$0x2] =	stream.indirect.gather [hbm4b:s4+s26], $0x10, s9, s26, $0xb8;
	[tilespmem:$0x1FF00] =	vst v63  }
0x22a: {  	s19 =	rddreg [dreg:$0x14]  }
0x22b: {  	[tilespmem:s28], [sflag:$0x2] =	stream.indirect.gather [hbm4b:s4+s26], $0x10, s19, s26, $0xb8;
	[tilespmem:$0x1FF00] =	vst v63  }
0x22c: {  	s9 =	rddreg [dreg:$0x15]  }
0x22d: {  	[tilespmem:s29], [sflag:$0x2] =	stream.indirect.gather [hbm4b:s4+s26], $0x10, s9, s26, $0xb8;
	[tilespmem:$0x1FF00] =	vst v63  }
0x22e: {  	s19 =	rddreg [dreg:$0x16]  }
0x22f: {  	[tilespmem:s30], [sflag:$0x2] =	stream.indirect.gather [hbm4b:s4+s26], $0x10, s19, s26, $0xb8;
	[tilespmem:$0x1FF00] =	vst v63  }
0x230: {  	_ =	swait.ge [sflag:s31], $0x2000  }
0x231: {  	[sflag:s31] =	ssyncset.done $0x0  }
0x232: {  	s9 =	rddreg [dreg:$0x17];
	[sflag:s31] =	ssyncadd.s32 $0xFFFFE000  }
0x233: {  	[spmem:s2] =	stream.indirect.scatter.add.f32 [tilespmem:s20], [sflag:$0x3], $0x10, s9, s26, $0xb8;
	[tilespmem:$0x1FF00] =	vst v63  }
0x234: {  	s19 =	rddreg [dreg:$0x18]  }
0x235: {  	[spmem:s2] =	stream.indirect.scatter.add.f32 [tilespmem:s28], [sflag:$0x3], $0x10, s19, s26, $0xb8;
	[tilespmem:$0x1FF00] =	vst v63  }
0x236: {  	s9 =	rddreg [dreg:$0x19]  }
0x237: {  	[spmem:s2] =	stream.indirect.scatter.add.f32 [tilespmem:s29], [sflag:$0x3], $0x10, s9, s26, $0xb8;
	[tilespmem:$0x1FF00] =	vst v63  }
0x238: {  	s19 =	rddreg [dreg:$0x1a]  }
0x239: {  	[spmem:s2] =	stream.indirect.scatter.add.f32 [tilespmem:s30], [sflag:$0x3], $0x10, s19, s26, $0xb8;
	[tilespmem:$0x1FF00] =	vst v63  }
0x23a: {  	_ =	swait.ge [sflag:s8], $0x2000  }
0x23b: {  	[sflag:s8] =	ssyncset.done $0x0  }
0x23c: {  	s9 =	rddreg [dreg:$0x1b];
	[sflag:s8] =	ssyncadd.s32 $0xFFFFE000  }
0x23d: {  	[tilespmem:s1], [sflag:$0x2] =	stream.indirect.gather [hbm4b:s4+s26], $0x10, s9, s26, $0xb8;
	[tilespmem:$0x1FF00] =	vst v63  }
0x23e: {  	s19 =	rddreg [dreg:$0x1c]  }
0x23f: {  	[tilespmem:s0], [sflag:$0x2] =	stream.indirect.gather [hbm4b:s4+s26], $0x10, s19, s26, $0xb8;
	[tilespmem:$0x1FF00] =	vst v63  }
0x240: {  	s9 =	rddreg [dreg:$0x1d]  }
0x241: {  	[tilespmem:s6], [sflag:$0x2] =	stream.indirect.gather [hbm4b:s4+s26], $0x10, s9, s26, $0xb8;
	[tilespmem:$0x1FF00] =	vst v63  }
0x242: {  	s19 =	rddreg [dreg:$0x1e]  }
0x243: {  	[tilespmem:s7], [sflag:$0x2] =	stream.indirect.gather [hbm4b:s4+s26], $0x10, s19, s26, $0xb8;
	[tilespmem:$0x1FF00] =	vst v63  }
0x244: {  	_ =	swait.ge [sflag:s31], $0x2000  }
0x245: {  	s9 =	rddreg [dreg:$0x1f];
	[sflag:s31] =	ssyncset.done $0x0  }
0x246: {  	s19 =	sld [smem:$0x7A5];
	[sflag:s31] =	ssyncadd.s32 $0xFFFFE000  }
0x247: {  	[spmem:s2] =	stream.indirect.scatter.add.f32 [tilespmem:s1], [sflag:$0x3], $0x10, s9, s26, $0xb8;
	[tilespmem:$0x1FF00] =	vst v63  }
0x248: {  	s9 =	sld [smem:$0x7A6]  }
0x249: {  	[spmem:s2] =	stream.indirect.scatter.add.f32 [tilespmem:s0], [sflag:$0x3], $0x10, s19, s26, $0xb8;
	[tilespmem:$0x1FF00] =	vst v63  }
0x24a: {  	s19 =	sld [smem:$0x7A7]  }
0x24b: {  	[spmem:s2] =	stream.indirect.scatter.add.f32 [tilespmem:s6], [sflag:$0x3], $0x10, s9, s26, $0xb8;
	[tilespmem:$0x1FF00] =	vst v63  }
0x24c: {  	_ = 	snop  }
0x24d: {  	[spmem:s2] =	stream.indirect.scatter.add.f32 [tilespmem:s7], [sflag:$0x3], $0x10, s19, s26, $0xb8;
	[tilespmem:$0x1FF00] =	vst v63  }
0x24e: {  	_ =	swait.ge [sflag:s8], $0x2000  }
0x24f: {  	s9 =	sld [smem:$0x7A8]  }
0x250: {  	[sflag:s8] =	ssyncset.done $0x0  }
0x251: {  	s19 =	sld [smem:$0x7A9];
	[sflag:s8] =	ssyncadd.s32 $0xFFFFE000  }
0x252: {  	[tilespmem:s20], [sflag:$0x2] =	stream.indirect.gather [hbm4b:s4+s26], $0x10, s9, s26, $0xb8;
	[tilespmem:$0x1FF00] =	vst v63  }
0x253: {  	s9 =	sld [smem:$0x7AA]  }
0x254: {  	[tilespmem:s28], [sflag:$0x2] =	stream.indirect.gather [hbm4b:s4+s26], $0x10, s19, s26, $0xb8;
	[tilespmem:$0x1FF00] =	vst v63  }
0x255: {  	s19 =	sld [smem:$0x7AB]  }
0x256: {  	[tilespmem:s29], [sflag:$0x2] =	stream.indirect.gather [hbm4b:s4+s26], $0x10, s9, s26, $0xb8;
	[tilespmem:$0x1FF00] =	vst v63  }
0x257: {  	_ = 	snop  }
0x258: {  	[tilespmem:s30], [sflag:$0x2] =	stream.indirect.gather [hbm4b:s4+s26], $0x10, s19, s26, $0xb8;
	[tilespmem:$0x1FF00] =	vst v63  }
0x259: {  	_ =	swait.ge [sflag:s31], $0x2000  }
0x25a: {  	s9 =	sld [smem:$0x7AC]  }
0x25b: {  	[sflag:s31] =	ssyncset.done $0x0  }
0x25c: {  	s19 =	sld [smem:$0x7AD];
	[sflag:s31] =	ssyncadd.s32 $0xFFFFE000  }
0x25d: {  	[spmem:s2] =	stream.indirect.scatter.add.f32 [tilespmem:s20], [sflag:$0x3], $0x10, s9, s26, $0xb8;
	[tilespmem:$0x1FF00] =	vst v63  }
0x25e: {  	s9 =	sld [smem:$0x7AE]  }
0x25f: {  	[spmem:s2] =	stream.indirect.scatter.add.f32 [tilespmem:s28], [sflag:$0x3], $0x10, s19, s26, $0xb8;
	[tilespmem:$0x1FF00] =	vst v63  }
0x260: {  	s19 =	sld [smem:$0x7AF]  }
0x261: {  	[spmem:s2] =	stream.indirect.scatter.add.f32 [tilespmem:s29], [sflag:$0x3], $0x10, s9, s26, $0xb8;
	[tilespmem:$0x1FF00] =	vst v63  }
0x262: {  	_ = 	snop  }
0x263: {  	[spmem:s2] =	stream.indirect.scatter.add.f32 [tilespmem:s30], [sflag:$0x3], $0x10, s19, s26, $0xb8;
	[tilespmem:$0x1FF00] =	vst v63  }
0x264: {  	_ =	swait.ge [sflag:s8], $0x2000  }
0x265: {  	s9 =	sld [smem:$0x7B0]  }
0x266: {  	[sflag:s8] =	ssyncset.done $0x0  }
0x267: {  	s19 =	sld [smem:$0x7B1];
	[sflag:s8] =	ssyncadd.s32 $0xFFFFE000  }
0x268: {  	[tilespmem:s1], [sflag:$0x2] =	stream.indirect.gather [hbm4b:s4+s26], $0x10, s9, s26, $0xb8;
	[tilespmem:$0x1FF00] =	vst v63  }
0x269: {  	s9 =	sld [smem:$0x7B2]  }
0x26a: {  	[tilespmem:s0], [sflag:$0x2] =	stream.indirect.gather [hbm4b:s4+s26], $0x10, s19, s26, $0xb8;
	[tilespmem:$0x1FF00] =	vst v63  }
0x26b: {  	s19 =	sld [smem:$0x7B3]  }
0x26c: {  	[tilespmem:s6], [sflag:$0x2] =	stream.indirect.gather [hbm4b:s4+s26], $0x10, s9, s26, $0xb8;
	[tilespmem:$0x1FF00] =	vst v63  }
0x26d: {  	_ = 	snop  }
0x26e: {  	[tilespmem:s7], [sflag:$0x2] =	stream.indirect.gather [hbm4b:s4+s26], $0x10, s19, s26, $0xb8;
	[tilespmem:$0x1FF00] =	vst v63  }
0x26f: {  	_ =	swait.ge [sflag:s31], $0x2000  }
0x270: {  	s9 =	sld [smem:$0x7B4]  }
0x271: {  	[sflag:s31] =	ssyncset.done $0x0  }
0x272: {  	s19 =	sld [smem:$0x7B5];
	[sflag:s31] =	ssyncadd.s32 $0xFFFFE000  }
0x273: {  	[spmem:s2] =	stream.indirect.scatter.add.f32 [tilespmem:s1], [sflag:$0x3], $0x10, s9, s26, $0xb8;
	[tilespmem:$0x1FF00] =	vst v63  }
0x274: {  	s9 =	sld [smem:$0x7B6]  }
0x275: {  	[spmem:s2] =	stream.indirect.scatter.add.f32 [tilespmem:s0], [sflag:$0x3], $0x10, s19, s26, $0xb8;
	[tilespmem:$0x1FF00] =	vst v63  }
0x276: {  	s19 =	sld [smem:$0x7B7]  }
0x277: {  	[spmem:s2] =	stream.indirect.scatter.add.f32 [tilespmem:s6], [sflag:$0x3], $0x10, s9, s26, $0xb8;
	[tilespmem:$0x1FF00] =	vst v63  }
0x278: {  	_ = 	snop  }
0x279: {  	[spmem:s2] =	stream.indirect.scatter.add.f32 [tilespmem:s7], [sflag:$0x3], $0x10, s19, s26, $0xb8;
	[tilespmem:$0x1FF00] =	vst v63  }
0x27a: {  	_ =	swait.ge [sflag:s8], $0x2000  }
0x27b: {  	s9 =	sld [smem:$0x7B8]  }
0x27c: {  	[sflag:s8] =	ssyncset.done $0x0  }
0x27d: {  	s19 =	sld [smem:$0x7B9];
	[sflag:s8] =	ssyncadd.s32 $0xFFFFE000  }
0x27e: {  	[tilespmem:s20], [sflag:$0x2] =	stream.indirect.gather [hbm4b:s4+s26], $0x10, s9, s26, $0xb8;
	[tilespmem:$0x1FF00] =	vst v63  }
0x27f: {  	s9 =	sld [smem:$0x7BA]  }
0x280: {  	[tilespmem:s28], [sflag:$0x2] =	stream.indirect.gather [hbm4b:s4+s26], $0x10, s19, s26, $0xb8;
	[tilespmem:$0x1FF00] =	vst v63  }
0x281: {  	s19 =	sld [smem:$0x7BB]  }
0x282: {  	[tilespmem:s29], [sflag:$0x2] =	stream.indirect.gather [hbm4b:s4+s26], $0x10, s9, s26, $0xb8;
	[tilespmem:$0x1FF00] =	vst v63  }
0x283: {  	_ = 	snop  }
0x284: {  	[tilespmem:s30], [sflag:$0x2] =	stream.indirect.gather [hbm4b:s4+s26], $0x10, s19, s26, $0xb8;
	[tilespmem:$0x1FF00] =	vst v63  }
0x285: {  	_ =	swait.ge [sflag:s31], $0x2000  }
0x286: {  	s9 =	sld [smem:$0x7BC]  }
0x287: {  	[sflag:s31] =	ssyncset.done $0x0  }
0x288: {  	s19 =	sld [smem:$0x7BD];
	[sflag:s31] =	ssyncadd.s32 $0xFFFFE000  }
0x289: {  	[spmem:s2] =	stream.indirect.scatter.add.f32 [tilespmem:s20], [sflag:$0x3], $0x10, s9, s26, $0xb8;
	[tilespmem:$0x1FF00] =	vst v63  }
0x28a: {  	s9 =	sld [smem:$0x7BE]  }
0x28b: {  	[spmem:s2] =	stream.indirect.scatter.add.f32 [tilespmem:s28], [sflag:$0x3], $0x10, s19, s26, $0xb8;
	[tilespmem:$0x1FF00] =	vst v63  }
0x28c: {  	s19 =	sld [smem:$0x7BF]  }
0x28d: {  	[spmem:s2] =	stream.indirect.scatter.add.f32 [tilespmem:s29], [sflag:$0x3], $0x10, s9, s26, $0xb8;
	[tilespmem:$0x1FF00] =	vst v63  }
0x28e: {  	_ = 	snop  }
0x28f: {  	[spmem:s2] =	stream.indirect.scatter.add.f32 [tilespmem:s30], [sflag:$0x3], $0x10, s19, s26, $0xb8;
	[tilespmem:$0x1FF00] =	vst v63  }
0x290: {  	_ =	swait.ge [sflag:s8], $0x2000  }
0x291: {  	s9 =	sld [smem:$0x7C0]  }
0x292: {  	[sflag:s8] =	ssyncset.done $0x0  }
0x293: {  	s19 =	sld [smem:$0x7C1];
	[sflag:s8] =	ssyncadd.s32 $0xFFFFE000  }
0x294: {  	[tilespmem:s1], [sflag:$0x2] =	stream.indirect.gather [hbm4b:s4+s26], $0x10, s9, s26, $0xb8;
	[tilespmem:$0x1FF00] =	vst v63  }
0x295: {  	s9 =	sld [smem:$0x7C2]  }
0x296: {  	[tilespmem:s0], [sflag:$0x2] =	stream.indirect.gather [hbm4b:s4+s26], $0x10, s19, s26, $0xb8;
	[tilespmem:$0x1FF00] =	vst v63  }
0x297: {  	s19 =	sld [smem:$0x7C3]  }
0x298: {  	[tilespmem:s6], [sflag:$0x2] =	stream.indirect.gather [hbm4b:s4+s26], $0x10, s9, s26, $0xb8;
	[tilespmem:$0x1FF00] =	vst v63  }
0x299: {  	_ = 	snop  }
0x29a: {  	[tilespmem:s7], [sflag:$0x2] =	stream.indirect.gather [hbm4b:s4+s26], $0x10, s19, s26, $0xb8;
	[tilespmem:$0x1FF00] =	vst v63  }
0x29b: {  	_ =	swait.ge [sflag:s31], $0x2000  }
0x29c: {  	s9 =	sld [smem:$0x7C4]  }
0x29d: {  	[sflag:s31] =	ssyncset.done $0x0  }
0x29e: {  	s19 =	sld [smem:$0x7C5];
	[sflag:s31] =	ssyncadd.s32 $0xFFFFE000  }
0x29f: {  	[spmem:s2] =	stream.indirect.scatter.add.f32 [tilespmem:s1], [sflag:$0x3], $0x10, s9, s26, $0xb8;
	[tilespmem:$0x1FF00] =	vst v63  }
0x2a0: {  	s9 =	sld [smem:$0x7C6]  }
0x2a1: {  	[spmem:s2] =	stream.indirect.scatter.add.f32 [tilespmem:s0], [sflag:$0x3], $0x10, s19, s26, $0xb8;
	[tilespmem:$0x1FF00] =	vst v63  }
0x2a2: {  	s19 =	sld [smem:$0x7C7]  }
0x2a3: {  	[spmem:s2] =	stream.indirect.scatter.add.f32 [tilespmem:s6], [sflag:$0x3], $0x10, s9, s26, $0xb8;
	[tilespmem:$0x1FF00] =	vst v63  }
0x2a4: {  	_ = 	snop  }
0x2a5: {  	[spmem:s2] =	stream.indirect.scatter.add.f32 [tilespmem:s7], [sflag:$0x3], $0x10, s19, s26, $0xb8;
	[tilespmem:$0x1FF00] =	vst v63  }
0x2a6: {  	_ =	swait.ge [sflag:s8], $0x2000  }
0x2a7: {  	s9 =	sld [smem:$0x7C8]  }
0x2a8: {  	[sflag:s8] =	ssyncset.done $0x0  }
0x2a9: {  	s19 =	sld [smem:$0x7C9];
	[sflag:s8] =	ssyncadd.s32 $0xFFFFE000  }
0x2aa: {  	[tilespmem:s20], [sflag:$0x2] =	stream.indirect.gather [hbm4b:s4+s26], $0x10, s9, s26, $0xb8;
	[tilespmem:$0x1FF00] =	vst v63  }
0x2ab: {  	s9 =	sld [smem:$0x7CA]  }
0x2ac: {  	[tilespmem:s28], [sflag:$0x2] =	stream.indirect.gather [hbm4b:s4+s26], $0x10, s19, s26, $0xb8;
	[tilespmem:$0x1FF00] =	vst v63  }
0x2ad: {  	s19 =	sld [smem:$0x7CB]  }
0x2ae: {  	[tilespmem:s29], [sflag:$0x2] =	stream.indirect.gather [hbm4b:s4+s26], $0x10, s9, s26, $0xb8;
	[tilespmem:$0x1FF00] =	vst v63  }
0x2af: {  	_ = 	snop  }
0x2b0: {  	[tilespmem:s30], [sflag:$0x2] =	stream.indirect.gather [hbm4b:s4+s26], $0x10, s19, s26, $0xb8;
	[tilespmem:$0x1FF00] =	vst v63  }
0x2b1: {  	_ =	swait.ge [sflag:s31], $0x2000  }
0x2b2: {  	s9 =	sld [smem:$0x7CC]  }
0x2b3: {  	[sflag:s31] =	ssyncset.done $0x0  }
0x2b4: {  	s19 =	sld [smem:$0x7CD];
	[sflag:s31] =	ssyncadd.s32 $0xFFFFE000  }
0x2b5: {  	[spmem:s2] =	stream.indirect.scatter.add.f32 [tilespmem:s20], [sflag:$0x3], $0x10, s9, s26, $0xb8;
	[tilespmem:$0x1FF00] =	vst v63  }
0x2b6: {  	s9 =	sld [smem:$0x7CE]  }
0x2b7: {  	[spmem:s2] =	stream.indirect.scatter.add.f32 [tilespmem:s28], [sflag:$0x3], $0x10, s19, s26, $0xb8;
	[tilespmem:$0x1FF00] =	vst v63  }
0x2b8: {  	s19 =	sld [smem:$0x7CF]  }
0x2b9: {  	[spmem:s2] =	stream.indirect.scatter.add.f32 [tilespmem:s29], [sflag:$0x3], $0x10, s9, s26, $0xb8;
	[tilespmem:$0x1FF00] =	vst v63  }
0x2ba: {  	_ = 	snop  }
0x2bb: {  	[spmem:s2] =	stream.indirect.scatter.add.f32 [tilespmem:s30], [sflag:$0x3], $0x10, s19, s26, $0xb8;
	[tilespmem:$0x1FF00] =	vst v63  }
0x2bc: {  	_ =	swait.ge [sflag:s8], $0x2000  }
0x2bd: {  	s9 =	sld [smem:$0x7D0]  }
0x2be: {  	[sflag:s8] =	ssyncset.done $0x0  }
0x2bf: {  	s19 =	sld [smem:$0x7D1];
	[sflag:s8] =	ssyncadd.s32 $0xFFFFE000  }
0x2c0: {  	[tilespmem:s1], [sflag:$0x2] =	stream.indirect.gather [hbm4b:s4+s26], $0x10, s9, s26, $0xb8;
	[tilespmem:$0x1FF00] =	vst v63  }
0x2c1: {  	s9 =	sld [smem:$0x7D2]  }
0x2c2: {  	[tilespmem:s0], [sflag:$0x2] =	stream.indirect.gather [hbm4b:s4+s26], $0x10, s19, s26, $0xb8;
	[tilespmem:$0x1FF00] =	vst v63  }
0x2c3: {  	s19 =	sld [smem:$0x7D3]  }
0x2c4: {  	[tilespmem:s6], [sflag:$0x2] =	stream.indirect.gather [hbm4b:s4+s26], $0x10, s9, s26, $0xb8;
	[tilespmem:$0x1FF00] =	vst v63  }
0x2c5: {  	_ = 	snop  }
0x2c6: {  	[tilespmem:s7], [sflag:$0x2] =	stream.indirect.gather [hbm4b:s4+s26], $0x10, s19, s26, $0xb8;
	[tilespmem:$0x1FF00] =	vst v63  }
0x2c7: {  	_ =	swait.ge [sflag:s31], $0x2000  }
0x2c8: {  	s9 =	sld [smem:$0x7D4]  }
0x2c9: {  	[sflag:s31] =	ssyncset.done $0x0  }
0x2ca: {  	s19 =	sld [smem:$0x7D5];
	[sflag:s31] =	ssyncadd.s32 $0xFFFFE000  }
0x2cb: {  	[spmem:s2] =	stream.indirect.scatter.add.f32 [tilespmem:s1], [sflag:$0x3], $0x10, s9, s26, $0xb8;
	[tilespmem:$0x1FF00] =	vst v63  }
0x2cc: {  	s9 =	sld [smem:$0x7D6]  }
0x2cd: {  	[spmem:s2] =	stream.indirect.scatter.add.f32 [tilespmem:s0], [sflag:$0x3], $0x10, s19, s26, $0xb8;
	[tilespmem:$0x1FF00] =	vst v63  }
0x2ce: {  	s19 =	sld [smem:$0x7D7]  }
0x2cf: {  	[spmem:s2] =	stream.indirect.scatter.add.f32 [tilespmem:s6], [sflag:$0x3], $0x10, s9, s26, $0xb8;
	[tilespmem:$0x1FF00] =	vst v63  }
0x2d0: {  	_ = 	snop  }
0x2d1: {  	[spmem:s2] =	stream.indirect.scatter.add.f32 [tilespmem:s7], [sflag:$0x3], $0x10, s19, s26, $0xb8;
	[tilespmem:$0x1FF00] =	vst v63  }
0x2d2: {  	_ =	swait.ge [sflag:s8], $0x2000  }
0x2d3: {  	s9 =	sld [smem:$0x7D8]  }
0x2d4: {  	[sflag:s8] =	ssyncset.done $0x0  }
0x2d5: {  	s19 =	sld [smem:$0x7D9];
	[sflag:s8] =	ssyncadd.s32 $0xFFFFE000  }
0x2d6: {  	[tilespmem:s20], [sflag:$0x2] =	stream.indirect.gather [hbm4b:s4+s26], $0x10, s9, s26, $0xb8;
	[tilespmem:$0x1FF00] =	vst v63  }
0x2d7: {  	s9 =	sld [smem:$0x7DB]  }
0x2d8: {  	[tilespmem:s28], [sflag:$0x2] =	stream.indirect.gather [hbm4b:s4+s26], $0x10, s19, s26, $0xb8;
	[tilespmem:$0x1FF00] =	vst v63  }
0x2d9: {  	s19 =	sld [smem:$0x7DD]  }
0x2da: {  	[tilespmem:s29], [sflag:$0x2] =	stream.indirect.gather [hbm4b:s4+s26], $0x10, s9, s26, $0xb8;
	[tilespmem:$0x1FF00] =	vst v63  }
0x2db: {  	_ = 	snop  }
0x2dc: {  	[tilespmem:s30], [sflag:$0x2] =	stream.indirect.gather [hbm4b:s4+s26], $0x10, s19, s26, $0xb8;
	[tilespmem:$0x1FF00] =	vst v63  }
0x2dd: {  	_ =	swait.ge [sflag:s31], $0x2000  }
0x2de: {  	s9 =	sld [smem:$0x7DE]  }
0x2df: {  	[sflag:s31] =	ssyncset.done $0x0  }
0x2e0: {  	s19 =	sld [smem:$0x7E0];
	[sflag:s31] =	ssyncadd.s32 $0xFFFFE000  }
0x2e1: {  	[spmem:s2] =	stream.indirect.scatter.add.f32 [tilespmem:s20], [sflag:$0x3], $0x10, s9, s26, $0xb8;
	[tilespmem:$0x1FF00] =	vst v63  }
0x2e2: {  	s9 =	sld [smem:$0x7E2]  }
0x2e3: {  	[spmem:s2] =	stream.indirect.scatter.add.f32 [tilespmem:s28], [sflag:$0x3], $0x10, s19, s26, $0xb8;
	[tilespmem:$0x1FF00] =	vst v63  }
0x2e4: {  	s19 =	sld [smem:$0x7E4]  }
0x2e5: {  	[spmem:s2] =	stream.indirect.scatter.add.f32 [tilespmem:s29], [sflag:$0x3], $0x10, s9, s26, $0xb8;
	[tilespmem:$0x1FF00] =	vst v63  }
0x2e6: {  	_ = 	snop  }
0x2e7: {  	[spmem:s2] =	stream.indirect.scatter.add.f32 [tilespmem:s30], [sflag:$0x3], $0x10, s19, s26, $0xb8;
	[tilespmem:$0x1FF00] =	vst v63  }
0x2e8: {  	_ =	swait.ge [sflag:s8], $0x2000  }
0x2e9: {  	s9 =	sld [smem:$0x7E6]  }
0x2ea: {  	[sflag:s8] =	ssyncset.done $0x0  }
0x2eb: {  	s19 =	sld [smem:$0x7E8];
	[sflag:s8] =	ssyncadd.s32 $0xFFFFE000  }
0x2ec: {  	[tilespmem:s1], [sflag:$0x2] =	stream.indirect.gather [hbm4b:s4+s26], $0x10, s9, s26, $0xb8;
	[tilespmem:$0x1FF00] =	vst v63  }
0x2ed: {  	s9 =	sld [smem:$0x7EA]  }
0x2ee: {  	[tilespmem:s0], [sflag:$0x2] =	stream.indirect.gather [hbm4b:s4+s26], $0x10, s19, s26, $0xb8;
	[tilespmem:$0x1FF00] =	vst v63  }
0x2ef: {  	s19 =	sld [smem:$0x7EC]  }
0x2f0: {  	[tilespmem:s6], [sflag:$0x2] =	stream.indirect.gather [hbm4b:s4+s26], $0x10, s9, s26, $0xb8;
	[tilespmem:$0x1FF00] =	vst v63  }
0x2f1: {  	_ = 	snop  }
0x2f2: {  	[tilespmem:s7], [sflag:$0x2] =	stream.indirect.gather [hbm4b:s4+s26], $0x10, s19, s26, $0xb8;
	[tilespmem:$0x1FF00] =	vst v63  }
0x2f3: {  	_ =	swait.ge [sflag:s31], $0x2000  }
0x2f4: {  	s9 =	sld [smem:$0x7EE]  }
0x2f5: {  	[sflag:s31] =	ssyncset.done $0x0  }
0x2f6: {  	s19 =	sld [smem:$0x7F0];
	[sflag:s31] =	ssyncadd.s32 $0xFFFFE000  }
0x2f7: {  	[spmem:s2] =	stream.indirect.scatter.add.f32 [tilespmem:s1], [sflag:$0x3], $0x10, s9, s26, $0xb8;
	[tilespmem:$0x1FF00] =	vst v63  }
0x2f8: {  	s9 =	sld [smem:$0x7F2]  }
0x2f9: {  	[spmem:s2] =	stream.indirect.scatter.add.f32 [tilespmem:s0], [sflag:$0x3], $0x10, s19, s26, $0xb8;
	[tilespmem:$0x1FF00] =	vst v63  }
0x2fa: {  	s19 =	sld [smem:$0x7F4]  }
0x2fb: {  	[spmem:s2] =	stream.indirect.scatter.add.f32 [tilespmem:s6], [sflag:$0x3], $0x10, s9, s26, $0xb8;
	[tilespmem:$0x1FF00] =	vst v63  }
0x2fc: {  	_ = 	snop  }
0x2fd: {  	[spmem:s2] =	stream.indirect.scatter.add.f32 [tilespmem:s7], [sflag:$0x3], $0x10, s19, s26, $0xb8;
	[tilespmem:$0x1FF00] =	vst v63  }
0x2fe: {  	_ =	swait.ge [sflag:s8], $0x2000  }
0x2ff: {  	s9 =	sld [smem:$0x7F7]  }
0x300: {  	[sflag:s8] =	ssyncset.done $0x0  }
0x301: {  	s19 =	sld [smem:$0x7F8];
	[sflag:s8] =	ssyncadd.s32 $0xFFFFE000  }
0x302: {  	[tilespmem:s20], [sflag:$0x2] =	stream.indirect.gather [hbm4b:s4+s26], $0x10, s9, s26, $0xb8;
	[tilespmem:$0x1FF00] =	vst v63  }
0x303: {  	s9 =	sld [smem:$0x7F9]  }
0x304: {  	[tilespmem:s28], [sflag:$0x2] =	stream.indirect.gather [hbm4b:s4+s26], $0x10, s19, s26, $0xb8;
	[tilespmem:$0x1FF00] =	vst v63  }
0x305: {  	s19 =	sld [smem:$0x7FA]  }
0x306: {  	[tilespmem:s29], [sflag:$0x2] =	stream.indirect.gather [hbm4b:s4+s26], $0x10, s9, s26, $0xb8;
	[tilespmem:$0x1FF00] =	vst v63  }
0x307: {  	_ = 	snop  }
0x308: {  	[tilespmem:s30], [sflag:$0x2] =	stream.indirect.gather [hbm4b:s4+s26], $0x10, s19, s26, $0xb8;
	[tilespmem:$0x1FF00] =	vst v63  }
0x309: {  	_ =	swait.ge [sflag:s31], $0x2000  }
0x30a: {  	s9 =	sld [smem:$0x7FB]  }
0x30b: {  	[sflag:s31] =	ssyncset.done $0x0  }
0x30c: {  	s19 =	sld [smem:$0x7FC];
	[sflag:s31] =	ssyncadd.s32 $0xFFFFE000  }
0x30d: {  	[spmem:s2] =	stream.indirect.scatter.add.f32 [tilespmem:s20], [sflag:$0x3], $0x10, s9, s26, $0xb8;
	[tilespmem:$0x1FF00] =	vst v63  }
0x30e: {  	s21 =	smov.u32 s5  }
0x30f: {  	[spmem:s2] =	stream.indirect.scatter.add.f32 [tilespmem:s28], [sflag:$0x3], $0x10, s19, s26, $0xb8;
	[tilespmem:$0x1FF00] =	vst v63  }
0x310: {  	s25 =	smov.u32 s21;
	s21 =	simm.s32 $0x1BC00  }
0x311: {  	[spmem:s2] =	stream.indirect.scatter.add.f32 [tilespmem:s29], [sflag:$0x3], $0x10, s21, s26, $0xb8;
	[tilespmem:$0x1FF00] =	vst v63  }
0x312: {  	_ = 	snop  }
0x313: {  	[spmem:s2] =	stream.indirect.scatter.add.f32 [tilespmem:s30], [sflag:$0x3], $0x10, s10, s26, $0xb8;
	[tilespmem:$0x1FF00] =	vst v63  }
0x314: {  	_ =	swait.ge [sflag:s8], $0x2000  }
0x315: {  	[sflag:s8] =	ssyncset.done $0x0  }
0x316: {  	[sflag:s8] =	ssyncadd.s32 $0xFFFFE000  }
0x317: {  	[tilespmem:s1], [sflag:$0x2] =	stream.indirect.gather [hbm4b:s4+s26], $0x10, s11, s26, $0xb8;
	[tilespmem:$0x1FF00] =	vst v63  }
0x318: {  	_ = 	snop  }
0x319: {  	[tilespmem:s0], [sflag:$0x2] =	stream.indirect.gather [hbm4b:s4+s26], $0x10, s12, s26, $0xb8;
	[tilespmem:$0x1FF00] =	vst v63  }
0x31a: {  	_ = 	snop  }
0x31b: {  	[tilespmem:s6], [sflag:$0x2] =	stream.indirect.gather [hbm4b:s4+s26], $0x10, s13, s26, $0xb8;
	[tilespmem:$0x1FF00] =	vst v63  }
0x31c: {  	_ = 	snop  }
0x31d: {  	[tilespmem:s7], [sflag:$0x2] =	stream.indirect.gather [hbm4b:s4+s26], $0x10, s14, s26, $0xb8;
	[tilespmem:$0x1FF00] =	vst v63  }
0x31e: {  	_ =	swait.ge [sflag:s31], $0x2000  }
0x31f: {  	[sflag:s31] =	ssyncset.done $0x0  }
0x320: {  	[sflag:s31] =	ssyncadd.s32 $0xFFFFE000  }
0x321: {  	[spmem:s2] =	stream.indirect.scatter.add.f32 [tilespmem:s1], [sflag:$0x3], $0x10, s15, s26, $0xb8;
	[tilespmem:$0x1FF00] =	vst v63  }
0x322: {  	_ = 	snop  }
0x323: {  	[spmem:s2] =	stream.indirect.scatter.add.f32 [tilespmem:s0], [sflag:$0x3], $0x10, s16, s26, $0xb8;
	[tilespmem:$0x1FF00] =	vst v63  }
0x324: {  	_ = 	snop  }
0x325: {  	[spmem:s2] =	stream.indirect.scatter.add.f32 [tilespmem:s6], [sflag:$0x3], $0x10, s17, s26, $0xb8;
	[tilespmem:$0x1FF00] =	vst v63  }
0x326: {  	p0 =	sne.s32 s5, $0x1500  }
0x327: {  	[spmem:s2] =	stream.indirect.scatter.add.f32 [tilespmem:s7], [sflag:$0x3], $0x10, s18, s26, $0xb8;
	[tilespmem:$0x1FF00] =	vst v63  }
.Ltmp1:
0x328: {  	_ =	swait.ge [sflag:s8], $0x2000;
	(pc) =	sbr.rel @p0 .LBB2_4-.Ltmp1, $4  }
0x329: {  	[sflag:s8] =	ssyncset.done $0x0  }
0x32a: {  	[sflag:s8] =	ssyncadd.s32 $0xFFFFE000  }
0x32b: {  	_ =	swait.ge [sflag:s8], $0x2000  }
0x32c: {  	s5 =	sadd.s32 $0x380, s5;
	s19 =	rddreg [dreg:$0x4];
	[sflag:s8] =	ssyncset.done $0x0  }
0x32d: {  	s5 =	rddreg [dreg:$0x3];
	[sflag:s8] =	ssyncadd.s32 $0xFFFFE000;
	s9 =	sadd.s32 s25, s19  }
0x32e: {  	[tilespmem:s22], [sflag:$0x1] =	stream.linear.gather [hbm4b:s9+s3], $0x1C00, $0x38;
	[tilespmem:$0x1FF00] =	vst v63  }
0x32f: {  	s5 =	sadd.s32 s25, s5  }
0x330: {  	[tilespmem:s23], [sflag:$0x1] =	stream.linear.gather [hbm4b:s5+s3], $0x1C00, $0x38;
	[tilespmem:$0x1FF00] =	vst v63  }
0x331: {  	_ =	swait.ge [sflag:s24], $0x1C00  }
0x332: {  	[sflag:s24] =	ssyncset.done $0x0  }
0x333: {  	[sflag:s24] =	ssyncadd.s32 $0xFFFFE400  }
0x334: {  	_ =	swait.ge [sflag:s24], $0x1C00  }
0x335: {  	[sflag:s24] =	ssyncset.done $0x0  }
0x336: {  	[sflag:s24] =	ssyncadd.s32 $0xFFFFE400  }
0x337: {  	[tilespmem:s20], [sflag:$0x2] =	stream.indirect.gather [hbm4b:s4+s26], $0x10, s22, s26, $0xb8;
	[tilespmem:$0x1FF00] =	vst v63  }
0x338: {  	s9 =	rddreg [dreg:$0x5]  }
0x339: {  	[tilespmem:s28], [sflag:$0x2] =	stream.indirect.gather [hbm4b:s4+s26], $0x10, s9, s26, $0xb8;
	[tilespmem:$0x1FF00] =	vst v63  }
0x33a: {  	s19 =	rddreg [dreg:$0x6]  }
0x33b: {  	[tilespmem:s29], [sflag:$0x2] =	stream.indirect.gather [hbm4b:s4+s26], $0x10, s19, s26, $0xb8;
	[tilespmem:$0x1FF00] =	vst v63  }
0x33c: {  	s25 =	rddreg [dreg:$0x7]  }
0x33d: {  	[tilespmem:s30], [sflag:$0x2] =	stream.indirect.gather [hbm4b:s4+s26], $0x10, s25, s26, $0xb8;
	[tilespmem:$0x1FF00] =	vst v63  }
0x33e: {  	_ =	swait.ge [sflag:s31], $0x2000  }
0x33f: {  	[sflag:s31] =	ssyncset.done $0x0  }
0x340: {  	[sflag:s31] =	ssyncadd.s32 $0xFFFFE000  }
0x341: {  	[spmem:s2] =	stream.indirect.scatter.add.f32 [tilespmem:s20], [sflag:$0x3], $0x10, s23, s26, $0xb8;
	[tilespmem:$0x1FF00] =	vst v63  }
0x342: {  	s9 =	rddreg [dreg:$0x8]  }
0x343: {  	[spmem:s2] =	stream.indirect.scatter.add.f32 [tilespmem:s28], [sflag:$0x3], $0x10, s9, s26, $0xb8;
	[tilespmem:$0x1FF00] =	vst v63  }
0x344: {  	s19 =	rddreg [dreg:$0x9]  }
0x345: {  	[spmem:s2] =	stream.indirect.scatter.add.f32 [tilespmem:s29], [sflag:$0x3], $0x10, s19, s26, $0xb8;
	[tilespmem:$0x1FF00] =	vst v63  }
0x346: {  	s25 =	rddreg [dreg:$0xa]  }
0x347: {  	[spmem:s2] =	stream.indirect.scatter.add.f32 [tilespmem:s30], [sflag:$0x3], $0x10, s25, s26, $0xb8;
	[tilespmem:$0x1FF00] =	vst v63  }
0x348: {  	s19 =	rddreg [dreg:$0xb]  }
0x349: {  	[tilespmem:s1], [sflag:$0x2] =	stream.indirect.gather [hbm4b:s4+s26], $0x10, s19, s26, $0xb8;
	[tilespmem:$0x1FF00] =	vst v63  }
0x34a: {  	s25 =	rddreg [dreg:$0xc]  }
0x34b: {  	[tilespmem:s0], [sflag:$0x2] =	stream.indirect.gather [hbm4b:s4+s26], $0x10, s25, s26, $0xb8;
	[tilespmem:$0x1FF00] =	vst v63  }
0x34c: {  	s19 =	rddreg [dreg:$0xd]  }
0x34d: {  	[tilespmem:s6], [sflag:$0x2] =	stream.indirect.gather [hbm4b:s4+s26], $0x10, s19, s26, $0xb8;
	[tilespmem:$0x1FF00] =	vst v63  }
0x34e: {  	s25 =	rddreg [dreg:$0xe]  }
0x34f: {  	[tilespmem:s7], [sflag:$0x2] =	stream.indirect.gather [hbm4b:s4+s26], $0x10, s25, s26, $0xb8;
	[tilespmem:$0x1FF00] =	vst v63  }
0x350: {  	_ =	swait.ge [sflag:s31], $0x2000  }
0x351: {  	[sflag:s31] =	ssyncset.done $0x0  }
0x352: {  	s19 =	rddreg [dreg:$0xf];
	[sflag:s31] =	ssyncadd.s32 $0xFFFFE000  }
0x353: {  	[spmem:s2] =	stream.indirect.scatter.add.f32 [tilespmem:s1], [sflag:$0x3], $0x10, s19, s26, $0xb8;
	[tilespmem:$0x1FF00] =	vst v63  }
0x354: {  	s25 =	rddreg [dreg:$0x10]  }
0x355: {  	[spmem:s2] =	stream.indirect.scatter.add.f32 [tilespmem:s0], [sflag:$0x3], $0x10, s25, s26, $0xb8;
	[tilespmem:$0x1FF00] =	vst v63  }
0x356: {  	s19 =	rddreg [dreg:$0x11]  }
0x357: {  	[spmem:s2] =	stream.indirect.scatter.add.f32 [tilespmem:s6], [sflag:$0x3], $0x10, s19, s26, $0xb8;
	[tilespmem:$0x1FF00] =	vst v63  }
0x358: {  	s25 =	rddreg [dreg:$0x12]  }
0x359: {  	[spmem:s2] =	stream.indirect.scatter.add.f32 [tilespmem:s7], [sflag:$0x3], $0x10, s25, s26, $0xb8;
	[tilespmem:$0x1FF00] =	vst v63  }
0x35a: {  	_ =	swait.ge [sflag:s8], $0x2000  }
0x35b: {  	[sflag:s8] =	ssyncset.done $0x0  }
0x35c: {  	s19 =	rddreg [dreg:$0x13];
	[sflag:s8] =	ssyncadd.s32 $0xFFFFE000  }
0x35d: {  	[tilespmem:s20], [sflag:$0x2] =	stream.indirect.gather [hbm4b:s4+s26], $0x10, s19, s26, $0xb8;
	[tilespmem:$0x1FF00] =	vst v63  }
0x35e: {  	s25 =	rddreg [dreg:$0x14]  }
0x35f: {  	[tilespmem:s28], [sflag:$0x2] =	stream.indirect.gather [hbm4b:s4+s26], $0x10, s25, s26, $0xb8;
	[tilespmem:$0x1FF00] =	vst v63  }
0x360: {  	s19 =	rddreg [dreg:$0x15]  }
0x361: {  	[tilespmem:s29], [sflag:$0x2] =	stream.indirect.gather [hbm4b:s4+s26], $0x10, s19, s26, $0xb8;
	[tilespmem:$0x1FF00] =	vst v63  }
0x362: {  	s25 =	rddreg [dreg:$0x16]  }
0x363: {  	[tilespmem:s30], [sflag:$0x2] =	stream.indirect.gather [hbm4b:s4+s26], $0x10, s25, s26, $0xb8;
	[tilespmem:$0x1FF00] =	vst v63  }
0x364: {  	_ =	swait.ge [sflag:s31], $0x2000  }
0x365: {  	[sflag:s31] =	ssyncset.done $0x0  }
0x366: {  	s19 =	rddreg [dreg:$0x17];
	[sflag:s31] =	ssyncadd.s32 $0xFFFFE000  }
0x367: {  	[spmem:s2] =	stream.indirect.scatter.add.f32 [tilespmem:s20], [sflag:$0x3], $0x10, s19, s26, $0xb8;
	[tilespmem:$0x1FF00] =	vst v63  }
0x368: {  	s25 =	rddreg [dreg:$0x18]  }
0x369: {  	[spmem:s2] =	stream.indirect.scatter.add.f32 [tilespmem:s28], [sflag:$0x3], $0x10, s25, s26, $0xb8;
	[tilespmem:$0x1FF00] =	vst v63  }
0x36a: {  	s19 =	rddreg [dreg:$0x19]  }
0x36b: {  	[spmem:s2] =	stream.indirect.scatter.add.f32 [tilespmem:s29], [sflag:$0x3], $0x10, s19, s26, $0xb8;
	[tilespmem:$0x1FF00] =	vst v63  }
0x36c: {  	s25 =	rddreg [dreg:$0x1a]  }
0x36d: {  	[spmem:s2] =	stream.indirect.scatter.add.f32 [tilespmem:s30], [sflag:$0x3], $0x10, s25, s26, $0xb8;
	[tilespmem:$0x1FF00] =	vst v63  }
0x36e: {  	_ =	swait.ge [sflag:s8], $0x2000  }
0x36f: {  	[sflag:s8] =	ssyncset.done $0x0  }
0x370: {  	s19 =	rddreg [dreg:$0x1b];
	[sflag:s8] =	ssyncadd.s32 $0xFFFFE000  }
0x371: {  	[tilespmem:s1], [sflag:$0x2] =	stream.indirect.gather [hbm4b:s4+s26], $0x10, s19, s26, $0xb8;
	[tilespmem:$0x1FF00] =	vst v63  }
0x372: {  	s25 =	rddreg [dreg:$0x1c]  }
0x373: {  	[tilespmem:s0], [sflag:$0x2] =	stream.indirect.gather [hbm4b:s4+s26], $0x10, s25, s26, $0xb8;
	[tilespmem:$0x1FF00] =	vst v63  }
0x374: {  	s19 =	rddreg [dreg:$0x1d]  }
0x375: {  	[tilespmem:s6], [sflag:$0x2] =	stream.indirect.gather [hbm4b:s4+s26], $0x10, s19, s26, $0xb8;
	[tilespmem:$0x1FF00] =	vst v63  }
0x376: {  	s25 =	rddreg [dreg:$0x1e]  }
0x377: {  	[tilespmem:s7], [sflag:$0x2] =	stream.indirect.gather [hbm4b:s4+s26], $0x10, s25, s26, $0xb8;
	[tilespmem:$0x1FF00] =	vst v63  }
0x378: {  	_ =	swait.ge [sflag:s31], $0x2000  }
0x379: {  	s19 =	rddreg [dreg:$0x1f];
	[sflag:s31] =	ssyncset.done $0x0  }
0x37a: {  	s25 =	sld [smem:$0x7A5];
	[sflag:s31] =	ssyncadd.s32 $0xFFFFE000  }
0x37b: {  	[spmem:s2] =	stream.indirect.scatter.add.f32 [tilespmem:s1], [sflag:$0x3], $0x10, s19, s26, $0xb8;
	[tilespmem:$0x1FF00] =	vst v63  }
0x37c: {  	s19 =	sld [smem:$0x7A6]  }
0x37d: {  	[spmem:s2] =	stream.indirect.scatter.add.f32 [tilespmem:s0], [sflag:$0x3], $0x10, s25, s26, $0xb8;
	[tilespmem:$0x1FF00] =	vst v63  }
0x37e: {  	s25 =	sld [smem:$0x7A7]  }
0x37f: {  	[spmem:s2] =	stream.indirect.scatter.add.f32 [tilespmem:s6], [sflag:$0x3], $0x10, s19, s26, $0xb8;
	[tilespmem:$0x1FF00] =	vst v63  }
0x380: {  	_ = 	snop  }
0x381: {  	[spmem:s2] =	stream.indirect.scatter.add.f32 [tilespmem:s7], [sflag:$0x3], $0x10, s25, s26, $0xb8;
	[tilespmem:$0x1FF00] =	vst v63  }
0x382: {  	_ =	swait.ge [sflag:s8], $0x2000  }
0x383: {  	s19 =	sld [smem:$0x7A8]  }
0x384: {  	[sflag:s8] =	ssyncset.done $0x0  }
0x385: {  	s25 =	sld [smem:$0x7A9];
	[sflag:s8] =	ssyncadd.s32 $0xFFFFE000  }
0x386: {  	[tilespmem:s20], [sflag:$0x2] =	stream.indirect.gather [hbm4b:s4+s26], $0x10, s19, s26, $0xb8;
	[tilespmem:$0x1FF00] =	vst v63  }
0x387: {  	s19 =	sld [smem:$0x7AA]  }
0x388: {  	[tilespmem:s28], [sflag:$0x2] =	stream.indirect.gather [hbm4b:s4+s26], $0x10, s25, s26, $0xb8;
	[tilespmem:$0x1FF00] =	vst v63  }
0x389: {  	s25 =	sld [smem:$0x7AB]  }
0x38a: {  	[tilespmem:s29], [sflag:$0x2] =	stream.indirect.gather [hbm4b:s4+s26], $0x10, s19, s26, $0xb8;
	[tilespmem:$0x1FF00] =	vst v63  }
0x38b: {  	_ = 	snop  }
0x38c: {  	[tilespmem:s30], [sflag:$0x2] =	stream.indirect.gather [hbm4b:s4+s26], $0x10, s25, s26, $0xb8;
	[tilespmem:$0x1FF00] =	vst v63  }
0x38d: {  	_ =	swait.ge [sflag:s31], $0x2000  }
0x38e: {  	s19 =	sld [smem:$0x7AC]  }
0x38f: {  	[sflag:s31] =	ssyncset.done $0x0  }
0x390: {  	s25 =	sld [smem:$0x7AD];
	[sflag:s31] =	ssyncadd.s32 $0xFFFFE000  }
0x391: {  	[spmem:s2] =	stream.indirect.scatter.add.f32 [tilespmem:s20], [sflag:$0x3], $0x10, s19, s26, $0xb8;
	[tilespmem:$0x1FF00] =	vst v63  }
0x392: {  	s19 =	sld [smem:$0x7AE]  }
0x393: {  	[spmem:s2] =	stream.indirect.scatter.add.f32 [tilespmem:s28], [sflag:$0x3], $0x10, s25, s26, $0xb8;
	[tilespmem:$0x1FF00] =	vst v63  }
0x394: {  	s25 =	sld [smem:$0x7AF]  }
0x395: {  	[spmem:s2] =	stream.indirect.scatter.add.f32 [tilespmem:s29], [sflag:$0x3], $0x10, s19, s26, $0xb8;
	[tilespmem:$0x1FF00] =	vst v63  }
0x396: {  	_ = 	snop  }
0x397: {  	[spmem:s2] =	stream.indirect.scatter.add.f32 [tilespmem:s30], [sflag:$0x3], $0x10, s25, s26, $0xb8;
	[tilespmem:$0x1FF00] =	vst v63  }
0x398: {  	_ =	swait.ge [sflag:s8], $0x2000  }
0x399: {  	s19 =	sld [smem:$0x7B0]  }
0x39a: {  	[sflag:s8] =	ssyncset.done $0x0  }
0x39b: {  	s25 =	sld [smem:$0x7B1];
	[sflag:s8] =	ssyncadd.s32 $0xFFFFE000  }
0x39c: {  	[tilespmem:s1], [sflag:$0x2] =	stream.indirect.gather [hbm4b:s4+s26], $0x10, s19, s26, $0xb8;
	[tilespmem:$0x1FF00] =	vst v63  }
0x39d: {  	s19 =	sld [smem:$0x7B2]  }
0x39e: {  	[tilespmem:s0], [sflag:$0x2] =	stream.indirect.gather [hbm4b:s4+s26], $0x10, s25, s26, $0xb8;
	[tilespmem:$0x1FF00] =	vst v63  }
0x39f: {  	s25 =	sld [smem:$0x7B3]  }
0x3a0: {  	[tilespmem:s6], [sflag:$0x2] =	stream.indirect.gather [hbm4b:s4+s26], $0x10, s19, s26, $0xb8;
	[tilespmem:$0x1FF00] =	vst v63  }
0x3a1: {  	_ = 	snop  }
0x3a2: {  	[tilespmem:s7], [sflag:$0x2] =	stream.indirect.gather [hbm4b:s4+s26], $0x10, s25, s26, $0xb8;
	[tilespmem:$0x1FF00] =	vst v63  }
0x3a3: {  	_ =	swait.ge [sflag:s31], $0x2000  }
0x3a4: {  	s19 =	sld [smem:$0x7B4]  }
0x3a5: {  	[sflag:s31] =	ssyncset.done $0x0  }
0x3a6: {  	s25 =	sld [smem:$0x7B5];
	[sflag:s31] =	ssyncadd.s32 $0xFFFFE000  }
0x3a7: {  	[spmem:s2] =	stream.indirect.scatter.add.f32 [tilespmem:s1], [sflag:$0x3], $0x10, s19, s26, $0xb8;
	[tilespmem:$0x1FF00] =	vst v63  }
0x3a8: {  	s19 =	sld [smem:$0x7B6]  }
0x3a9: {  	[spmem:s2] =	stream.indirect.scatter.add.f32 [tilespmem:s0], [sflag:$0x3], $0x10, s25, s26, $0xb8;
	[tilespmem:$0x1FF00] =	vst v63  }
0x3aa: {  	s25 =	sld [smem:$0x7B7]  }
0x3ab: {  	[spmem:s2] =	stream.indirect.scatter.add.f32 [tilespmem:s6], [sflag:$0x3], $0x10, s19, s26, $0xb8;
	[tilespmem:$0x1FF00] =	vst v63  }
0x3ac: {  	_ = 	snop  }
0x3ad: {  	[spmem:s2] =	stream.indirect.scatter.add.f32 [tilespmem:s7], [sflag:$0x3], $0x10, s25, s26, $0xb8;
	[tilespmem:$0x1FF00] =	vst v63  }
0x3ae: {  	_ =	swait.ge [sflag:s8], $0x2000  }
0x3af: {  	s19 =	sld [smem:$0x7B8]  }
0x3b0: {  	[sflag:s8] =	ssyncset.done $0x0  }
0x3b1: {  	s25 =	sld [smem:$0x7B9];
	[sflag:s8] =	ssyncadd.s32 $0xFFFFE000  }
0x3b2: {  	[tilespmem:s20], [sflag:$0x2] =	stream.indirect.gather [hbm4b:s4+s26], $0x10, s19, s26, $0xb8;
	[tilespmem:$0x1FF00] =	vst v63  }
0x3b3: {  	s19 =	sld [smem:$0x7BA]  }
0x3b4: {  	[tilespmem:s28], [sflag:$0x2] =	stream.indirect.gather [hbm4b:s4+s26], $0x10, s25, s26, $0xb8;
	[tilespmem:$0x1FF00] =	vst v63  }
0x3b5: {  	s25 =	sld [smem:$0x7BB]  }
0x3b6: {  	[tilespmem:s29], [sflag:$0x2] =	stream.indirect.gather [hbm4b:s4+s26], $0x10, s19, s26, $0xb8;
	[tilespmem:$0x1FF00] =	vst v63  }
0x3b7: {  	_ = 	snop  }
0x3b8: {  	[tilespmem:s30], [sflag:$0x2] =	stream.indirect.gather [hbm4b:s4+s26], $0x10, s25, s26, $0xb8;
	[tilespmem:$0x1FF00] =	vst v63  }
0x3b9: {  	_ =	swait.ge [sflag:s31], $0x2000  }
0x3ba: {  	s19 =	sld [smem:$0x7BC]  }
0x3bb: {  	[sflag:s31] =	ssyncset.done $0x0  }
0x3bc: {  	s25 =	sld [smem:$0x7BD];
	[sflag:s31] =	ssyncadd.s32 $0xFFFFE000  }
0x3bd: {  	[spmem:s2] =	stream.indirect.scatter.add.f32 [tilespmem:s20], [sflag:$0x3], $0x10, s19, s26, $0xb8;
	[tilespmem:$0x1FF00] =	vst v63  }
0x3be: {  	s19 =	sld [smem:$0x7BE]  }
0x3bf: {  	[spmem:s2] =	stream.indirect.scatter.add.f32 [tilespmem:s28], [sflag:$0x3], $0x10, s25, s26, $0xb8;
	[tilespmem:$0x1FF00] =	vst v63  }
0x3c0: {  	s25 =	sld [smem:$0x7BF]  }
0x3c1: {  	[spmem:s2] =	stream.indirect.scatter.add.f32 [tilespmem:s29], [sflag:$0x3], $0x10, s19, s26, $0xb8;
	[tilespmem:$0x1FF00] =	vst v63  }
0x3c2: {  	_ = 	snop  }
0x3c3: {  	[spmem:s2] =	stream.indirect.scatter.add.f32 [tilespmem:s30], [sflag:$0x3], $0x10, s25, s26, $0xb8;
	[tilespmem:$0x1FF00] =	vst v63  }
0x3c4: {  	_ =	swait.ge [sflag:s8], $0x2000  }
0x3c5: {  	s19 =	sld [smem:$0x7C0]  }
0x3c6: {  	[sflag:s8] =	ssyncset.done $0x0  }
0x3c7: {  	s25 =	sld [smem:$0x7C1];
	[sflag:s8] =	ssyncadd.s32 $0xFFFFE000  }
0x3c8: {  	[tilespmem:s1], [sflag:$0x2] =	stream.indirect.gather [hbm4b:s4+s26], $0x10, s19, s26, $0xb8;
	[tilespmem:$0x1FF00] =	vst v63  }
0x3c9: {  	s19 =	sld [smem:$0x7C2]  }
0x3ca: {  	[tilespmem:s0], [sflag:$0x2] =	stream.indirect.gather [hbm4b:s4+s26], $0x10, s25, s26, $0xb8;
	[tilespmem:$0x1FF00] =	vst v63  }
0x3cb: {  	s25 =	sld [smem:$0x7C3]  }
0x3cc: {  	[tilespmem:s6], [sflag:$0x2] =	stream.indirect.gather [hbm4b:s4+s26], $0x10, s19, s26, $0xb8;
	[tilespmem:$0x1FF00] =	vst v63  }
0x3cd: {  	_ = 	snop  }
0x3ce: {  	[tilespmem:s7], [sflag:$0x2] =	stream.indirect.gather [hbm4b:s4+s26], $0x10, s25, s26, $0xb8;
	[tilespmem:$0x1FF00] =	vst v63  }
0x3cf: {  	_ =	swait.ge [sflag:s31], $0x2000  }
0x3d0: {  	s19 =	sld [smem:$0x7C4]  }
0x3d1: {  	[sflag:s31] =	ssyncset.done $0x0  }
0x3d2: {  	s25 =	sld [smem:$0x7C5];
	[sflag:s31] =	ssyncadd.s32 $0xFFFFE000  }
0x3d3: {  	[spmem:s2] =	stream.indirect.scatter.add.f32 [tilespmem:s1], [sflag:$0x3], $0x10, s19, s26, $0xb8;
	[tilespmem:$0x1FF00] =	vst v63  }
0x3d4: {  	s19 =	sld [smem:$0x7C6]  }
0x3d5: {  	[spmem:s2] =	stream.indirect.scatter.add.f32 [tilespmem:s0], [sflag:$0x3], $0x10, s25, s26, $0xb8;
	[tilespmem:$0x1FF00] =	vst v63  }
0x3d6: {  	s25 =	sld [smem:$0x7C7]  }
0x3d7: {  	[spmem:s2] =	stream.indirect.scatter.add.f32 [tilespmem:s6], [sflag:$0x3], $0x10, s19, s26, $0xb8;
	[tilespmem:$0x1FF00] =	vst v63  }
0x3d8: {  	_ = 	snop  }
0x3d9: {  	[spmem:s2] =	stream.indirect.scatter.add.f32 [tilespmem:s7], [sflag:$0x3], $0x10, s25, s26, $0xb8;
	[tilespmem:$0x1FF00] =	vst v63  }
0x3da: {  	_ =	swait.ge [sflag:s8], $0x2000  }
0x3db: {  	s19 =	sld [smem:$0x7C8]  }
0x3dc: {  	[sflag:s8] =	ssyncset.done $0x0  }
0x3dd: {  	s25 =	sld [smem:$0x7C9];
	[sflag:s8] =	ssyncadd.s32 $0xFFFFE000  }
0x3de: {  	[tilespmem:s20], [sflag:$0x2] =	stream.indirect.gather [hbm4b:s4+s26], $0x10, s19, s26, $0xb8;
	[tilespmem:$0x1FF00] =	vst v63  }
0x3df: {  	s19 =	sld [smem:$0x7CA]  }
0x3e0: {  	[tilespmem:s28], [sflag:$0x2] =	stream.indirect.gather [hbm4b:s4+s26], $0x10, s25, s26, $0xb8;
	[tilespmem:$0x1FF00] =	vst v63  }
0x3e1: {  	s25 =	sld [smem:$0x7CB]  }
0x3e2: {  	[tilespmem:s29], [sflag:$0x2] =	stream.indirect.gather [hbm4b:s4+s26], $0x10, s19, s26, $0xb8;
	[tilespmem:$0x1FF00] =	vst v63  }
0x3e3: {  	_ = 	snop  }
0x3e4: {  	[tilespmem:s30], [sflag:$0x2] =	stream.indirect.gather [hbm4b:s4+s26], $0x10, s25, s26, $0xb8;
	[tilespmem:$0x1FF00] =	vst v63  }
0x3e5: {  	_ =	swait.ge [sflag:s31], $0x2000  }
0x3e6: {  	s19 =	sld [smem:$0x7CC]  }
0x3e7: {  	[sflag:s31] =	ssyncset.done $0x0  }
0x3e8: {  	s25 =	sld [smem:$0x7CD];
	[sflag:s31] =	ssyncadd.s32 $0xFFFFE000  }
0x3e9: {  	[spmem:s2] =	stream.indirect.scatter.add.f32 [tilespmem:s20], [sflag:$0x3], $0x10, s19, s26, $0xb8;
	[tilespmem:$0x1FF00] =	vst v63  }
0x3ea: {  	s19 =	sld [smem:$0x7CE]  }
0x3eb: {  	[spmem:s2] =	stream.indirect.scatter.add.f32 [tilespmem:s28], [sflag:$0x3], $0x10, s25, s26, $0xb8;
	[tilespmem:$0x1FF00] =	vst v63  }
0x3ec: {  	s25 =	sld [smem:$0x7CF]  }
0x3ed: {  	[spmem:s2] =	stream.indirect.scatter.add.f32 [tilespmem:s29], [sflag:$0x3], $0x10, s19, s26, $0xb8;
	[tilespmem:$0x1FF00] =	vst v63  }
0x3ee: {  	_ = 	snop  }
0x3ef: {  	[spmem:s2] =	stream.indirect.scatter.add.f32 [tilespmem:s30], [sflag:$0x3], $0x10, s25, s26, $0xb8;
	[tilespmem:$0x1FF00] =	vst v63  }
0x3f0: {  	_ =	swait.ge [sflag:s8], $0x2000  }
0x3f1: {  	s19 =	sld [smem:$0x7D0]  }
0x3f2: {  	[sflag:s8] =	ssyncset.done $0x0  }
0x3f3: {  	s25 =	sld [smem:$0x7D1];
	[sflag:s8] =	ssyncadd.s32 $0xFFFFE000  }
0x3f4: {  	[tilespmem:s1], [sflag:$0x2] =	stream.indirect.gather [hbm4b:s4+s26], $0x10, s19, s26, $0xb8;
	[tilespmem:$0x1FF00] =	vst v63  }
0x3f5: {  	s19 =	sld [smem:$0x7D2]  }
0x3f6: {  	[tilespmem:s0], [sflag:$0x2] =	stream.indirect.gather [hbm4b:s4+s26], $0x10, s25, s26, $0xb8;
	[tilespmem:$0x1FF00] =	vst v63  }
0x3f7: {  	s25 =	sld [smem:$0x7D3]  }
0x3f8: {  	[tilespmem:s6], [sflag:$0x2] =	stream.indirect.gather [hbm4b:s4+s26], $0x10, s19, s26, $0xb8;
	[tilespmem:$0x1FF00] =	vst v63  }
0x3f9: {  	_ = 	snop  }
0x3fa: {  	[tilespmem:s7], [sflag:$0x2] =	stream.indirect.gather [hbm4b:s4+s26], $0x10, s25, s26, $0xb8;
	[tilespmem:$0x1FF00] =	vst v63  }
0x3fb: {  	_ =	swait.ge [sflag:s31], $0x2000  }
0x3fc: {  	s19 =	sld [smem:$0x7D4]  }
0x3fd: {  	[sflag:s31] =	ssyncset.done $0x0  }
0x3fe: {  	s25 =	sld [smem:$0x7D5];
	[sflag:s31] =	ssyncadd.s32 $0xFFFFE000  }
0x3ff: {  	[spmem:s2] =	stream.indirect.scatter.add.f32 [tilespmem:s1], [sflag:$0x3], $0x10, s19, s26, $0xb8;
	[tilespmem:$0x1FF00] =	vst v63  }
0x400: {  	s19 =	sld [smem:$0x7D6]  }
0x401: {  	[spmem:s2] =	stream.indirect.scatter.add.f32 [tilespmem:s0], [sflag:$0x3], $0x10, s25, s26, $0xb8;
	[tilespmem:$0x1FF00] =	vst v63  }
0x402: {  	s25 =	sld [smem:$0x7D7]  }
0x403: {  	[spmem:s2] =	stream.indirect.scatter.add.f32 [tilespmem:s6], [sflag:$0x3], $0x10, s19, s26, $0xb8;
	[tilespmem:$0x1FF00] =	vst v63  }
0x404: {  	_ = 	snop  }
0x405: {  	[spmem:s2] =	stream.indirect.scatter.add.f32 [tilespmem:s7], [sflag:$0x3], $0x10, s25, s26, $0xb8;
	[tilespmem:$0x1FF00] =	vst v63  }
0x406: {  	_ =	swait.ge [sflag:s8], $0x2000  }
0x407: {  	s19 =	sld [smem:$0x7D8]  }
0x408: {  	[sflag:s8] =	ssyncset.done $0x0  }
0x409: {  	s25 =	sld [smem:$0x7D9];
	[sflag:s8] =	ssyncadd.s32 $0xFFFFE000  }
0x40a: {  	[tilespmem:s20], [sflag:$0x2] =	stream.indirect.gather [hbm4b:s4+s26], $0x10, s19, s26, $0xb8;
	[tilespmem:$0x1FF00] =	vst v63  }
0x40b: {  	s19 =	sld [smem:$0x7DB]  }
0x40c: {  	[tilespmem:s28], [sflag:$0x2] =	stream.indirect.gather [hbm4b:s4+s26], $0x10, s25, s26, $0xb8;
	[tilespmem:$0x1FF00] =	vst v63  }
0x40d: {  	s25 =	sld [smem:$0x7DD]  }
0x40e: {  	[tilespmem:s29], [sflag:$0x2] =	stream.indirect.gather [hbm4b:s4+s26], $0x10, s19, s26, $0xb8;
	[tilespmem:$0x1FF00] =	vst v63  }
0x40f: {  	_ = 	snop  }
0x410: {  	[tilespmem:s30], [sflag:$0x2] =	stream.indirect.gather [hbm4b:s4+s26], $0x10, s25, s26, $0xb8;
	[tilespmem:$0x1FF00] =	vst v63  }
0x411: {  	_ =	swait.ge [sflag:s31], $0x2000  }
0x412: {  	s19 =	sld [smem:$0x7DE]  }
0x413: {  	[sflag:s31] =	ssyncset.done $0x0  }
0x414: {  	s25 =	sld [smem:$0x7E0];
	[sflag:s31] =	ssyncadd.s32 $0xFFFFE000  }
0x415: {  	[spmem:s2] =	stream.indirect.scatter.add.f32 [tilespmem:s20], [sflag:$0x3], $0x10, s19, s26, $0xb8;
	[tilespmem:$0x1FF00] =	vst v63  }
0x416: {  	s19 =	sld [smem:$0x7E2]  }
0x417: {  	[spmem:s2] =	stream.indirect.scatter.add.f32 [tilespmem:s28], [sflag:$0x3], $0x10, s25, s26, $0xb8;
	[tilespmem:$0x1FF00] =	vst v63  }
0x418: {  	s25 =	sld [smem:$0x7E4]  }
0x419: {  	[spmem:s2] =	stream.indirect.scatter.add.f32 [tilespmem:s29], [sflag:$0x3], $0x10, s19, s26, $0xb8;
	[tilespmem:$0x1FF00] =	vst v63  }
0x41a: {  	_ = 	snop  }
0x41b: {  	[spmem:s2] =	stream.indirect.scatter.add.f32 [tilespmem:s30], [sflag:$0x3], $0x10, s25, s26, $0xb8;
	[tilespmem:$0x1FF00] =	vst v63  }
0x41c: {  	_ =	swait.ge [sflag:s8], $0x2000  }
0x41d: {  	s19 =	sld [smem:$0x7E6]  }
0x41e: {  	[sflag:s8] =	ssyncset.done $0x0  }
0x41f: {  	s25 =	sld [smem:$0x7E8];
	[sflag:s8] =	ssyncadd.s32 $0xFFFFE000  }
0x420: {  	[tilespmem:s1], [sflag:$0x2] =	stream.indirect.gather [hbm4b:s4+s26], $0x10, s19, s26, $0xb8;
	[tilespmem:$0x1FF00] =	vst v63  }
0x421: {  	s19 =	sld [smem:$0x7EA]  }
0x422: {  	[tilespmem:s0], [sflag:$0x2] =	stream.indirect.gather [hbm4b:s4+s26], $0x10, s25, s26, $0xb8;
	[tilespmem:$0x1FF00] =	vst v63  }
0x423: {  	s25 =	sld [smem:$0x7EC]  }
0x424: {  	[tilespmem:s6], [sflag:$0x2] =	stream.indirect.gather [hbm4b:s4+s26], $0x10, s19, s26, $0xb8;
	[tilespmem:$0x1FF00] =	vst v63  }
0x425: {  	_ = 	snop  }
0x426: {  	[tilespmem:s7], [sflag:$0x2] =	stream.indirect.gather [hbm4b:s4+s26], $0x10, s25, s26, $0xb8;
	[tilespmem:$0x1FF00] =	vst v63  }
0x427: {  	_ =	swait.ge [sflag:s31], $0x2000  }
0x428: {  	s19 =	sld [smem:$0x7EE]  }
0x429: {  	[sflag:s31] =	ssyncset.done $0x0  }
0x42a: {  	s25 =	sld [smem:$0x7F0];
	[sflag:s31] =	ssyncadd.s32 $0xFFFFE000  }
0x42b: {  	[spmem:s2] =	stream.indirect.scatter.add.f32 [tilespmem:s1], [sflag:$0x3], $0x10, s19, s26, $0xb8;
	[tilespmem:$0x1FF00] =	vst v63  }
0x42c: {  	s19 =	sld [smem:$0x7F2]  }
0x42d: {  	[spmem:s2] =	stream.indirect.scatter.add.f32 [tilespmem:s0], [sflag:$0x3], $0x10, s25, s26, $0xb8;
	[tilespmem:$0x1FF00] =	vst v63  }
0x42e: {  	s25 =	sld [smem:$0x7F4]  }
0x42f: {  	[spmem:s2] =	stream.indirect.scatter.add.f32 [tilespmem:s6], [sflag:$0x3], $0x10, s19, s26, $0xb8;
	[tilespmem:$0x1FF00] =	vst v63  }
0x430: {  	_ = 	snop  }
0x431: {  	[spmem:s2] =	stream.indirect.scatter.add.f32 [tilespmem:s7], [sflag:$0x3], $0x10, s25, s26, $0xb8;
	[tilespmem:$0x1FF00] =	vst v63  }
0x432: {  	_ =	swait.ge [sflag:s8], $0x2000  }
0x433: {  	s19 =	sld [smem:$0x7F7]  }
0x434: {  	[sflag:s8] =	ssyncset.done $0x0  }
0x435: {  	s25 =	sld [smem:$0x7F8];
	[sflag:s8] =	ssyncadd.s32 $0xFFFFE000  }
0x436: {  	[tilespmem:s20], [sflag:$0x2] =	stream.indirect.gather [hbm4b:s4+s26], $0x10, s19, s26, $0xb8;
	[tilespmem:$0x1FF00] =	vst v63  }
0x437: {  	s19 =	sld [smem:$0x7F9]  }
0x438: {  	[tilespmem:s28], [sflag:$0x2] =	stream.indirect.gather [hbm4b:s4+s26], $0x10, s25, s26, $0xb8;
	[tilespmem:$0x1FF00] =	vst v63  }
0x439: {  	s25 =	sld [smem:$0x7FA]  }
0x43a: {  	[tilespmem:s29], [sflag:$0x2] =	stream.indirect.gather [hbm4b:s4+s26], $0x10, s19, s26, $0xb8;
	[tilespmem:$0x1FF00] =	vst v63  }
0x43b: {  	_ = 	snop  }
0x43c: {  	[tilespmem:s30], [sflag:$0x2] =	stream.indirect.gather [hbm4b:s4+s26], $0x10, s25, s26, $0xb8;
	[tilespmem:$0x1FF00] =	vst v63  }
0x43d: {  	_ =	swait.ge [sflag:s31], $0x2000  }
0x43e: {  	s19 =	sld [smem:$0x7FB]  }
0x43f: {  	[sflag:s31] =	ssyncset.done $0x0  }
0x440: {  	s25 =	sld [smem:$0x7FC];
	[sflag:s31] =	ssyncadd.s32 $0xFFFFE000  }
0x441: {  	[spmem:s2] =	stream.indirect.scatter.add.f32 [tilespmem:s20], [sflag:$0x3], $0x10, s19, s26, $0xb8;
	[tilespmem:$0x1FF00] =	vst v63  }
0x442: {  	_ = 	snop  }
0x443: {  	[spmem:s2] =	stream.indirect.scatter.add.f32 [tilespmem:s28], [sflag:$0x3], $0x10, s25, s26, $0xb8;
	[tilespmem:$0x1FF00] =	vst v63  }
0x444: {  	_ = 	snop  }
0x445: {  	[spmem:s2] =	stream.indirect.scatter.add.f32 [tilespmem:s29], [sflag:$0x3], $0x10, s21, s26, $0xb8;
	[tilespmem:$0x1FF00] =	vst v63  }
0x446: {  	_ = 	snop  }
0x447: {  	[spmem:s2] =	stream.indirect.scatter.add.f32 [tilespmem:s30], [sflag:$0x3], $0x10, s10, s26, $0xb8;
	[tilespmem:$0x1FF00] =	vst v63  }
0x448: {  	_ =	swait.ge [sflag:s8], $0x2000  }
0x449: {  	[sflag:s8] =	ssyncset.done $0x0  }
0x44a: {  	[sflag:s8] =	ssyncadd.s32 $0xFFFFE000  }
0x44b: {  	[tilespmem:s1], [sflag:$0x2] =	stream.indirect.gather [hbm4b:s4+s26], $0x10, s11, s26, $0xb8;
	[tilespmem:$0x1FF00] =	vst v63  }
0x44c: {  	_ = 	snop  }
0x44d: {  	[tilespmem:s0], [sflag:$0x2] =	stream.indirect.gather [hbm4b:s4+s26], $0x10, s12, s26, $0xb8;
	[tilespmem:$0x1FF00] =	vst v63  }
0x44e: {  	_ = 	snop  }
0x44f: {  	[tilespmem:s6], [sflag:$0x2] =	stream.indirect.gather [hbm4b:s4+s26], $0x10, s13, s26, $0xb8;
	[tilespmem:$0x1FF00] =	vst v63  }
0x450: {  	_ = 	snop  }
0x451: {  	[tilespmem:s7], [sflag:$0x2] =	stream.indirect.gather [hbm4b:s4+s26], $0x10, s14, s26, $0xb8;
	[tilespmem:$0x1FF00] =	vst v63  }
0x452: {  	_ =	swait.ge [sflag:s31], $0x2000  }
0x453: {  	[sflag:s31] =	ssyncset.done $0x0  }
0x454: {  	[sflag:s31] =	ssyncadd.s32 $0xFFFFE000  }
0x455: {  	[spmem:s2] =	stream.indirect.scatter.add.f32 [tilespmem:s1], [sflag:$0x3], $0x10, s15, s26, $0xb8;
	[tilespmem:$0x1FF00] =	vst v63  }
0x456: {  	_ = 	snop  }
0x457: {  	[spmem:s2] =	stream.indirect.scatter.add.f32 [tilespmem:s0], [sflag:$0x3], $0x10, s16, s26, $0xb8;
	[tilespmem:$0x1FF00] =	vst v63  }
0x458: {  	_ = 	snop  }
0x459: {  	[spmem:s2] =	stream.indirect.scatter.add.f32 [tilespmem:s6], [sflag:$0x3], $0x10, s17, s26, $0xb8;
	[tilespmem:$0x1FF00] =	vst v63  }
0x45a: {  	_ = 	snop  }
0x45b: {  	[spmem:s2] =	stream.indirect.scatter.add.f32 [tilespmem:s7], [sflag:$0x3], $0x10, s18, s26, $0xb8;
	[tilespmem:$0x1FF00] =	vst v63  }
0x45c: {  	_ =	swait.ge [sflag:s8], $0x2000  }
0x45d: {  	[sflag:s8] =	ssyncset.done $0x0  }
0x45e: {  	[sflag:s8] =	ssyncadd.s32 $0xFFFFE000  }
0x45f: {  	_ =	swait.ge [sflag:s8], $0x2000  }
0x460: {  	[sflag:s8] =	ssyncset.done $0x0  }
0x461: {  	[sflag:s8] =	ssyncadd.s32 $0xFFFFE000  }
0x462: {  	[bflag:$0x0] =	sbarrier.arrive $0xFFFF  }
0x463: {  	s19 =	sld [smem:$0x7DC]  }
0x464: {  	s9 =	stileid.u32;
	s25 =	sld [smem:$0x7FD]  }
0x465: {  	s5 =	sshll.u32 s9, $0x6  }
0x466: {  	s9 =	simm.s32 $0x4;
	s5 =	sor.u32 $0x1C04, s5  }
0x467: {  	[hbm:s19], [sflag:s5] =	dma.local [spmem:s25], $0x30E0  }
0x468: {  	_ =	swait.ge [sflag:s9], $0x30E0  }
0x469: {  	s5 =	sld [smem:$0x7A4]  }
0x46a: {  	s25 =	sld [smem:$0x7DF];
	_ =	sdelay $0x1  }
0x46b: {  	s19 =	sadd.s32 $0x1, s5  }
0x46c: {  	p0 =	sne.s32 s19, s25  }
.Ltmp2:
0x46d: {  	_ = 	snop;
	(pc) =	sbr.rel @p0 .LBB2_1-.Ltmp2, $3  }
0x46e: {  	_ =	sdelay $0x1  }
0x46f: {  	[sflag:s9] =	ssyncset.done $0x0  }
0x470: {  	[sflag:s9] =	ssyncadd.s32 $0xFFFFCF20  }
0x471: {  	_ =	sfence.sel $0x180000  }
0x472: {  	[bflag:$0x0] =	sbarrier.arrive $0xFFFF  }
0x473: {  	_ =	strace $0x90000050  }
0x474: {  	s0 =	stileid.u32;
	[bflag:$0x2] =	sbarrier.arrive $0xFFFF  }
0x475: {  	p0 =	sne.s32 s0, $0x0;
	s0 =	rddreg [dreg:$0x2]  }
0x476: {  	s0 =	sadd.s32 @!p0 $0x100000, s0  }
0x477: {  	[sflag:s0] =	ssyncadd.tile.s32 @!p0 $0x1;
	_ =	shalt  }
.Lfunc_end2:
_tile_overlayer_lowered:
.L_overlay_start_2:
0x478: {  	(tag) =	ssettag $0x2  }
0x479: {  	s0 =	rddreg [dreg:$0x0];
	s2 =	stileid.u32  }
0x47a: {  	s1 =	rddreg [dreg:$0x1];
	p0 =	sne.s32 s2, $0x0  }
0x47b: {  	s3 =	rddreg [dreg:$0x2];
	[bflag:$0x3] =	sbarrier.arrive $0xFFFF;
	s2 =	simm.s32 @!p0 $0x1C04  }
0x47c: {  	[timem:s3], [sflag:s2] =	dma.local @!p0 [hbm:s0], s1  }
0x47d: {  	s0 =	simm.s32 @!p0 $0x4  }
0x47e: {  	_ =	swait.ge @!p0 [sflag:s0], s1  }
0x47f: {  	s1 =	ssub.s32 @!p0 $0x0, s1;
	[sflag:s0] =	ssyncset.done @!p0 $0x0  }
0x480: {  	[sflag:s0] =	ssyncadd.s32 @!p0 s1  }
0x481: {  	[bflag:$0x3] =	sbarrier.arrive $0xFFFF  }
0x482: {  	_ =	shalt  }

// kernel: kernel.9.cloned.1.call-start
scs
__scs_entry_jumppad:
0x0: {  	(pc) =	sbr.rel $0x88, $3  }
0x1: {  	(tag) =	ssettag $0x0;
	lr =	simm.s32 $0x1  }
0x2: {  	[smem:$0x3F99] =	sst lr;
	_ =	strace $0xD0000000  }
0x3: {  	_ = 	snop  }
0x4: {  	_ = 	snop  }
0x5: {  	_ = 	snop  }
0x6: {  	_ = 	snop  }
0x7: {  	_ = 	snop  }
__scs_overlays_trampoline_lowered:
0x8: {  	[smem:$0x3FA8] =	sst s0  }
0x9: {  	[smem:$0x3FA9] =	sst s1  }
0xa: {  	[smem:$0x3FAA] =	sst s2  }
0xb: {  	[smem:$0x3FAB] =	sst s3  }
0xc: {  	[smem:$0x3FAC] =	sst s4  }
0xd: {  	[smem:$0x3FAD] =	sst s5  }
0xe: {  	[smem:$0x3FAE] =	sst s6  }
0xf: {  	[smem:$0x3FAF] =	sst s7  }
0x10: {  	[smem:$0x3FB0] =	sst s8  }
0x11: {  	[smem:$0x3FB1] =	sst s9;
	s0 =	simm.s32 @!p0 $0x0  }
0x12: {  	s1 =	sld [smem:$0x3F97];
	s0 =	simm.s32 @p0 $0x1  }
0x13: {  	[smem:$0x3FB2] =	sst s0;
	s0 =	simm.s32 @!p1 $0x0  }
0x14: {  	s2 =	sld [smem:$0x3F96];
	s0 =	simm.s32 @p1 $0x1  }
0x15: {  	[smem:$0x3FB3] =	sst s0;
	s0 =	simm.s32 @!p2 $0x0  }
0x16: {  	s3 =	sld [smem:$0x3FDB];
	s0 =	simm.s32 @p2 $0x1  }
0x17: {  	s4 =	simm.s32 $0x1BF5;
	[smem:$0x3FB5] =	sst s0  }
0x18: {  	s0 =	sld [smem:$0x3F98];
	_ =	swait.ge [sflag:s4], $0x0  }
0x19: {  	s7 =	sld [smem:$0x3F99]  }
0x1a: {  	s8 =	sadd.s32 $0xFFFFE003, lr  }
0x1b: {  	s9 =	sadd.s32 $0xFFFFFEF7, lr;
	s5 =	simm.s32 $0xFFFFFFFF;
	p2 =	slt.u32 s8, $0xFFFFF086  }
0x1c: {  	p1 =	slt.u32 s9, $0xF7A;
	s5 =	simm.s32 @!p2 $0x0  }
0x1d: {  	s5 =	simm.s32 @p1 $0x1;
	p0 =	seq.s32 s7, s2  }
0x1e: {  	s7 =	smul.u32 @!p0 $0xF7A, s2;
	p2 =	seq.s32 @!p0 s5, $0x0  }
0x1f: {  	s9 =	smul.u32 $0xF7A, s1;
	s8 =	simm.s32 @!p0 $0x1BF5;
	p2 =	por !p2, p0  }
0x20: {  	[sflag:s8] =	ssyncset.s32 @!p0 $0xFFFFF086;
	s6 =	sadd.s32 @!p0 s3, s7;
	s7 =	simm.s32 @!p0 $0x108  }
0x21: {  	s3 =	sadd.s32 s3, s9;
	s6 =	sadd.s32 @!p0 $0x88, s6;
	s7 =	simm.s32 @p2 $0x1082  }
0x22: {  	[simem:s7], [sflag:s8] =	dma.local @!p0 [hbm:s6], $0xF7A  }
0x23: {  	s9 =	sor.u32 $0xD0000000, s2;
	s6 =	simm.s32 $0x108;
	_ =	swait.ge @!p0 [sflag:s8], $0x0  }
0x24: {  	s3 =	sadd.s32 $0x88, s3;
	s6 =	simm.s32 @!p1 $0x1082;
	[sflag:s4] =	ssyncset.s32 $0xFFFFF086  }
0x25: {  	[simem:s6], [sflag:s4] =	dma.local [hbm:s3], $0xF7A  }
0x26: {  	[smem:$0x3F99] =	sst s1;
	(tag) =	ssettag s2;
	_ =	strace s9  }
0x27: {  	s1 =	sld [smem:$0x3FA9]  }
0x28: {  	s2 =	sld [smem:$0x3FAA]  }
0x29: {  	s4 =	sld [smem:$0x3FAC]  }
0x2a: {  	p0 =	seq.s32 s5, $0x0;
	s5 =	sld [smem:$0x3FAD]  }
0x2b: {  	s6 =	sld [smem:$0x3FAE]  }
0x2c: {  	s7 =	sld [smem:$0x3FAF]  }
0x2d: {  	s3 =	simm.s32 $0x108;
	s8 =	sld [smem:$0x3FB0]  }
0x2e: {  	s3 =	simm.s32 @!p0 $0x1082;
	s9 =	sld [smem:$0x3FB1]  }
0x2f: {  	lr =	sadd.s32 s0, s3;
	s0 =	sld [smem:$0x3FA8]  }
0x30: {  	s3 =	sld [smem:$0x3FAB]  }
0x31: {  	[smem:$0x3FB4] =	sst s10  }
0x32: {  	s10 =	sld [smem:$0x3FB2];
	_ =	sdelay $0x3  }
0x33: {  	p0 =	seq.s32 s10, $0x1;
	s10 =	sld [smem:$0x3FB4];
	_ =	sdelay $0x3  }
0x34: {  	[smem:$0x3FB4] =	sst s10  }
0x35: {  	s10 =	sld [smem:$0x3FB3];
	_ =	sdelay $0x3  }
0x36: {  	p1 =	seq.s32 s10, $0x1;
	s10 =	sld [smem:$0x3FB4];
	_ =	sdelay $0x3  }
0x37: {  	[smem:$0x3FB4] =	sst s10  }
0x38: {  	s10 =	sld [smem:$0x3FB5]  }
0x39: {  	_ = 	snop;
	(pc) =	sbr.ind lr, $3  }
0x3a: {  	_ = 	snop  }
0x3b: {  	_ = 	snop  }
0x3c: {  	p2 =	seq.s32 s10, $0x1;
	s10 =	sld [smem:$0x3FB4]  }
0x3d: {  	_ =	shalt  }
0x3e: {  	_ =	shalt  }
0x3f: {  	_ =	shalt  }
0x40: {  	_ =	shalt  }
0x41: {  	_ =	shalt  }
0x42: {  	_ =	shalt  }
0x43: {  	_ =	shalt  }
0x44: {  	_ =	shalt  }
0x45: {  	_ =	shalt  }
0x46: {  	_ =	shalt  }
0x47: {  	_ =	shalt  }
0x48: {  	_ =	shalt  }
0x49: {  	_ =	shalt  }
0x4a: {  	_ =	shalt  }
0x4b: {  	_ =	shalt  }
0x4c: {  	_ =	shalt  }
0x4d: {  	_ =	shalt  }
0x4e: {  	_ =	shalt  }
0x4f: {  	_ =	shalt  }
0x50: {  	_ =	shalt  }
0x51: {  	_ =	shalt  }
0x52: {  	_ =	shalt  }
0x53: {  	_ =	shalt  }
0x54: {  	_ =	shalt  }
0x55: {  	_ =	shalt  }
0x56: {  	_ =	shalt  }
0x57: {  	_ =	shalt  }
0x58: {  	_ =	shalt  }
0x59: {  	_ =	shalt  }
0x5a: {  	_ =	shalt  }
0x5b: {  	_ =	shalt  }
0x5c: {  	_ =	shalt  }
0x5d: {  	_ =	shalt  }
0x5e: {  	_ =	shalt  }
0x5f: {  	_ =	shalt  }
0x60: {  	_ =	shalt  }
0x61: {  	_ =	shalt  }
0x62: {  	_ =	shalt  }
0x63: {  	_ =	shalt  }
0x64: {  	_ =	shalt  }
0x65: {  	_ =	shalt  }
0x66: {  	_ =	shalt  }
0x67: {  	_ =	shalt  }
0x68: {  	_ =	shalt  }
0x69: {  	_ =	shalt  }
0x6a: {  	_ =	shalt  }
0x6b: {  	_ =	shalt  }
0x6c: {  	_ =	shalt  }
0x6d: {  	_ =	shalt  }
0x6e: {  	_ =	shalt  }
0x6f: {  	_ =	shalt  }
0x70: {  	_ =	shalt  }
0x71: {  	_ =	shalt  }
0x72: {  	_ =	shalt  }
0x73: {  	_ =	shalt  }
0x74: {  	_ =	shalt  }
0x75: {  	_ =	shalt  }
0x76: {  	_ =	shalt  }
0x77: {  	_ =	shalt  }
0x78: {  	_ =	shalt  }
0x79: {  	_ =	shalt  }
0x7a: {  	_ =	shalt  }
0x7b: {  	_ =	shalt  }
0x7c: {  	_ =	shalt  }
0x7d: {  	_ =	shalt  }
0x7e: {  	_ =	shalt  }
0x7f: {  	_ =	shalt  }
0x80: {  	_ =	shalt  }
0x81: {  	_ =	shalt  }
0x82: {  	_ =	shalt  }
0x83: {  	_ =	shalt  }
0x84: {  	_ =	shalt  }
0x85: {  	_ =	shalt  }
0x86: {  	_ =	shalt  }
0x87: {  	_ =	shalt  }
.Lfunc_end0:
.L_simem_size_0:
called_computation.1_lowered:
.L_overlay_start_0:
0x88: {  	s2 =	sld [smem:$0x3FD9]  }
0x89: {  	s3 =	sld [smem:$0x3FFE];
	_ =	sdelay $0x1  }
0x8a: {  	s1 =	srdreg.scid  }
0x8b: {  	s0 =	sand.u32 $0x1, s1  }
0x8c: {  	s17 =	sshll.u32 s0, $0xA;
	s2 =	sadd.s32 s3, s2  }
0x8d: {  	s2 =	sadd.s32 s2, s17  }
0x8e: {  	[smem:$0x3FC0] =	sst s2  }
0x8f: {  	_ = 	snop  }
0x90: {  	(tm) =	ssettm $0x1  }
0x91: {  	s18 =	sld [smem:$0x3FFB];
	_ =	sdelay $0x3  }
0x92: {  	_ =	strace s18  }
0x93: {  	s2 =	sld [smem:$0x3FFC];
	_ =	sdelay $0x3  }
0x94: {  	_ =	strace s2  }
0x95: {  	s2 =	sld [smem:$0x3FFD];
	_ =	sdelay $0x3  }
0x96: {  	_ =	strace s2  }
0x97: {  	_ =	strace $0x8FFFFFFF  }
0x98: {  	s19 =	sld [smem:$0x3FDB];
	_ =	sdelay $0x1  }
0x99: {  	s20 =	simm.s32 $_scs_section_size  }
0x9a: {  	s4 =	simm.s32 $_size__tile_overlayer_lowered;
	s5 =	simm.s32 $_tile_overlayer_lowered  }
0x9b: {  	s6 =	simm.s32 $0x1BFF;
	s21 =	sshll.u32 s5, $0x1;
	s3 =	sadd.s32 s20, s19  }
0x9c: {  	s22 =	simm.s32 $0x0;
	s4 =	sshll.u32 s4, $0x1;
	s5 =	sadd.s32 s21, s3  }
0x9d: {  	[timem:s22], [sflag:s6] =	dma.local [hbm:s5], s4  }
0x9e: {  	_ =	swait.ge [sflag:s6], s4  }
0x9f: {  	s4 =	ssub.s32 $0x0, s4;
	[sflag:s6] =	ssyncset.done $0x0  }
0xa0: {  	[sflag:s6] =	ssyncadd.s32 s4;
	_ =	sdelay $0x1  }
0xa1: {  	s23 =	simm.s32 $0x1B8B  }
0xa2: {  	_ =	swait.ge [sflag:s23], $0x1  }
0xa3: {  	[sflag:s23] =	ssyncset.done $0x0  }
0xa4: {  	[sflag:s23] =	ssyncadd.s32 $0xFFFFFFFF  }
0xa5: {  	s4 =	sld [smem:$0x0]  }
0xa6: {  	s5 =	sand.u32 $0xFFFFFFFE, s1  }
0xa7: {  	p0 =	sne.s32 s1, s5  }
0xa8: {  	s5 =	sshll.u32 @p0 s5, $0xE  }
0xa9: {  	s5 =	sadd.s32 @p0 $0x11B8D, s5;
	s6 =	sshll.u32 @p0 s4, $0x11  }
0xaa: {  	s5 =	sor.u32 @p0 s6, s5  }
0xab: {  	[sflag:s5] =	ssyncadd.remote.s32 @p0 $0x1;
	_ =	sdelay $0x1  }
0xac: {  	s5 =	simm.s32 @p0 $0x1B8D  }
0xad: {  	_ =	swait.eq @p0 [sflag:s5], $0x1  }
0xae: {  	[sflag:s5] =	ssyncadd.s32 @p0 $0xFFFFFFFF  }
0xaf: {  	s6 =	sshll.u32 @!p0 s1, $0xE  }
0xb0: {  	s6 =	sor.u32 @!p0 $0x4000, s6;
	s5 =	simm.s32 @!p0 $0x1B8D  }
0xb1: {  	s4 =	sshll.u32 @!p0 s4, $0x11;
	s6 =	sadd.s32 @!p0 $0x11B8D, s6;
	_ =	swait.eq @!p0 [sflag:s5], $0x1  }
0xb2: {  	s4 =	sor.u32 @!p0 s4, s6;
	[sflag:s5] =	ssyncadd.s32 @!p0 $0xFFFFFFFF  }
0xb3: {  	s25 =	simm.s32 $0x1B8E;
	s24 =	sld [smem:$0x3FFE];
	[sflag:s4] =	ssyncadd.remote.s32 @!p0 $0x1  }
0xb4: {  	s26 =	simm.s32 $execute0_lowered;
	[smem:$0x3FD2] =	sst s25  }
0xb5: {  	s5 =	sshll.u32 s26, $0x1;
	_ =	strace $0x80000049;
	[dreg:$0x1] =	wrdreg $0xFFFFFFFF  }
0xb6: {  	s28 =	simm.s32 $_size_execute0_lowered;
	s3 =	sadd.s32 s3, s5;
	[dreg:$0x0] =	wrdreg $0x0  }
0xb7: {  	s5 =	sshll.u32 s28, $0x1;
	[dreg:$0x2] =	wrdreg s3  }
0xb8: {  	[dreg:$0x3] =	wrdreg s5  }
0xb9: {  	[dreg:$0x4] =	wrdreg $0xC0  }
0xba: {  	_ =	task [dreg:s22], $0x5FFFF  }
0xbb: {  	[dreg:$0x1] =	wrdreg $0xFFFFFFFF  }
0xbc: {  	[dreg:$0x0] =	wrdreg $0x60  }
0xbd: {  	[dreg:$0x2] =	wrdreg s24  }
0xbe: {  	[dreg:$0x3] =	wrdreg $0x0  }
0xbf: {  	[dreg:$0x4] =	wrdreg $0x9  }
0xc0: {  	_ =	task.clear_ibuf [dreg:s22], $0x5FFFF;
	_ =	strace $0x90000049  }
0xc1: {  	s29 =	simm.s32 $0x9;
	_ =	strace $0x8000004B  }
0xc2: {  	_ =	swait.ge [sflag:s29], $0x1  }
0xc3: {  	[sflag:s29] =	ssyncadd.s32 $0xFFFFFFFF  }
0xc4: {  	_ =	strace $0x9000004B  }
0xc5: {  	_ =	sfence  }
0xc6: {  	s30 =	sld [smem:$0x0];
	_ =	sdelay $0x2  }
0xc7: {  	s31 =	sshll.u32 s1, $0xD;
	s1 =	sshrl.u32 s1, $0x2  }
0xc8: {  	s4 =	sand.u32 $0x4000, s31;
	s1 =	sadd.s32 s1, s30  }
0xc9: {  	s0 =	sor.u32 s4, s0;
	s1 =	sshll.u32 s1, $0x11  }
0xca: {  	s0 =	sor.u32 s1, s0  }
0xcb: {  	s0 =	sadd.s32 $0x8F2B, s0  }
0xcc: {  	[sflag:s0] =	ssyncadd.remote.s32 $0x1  }
0xcd: {  	_ =	sfence.sel $0xFFFF  }
0xce: {  	[dreg:$0x0] =	wrdreg $0xFFFFFFFF;
	(pc) =	sbr.abs _section_cstart, $3  }
0xcf: {  	[dreg:$0x1] =	wrdreg $0xFFFFFFFF  }
0xd0: {  	_ =	task.clear_ibuf [dreg:s22], $0x2FFFF;
	_ =	strace $0x9FFFFFFF  }
0xd1: {  	(tm) =	ssettm $0x7FFFFFFF  }
tec
execute0_lowered:
.L_overlay_start_1:
0x0: {  	(tag) =	ssettag $0x1  }
0x1: {  	s1 =	rddreg [dreg:$0x0]  }
0x2: {  	s2 =	rddreg [dreg:$0x1];
	s25 =	simm.s32 $0x0  }
0x3: {  	s14 =	simm.s32 $0x18780;
	[smem:$0x7FF] =	sst s25  }
0x4: {  	s15 =	simm.s32 $0x18800;
	_ =	strace $0x8000004A;
	[dreg:$0x4] =	wrdreg s14  }
0x5: {  	s16 =	simm.s32 $0x18880;
	[dreg:$0x5] =	wrdreg s15  }
0x6: {  	s17 =	simm.s32 $0x18900;
	[dreg:$0x6] =	wrdreg s16  }
0x7: {  	s18 =	simm.s32 $0x18980;
	[dreg:$0x7] =	wrdreg s17  }
0x8: {  	s19 =	simm.s32 $0x18A00;
	[dreg:$0x8] =	wrdreg s18  }
0x9: {  	s20 =	simm.s32 $0x18A80;
	[dreg:$0x9] =	wrdreg s19  }
0xa: {  	s22 =	simm.s32 $0x18B00;
	[dreg:$0xa] =	wrdreg s20  }
0xb: {  	s23 =	simm.s32 $0x18B80;
	[dreg:$0xb] =	wrdreg s22  }
0xc: {  	s24 =	simm.s32 $0x18C00;
	[dreg:$0xc] =	wrdreg s23  }
0xd: {  	s26 =	simm.s32 $0x18C80;
	[dreg:$0xd] =	wrdreg s24  }
0xe: {  	s7 =	simm.s32 $0x18D00;
	[dreg:$0xe] =	wrdreg s26  }
0xf: {  	s8 =	simm.s32 $0x18D80;
	[dreg:$0xf] =	wrdreg s7  }
0x10: {  	s9 =	simm.s32 $0x18E00;
	[dreg:$0x10] =	wrdreg s8  }
0x11: {  	s11 =	simm.s32 $0x18E80;
	[dreg:$0x11] =	wrdreg s9  }
0x12: {  	s0 =	srdreg.scid;
	s12 =	simm.s32 $0x18F00;
	[dreg:$0x12] =	wrdreg s11  }
0x13: {  	s3 =	stileid.u32;
	s13 =	simm.s32 $0x18F80;
	[dreg:$0x13] =	wrdreg s12  }
0x14: {  	s30 =	simm.s32 $0x3;
	[dreg:$0x14] =	wrdreg s13;
	s15 =	simm.s32 $0x19000  }
0x15: {  	s28 =	simm.s32 $0x1BB00;
	s16 =	simm.s32 $0x19080;
	[dreg:$0x15] =	wrdreg s15  }
0x16: {  	s29 =	simm.s32 $0x2;
	s17 =	simm.s32 $0x19100;
	[dreg:$0x16] =	wrdreg s16  }
0x17: {  	s31 =	simm.s32 $0x19A00;
	s18 =	simm.s32 $0x19180;
	[dreg:$0x17] =	wrdreg s17  }
0x18: {  	s0 =	sand.u32 $0x1, s0;
	s19 =	simm.s32 $0x19200;
	[dreg:$0x18] =	wrdreg s18  }
0x19: {  	s5 =	smul.u32 $0x1880, s3;
	s20 =	simm.s32 $0x19280;
	[dreg:$0x19] =	wrdreg s19  }
0x1a: {  	s6 =	smul.u32 $0x18700, s3;
	s22 =	simm.s32 $0x19300;
	[dreg:$0x1a] =	wrdreg s20  }
0x1b: {  	s4 =	smul.u32 $0x18800, s0;
	s24 =	simm.s32 $0x19380;
	[dreg:$0x1b] =	wrdreg s22  }
0x1c: {  	s21 =	smul.u32 $0x187000, s0;
	s9 =	simm.s32 $0x19500;
	[dreg:$0x1c] =	wrdreg s24  }
0x1d: {  	s0 =	ssub.s32 $0x2, s0;
	s11 =	simm.s32 $0x19580;
	[dreg:$0x1f] =	wrdreg s9  }
0x1e: {  	s7 =	smul.u32 $0x61C00, s3;
	s13 =	simm.s32 $0x19600;
	[smem:$0x7EF] =	sst s11  }
0x1f: {  	s10 =	sshrl.u32 s0, $0x1;
	[smem:$0x7F1] =	sst s13;
	s15 =	simm.s32 $0x19680  }
0x20: {  	s17 =	simm.s32 $0x19700;
	s19 =	simm.s32 $0x19780;
	[smem:$0x7F3] =	sst s15  }
0x21: {  	s22 =	simm.s32 $0x19880;
	s24 =	simm.s32 $0x19980;
	[smem:$0x7F5] =	sst s17  }
0x22: {  	s9 =	simm.s32 $0x19D80;
	s11 =	simm.s32 $0x19E80;
	[smem:$0x7F8] =	sst s19  }
0x23: {  	s13 =	simm.s32 $0x19F80;
	s0 =	ssub.s32 s0, s10;
	[smem:$0x7FA] =	sst s22  }
0x24: {  	s14 =	sshrl.u32 s7, $0x2;
	s7 =	simm.s32 $0x19480;
	[smem:$0x7FC] =	sst s24  }
0x25: {  	s4 =	sadd.s32 s4, s1;
	s0 =	smax.u32 s0, $0x1;
	[dreg:$0x1e] =	wrdreg s7  }
0x26: {  	s4 =	sadd.s32 s5, s4;
	s3 =	sadd.s32 s14, s2;
	[smem:$0x7E7] =	sst s0  }
0x27: {  	s19 =	simm.s32 $0x1A300;
	s4 =	sadd.s32 $0x3C00, s4;
	[smem:$0x7F6] =	sst s3  }
0x28: {  	s5 =	sadd.s32 s6, s21;
	s21 =	sadd.s32 $0x2000, s3;
	[dreg:$0x3] =	wrdreg s4  }
0x29: {  	s22 =	simm.s32 $0x1;
	s23 =	sadd.s32 $0x4000, s3;
	[smem:$0x7E8] =	sst s21  }
0x2a: {  	s24 =	simm.s32 $0x1AB00;
	s26 =	sadd.s32 $0x6000, s3;
	[smem:$0x7E9] =	sst s23  }
0x2b: {  	s15 =	simm.s32 $0x1A080;
	s8 =	sadd.s32 $0xA000, s3;
	[smem:$0x7EA] =	sst s26  }
0x2c: {  	s17 =	simm.s32 $0x1A180;
	s10 =	sadd.s32 $0xC000, s3;
	[smem:$0x7EC] =	sst s8  }
0x2d: {  	s7 =	simm.s32 $0x19C80;
	s12 =	sadd.s32 $0xE000, s3;
	[smem:$0x7ED] =	sst s10  }
0x2e: {  	s5 =	sshrl.u32 s5, $0x3;
	s14 =	sadd.s32 $0x10000, s3;
	[smem:$0x7EE] =	sst s12  }
0x2f: {  	s16 =	sadd.s32 $0x12000, s3;
	s18 =	sadd.s32 $0x14000, s3;
	[smem:$0x7F0] =	sst s14  }
0x30: {  	s20 =	sadd.s32 $0x16000, s3;
	s0 =	simm.s32 $0x0;
	[smem:$0x7F2] =	sst s16  }
0x31: {  	s1 =	sadd.s32 s5, s1;
	s5 =	sadd.s32 $0x18000, s3;
	[smem:$0x7F4] =	sst s18  }
0x32: {  	s4 =	sadd.s32 s6, s2;
	s6 =	sadd.s32 $0x8000, s3;
	[smem:$0x7F7] =	sst s20  }
0x33: {  	s21 =	simm.s32 $0x19800;
	s23 =	simm.s32 $0x19900;
	[smem:$0x7E5] =	sst s5  }
0x34: {  	s8 =	simm.s32 $0x19D00;
	s10 =	simm.s32 $0x19E00;
	[smem:$0x7EB] =	sst s6  }
0x35: {  	s12 =	simm.s32 $0x19F00;
	s14 =	simm.s32 $0x1A000;
	[smem:$0x7F9] =	sst s21  }
0x36: {  	s16 =	simm.s32 $0x1A100;
	s1 =	sadd.s32 $0x27EE00, s1;
	[smem:$0x7FB] =	sst s23  }
0x37: {  	s18 =	simm.s32 $0x1A200;
	s5 =	simm.s32 $0x19400;
	[smem:$0x7E6] =	sst s1  }
0x38: {  	s21 =	simm.s32 $0x18700;
	s26 =	sshrl.u32 s4, $0x3;
	[dreg:$0x1d] =	wrdreg s5  }
0x39: {  	s23 =	simm.s32 $0x80;
	s6 =	simm.s32 $0x19C00;
	[smem:$0x7FD] =	sst s26  }
0x3a: {  	v0 =	vimm.f32 $0.0e+00;
	v1 =	vimm.f32 $1.000000000e+00;
	s26 =	simm.s32 $0x1B300;
	s1 =	simm.s32 $0x19A80;
	s5 =	simm.s32 $0x19B80  }
.LBB2_1:
0x3b: {  	s4 =	simm.s32 $0x40;
	s20 =	simm.s32 $0x0  }
.LBB2_2:
0x3c: {  	p0 =	sne.s32 s4, $0x7FC0;
	[tilespmem:s20+$0x1A300] =	vst v0;
	s20 =	smov.u32 s4;
	s4 =	sadd.s32 $0x40, s4  }
.Ltmp0:
0x3d: {  	(pc) =	sbr.rel @p0 .LBB2_2-.Ltmp0, $2  }
0x3e: {  	_ =	sdelay $0x2  }
0x3f: {  	s20 =	sshra.s32 s20, $0x2  }
0x40: {  	s3 =	sld [smem:$0x7F6];
	_ =	sdelay $0x1  }
0x41: {  	[smem:$0x7E4] =	sst s0;
	[tilespmem:s20+$0x1A300] =	vst v0  }
0x42: {  	[spmem:s3] =	stream.linear.scatter [tilespmem:s19], [sflag:$0x3], $0x2000, $0x38;
	[tilespmem:$0x1C300] =	vst v63  }
0x43: {  	_ =	swait.ge [sflag:s30], $0x2000  }
0x44: {  	s0 =	sld [smem:$0x7E8]  }
0x45: {  	[sflag:s30] =	ssyncset.done $0x0  }
0x46: {  	[sflag:s30] =	ssyncadd.s32 $0xFFFFE000  }
0x47: {  	[spmem:s0] =	stream.linear.scatter [tilespmem:s19], [sflag:$0x3], $0x2000, $0x38;
	[tilespmem:$0x1C300] =	vst v63  }
0x48: {  	_ =	swait.ge [sflag:s30], $0x2000  }
0x49: {  	s4 =	sld [smem:$0x7E9]  }
0x4a: {  	[sflag:s30] =	ssyncset.done $0x0  }
0x4b: {  	[sflag:s30] =	ssyncadd.s32 $0xFFFFE000  }
0x4c: {  	[spmem:s4] =	stream.linear.scatter [tilespmem:s19], [sflag:$0x3], $0x2000, $0x38;
	[tilespmem:$0x1C300] =	vst v63  }
0x4d: {  	_ =	swait.ge [sflag:s30], $0x2000  }
0x4e: {  	s20 =	sld [smem:$0x7EA]  }
0x4f: {  	[sflag:s30] =	ssyncset.done $0x0  }
0x50: {  	[sflag:s30] =	ssyncadd.s32 $0xFFFFE000  }
0x51: {  	[spmem:s20] =	stream.linear.scatter [tilespmem:s19], [sflag:$0x3], $0x2000, $0x38;
	[tilespmem:$0x1C300] =	vst v63  }
0x52: {  	_ =	swait.ge [sflag:s30], $0x2000  }
0x53: {  	s0 =	sld [smem:$0x7EB]  }
0x54: {  	[sflag:s30] =	ssyncset.done $0x0  }
0x55: {  	[sflag:s30] =	ssyncadd.s32 $0xFFFFE000  }
0x56: {  	[spmem:s0] =	stream.linear.scatter [tilespmem:s19], [sflag:$0x3], $0x2000, $0x38;
	[tilespmem:$0x1C300] =	vst v63  }
0x57: {  	_ =	swait.ge [sflag:s30], $0x2000  }
0x58: {  	s4 =	sld [smem:$0x7EC]  }
0x59: {  	[sflag:s30] =	ssyncset.done $0x0  }
0x5a: {  	[sflag:s30] =	ssyncadd.s32 $0xFFFFE000  }
0x5b: {  	[spmem:s4] =	stream.linear.scatter [tilespmem:s19], [sflag:$0x3], $0x2000, $0x38;
	[tilespmem:$0x1C300] =	vst v63  }
0x5c: {  	_ =	swait.ge [sflag:s30], $0x2000  }
0x5d: {  	s20 =	sld [smem:$0x7ED]  }
0x5e: {  	[sflag:s30] =	ssyncset.done $0x0  }
0x5f: {  	[sflag:s30] =	ssyncadd.s32 $0xFFFFE000  }
0x60: {  	[spmem:s20] =	stream.linear.scatter [tilespmem:s19], [sflag:$0x3], $0x2000, $0x38;
	[tilespmem:$0x1C300] =	vst v63  }
0x61: {  	_ =	swait.ge [sflag:s30], $0x2000  }
0x62: {  	s0 =	sld [smem:$0x7EE]  }
0x63: {  	[sflag:s30] =	ssyncset.done $0x0  }
0x64: {  	[sflag:s30] =	ssyncadd.s32 $0xFFFFE000  }
0x65: {  	[spmem:s0] =	stream.linear.scatter [tilespmem:s19], [sflag:$0x3], $0x2000, $0x38;
	[tilespmem:$0x1C300] =	vst v63  }
0x66: {  	_ =	swait.ge [sflag:s30], $0x2000  }
0x67: {  	s4 =	sld [smem:$0x7F0]  }
0x68: {  	[sflag:s30] =	ssyncset.done $0x0  }
0x69: {  	[sflag:s30] =	ssyncadd.s32 $0xFFFFE000  }
0x6a: {  	[spmem:s4] =	stream.linear.scatter [tilespmem:s19], [sflag:$0x3], $0x2000, $0x38;
	[tilespmem:$0x1C300] =	vst v63  }
0x6b: {  	_ =	swait.ge [sflag:s30], $0x2000  }
0x6c: {  	s20 =	sld [smem:$0x7F2]  }
0x6d: {  	[sflag:s30] =	ssyncset.done $0x0  }
0x6e: {  	[sflag:s30] =	ssyncadd.s32 $0xFFFFE000  }
0x6f: {  	[spmem:s20] =	stream.linear.scatter [tilespmem:s19], [sflag:$0x3], $0x2000, $0x38;
	[tilespmem:$0x1C300] =	vst v63  }
0x70: {  	_ =	swait.ge [sflag:s30], $0x2000  }
0x71: {  	s0 =	sld [smem:$0x7F4]  }
0x72: {  	[sflag:s30] =	ssyncset.done $0x0  }
0x73: {  	[sflag:s30] =	ssyncadd.s32 $0xFFFFE000  }
0x74: {  	[spmem:s0] =	stream.linear.scatter [tilespmem:s19], [sflag:$0x3], $0x2000, $0x38;
	[tilespmem:$0x1C300] =	vst v63  }
0x75: {  	_ =	swait.ge [sflag:s30], $0x2000  }
0x76: {  	s4 =	sld [smem:$0x7F7]  }
0x77: {  	[sflag:s30] =	ssyncset.done $0x0  }
0x78: {  	[sflag:s30] =	ssyncadd.s32 $0xFFFFE000  }
0x79: {  	[spmem:s4] =	stream.linear.scatter [tilespmem:s19], [sflag:$0x3], $0x2000, $0x38;
	[tilespmem:$0x1C300] =	vst v63  }
0x7a: {  	_ =	swait.ge [sflag:s30], $0x2000  }
0x7b: {  	s20 =	sld [smem:$0x7E5]  }
0x7c: {  	[sflag:s30] =	ssyncset.done $0x0  }
0x7d: {  	[sflag:s30] =	ssyncadd.s32 $0xFFFFE000  }
0x7e: {  	[spmem:s20] =	stream.linear.scatter [tilespmem:s19], [sflag:$0x3], $0x700, $0x38;
	[tilespmem:$0x1C300] =	vst v63  }
0x7f: {  	_ =	swait.ge [sflag:s30], $0x700  }
0x80: {  	[sflag:s30] =	ssyncset.done $0x0  }
0x81: {  	s4 =	simm.s32 $0x40;
	s20 =	simm.s32 $0x0;
	[sflag:s30] =	ssyncadd.s32 $0xFFFFF900  }
.LBB2_4:
0x82: {  	p0 =	sne.s32 s4, $0x7FC0;
	[tilespmem:s20+$0x1A300] =	vst v1;
	s20 =	smov.u32 s4;
	s4 =	sadd.s32 $0x40, s4  }
.Ltmp1:
0x83: {  	(pc) =	sbr.rel @p0 .LBB2_4-.Ltmp1, $2  }
0x84: {  	_ =	sdelay $0x2  }
0x85: {  	s20 =	sshra.s32 s20, $0x2  }
0x86: {  	[tilespmem:s20+$0x1A300] =	vst v1  }
0x87: {  	[bflag:$0x0] =	sbarrier.arrive $0xFFFF  }
0x88: {  	s4 =	rddreg [dreg:$0x3]  }
0x89: {  	s4 =	sadd.s32 $0x0, s4  }
0x8a: {  	[tilespmem:s21], [sflag:$0x1] =	stream.linear.gather [hbm4b:s4+s25], $0x1C00, $0x38;
	[tilespmem:$0x1C300] =	vst v63  }
0x8b: {  	_ =	swait.ge [sflag:s22], $0x1C00  }
0x8c: {  	[sflag:s22] =	ssyncset.done $0x0  }
0x8d: {  	[sflag:s22] =	ssyncadd.s32 $0xFFFFE400  }
0x8e: {  	[spmem:s2] =	stream.indirect.scatter.add.f32 [tilespmem:s19], [sflag:$0x2], $0x10, s21, s23, $0xb8;
	[tilespmem:$0x1C300] =	vst v63  }
0x8f: {  	s20 =	rddreg [dreg:$0x4]  }
0x90: {  	[spmem:s2] =	stream.indirect.scatter.add.f32 [tilespmem:s24], [sflag:$0x2], $0x10, s20, s23, $0xb8;
	[tilespmem:$0x1C300] =	vst v63  }
0x91: {  	s25 =	rddreg [dreg:$0x5]  }
0x92: {  	[spmem:s2] =	stream.indirect.scatter.add.f32 [tilespmem:s26], [sflag:$0x2], $0x10, s25, s23, $0xb8;
	[tilespmem:$0x1C300] =	vst v63  }
0x93: {  	s0 =	rddreg [dreg:$0x6]  }
0x94: {  	[spmem:s2] =	stream.indirect.scatter.add.f32 [tilespmem:s28], [sflag:$0x2], $0x10, s0, s23, $0xb8;
	[tilespmem:$0x1C300] =	vst v63  }
0x95: {  	s3 =	rddreg [dreg:$0x7]  }
0x96: {  	[spmem:s2] =	stream.indirect.scatter.add.f32 [tilespmem:s19], [sflag:$0x2], $0x10, s3, s23, $0xb8;
	[tilespmem:$0x1C300] =	vst v63  }
0x97: {  	s25 =	rddreg [dreg:$0x8]  }
0x98: {  	[spmem:s2] =	stream.indirect.scatter.add.f32 [tilespmem:s24], [sflag:$0x2], $0x10, s25, s23, $0xb8;
	[tilespmem:$0x1C300] =	vst v63  }
0x99: {  	s0 =	rddreg [dreg:$0x9]  }
0x9a: {  	[spmem:s2] =	stream.indirect.scatter.add.f32 [tilespmem:s26], [sflag:$0x2], $0x10, s0, s23, $0xb8;
	[tilespmem:$0x1C300] =	vst v63  }
0x9b: {  	s3 =	rddreg [dreg:$0xa]  }
0x9c: {  	[spmem:s2] =	stream.indirect.scatter.add.f32 [tilespmem:s28], [sflag:$0x2], $0x10, s3, s23, $0xb8;
	[tilespmem:$0x1C300] =	vst v63  }
0x9d: {  	_ =	swait.ge [sflag:s29], $0x2000  }
0x9e: {  	[sflag:s29] =	ssyncset.done $0x0  }
0x9f: {  	s20 =	rddreg [dreg:$0xb];
	[sflag:s29] =	ssyncadd.s32 $0xFFFFE000  }
0xa0: {  	[spmem:s2] =	stream.indirect.scatter.add.f32 [tilespmem:s19], [sflag:$0x2], $0x10, s20, s23, $0xb8;
	[tilespmem:$0x1C300] =	vst v63  }
0xa1: {  	s25 =	rddreg [dreg:$0xc]  }
0xa2: {  	[spmem:s2] =	stream.indirect.scatter.add.f32 [tilespmem:s24], [sflag:$0x2], $0x10, s25, s23, $0xb8;
	[tilespmem:$0x1C300] =	vst v63  }
0xa3: {  	s0 =	rddreg [dreg:$0xd]  }
0xa4: {  	[spmem:s2] =	stream.indirect.scatter.add.f32 [tilespmem:s26], [sflag:$0x2], $0x10, s0, s23, $0xb8;
	[tilespmem:$0x1C300] =	vst v63  }
0xa5: {  	s3 =	rddreg [dreg:$0xe]  }
0xa6: {  	[spmem:s2] =	stream.indirect.scatter.add.f32 [tilespmem:s28], [sflag:$0x2], $0x10, s3, s23, $0xb8;
	[tilespmem:$0x1C300] =	vst v63  }
0xa7: {  	_ =	swait.ge [sflag:s29], $0x2000  }
0xa8: {  	[sflag:s29] =	ssyncset.done $0x0  }
0xa9: {  	s20 =	rddreg [dreg:$0xf];
	[sflag:s29] =	ssyncadd.s32 $0xFFFFE000  }
0xaa: {  	[spmem:s2] =	stream.indirect.scatter.add.f32 [tilespmem:s19], [sflag:$0x2], $0x10, s20, s23, $0xb8;
	[tilespmem:$0x1C300] =	vst v63  }
0xab: {  	s25 =	rddreg [dreg:$0x10]  }
0xac: {  	[spmem:s2] =	stream.indirect.scatter.add.f32 [tilespmem:s24], [sflag:$0x2], $0x10, s25, s23, $0xb8;
	[tilespmem:$0x1C300] =	vst v63  }
0xad: {  	s0 =	rddreg [dreg:$0x11]  }
0xae: {  	[spmem:s2] =	stream.indirect.scatter.add.f32 [tilespmem:s26], [sflag:$0x2], $0x10, s0, s23, $0xb8;
	[tilespmem:$0x1C300] =	vst v63  }
0xaf: {  	s3 =	rddreg [dreg:$0x12]  }
0xb0: {  	[spmem:s2] =	stream.indirect.scatter.add.f32 [tilespmem:s28], [sflag:$0x2], $0x10, s3, s23, $0xb8;
	[tilespmem:$0x1C300] =	vst v63  }
0xb1: {  	_ =	swait.ge [sflag:s29], $0x2000  }
0xb2: {  	[sflag:s29] =	ssyncset.done $0x0  }
0xb3: {  	s20 =	rddreg [dreg:$0x13];
	[sflag:s29] =	ssyncadd.s32 $0xFFFFE000  }
0xb4: {  	[spmem:s2] =	stream.indirect.scatter.add.f32 [tilespmem:s19], [sflag:$0x2], $0x10, s20, s23, $0xb8;
	[tilespmem:$0x1C300] =	vst v63  }
0xb5: {  	s25 =	rddreg [dreg:$0x14]  }
0xb6: {  	[spmem:s2] =	stream.indirect.scatter.add.f32 [tilespmem:s24], [sflag:$0x2], $0x10, s25, s23, $0xb8;
	[tilespmem:$0x1C300] =	vst v63  }
0xb7: {  	s0 =	rddreg [dreg:$0x15]  }
0xb8: {  	[spmem:s2] =	stream.indirect.scatter.add.f32 [tilespmem:s26], [sflag:$0x2], $0x10, s0, s23, $0xb8;
	[tilespmem:$0x1C300] =	vst v63  }
0xb9: {  	s3 =	rddreg [dreg:$0x16]  }
0xba: {  	[spmem:s2] =	stream.indirect.scatter.add.f32 [tilespmem:s28], [sflag:$0x2], $0x10, s3, s23, $0xb8;
	[tilespmem:$0x1C300] =	vst v63  }
0xbb: {  	_ =	swait.ge [sflag:s29], $0x2000  }
0xbc: {  	[sflag:s29] =	ssyncset.done $0x0  }
0xbd: {  	s20 =	rddreg [dreg:$0x17];
	[sflag:s29] =	ssyncadd.s32 $0xFFFFE000  }
0xbe: {  	[spmem:s2] =	stream.indirect.scatter.add.f32 [tilespmem:s19], [sflag:$0x2], $0x10, s20, s23, $0xb8;
	[tilespmem:$0x1C300] =	vst v63  }
0xbf: {  	s25 =	rddreg [dreg:$0x18]  }
0xc0: {  	[spmem:s2] =	stream.indirect.scatter.add.f32 [tilespmem:s24], [sflag:$0x2], $0x10, s25, s23, $0xb8;
	[tilespmem:$0x1C300] =	vst v63  }
0xc1: {  	s0 =	rddreg [dreg:$0x19]  }
0xc2: {  	[spmem:s2] =	stream.indirect.scatter.add.f32 [tilespmem:s26], [sflag:$0x2], $0x10, s0, s23, $0xb8;
	[tilespmem:$0x1C300] =	vst v63  }
0xc3: {  	s3 =	rddreg [dreg:$0x1a]  }
0xc4: {  	[spmem:s2] =	stream.indirect.scatter.add.f32 [tilespmem:s28], [sflag:$0x2], $0x10, s3, s23, $0xb8;
	[tilespmem:$0x1C300] =	vst v63  }
0xc5: {  	_ =	swait.ge [sflag:s29], $0x2000  }
0xc6: {  	[sflag:s29] =	ssyncset.done $0x0  }
0xc7: {  	s20 =	rddreg [dreg:$0x1b];
	[sflag:s29] =	ssyncadd.s32 $0xFFFFE000  }
0xc8: {  	[spmem:s2] =	stream.indirect.scatter.add.f32 [tilespmem:s19], [sflag:$0x2], $0x10, s20, s23, $0xb8;
	[tilespmem:$0x1C300] =	vst v63  }
0xc9: {  	s25 =	rddreg [dreg:$0x1c]  }
0xca: {  	[spmem:s2] =	stream.indirect.scatter.add.f32 [tilespmem:s24], [sflag:$0x2], $0x10, s25, s23, $0xb8;
	[tilespmem:$0x1C300] =	vst v63  }
0xcb: {  	s0 =	rddreg [dreg:$0x1d]  }
0xcc: {  	[spmem:s2] =	stream.indirect.scatter.add.f32 [tilespmem:s26], [sflag:$0x2], $0x10, s0, s23, $0xb8;
	[tilespmem:$0x1C300] =	vst v63  }
0xcd: {  	s3 =	rddreg [dreg:$0x1e]  }
0xce: {  	[spmem:s2] =	stream.indirect.scatter.add.f32 [tilespmem:s28], [sflag:$0x2], $0x10, s3, s23, $0xb8;
	[tilespmem:$0x1C300] =	vst v63  }
0xcf: {  	_ =	swait.ge [sflag:s29], $0x2000  }
0xd0: {  	s20 =	rddreg [dreg:$0x1f];
	[sflag:s29] =	ssyncset.done $0x0  }
0xd1: {  	s25 =	sld [smem:$0x7EF];
	[sflag:s29] =	ssyncadd.s32 $0xFFFFE000  }
0xd2: {  	[spmem:s2] =	stream.indirect.scatter.add.f32 [tilespmem:s19], [sflag:$0x2], $0x10, s20, s23, $0xb8;
	[tilespmem:$0x1C300] =	vst v63  }
0xd3: {  	s0 =	sld [smem:$0x7F1]  }
0xd4: {  	[spmem:s2] =	stream.indirect.scatter.add.f32 [tilespmem:s24], [sflag:$0x2], $0x10, s25, s23, $0xb8;
	[tilespmem:$0x1C300] =	vst v63  }
0xd5: {  	s3 =	sld [smem:$0x7F3]  }
0xd6: {  	[spmem:s2] =	stream.indirect.scatter.add.f32 [tilespmem:s26], [sflag:$0x2], $0x10, s0, s23, $0xb8;
	[tilespmem:$0x1C300] =	vst v63  }
0xd7: {  	_ = 	snop  }
0xd8: {  	[spmem:s2] =	stream.indirect.scatter.add.f32 [tilespmem:s28], [sflag:$0x2], $0x10, s3, s23, $0xb8;
	[tilespmem:$0x1C300] =	vst v63  }
0xd9: {  	_ =	swait.ge [sflag:s29], $0x2000  }
0xda: {  	s20 =	sld [smem:$0x7F5]  }
0xdb: {  	[sflag:s29] =	ssyncset.done $0x0  }
0xdc: {  	s25 =	sld [smem:$0x7F8];
	[sflag:s29] =	ssyncadd.s32 $0xFFFFE000  }
0xdd: {  	[spmem:s2] =	stream.indirect.scatter.add.f32 [tilespmem:s19], [sflag:$0x2], $0x10, s20, s23, $0xb8;
	[tilespmem:$0x1C300] =	vst v63  }
0xde: {  	s0 =	sld [smem:$0x7F9]  }
0xdf: {  	[spmem:s2] =	stream.indirect.scatter.add.f32 [tilespmem:s24], [sflag:$0x2], $0x10, s25, s23, $0xb8;
	[tilespmem:$0x1C300] =	vst v63  }
0xe0: {  	s3 =	sld [smem:$0x7FA]  }
0xe1: {  	[spmem:s2] =	stream.indirect.scatter.add.f32 [tilespmem:s26], [sflag:$0x2], $0x10, s0, s23, $0xb8;
	[tilespmem:$0x1C300] =	vst v63  }
0xe2: {  	_ = 	snop  }
0xe3: {  	[spmem:s2] =	stream.indirect.scatter.add.f32 [tilespmem:s28], [sflag:$0x2], $0x10, s3, s23, $0xb8;
	[tilespmem:$0x1C300] =	vst v63  }
0xe4: {  	_ =	swait.ge [sflag:s29], $0x2000  }
0xe5: {  	s20 =	sld [smem:$0x7FB]  }
0xe6: {  	[sflag:s29] =	ssyncset.done $0x0  }
0xe7: {  	s25 =	sld [smem:$0x7FC];
	[sflag:s29] =	ssyncadd.s32 $0xFFFFE000  }
0xe8: {  	[spmem:s2] =	stream.indirect.scatter.add.f32 [tilespmem:s19], [sflag:$0x2], $0x10, s20, s23, $0xb8;
	[tilespmem:$0x1C300] =	vst v63  }
0xe9: {  	_ = 	snop  }
0xea: {  	[spmem:s2] =	stream.indirect.scatter.add.f32 [tilespmem:s24], [sflag:$0x2], $0x10, s25, s23, $0xb8;
	[tilespmem:$0x1C300] =	vst v63  }
0xeb: {  	_ = 	snop  }
0xec: {  	[spmem:s2] =	stream.indirect.scatter.add.f32 [tilespmem:s26], [sflag:$0x2], $0x10, s31, s23, $0xb8;
	[tilespmem:$0x1C300] =	vst v63  }
0xed: {  	_ = 	snop  }
0xee: {  	[spmem:s2] =	stream.indirect.scatter.add.f32 [tilespmem:s28], [sflag:$0x2], $0x10, s1, s23, $0xb8;
	[tilespmem:$0x1C300] =	vst v63  }
0xef: {  	_ =	swait.ge [sflag:s29], $0x2000  }
0xf0: {  	[sflag:s29] =	ssyncset.done $0x0  }
0xf1: {  	s0 =	simm.s32 $0x19B00;
	[sflag:s29] =	ssyncadd.s32 $0xFFFFE000  }
0xf2: {  	[spmem:s2] =	stream.indirect.scatter.add.f32 [tilespmem:s19], [sflag:$0x2], $0x10, s0, s23, $0xb8;
	[tilespmem:$0x1C300] =	vst v63  }
0xf3: {  	_ = 	snop  }
0xf4: {  	[spmem:s2] =	stream.indirect.scatter.add.f32 [tilespmem:s24], [sflag:$0x2], $0x10, s5, s23, $0xb8;
	[tilespmem:$0x1C300] =	vst v63  }
0xf5: {  	_ = 	snop  }
0xf6: {  	[spmem:s2] =	stream.indirect.scatter.add.f32 [tilespmem:s26], [sflag:$0x2], $0x10, s6, s23, $0xb8;
	[tilespmem:$0x1C300] =	vst v63  }
0xf7: {  	_ = 	snop  }
0xf8: {  	[spmem:s2] =	stream.indirect.scatter.add.f32 [tilespmem:s28], [sflag:$0x2], $0x10, s7, s23, $0xb8;
	[tilespmem:$0x1C300] =	vst v63  }
0xf9: {  	_ =	swait.ge [sflag:s29], $0x2000  }
0xfa: {  	[sflag:s29] =	ssyncset.done $0x0  }
0xfb: {  	[sflag:s29] =	ssyncadd.s32 $0xFFFFE000  }
0xfc: {  	[spmem:s2] =	stream.indirect.scatter.add.f32 [tilespmem:s19], [sflag:$0x2], $0x10, s8, s23, $0xb8;
	[tilespmem:$0x1C300] =	vst v63  }
0xfd: {  	_ = 	snop  }
0xfe: {  	[spmem:s2] =	stream.indirect.scatter.add.f32 [tilespmem:s24], [sflag:$0x2], $0x10, s9, s23, $0xb8;
	[tilespmem:$0x1C300] =	vst v63  }
0xff: {  	_ = 	snop  }
0x100: {  	[spmem:s2] =	stream.indirect.scatter.add.f32 [tilespmem:s26], [sflag:$0x2], $0x10, s10, s23, $0xb8;
	[tilespmem:$0x1C300] =	vst v63  }
0x101: {  	_ = 	snop  }
0x102: {  	[spmem:s2] =	stream.indirect.scatter.add.f32 [tilespmem:s28], [sflag:$0x2], $0x10, s11, s23, $0xb8;
	[tilespmem:$0x1C300] =	vst v63  }
0x103: {  	_ =	swait.ge [sflag:s29], $0x2000  }
0x104: {  	[sflag:s29] =	ssyncset.done $0x0  }
0x105: {  	[sflag:s29] =	ssyncadd.s32 $0xFFFFE000  }
0x106: {  	[spmem:s2] =	stream.indirect.scatter.add.f32 [tilespmem:s19], [sflag:$0x2], $0x10, s12, s23, $0xb8;
	[tilespmem:$0x1C300] =	vst v63  }
0x107: {  	_ = 	snop  }
0x108: {  	[spmem:s2] =	stream.indirect.scatter.add.f32 [tilespmem:s24], [sflag:$0x2], $0x10, s13, s23, $0xb8;
	[tilespmem:$0x1C300] =	vst v63  }
0x109: {  	_ = 	snop  }
0x10a: {  	[spmem:s2] =	stream.indirect.scatter.add.f32 [tilespmem:s26], [sflag:$0x2], $0x10, s14, s23, $0xb8;
	[tilespmem:$0x1C300] =	vst v63  }
0x10b: {  	_ = 	snop  }
0x10c: {  	[spmem:s2] =	stream.indirect.scatter.add.f32 [tilespmem:s28], [sflag:$0x2], $0x10, s15, s23, $0xb8;
	[tilespmem:$0x1C300] =	vst v63  }
0x10d: {  	_ =	swait.ge [sflag:s29], $0x2000  }
0x10e: {  	[sflag:s29] =	ssyncset.done $0x0  }
0x10f: {  	[sflag:s29] =	ssyncadd.s32 $0xFFFFE000  }
0x110: {  	[spmem:s2] =	stream.indirect.scatter.add.f32 [tilespmem:s19], [sflag:$0x2], $0x10, s16, s23, $0xb8;
	[tilespmem:$0x1C300] =	vst v63  }
0x111: {  	_ = 	snop  }
0x112: {  	[spmem:s2] =	stream.indirect.scatter.add.f32 [tilespmem:s24], [sflag:$0x2], $0x10, s17, s23, $0xb8;
	[tilespmem:$0x1C300] =	vst v63  }
0x113: {  	_ = 	snop  }
0x114: {  	[spmem:s2] =	stream.indirect.scatter.add.f32 [tilespmem:s26], [sflag:$0x2], $0x10, s18, s23, $0xb8;
	[tilespmem:$0x1C300] =	vst v63  }
0x115: {  	s3 =	simm.s32 $0x1A280  }
0x116: {  	[spmem:s2] =	stream.indirect.scatter.add.f32 [tilespmem:s28], [sflag:$0x2], $0x10, s3, s23, $0xb8;
	[tilespmem:$0x1C300] =	vst v63  }
0x117: {  	_ =	swait.ge [sflag:s29], $0x2000  }
0x118: {  	[sflag:s29] =	ssyncset.done $0x0  }
0x119: {  	[sflag:s29] =	ssyncadd.s32 $0xFFFFE000  }
0x11a: {  	s30 =	simm.s32 $0x0;
	s4 =	simm.s32 $0x380;
	_ =	swait.ge [sflag:s29], $0x2000  }
0x11b: {  	s25 =	simm.s32 $0x700;
	s20 =	rddreg [dreg:$0x3];
	[sflag:s29] =	ssyncset.done $0x0  }
.LBB2_6:
0x11c: {  	[sflag:s29] =	ssyncadd.s32 $0xFFFFE000;
	s20 =	sadd.s32 s4, s20  }
0x11d: {  	[tilespmem:s21], [sflag:$0x1] =	stream.linear.gather [hbm4b:s20+s30], $0x1C00, $0x38;
	[tilespmem:$0x1C300] =	vst v63  }
0x11e: {  	_ =	swait.ge [sflag:s22], $0x1C00  }
0x11f: {  	[sflag:s22] =	ssyncset.done $0x0  }
0x120: {  	s3 =	smov.u32 s25;
	[sflag:s22] =	ssyncadd.s32 $0xFFFFE400  }
0x121: {  	[spmem:s2] =	stream.indirect.scatter.add.f32 [tilespmem:s19], [sflag:$0x2], $0x10, s21, s23, $0xb8;
	[tilespmem:$0x1C300] =	vst v63  }
0x122: {  	s4 =	smov.u32 s3;
	s3 =	rddreg [dreg:$0x4]  }
0x123: {  	[spmem:s2] =	stream.indirect.scatter.add.f32 [tilespmem:s24], [sflag:$0x2], $0x10, s3, s23, $0xb8;
	[tilespmem:$0x1C300] =	vst v63  }
0x124: {  	s20 =	rddreg [dreg:$0x5]  }
0x125: {  	[spmem:s2] =	stream.indirect.scatter.add.f32 [tilespmem:s26], [sflag:$0x2], $0x10, s20, s23, $0xb8;
	[tilespmem:$0x1C300] =	vst v63  }
0x126: {  	s3 =	rddreg [dreg:$0x6]  }
0x127: {  	[spmem:s2] =	stream.indirect.scatter.add.f32 [tilespmem:s28], [sflag:$0x2], $0x10, s3, s23, $0xb8;
	[tilespmem:$0x1C300] =	vst v63  }
0x128: {  	s20 =	rddreg [dreg:$0x7]  }
0x129: {  	[spmem:s2] =	stream.indirect.scatter.add.f32 [tilespmem:s19], [sflag:$0x2], $0x10, s20, s23, $0xb8;
	[tilespmem:$0x1C300] =	vst v63  }
0x12a: {  	s3 =	rddreg [dreg:$0x8]  }
0x12b: {  	[spmem:s2] =	stream.indirect.scatter.add.f32 [tilespmem:s24], [sflag:$0x2], $0x10, s3, s23, $0xb8;
	[tilespmem:$0x1C300] =	vst v63  }
0x12c: {  	s20 =	rddreg [dreg:$0x9]  }
0x12d: {  	[spmem:s2] =	stream.indirect.scatter.add.f32 [tilespmem:s26], [sflag:$0x2], $0x10, s20, s23, $0xb8;
	[tilespmem:$0x1C300] =	vst v63  }
0x12e: {  	s3 =	rddreg [dreg:$0xa]  }
0x12f: {  	[spmem:s2] =	stream.indirect.scatter.add.f32 [tilespmem:s28], [sflag:$0x2], $0x10, s3, s23, $0xb8;
	[tilespmem:$0x1C300] =	vst v63  }
0x130: {  	_ =	swait.ge [sflag:s29], $0x2000  }
0x131: {  	[sflag:s29] =	ssyncset.done $0x0  }
0x132: {  	s3 =	rddreg [dreg:$0xb];
	[sflag:s29] =	ssyncadd.s32 $0xFFFFE000  }
0x133: {  	[spmem:s2] =	stream.indirect.scatter.add.f32 [tilespmem:s19], [sflag:$0x2], $0x10, s3, s23, $0xb8;
	[tilespmem:$0x1C300] =	vst v63  }
0x134: {  	s20 =	rddreg [dreg:$0xc]  }
0x135: {  	[spmem:s2] =	stream.indirect.scatter.add.f32 [tilespmem:s24], [sflag:$0x2], $0x10, s20, s23, $0xb8;
	[tilespmem:$0x1C300] =	vst v63  }
0x136: {  	s3 =	rddreg [dreg:$0xd]  }
0x137: {  	[spmem:s2] =	stream.indirect.scatter.add.f32 [tilespmem:s26], [sflag:$0x2], $0x10, s3, s23, $0xb8;
	[tilespmem:$0x1C300] =	vst v63  }
0x138: {  	s20 =	rddreg [dreg:$0xe]  }
0x139: {  	[spmem:s2] =	stream.indirect.scatter.add.f32 [tilespmem:s28], [sflag:$0x2], $0x10, s20, s23, $0xb8;
	[tilespmem:$0x1C300] =	vst v63  }
0x13a: {  	_ =	swait.ge [sflag:s29], $0x2000  }
0x13b: {  	[sflag:s29] =	ssyncset.done $0x0  }
0x13c: {  	s3 =	rddreg [dreg:$0xf];
	[sflag:s29] =	ssyncadd.s32 $0xFFFFE000  }
0x13d: {  	[spmem:s2] =	stream.indirect.scatter.add.f32 [tilespmem:s19], [sflag:$0x2], $0x10, s3, s23, $0xb8;
	[tilespmem:$0x1C300] =	vst v63  }
0x13e: {  	s20 =	rddreg [dreg:$0x10]  }
0x13f: {  	[spmem:s2] =	stream.indirect.scatter.add.f32 [tilespmem:s24], [sflag:$0x2], $0x10, s20, s23, $0xb8;
	[tilespmem:$0x1C300] =	vst v63  }
0x140: {  	s3 =	rddreg [dreg:$0x11]  }
0x141: {  	[spmem:s2] =	stream.indirect.scatter.add.f32 [tilespmem:s26], [sflag:$0x2], $0x10, s3, s23, $0xb8;
	[tilespmem:$0x1C300] =	vst v63  }
0x142: {  	s20 =	rddreg [dreg:$0x12]  }
0x143: {  	[spmem:s2] =	stream.indirect.scatter.add.f32 [tilespmem:s28], [sflag:$0x2], $0x10, s20, s23, $0xb8;
	[tilespmem:$0x1C300] =	vst v63  }
0x144: {  	_ =	swait.ge [sflag:s29], $0x2000  }
0x145: {  	[sflag:s29] =	ssyncset.done $0x0  }
0x146: {  	s3 =	rddreg [dreg:$0x13];
	[sflag:s29] =	ssyncadd.s32 $0xFFFFE000  }
0x147: {  	[spmem:s2] =	stream.indirect.scatter.add.f32 [tilespmem:s19], [sflag:$0x2], $0x10, s3, s23, $0xb8;
	[tilespmem:$0x1C300] =	vst v63  }
0x148: {  	s20 =	rddreg [dreg:$0x14]  }
0x149: {  	[spmem:s2] =	stream.indirect.scatter.add.f32 [tilespmem:s24], [sflag:$0x2], $0x10, s20, s23, $0xb8;
	[tilespmem:$0x1C300] =	vst v63  }
0x14a: {  	s3 =	rddreg [dreg:$0x15]  }
0x14b: {  	[spmem:s2] =	stream.indirect.scatter.add.f32 [tilespmem:s26], [sflag:$0x2], $0x10, s3, s23, $0xb8;
	[tilespmem:$0x1C300] =	vst v63  }
0x14c: {  	s20 =	rddreg [dreg:$0x16]  }
0x14d: {  	[spmem:s2] =	stream.indirect.scatter.add.f32 [tilespmem:s28], [sflag:$0x2], $0x10, s20, s23, $0xb8;
	[tilespmem:$0x1C300] =	vst v63  }
0x14e: {  	_ =	swait.ge [sflag:s29], $0x2000  }
0x14f: {  	[sflag:s29] =	ssyncset.done $0x0  }
0x150: {  	s3 =	rddreg [dreg:$0x17];
	[sflag:s29] =	ssyncadd.s32 $0xFFFFE000  }
0x151: {  	[spmem:s2] =	stream.indirect.scatter.add.f32 [tilespmem:s19], [sflag:$0x2], $0x10, s3, s23, $0xb8;
	[tilespmem:$0x1C300] =	vst v63  }
0x152: {  	s20 =	rddreg [dreg:$0x18]  }
0x153: {  	[spmem:s2] =	stream.indirect.scatter.add.f32 [tilespmem:s24], [sflag:$0x2], $0x10, s20, s23, $0xb8;
	[tilespmem:$0x1C300] =	vst v63  }
0x154: {  	s3 =	rddreg [dreg:$0x19]  }
0x155: {  	[spmem:s2] =	stream.indirect.scatter.add.f32 [tilespmem:s26], [sflag:$0x2], $0x10, s3, s23, $0xb8;
	[tilespmem:$0x1C300] =	vst v63  }
0x156: {  	s20 =	rddreg [dreg:$0x1a]  }
0x157: {  	[spmem:s2] =	stream.indirect.scatter.add.f32 [tilespmem:s28], [sflag:$0x2], $0x10, s20, s23, $0xb8;
	[tilespmem:$0x1C300] =	vst v63  }
0x158: {  	_ =	swait.ge [sflag:s29], $0x2000  }
0x159: {  	[sflag:s29] =	ssyncset.done $0x0  }
0x15a: {  	s3 =	rddreg [dreg:$0x1b];
	[sflag:s29] =	ssyncadd.s32 $0xFFFFE000  }
0x15b: {  	[spmem:s2] =	stream.indirect.scatter.add.f32 [tilespmem:s19], [sflag:$0x2], $0x10, s3, s23, $0xb8;
	[tilespmem:$0x1C300] =	vst v63  }
0x15c: {  	s20 =	rddreg [dreg:$0x1c]  }
0x15d: {  	[spmem:s2] =	stream.indirect.scatter.add.f32 [tilespmem:s24], [sflag:$0x2], $0x10, s20, s23, $0xb8;
	[tilespmem:$0x1C300] =	vst v63  }
0x15e: {  	s3 =	rddreg [dreg:$0x1d]  }
0x15f: {  	[spmem:s2] =	stream.indirect.scatter.add.f32 [tilespmem:s26], [sflag:$0x2], $0x10, s3, s23, $0xb8;
	[tilespmem:$0x1C300] =	vst v63  }
0x160: {  	s20 =	rddreg [dreg:$0x1e]  }
0x161: {  	[spmem:s2] =	stream.indirect.scatter.add.f32 [tilespmem:s28], [sflag:$0x2], $0x10, s20, s23, $0xb8;
	[tilespmem:$0x1C300] =	vst v63  }
0x162: {  	_ =	swait.ge [sflag:s29], $0x2000  }
0x163: {  	s3 =	rddreg [dreg:$0x1f];
	[sflag:s29] =	ssyncset.done $0x0  }
0x164: {  	s20 =	sld [smem:$0x7EF];
	[sflag:s29] =	ssyncadd.s32 $0xFFFFE000  }
0x165: {  	[spmem:s2] =	stream.indirect.scatter.add.f32 [tilespmem:s19], [sflag:$0x2], $0x10, s3, s23, $0xb8;
	[tilespmem:$0x1C300] =	vst v63  }
0x166: {  	s3 =	sld [smem:$0x7F1]  }
0x167: {  	[spmem:s2] =	stream.indirect.scatter.add.f32 [tilespmem:s24], [sflag:$0x2], $0x10, s20, s23, $0xb8;
	[tilespmem:$0x1C300] =	vst v63  }
0x168: {  	s20 =	sld [smem:$0x7F3]  }
0x169: {  	[spmem:s2] =	stream.indirect.scatter.add.f32 [tilespmem:s26], [sflag:$0x2], $0x10, s3, s23, $0xb8;
	[tilespmem:$0x1C300] =	vst v63  }
0x16a: {  	_ = 	snop  }
0x16b: {  	[spmem:s2] =	stream.indirect.scatter.add.f32 [tilespmem:s28], [sflag:$0x2], $0x10, s20, s23, $0xb8;
	[tilespmem:$0x1C300] =	vst v63  }
0x16c: {  	_ =	swait.ge [sflag:s29], $0x2000  }
0x16d: {  	s3 =	sld [smem:$0x7F5]  }
0x16e: {  	[sflag:s29] =	ssyncset.done $0x0  }
0x16f: {  	s20 =	sld [smem:$0x7F8];
	[sflag:s29] =	ssyncadd.s32 $0xFFFFE000  }
0x170: {  	[spmem:s2] =	stream.indirect.scatter.add.f32 [tilespmem:s19], [sflag:$0x2], $0x10, s3, s23, $0xb8;
	[tilespmem:$0x1C300] =	vst v63  }
0x171: {  	s3 =	sld [smem:$0x7F9]  }
0x172: {  	[spmem:s2] =	stream.indirect.scatter.add.f32 [tilespmem:s24], [sflag:$0x2], $0x10, s20, s23, $0xb8;
	[tilespmem:$0x1C300] =	vst v63  }
0x173: {  	s20 =	sld [smem:$0x7FA]  }
0x174: {  	[spmem:s2] =	stream.indirect.scatter.add.f32 [tilespmem:s26], [sflag:$0x2], $0x10, s3, s23, $0xb8;
	[tilespmem:$0x1C300] =	vst v63  }
0x175: {  	_ = 	snop  }
0x176: {  	[spmem:s2] =	stream.indirect.scatter.add.f32 [tilespmem:s28], [sflag:$0x2], $0x10, s20, s23, $0xb8;
	[tilespmem:$0x1C300] =	vst v63  }
0x177: {  	_ =	swait.ge [sflag:s29], $0x2000  }
0x178: {  	s3 =	sld [smem:$0x7FB]  }
0x179: {  	[sflag:s29] =	ssyncset.done $0x0  }
0x17a: {  	s20 =	sld [smem:$0x7FC];
	[sflag:s29] =	ssyncadd.s32 $0xFFFFE000  }
0x17b: {  	[spmem:s2] =	stream.indirect.scatter.add.f32 [tilespmem:s19], [sflag:$0x2], $0x10, s3, s23, $0xb8;
	[tilespmem:$0x1C300] =	vst v63  }
0x17c: {  	_ = 	snop  }
0x17d: {  	[spmem:s2] =	stream.indirect.scatter.add.f32 [tilespmem:s24], [sflag:$0x2], $0x10, s20, s23, $0xb8;
	[tilespmem:$0x1C300] =	vst v63  }
0x17e: {  	_ = 	snop  }
0x17f: {  	[spmem:s2] =	stream.indirect.scatter.add.f32 [tilespmem:s26], [sflag:$0x2], $0x10, s31, s23, $0xb8;
	[tilespmem:$0x1C300] =	vst v63  }
0x180: {  	_ = 	snop  }
0x181: {  	[spmem:s2] =	stream.indirect.scatter.add.f32 [tilespmem:s28], [sflag:$0x2], $0x10, s1, s23, $0xb8;
	[tilespmem:$0x1C300] =	vst v63  }
0x182: {  	_ =	swait.ge [sflag:s29], $0x2000  }
0x183: {  	[sflag:s29] =	ssyncset.done $0x0  }
0x184: {  	[sflag:s29] =	ssyncadd.s32 $0xFFFFE000  }
0x185: {  	[spmem:s2] =	stream.indirect.scatter.add.f32 [tilespmem:s19], [sflag:$0x2], $0x10, s0, s23, $0xb8;
	[tilespmem:$0x1C300] =	vst v63  }
0x186: {  	_ = 	snop  }
0x187: {  	[spmem:s2] =	stream.indirect.scatter.add.f32 [tilespmem:s24], [sflag:$0x2], $0x10, s5, s23, $0xb8;
	[tilespmem:$0x1C300] =	vst v63  }
0x188: {  	_ = 	snop  }
0x189: {  	[spmem:s2] =	stream.indirect.scatter.add.f32 [tilespmem:s26], [sflag:$0x2], $0x10, s6, s23, $0xb8;
	[tilespmem:$0x1C300] =	vst v63  }
0x18a: {  	_ = 	snop  }
0x18b: {  	[spmem:s2] =	stream.indirect.scatter.add.f32 [tilespmem:s28], [sflag:$0x2], $0x10, s7, s23, $0xb8;
	[tilespmem:$0x1C300] =	vst v63  }
0x18c: {  	_ =	swait.ge [sflag:s29], $0x2000  }
0x18d: {  	[sflag:s29] =	ssyncset.done $0x0  }
0x18e: {  	[sflag:s29] =	ssyncadd.s32 $0xFFFFE000  }
0x18f: {  	[spmem:s2] =	stream.indirect.scatter.add.f32 [tilespmem:s19], [sflag:$0x2], $0x10, s8, s23, $0xb8;
	[tilespmem:$0x1C300] =	vst v63  }
0x190: {  	_ = 	snop  }
0x191: {  	[spmem:s2] =	stream.indirect.scatter.add.f32 [tilespmem:s24], [sflag:$0x2], $0x10, s9, s23, $0xb8;
	[tilespmem:$0x1C300] =	vst v63  }
0x192: {  	_ = 	snop  }
0x193: {  	[spmem:s2] =	stream.indirect.scatter.add.f32 [tilespmem:s26], [sflag:$0x2], $0x10, s10, s23, $0xb8;
	[tilespmem:$0x1C300] =	vst v63  }
0x194: {  	_ = 	snop  }
0x195: {  	[spmem:s2] =	stream.indirect.scatter.add.f32 [tilespmem:s28], [sflag:$0x2], $0x10, s11, s23, $0xb8;
	[tilespmem:$0x1C300] =	vst v63  }
0x196: {  	_ =	swait.ge [sflag:s29], $0x2000  }
0x197: {  	[sflag:s29] =	ssyncset.done $0x0  }
0x198: {  	[sflag:s29] =	ssyncadd.s32 $0xFFFFE000  }
0x199: {  	[spmem:s2] =	stream.indirect.scatter.add.f32 [tilespmem:s19], [sflag:$0x2], $0x10, s12, s23, $0xb8;
	[tilespmem:$0x1C300] =	vst v63  }
0x19a: {  	_ = 	snop  }
0x19b: {  	[spmem:s2] =	stream.indirect.scatter.add.f32 [tilespmem:s24], [sflag:$0x2], $0x10, s13, s23, $0xb8;
	[tilespmem:$0x1C300] =	vst v63  }
0x19c: {  	_ = 	snop  }
0x19d: {  	[spmem:s2] =	stream.indirect.scatter.add.f32 [tilespmem:s26], [sflag:$0x2], $0x10, s14, s23, $0xb8;
	[tilespmem:$0x1C300] =	vst v63  }
0x19e: {  	_ = 	snop  }
0x19f: {  	[spmem:s2] =	stream.indirect.scatter.add.f32 [tilespmem:s28], [sflag:$0x2], $0x10, s15, s23, $0xb8;
	[tilespmem:$0x1C300] =	vst v63  }
0x1a0: {  	_ =	swait.ge [sflag:s29], $0x2000  }
0x1a1: {  	[sflag:s29] =	ssyncset.done $0x0  }
0x1a2: {  	[sflag:s29] =	ssyncadd.s32 $0xFFFFE000  }
0x1a3: {  	[spmem:s2] =	stream.indirect.scatter.add.f32 [tilespmem:s19], [sflag:$0x2], $0x10, s16, s23, $0xb8;
	[tilespmem:$0x1C300] =	vst v63  }
0x1a4: {  	_ = 	snop  }
0x1a5: {  	[spmem:s2] =	stream.indirect.scatter.add.f32 [tilespmem:s24], [sflag:$0x2], $0x10, s17, s23, $0xb8;
	[tilespmem:$0x1C300] =	vst v63  }
0x1a6: {  	_ = 	snop  }
0x1a7: {  	[spmem:s2] =	stream.indirect.scatter.add.f32 [tilespmem:s26], [sflag:$0x2], $0x10, s18, s23, $0xb8;
	[tilespmem:$0x1C300] =	vst v63  }
0x1a8: {  	p0 =	sne.s32 s25, $0x1500;
	s20 =	simm.s32 $0x1A280  }
0x1a9: {  	[spmem:s2] =	stream.indirect.scatter.add.f32 [tilespmem:s28], [sflag:$0x2], $0x10, s20, s23, $0xb8;
	[tilespmem:$0x1C300] =	vst v63  }
.Ltmp2:
0x1aa: {  	_ =	swait.ge [sflag:s29], $0x2000;
	(pc) =	sbr.rel @p0 .LBB2_6-.Ltmp2, $4  }
0x1ab: {  	[sflag:s29] =	ssyncset.done $0x0  }
0x1ac: {  	[sflag:s29] =	ssyncadd.s32 $0xFFFFE000  }
0x1ad: {  	_ =	swait.ge [sflag:s29], $0x2000  }
0x1ae: {  	s25 =	sadd.s32 $0x380, s25;
	s20 =	rddreg [dreg:$0x3];
	[sflag:s29] =	ssyncset.done $0x0  }
0x1af: {  	[sflag:s29] =	ssyncadd.s32 $0xFFFFE000;
	s3 =	sadd.s32 s4, s20  }
0x1b0: {  	[tilespmem:s21], [sflag:$0x1] =	stream.linear.gather [hbm4b:s3+s30], $0x1C00, $0x38;
	[tilespmem:$0x1C300] =	vst v63  }
0x1b1: {  	_ =	swait.ge [sflag:s22], $0x1C00  }
0x1b2: {  	[sflag:s22] =	ssyncset.done $0x0  }
0x1b3: {  	[sflag:s22] =	ssyncadd.s32 $0xFFFFE400  }
0x1b4: {  	[spmem:s2] =	stream.indirect.scatter.add.f32 [tilespmem:s19], [sflag:$0x2], $0x10, s21, s23, $0xb8;
	[tilespmem:$0x1C300] =	vst v63  }
0x1b5: {  	s4 =	rddreg [dreg:$0x4]  }
0x1b6: {  	[spmem:s2] =	stream.indirect.scatter.add.f32 [tilespmem:s24], [sflag:$0x2], $0x10, s4, s23, $0xb8;
	[tilespmem:$0x1C300] =	vst v63  }
0x1b7: {  	s20 =	rddreg [dreg:$0x5]  }
0x1b8: {  	[spmem:s2] =	stream.indirect.scatter.add.f32 [tilespmem:s26], [sflag:$0x2], $0x10, s20, s23, $0xb8;
	[tilespmem:$0x1C300] =	vst v63  }
0x1b9: {  	s25 =	rddreg [dreg:$0x6]  }
0x1ba: {  	[spmem:s2] =	stream.indirect.scatter.add.f32 [tilespmem:s28], [sflag:$0x2], $0x10, s25, s23, $0xb8;
	[tilespmem:$0x1C300] =	vst v63  }
0x1bb: {  	s20 =	rddreg [dreg:$0x7]  }
0x1bc: {  	[spmem:s2] =	stream.indirect.scatter.add.f32 [tilespmem:s19], [sflag:$0x2], $0x10, s20, s23, $0xb8;
	[tilespmem:$0x1C300] =	vst v63  }
0x1bd: {  	s25 =	rddreg [dreg:$0x8]  }
0x1be: {  	[spmem:s2] =	stream.indirect.scatter.add.f32 [tilespmem:s24], [sflag:$0x2], $0x10, s25, s23, $0xb8;
	[tilespmem:$0x1C300] =	vst v63  }
0x1bf: {  	s20 =	rddreg [dreg:$0x9]  }
0x1c0: {  	[spmem:s2] =	stream.indirect.scatter.add.f32 [tilespmem:s26], [sflag:$0x2], $0x10, s20, s23, $0xb8;
	[tilespmem:$0x1C300] =	vst v63  }
0x1c1: {  	s25 =	rddreg [dreg:$0xa]  }
0x1c2: {  	[spmem:s2] =	stream.indirect.scatter.add.f32 [tilespmem:s28], [sflag:$0x2], $0x10, s25, s23, $0xb8;
	[tilespmem:$0x1C300] =	vst v63  }
0x1c3: {  	_ =	swait.ge [sflag:s29], $0x2000  }
0x1c4: {  	[sflag:s29] =	ssyncset.done $0x0  }
0x1c5: {  	s20 =	rddreg [dreg:$0xb];
	[sflag:s29] =	ssyncadd.s32 $0xFFFFE000  }
0x1c6: {  	[spmem:s2] =	stream.indirect.scatter.add.f32 [tilespmem:s19], [sflag:$0x2], $0x10, s20, s23, $0xb8;
	[tilespmem:$0x1C300] =	vst v63  }
0x1c7: {  	s25 =	rddreg [dreg:$0xc]  }
0x1c8: {  	[spmem:s2] =	stream.indirect.scatter.add.f32 [tilespmem:s24], [sflag:$0x2], $0x10, s25, s23, $0xb8;
	[tilespmem:$0x1C300] =	vst v63  }
0x1c9: {  	s20 =	rddreg [dreg:$0xd]  }
0x1ca: {  	[spmem:s2] =	stream.indirect.scatter.add.f32 [tilespmem:s26], [sflag:$0x2], $0x10, s20, s23, $0xb8;
	[tilespmem:$0x1C300] =	vst v63  }
0x1cb: {  	s25 =	rddreg [dreg:$0xe]  }
0x1cc: {  	[spmem:s2] =	stream.indirect.scatter.add.f32 [tilespmem:s28], [sflag:$0x2], $0x10, s25, s23, $0xb8;
	[tilespmem:$0x1C300] =	vst v63  }
0x1cd: {  	_ =	swait.ge [sflag:s29], $0x2000  }
0x1ce: {  	[sflag:s29] =	ssyncset.done $0x0  }
0x1cf: {  	s20 =	rddreg [dreg:$0xf];
	[sflag:s29] =	ssyncadd.s32 $0xFFFFE000  }
0x1d0: {  	[spmem:s2] =	stream.indirect.scatter.add.f32 [tilespmem:s19], [sflag:$0x2], $0x10, s20, s23, $0xb8;
	[tilespmem:$0x1C300] =	vst v63  }
0x1d1: {  	s25 =	rddreg [dreg:$0x10]  }
0x1d2: {  	[spmem:s2] =	stream.indirect.scatter.add.f32 [tilespmem:s24], [sflag:$0x2], $0x10, s25, s23, $0xb8;
	[tilespmem:$0x1C300] =	vst v63  }
0x1d3: {  	s20 =	rddreg [dreg:$0x11]  }
0x1d4: {  	[spmem:s2] =	stream.indirect.scatter.add.f32 [tilespmem:s26], [sflag:$0x2], $0x10, s20, s23, $0xb8;
	[tilespmem:$0x1C300] =	vst v63  }
0x1d5: {  	s25 =	rddreg [dreg:$0x12]  }
0x1d6: {  	[spmem:s2] =	stream.indirect.scatter.add.f32 [tilespmem:s28], [sflag:$0x2], $0x10, s25, s23, $0xb8;
	[tilespmem:$0x1C300] =	vst v63  }
0x1d7: {  	_ =	swait.ge [sflag:s29], $0x2000  }
0x1d8: {  	[sflag:s29] =	ssyncset.done $0x0  }
0x1d9: {  	s20 =	rddreg [dreg:$0x13];
	[sflag:s29] =	ssyncadd.s32 $0xFFFFE000  }
0x1da: {  	[spmem:s2] =	stream.indirect.scatter.add.f32 [tilespmem:s19], [sflag:$0x2], $0x10, s20, s23, $0xb8;
	[tilespmem:$0x1C300] =	vst v63  }
0x1db: {  	s25 =	rddreg [dreg:$0x14]  }
0x1dc: {  	[spmem:s2] =	stream.indirect.scatter.add.f32 [tilespmem:s24], [sflag:$0x2], $0x10, s25, s23, $0xb8;
	[tilespmem:$0x1C300] =	vst v63  }
0x1dd: {  	s20 =	rddreg [dreg:$0x15]  }
0x1de: {  	[spmem:s2] =	stream.indirect.scatter.add.f32 [tilespmem:s26], [sflag:$0x2], $0x10, s20, s23, $0xb8;
	[tilespmem:$0x1C300] =	vst v63  }
0x1df: {  	s25 =	rddreg [dreg:$0x16]  }
0x1e0: {  	[spmem:s2] =	stream.indirect.scatter.add.f32 [tilespmem:s28], [sflag:$0x2], $0x10, s25, s23, $0xb8;
	[tilespmem:$0x1C300] =	vst v63  }
0x1e1: {  	_ =	swait.ge [sflag:s29], $0x2000  }
0x1e2: {  	[sflag:s29] =	ssyncset.done $0x0  }
0x1e3: {  	s20 =	rddreg [dreg:$0x17];
	[sflag:s29] =	ssyncadd.s32 $0xFFFFE000  }
0x1e4: {  	[spmem:s2] =	stream.indirect.scatter.add.f32 [tilespmem:s19], [sflag:$0x2], $0x10, s20, s23, $0xb8;
	[tilespmem:$0x1C300] =	vst v63  }
0x1e5: {  	s25 =	rddreg [dreg:$0x18]  }
0x1e6: {  	[spmem:s2] =	stream.indirect.scatter.add.f32 [tilespmem:s24], [sflag:$0x2], $0x10, s25, s23, $0xb8;
	[tilespmem:$0x1C300] =	vst v63  }
0x1e7: {  	s20 =	rddreg [dreg:$0x19]  }
0x1e8: {  	[spmem:s2] =	stream.indirect.scatter.add.f32 [tilespmem:s26], [sflag:$0x2], $0x10, s20, s23, $0xb8;
	[tilespmem:$0x1C300] =	vst v63  }
0x1e9: {  	s25 =	rddreg [dreg:$0x1a]  }
0x1ea: {  	[spmem:s2] =	stream.indirect.scatter.add.f32 [tilespmem:s28], [sflag:$0x2], $0x10, s25, s23, $0xb8;
	[tilespmem:$0x1C300] =	vst v63  }
0x1eb: {  	_ =	swait.ge [sflag:s29], $0x2000  }
0x1ec: {  	[sflag:s29] =	ssyncset.done $0x0  }
0x1ed: {  	s20 =	rddreg [dreg:$0x1b];
	[sflag:s29] =	ssyncadd.s32 $0xFFFFE000  }
0x1ee: {  	[spmem:s2] =	stream.indirect.scatter.add.f32 [tilespmem:s19], [sflag:$0x2], $0x10, s20, s23, $0xb8;
	[tilespmem:$0x1C300] =	vst v63  }
0x1ef: {  	s25 =	rddreg [dreg:$0x1c]  }
0x1f0: {  	[spmem:s2] =	stream.indirect.scatter.add.f32 [tilespmem:s24], [sflag:$0x2], $0x10, s25, s23, $0xb8;
	[tilespmem:$0x1C300] =	vst v63  }
0x1f1: {  	s20 =	rddreg [dreg:$0x1d]  }
0x1f2: {  	[spmem:s2] =	stream.indirect.scatter.add.f32 [tilespmem:s26], [sflag:$0x2], $0x10, s20, s23, $0xb8;
	[tilespmem:$0x1C300] =	vst v63  }
0x1f3: {  	s25 =	rddreg [dreg:$0x1e]  }
0x1f4: {  	[spmem:s2] =	stream.indirect.scatter.add.f32 [tilespmem:s28], [sflag:$0x2], $0x10, s25, s23, $0xb8;
	[tilespmem:$0x1C300] =	vst v63  }
0x1f5: {  	_ =	swait.ge [sflag:s29], $0x2000  }
0x1f6: {  	s20 =	rddreg [dreg:$0x1f];
	[sflag:s29] =	ssyncset.done $0x0  }
0x1f7: {  	s25 =	sld [smem:$0x7EF];
	[sflag:s29] =	ssyncadd.s32 $0xFFFFE000  }
0x1f8: {  	[spmem:s2] =	stream.indirect.scatter.add.f32 [tilespmem:s19], [sflag:$0x2], $0x10, s20, s23, $0xb8;
	[tilespmem:$0x1C300] =	vst v63  }
0x1f9: {  	s20 =	sld [smem:$0x7F1]  }
0x1fa: {  	[spmem:s2] =	stream.indirect.scatter.add.f32 [tilespmem:s24], [sflag:$0x2], $0x10, s25, s23, $0xb8;
	[tilespmem:$0x1C300] =	vst v63  }
0x1fb: {  	s25 =	sld [smem:$0x7F3]  }
0x1fc: {  	[spmem:s2] =	stream.indirect.scatter.add.f32 [tilespmem:s26], [sflag:$0x2], $0x10, s20, s23, $0xb8;
	[tilespmem:$0x1C300] =	vst v63  }
0x1fd: {  	_ = 	snop  }
0x1fe: {  	[spmem:s2] =	stream.indirect.scatter.add.f32 [tilespmem:s28], [sflag:$0x2], $0x10, s25, s23, $0xb8;
	[tilespmem:$0x1C300] =	vst v63  }
0x1ff: {  	_ =	swait.ge [sflag:s29], $0x2000  }
0x200: {  	s20 =	sld [smem:$0x7F5]  }
0x201: {  	[sflag:s29] =	ssyncset.done $0x0  }
0x202: {  	s25 =	sld [smem:$0x7F8];
	[sflag:s29] =	ssyncadd.s32 $0xFFFFE000  }
0x203: {  	[spmem:s2] =	stream.indirect.scatter.add.f32 [tilespmem:s19], [sflag:$0x2], $0x10, s20, s23, $0xb8;
	[tilespmem:$0x1C300] =	vst v63  }
0x204: {  	s20 =	sld [smem:$0x7F9]  }
0x205: {  	[spmem:s2] =	stream.indirect.scatter.add.f32 [tilespmem:s24], [sflag:$0x2], $0x10, s25, s23, $0xb8;
	[tilespmem:$0x1C300] =	vst v63  }
0x206: {  	s25 =	sld [smem:$0x7FA]  }
0x207: {  	[spmem:s2] =	stream.indirect.scatter.add.f32 [tilespmem:s26], [sflag:$0x2], $0x10, s20, s23, $0xb8;
	[tilespmem:$0x1C300] =	vst v63  }
0x208: {  	_ = 	snop  }
0x209: {  	[spmem:s2] =	stream.indirect.scatter.add.f32 [tilespmem:s28], [sflag:$0x2], $0x10, s25, s23, $0xb8;
	[tilespmem:$0x1C300] =	vst v63  }
0x20a: {  	_ =	swait.ge [sflag:s29], $0x2000  }
0x20b: {  	s20 =	sld [smem:$0x7FB]  }
0x20c: {  	[sflag:s29] =	ssyncset.done $0x0  }
0x20d: {  	s25 =	sld [smem:$0x7FC];
	[sflag:s29] =	ssyncadd.s32 $0xFFFFE000  }
0x20e: {  	[spmem:s2] =	stream.indirect.scatter.add.f32 [tilespmem:s19], [sflag:$0x2], $0x10, s20, s23, $0xb8;
	[tilespmem:$0x1C300] =	vst v63  }
0x20f: {  	_ = 	snop  }
0x210: {  	[spmem:s2] =	stream.indirect.scatter.add.f32 [tilespmem:s24], [sflag:$0x2], $0x10, s25, s23, $0xb8;
	[tilespmem:$0x1C300] =	vst v63  }
0x211: {  	_ = 	snop  }
0x212: {  	[spmem:s2] =	stream.indirect.scatter.add.f32 [tilespmem:s26], [sflag:$0x2], $0x10, s31, s23, $0xb8;
	[tilespmem:$0x1C300] =	vst v63  }
0x213: {  	_ = 	snop  }
0x214: {  	[spmem:s2] =	stream.indirect.scatter.add.f32 [tilespmem:s28], [sflag:$0x2], $0x10, s1, s23, $0xb8;
	[tilespmem:$0x1C300] =	vst v63  }
0x215: {  	_ =	swait.ge [sflag:s29], $0x2000  }
0x216: {  	[sflag:s29] =	ssyncset.done $0x0  }
0x217: {  	[sflag:s29] =	ssyncadd.s32 $0xFFFFE000  }
0x218: {  	[spmem:s2] =	stream.indirect.scatter.add.f32 [tilespmem:s19], [sflag:$0x2], $0x10, s0, s23, $0xb8;
	[tilespmem:$0x1C300] =	vst v63  }
0x219: {  	_ = 	snop  }
0x21a: {  	[spmem:s2] =	stream.indirect.scatter.add.f32 [tilespmem:s24], [sflag:$0x2], $0x10, s5, s23, $0xb8;
	[tilespmem:$0x1C300] =	vst v63  }
0x21b: {  	_ = 	snop  }
0x21c: {  	[spmem:s2] =	stream.indirect.scatter.add.f32 [tilespmem:s26], [sflag:$0x2], $0x10, s6, s23, $0xb8;
	[tilespmem:$0x1C300] =	vst v63  }
0x21d: {  	_ = 	snop  }
0x21e: {  	[spmem:s2] =	stream.indirect.scatter.add.f32 [tilespmem:s28], [sflag:$0x2], $0x10, s7, s23, $0xb8;
	[tilespmem:$0x1C300] =	vst v63  }
0x21f: {  	_ =	swait.ge [sflag:s29], $0x2000  }
0x220: {  	[sflag:s29] =	ssyncset.done $0x0  }
0x221: {  	[sflag:s29] =	ssyncadd.s32 $0xFFFFE000  }
0x222: {  	[spmem:s2] =	stream.indirect.scatter.add.f32 [tilespmem:s19], [sflag:$0x2], $0x10, s8, s23, $0xb8;
	[tilespmem:$0x1C300] =	vst v63  }
0x223: {  	_ = 	snop  }
0x224: {  	[spmem:s2] =	stream.indirect.scatter.add.f32 [tilespmem:s24], [sflag:$0x2], $0x10, s9, s23, $0xb8;
	[tilespmem:$0x1C300] =	vst v63  }
0x225: {  	_ = 	snop  }
0x226: {  	[spmem:s2] =	stream.indirect.scatter.add.f32 [tilespmem:s26], [sflag:$0x2], $0x10, s10, s23, $0xb8;
	[tilespmem:$0x1C300] =	vst v63  }
0x227: {  	_ = 	snop  }
0x228: {  	[spmem:s2] =	stream.indirect.scatter.add.f32 [tilespmem:s28], [sflag:$0x2], $0x10, s11, s23, $0xb8;
	[tilespmem:$0x1C300] =	vst v63  }
0x229: {  	_ =	swait.ge [sflag:s29], $0x2000  }
0x22a: {  	[sflag:s29] =	ssyncset.done $0x0  }
0x22b: {  	[sflag:s29] =	ssyncadd.s32 $0xFFFFE000  }
0x22c: {  	[spmem:s2] =	stream.indirect.scatter.add.f32 [tilespmem:s19], [sflag:$0x2], $0x10, s12, s23, $0xb8;
	[tilespmem:$0x1C300] =	vst v63  }
0x22d: {  	_ = 	snop  }
0x22e: {  	[spmem:s2] =	stream.indirect.scatter.add.f32 [tilespmem:s24], [sflag:$0x2], $0x10, s13, s23, $0xb8;
	[tilespmem:$0x1C300] =	vst v63  }
0x22f: {  	_ = 	snop  }
0x230: {  	[spmem:s2] =	stream.indirect.scatter.add.f32 [tilespmem:s26], [sflag:$0x2], $0x10, s14, s23, $0xb8;
	[tilespmem:$0x1C300] =	vst v63  }
0x231: {  	_ = 	snop  }
0x232: {  	[spmem:s2] =	stream.indirect.scatter.add.f32 [tilespmem:s28], [sflag:$0x2], $0x10, s15, s23, $0xb8;
	[tilespmem:$0x1C300] =	vst v63  }
0x233: {  	_ =	swait.ge [sflag:s29], $0x2000  }
0x234: {  	[sflag:s29] =	ssyncset.done $0x0  }
0x235: {  	[sflag:s29] =	ssyncadd.s32 $0xFFFFE000  }
0x236: {  	[spmem:s2] =	stream.indirect.scatter.add.f32 [tilespmem:s19], [sflag:$0x2], $0x10, s16, s23, $0xb8;
	[tilespmem:$0x1C300] =	vst v63  }
0x237: {  	_ = 	snop  }
0x238: {  	[spmem:s2] =	stream.indirect.scatter.add.f32 [tilespmem:s24], [sflag:$0x2], $0x10, s17, s23, $0xb8;
	[tilespmem:$0x1C300] =	vst v63  }
0x239: {  	_ = 	snop  }
0x23a: {  	[spmem:s2] =	stream.indirect.scatter.add.f32 [tilespmem:s26], [sflag:$0x2], $0x10, s18, s23, $0xb8;
	[tilespmem:$0x1C300] =	vst v63  }
0x23b: {  	s4 =	simm.s32 $0x1A280  }
0x23c: {  	[spmem:s2] =	stream.indirect.scatter.add.f32 [tilespmem:s28], [sflag:$0x2], $0x10, s4, s23, $0xb8;
	[tilespmem:$0x1C300] =	vst v63  }
0x23d: {  	_ =	swait.ge [sflag:s29], $0x2000  }
0x23e: {  	[sflag:s29] =	ssyncset.done $0x0  }
0x23f: {  	[sflag:s29] =	ssyncadd.s32 $0xFFFFE000  }
0x240: {  	_ =	swait.ge [sflag:s29], $0x2000  }
0x241: {  	[sflag:s29] =	ssyncset.done $0x0  }
0x242: {  	[sflag:s29] =	ssyncadd.s32 $0xFFFFE000  }
0x243: {  	[bflag:$0x0] =	sbarrier.arrive $0xFFFF  }
0x244: {  	s25 =	sld [smem:$0x7E6]  }
0x245: {  	s20 =	stileid.u32;
	s0 =	sld [smem:$0x7FD]  }
0x246: {  	s3 =	sshll.u32 s20, $0x6  }
0x247: {  	s30 =	simm.s32 $0x3;
	s3 =	sor.u32 $0x1C03, s3  }
0x248: {  	[hbm:s25], [sflag:s3] =	dma.local [spmem:s0], $0x30E0  }
0x249: {  	_ =	swait.ge [sflag:s30], $0x30E0  }
0x24a: {  	s20 =	sld [smem:$0x7E4]  }
0x24b: {  	s25 =	sld [smem:$0x7E7];
	_ =	sdelay $0x1  }
0x24c: {  	s0 =	sadd.s32 $0x1, s20  }
0x24d: {  	p0 =	sne.s32 s0, s25  }
.Ltmp3:
0x24e: {  	_ = 	snop;
	(pc) =	sbr.rel @p0 .LBB2_1-.Ltmp3, $3  }
0x24f: {  	_ =	sdelay $0x1  }
0x250: {  	[sflag:s30] =	ssyncset.done $0x0  }
0x251: {  	[sflag:s30] =	ssyncadd.s32 $0xFFFFCF20;
	s25 =	simm.s32 $0x0  }
0x252: {  	_ =	sfence.sel $0x180000  }
0x253: {  	[bflag:$0x0] =	sbarrier.arrive $0xFFFF  }
0x254: {  	_ =	strace $0x9000004A  }
0x255: {  	s0 =	stileid.u32;
	[bflag:$0x2] =	sbarrier.arrive $0xFFFF  }
0x256: {  	p0 =	sne.s32 s0, $0x0;
	s0 =	rddreg [dreg:$0x2]  }
0x257: {  	s0 =	sadd.s32 @!p0 $0x100000, s0  }
0x258: {  	[sflag:s0] =	ssyncadd.tile.s32 @!p0 $0x1;
	_ =	shalt  }
.Lfunc_end2:
_tile_overlayer_lowered:
.L_overlay_start_2:
0x259: {  	(tag) =	ssettag $0x2  }
0x25a: {  	s0 =	rddreg [dreg:$0x0];
	s2 =	stileid.u32  }
0x25b: {  	s1 =	rddreg [dreg:$0x1];
	p0 =	sne.s32 s2, $0x0  }
0x25c: {  	s3 =	rddreg [dreg:$0x2];
	[bflag:$0x3] =	sbarrier.arrive $0xFFFF;
	s2 =	simm.s32 @!p0 $0x1C03  }
0x25d: {  	[timem:s3], [sflag:s2] =	dma.local @!p0 [hbm:s0], s1  }
0x25e: {  	s0 =	simm.s32 @!p0 $0x3  }
0x25f: {  	_ =	swait.ge @!p0 [sflag:s0], s1  }
0x260: {  	s1 =	ssub.s32 @!p0 $0x0, s1;
	[sflag:s0] =	ssyncset.done @!p0 $0x0  }
0x261: {  	[sflag:s0] =	ssyncadd.s32 @!p0 s1  }
0x262: {  	[bflag:$0x3] =	sbarrier.arrive $0xFFFF  }
0x263: {  	_ =	shalt  }

// kernel: sparse-core-data-format-call.cloned.1.call-start
scs
called_computation_lowered:
.L_overlay_start_0:
0x0: {  	s1 =	sld [smem:$0x3FD9]  }
0x1: {  	s2 =	sld [smem:$0x3FFE];
	_ =	sdelay $0x1  }
0x2: {  	s3 =	srdreg.scid  }
0x3: {  	s0 =	sand.u32 $0x1, s3  }
0x4: {  	s17 =	sshll.u32 s0, $0xA;
	s1 =	sadd.s32 s2, s1  }
0x5: {  	s1 =	sadd.s32 s1, s17  }
0x6: {  	[smem:$0x3FC0] =	sst s1  }
0x7: {  	_ = 	snop  }
0x8: {  	(tm) =	ssettm $0x1  }
0x9: {  	s18 =	sld [smem:$0x3FFB];
	_ =	sdelay $0x3  }
0xa: {  	_ =	strace s18  }
0xb: {  	s1 =	sld [smem:$0x3FFC];
	_ =	sdelay $0x3  }
0xc: {  	_ =	strace s1  }
0xd: {  	s1 =	sld [smem:$0x3FFD];
	_ =	sdelay $0x3  }
0xe: {  	_ =	strace s1  }
0xf: {  	_ =	strace $0x8FFFFFFF  }
0x10: {  	s19 =	sld [smem:$0x3FDB];
	_ =	sdelay $0x1  }
0x11: {  	s20 =	simm.s32 $_scs_section_size  }
0x12: {  	s4 =	simm.s32 $_size__tile_overlayer_lowered;
	s5 =	simm.s32 $_tile_overlayer_lowered  }
0x13: {  	s23 =	simm.s32 $0x1BFF;
	s22 =	sshll.u32 s5, $0x1;
	s1 =	sadd.s32 s20, s19  }
0x14: {  	s6 =	simm.s32 $0x0;
	s21 =	sshll.u32 s4, $0x1;
	s4 =	sadd.s32 s22, s1  }
0x15: {  	[timem:s6], [sflag:s23] =	dma.local [hbm:s4], s21  }
0x16: {  	_ =	swait.ge [sflag:s23], s21  }
0x17: {  	s2 =	ssub.s32 $0x0, s21;
	[sflag:s23] =	ssyncset.done $0x0  }
0x18: {  	[sflag:s23] =	ssyncadd.s32 s2;
	_ =	sdelay $0x1  }
0x19: {  	s24 =	simm.s32 $0x1B8B  }
0x1a: {  	_ =	swait.ge [sflag:s24], $0x1  }
0x1b: {  	[sflag:s24] =	ssyncset.done $0x0  }
0x1c: {  	s26 =	simm.s32 $0x1B8E;
	s25 =	sld [smem:$0x3FFE];
	[sflag:s24] =	ssyncadd.s32 $0xFFFFFFFF  }
0x1d: {  	s27 =	simm.s32 $execute0_lowered;
	[smem:$0x3FD2] =	sst s26  }
0x1e: {  	s4 =	sshll.u32 s27, $0x1;
	_ =	strace $0x8000004C;
	[dreg:$0x1] =	wrdreg $0xFFFFFFFF  }
0x1f: {  	s28 =	simm.s32 $_size_execute0_lowered;
	s1 =	sadd.s32 s1, s4;
	[dreg:$0x0] =	wrdreg $0x0  }
0x20: {  	s4 =	sshll.u32 s28, $0x1;
	[dreg:$0x2] =	wrdreg s1  }
0x21: {  	[dreg:$0x3] =	wrdreg s4  }
0x22: {  	[dreg:$0x4] =	wrdreg $0xC0  }
0x23: {  	_ =	task [dreg:s6], $0x5FFFF  }
0x24: {  	[dreg:$0x1] =	wrdreg $0xFFFFFFFF  }
0x25: {  	[dreg:$0x0] =	wrdreg $0x60  }
0x26: {  	[dreg:$0x2] =	wrdreg s25  }
0x27: {  	[dreg:$0x3] =	wrdreg $0x9  }
0x28: {  	_ =	task.clear_ibuf [dreg:s6], $0x4FFFF;
	_ =	strace $0x9000004C  }
0x29: {  	s29 =	simm.s32 $0x9;
	_ =	strace $0x8000004E  }
0x2a: {  	_ =	swait.ge [sflag:s29], $0x1  }
0x2b: {  	[sflag:s29] =	ssyncadd.s32 $0xFFFFFFFF  }
0x2c: {  	_ =	strace $0x9000004E  }
0x2d: {  	_ =	sfence  }
0x2e: {  	s30 =	sld [smem:$0x0];
	_ =	sdelay $0x2  }
0x2f: {  	s31 =	sshll.u32 s3, $0xD;
	s3 =	sshrl.u32 s3, $0x2  }
0x30: {  	s2 =	sand.u32 $0x4000, s31;
	s1 =	sadd.s32 s3, s30  }
0x31: {  	s0 =	sor.u32 s2, s0;
	s1 =	sshll.u32 s1, $0x11  }
0x32: {  	s0 =	sor.u32 s1, s0  }
0x33: {  	s0 =	sadd.s32 $0x8F2B, s0  }
0x34: {  	[sflag:s0] =	ssyncadd.remote.s32 $0x1  }
0x35: {  	_ =	sfence.sel $0xFFFF  }
0x36: {  	[dreg:$0x0] =	wrdreg $0xFFFFFFFF;
	(pc) =	sbr.abs _section_cstart, $3  }
0x37: {  	[dreg:$0x1] =	wrdreg $0xFFFFFFFF  }
0x38: {  	_ =	task.clear_ibuf [dreg:s6], $0x2FFFF;
	_ =	strace $0x9FFFFFFF  }
0x39: {  	(tm) =	ssettm $0x7FFFFFFF  }
tec
execute0_lowered:
.L_overlay_start_1:
0x0: {  	(tag) =	ssettag $0x1  }
0x1: {  	s0 =	srdreg.scid  }
0x2: {  	s1 =	sshll.u32 s0, $0x4  }
0x3: {  	s4 =	rddreg [dreg:$0x0];
	s0 =	stileid.u32;
	s1 =	sand.u32 $0x10, s1  }
0x4: {  	s7 =	simm.s32 $0x1;
	s8 =	simm.s32 $0x2;
	s1 =	sor.u32 s0, s1  }
0x5: {  	s9 =	simm.s32 $0x0;
	s12 =	simm.s32 $0x0;
	s2 =	sshll.u32 s1, $0x1  }
0x6: {  	s11 =	simm.s32 $0x0;
	s3 =	sadd.s32 $0x34C00, s4;
	s6 =	ssub.s32 $0x620, s2  }
.Ltmp0:
0x7: {  	s4 =	sadd.s32 $0x27F200, s4;
	s5 =	sand.u32 $0x3E, s6;
	(pc) =	sbr.rel .LBB1_1-.Ltmp0, $4  }
0x8: {  	s1 =	rddreg [dreg:$0x1];
	_ =	strace $0x8000004D;
	p0 =	sne.s32 s5, $0x0  }
0x9: {  	s6 =	sshrl.u32 s6, $0x6;
	s5 =	simm.s32 $0x1;
	s7 =	simm.s32 @!p0 $0x0  }
0xa: {  	s10 =	smov.u32 s2;
	[sflag:s5] =	ssyncpa.u1 $0x0;
	s6 =	sadd.s32 s7, s6  }
0xb: {  	[sflag:s8] =	ssyncpa.u1 $0x0;
	s8 =	simm.s32 $0x0;
	s7 =	sadd.s32 $0x1, s6  }
.LBB1_9:
0xc: {  	s14 =	sadd.s32 $0x40, s10  }
0xd: {  	p1 =	sgt.s32 s14, $0x61F  }
0xe: {  	s14 =	smov.u32 @p1 s2;
	p1 =	sne.s32 s11, s7  }
.Ltmp1:
0xf: {  	p0 =	slt.u32 s11, $0x2;
	(pc) =	sbr.rel @!p1 .LBB1_10-.Ltmp1, $4  }
0x10: {  	s13 =	simm.s32 @!p0 $0x2  }
0x11: {  	s15 =	sadd.s32 $0x1, s11;
	_ =	swait.ge @!p0 [sflag:s13], $0x4000  }
0x12: {  	s12 =	smov.u32 s10;
	s9 =	sadd.s32 $0x4000, s9;
	[sflag:s13] =	ssyncset.done @!p0 $0x0  }
0x13: {  	s11 =	smov.u32 s15;
	s10 =	smov.u32 s14;
	[sflag:s13] =	ssyncadd.s32 @!p0 $0xFFFFC000  }
.LBB1_1:
0x14: {  	p0 =	sge.u32 s11, s6  }
0x15: {  	s13 =	sxor.u32 @!p0 $0xFFFFFFFF, s11  }
0x16: {  	s31 =	sadd.s32 $0xFFFFFFFF, s11;
	s14 =	sshll.u32 @!p0 s10, $0xA;
	s13 =	sshll.u32 @!p0 s13, $0xE  }
0x17: {  	s15 =	simm.s32 @!p0 $0x0;
	s14 =	sadd.s32 @!p0 s3, s14;
	s13 =	sand.u32 @!p0 $0x4000, s13  }
0x18: {  	[tilespmem:s13], [sflag:$0x1] =	stream.linear.gather @!p0 [hbm4b:s14+s15], $0x4000, $0x38;
	[tilespmem:$0x10000] =	vst v63  }
0x19: {  	p0 =	sge.u32 s31, s6  }
.Ltmp2:
0x1a: {  	_ = 	snop;
	(pc) =	sbr.rel @p0 .LBB1_9-.Ltmp2, $1  }
0x1b: {  	_ =	sdelay $0x3  }
0x1c: {  	s13 =	sshll.u32 s9, $0x2  }
0x1d: {  	_ =	swait.ge [sflag:s5], $0x4000;
	s14 =	sshll.u32 s11, $0xE;
	s16 =	simm.s32 $0x0  }
0x1e: {  	p1 =	por $0x1, $0x1;
	s13 =	sand.u32 $0x10000, s13;
	[sflag:s5] =	ssyncset.done $0x0  }
0x1f: {  	s14 =	sand.u32 $0x4000, s14;
	s15 =	sshrl.u32 s13, $0x2;
	[sflag:s5] =	ssyncadd.s32 $0xFFFFC000  }
0x20: {  	s13 =	sor.u32 $0x8000, s14;
	s14 =	sadd.s32 $0x8040, s15;
	s15 =	sadd.s32 $0x40, s15  }
.LBB1_3:
0x21: {  	s16 =	sshll.u32 s16, $0x2  }
0x22: {  	p0 =	por p1, p1;
	s17 =	sshra.s32 s16, $0x2  }
0x23: {  	s18 =	simm.s32 $0x0;
	s16 =	sadd.s32 s17, s14;
	s17 =	sadd.s32 s17, s15  }
.LBB1_4:
0x24: {  	v0 =	vmov s17;
	_ =	sdelay $0x3  }
0x25: {  	s20 =	simm.s32 $0x0  }
0x26: {  	v6 =	vld.idx.msk [tilespmem:v0+s20+$0x30 ss:$0x1], $0xffff  }
0x27: {  	v7 =	vld.idx.msk [tilespmem:v0+s20+$0xFFFFFFC0 ss:$0x1], $0xffff  }
0x28: {  	v5 =	vld.idx.msk [tilespmem:v0+s20+$0xFFFFFFD0 ss:$0x1], $0xffff  }
0x29: {  	v4 =	vld.idx.msk [tilespmem:v0+s20+$0xFFFFFFE0 ss:$0x1], $0xffff  }
0x2a: {  	v3 =	vld.idx.msk [tilespmem:v0+s20+$0xFFFFFFF0 ss:$0x1], $0xffff  }
0x2b: {  	v1 =	vld.idx.msk [tilespmem:v0+s20+$0x0 ss:$0x1], $0xffff  }
0x2c: {  	v2 =	vld.idx.msk [tilespmem:v0+s20+$0x10 ss:$0x1], $0xffff;
	[tilespmem:s16+$0x30] =	vst v6  }
0x2d: {  	s19 =	simm.s32 $0x80;
	s21 =	simm.s32 $0x400;
	[tilespmem:s16+$0xFFFFFFC0] =	vst v7;
	v6 =	vld.idx.msk [tilespmem:v0+s20+$0x20 ss:$0x1], $0xffff;
	s20 =	smov.u32 s16  }
.LBB1_5:
0x2e: {  	p1 =	sne.s32 s21, $0xE00;
	v7 =	vld.idx.msk [tilespmem:v0+s19+$0x30 ss:$0x1], $0xffff;
	[tilespmem:s20+$0xFFFFFFD0] =	vst v5  }
0x2f: {  	v8 =	vld.idx.msk [tilespmem:v0+s19+$0xFFFFFFC0 ss:$0x1], $0xffff;
	[tilespmem:s20+$0xFFFFFFE0] =	vst v4  }
0x30: {  	v5 =	vld.idx.msk [tilespmem:v0+s19+$0xFFFFFFD0 ss:$0x1], $0xffff;
	[tilespmem:s20+$0xFFFFFFF0] =	vst v3  }
.Ltmp3:
0x31: {  	v4 =	vld.idx.msk [tilespmem:v0+s19+$0xFFFFFFE0 ss:$0x1], $0xffff;
	[tilespmem:s20+$0x0] =	vst v1;
	(pc) =	sbr.rel @p1 .LBB1_5-.Ltmp3, $4  }
0x32: {  	v3 =	vld.idx.msk [tilespmem:v0+s19+$0xFFFFFFF0 ss:$0x1], $0xffff;
	[tilespmem:s20+$0x10] =	vst v2  }
0x33: {  	v1 =	vld.idx.msk [tilespmem:v0+s19+$0x0 ss:$0x1], $0xffff;
	[tilespmem:s20+$0x20] =	vst v6;
	s20 =	sadd.s32 $0x400, s20  }
0x34: {  	v2 =	vld.idx.msk [tilespmem:v0+s19+$0x10 ss:$0x1], $0xffff;
	[tilespmem:s20+$0x30] =	vst v7  }
0x35: {  	[tilespmem:s20+$0xFFFFFFC0] =	vst v8;
	v6 =	vld.idx.msk [tilespmem:v0+s19+$0x20 ss:$0x1], $0xffff;
	s19 =	sshra.s32 s21, $0x2;
	s21 =	sadd.s32 $0x200, s21  }
0x36: {  	_ =	sdelay $0x2  }
0x37: {  	[tilespmem:s20+$0xFFFFFFD0] =	vst v5  }
0x38: {  	v56 =	vld.idx.msk [tilespmem:v0+s19+$0x30 ss:$0x1], $0xffff;
	[tilespmem:s20+$0xFFFFFFE0] =	vst v4  }
0x39: {  	v57 =	vld.idx.msk [tilespmem:v0+s19+$0xFFFFFFC0 ss:$0x1], $0xffff;
	[tilespmem:s20+$0xFFFFFFF0] =	vst v3  }
0x3a: {  	v58 =	vld.idx.msk [tilespmem:v0+s19+$0xFFFFFFD0 ss:$0x1], $0xffff;
	[tilespmem:s20+$0x0] =	vst v1  }
0x3b: {  	v59 =	vld.idx.msk [tilespmem:v0+s19+$0xFFFFFFE0 ss:$0x1], $0xffff;
	[tilespmem:s20+$0x10] =	vst v2  }
0x3c: {  	v60 =	vld.idx.msk [tilespmem:v0+s19+$0xFFFFFFF0 ss:$0x1], $0xffff;
	s31 =	sadd.s32 $0x400, s20;
	[tilespmem:s20+$0x20] =	vst v6  }
0x3d: {  	v61 =	vld.idx.msk [tilespmem:v0+s19+$0x0 ss:$0x1], $0xffff;
	[tilespmem:s31+$0x30] =	vst v56  }
0x3e: {  	v62 =	vld.idx.msk [tilespmem:v0+s19+$0x10 ss:$0x1], $0xffff;
	s18 =	sadd.s32 $0x1, s18;
	[tilespmem:s31+$0xFFFFFFC0] =	vst v57  }
0x3f: {  	v63 =	vld.idx.msk [tilespmem:v0+s19+$0x20 ss:$0x1], $0xffff;
	p1 =	sne.s32 s18, $0x8;
	[tilespmem:s31+$0xFFFFFFD0] =	vst v58  }
.Ltmp4:
0x40: {  	[tilespmem:s31+$0xFFFFFFE0] =	vst v59;
	(pc) =	sbr.rel @p1 .LBB1_4-.Ltmp4, $4  }
0x41: {  	[tilespmem:s31+$0xFFFFFFF0] =	vst v60  }
0x42: {  	[tilespmem:s31+$0x0] =	vst v61  }
0x43: {  	[tilespmem:s31+$0x10] =	vst v62  }
0x44: {  	s16 =	sadd.s32 $0x80, s16;
	s17 =	sadd.s32 $0x400, s17;
	[tilespmem:s31+$0x20] =	vst v63  }
.Ltmp5:
0x45: {  	(pc) =	sbr.rel @p0 .LBB1_3-.Ltmp5, $2  }
0x46: {  	_ =	sdelay $0x2  }
0x47: {  	s16 =	simm.s32 $0x2000;
	p1 =	por $0x0, $0x0  }
.Ltmp6:
0x48: {  	(pc) =	sbr.rel .LBB1_9-.Ltmp6, $4  }
0x49: {  	_ = 	snop  }
0x4a: {  	s12 =	sshll.u32 s12, $0xA  }
0x4b: {  	s12 =	sadd.s32 s4, s12  }
0x4c: {  	[hbm4b:s12+s8] =	stream.linear.scatter [tilespmem:s13], [sflag:$0x2], $0x4000, $0x38;
	[tilespmem:$0x10000] =	vst v63  }
.LBB1_10:
0x4d: {  	_ =	sfence.sel $0x180000  }
0x4e: {  	s2 =	simm.s32 $0x1;
	[bflag:$0x0] =	sbarrier.arrive $0xFFFF  }
0x4f: {  	s31 =	simm.s32 $0x2;
	[sflag:s2] =	ssyncpa.u1 $0x1  }
0x50: {  	[sflag:s31] =	ssyncpa.u1 $0x1  }
0x51: {  	p0 =	sne.s32 s0, $0x0;
	_ =	strace $0x9000004D  }
0x52: {  	s0 =	sadd.s32 @!p0 $0x100000, s1;
	[bflag:$0x2] =	sbarrier.arrive $0xFFFF  }
0x53: {  	[sflag:s0] =	ssyncadd.tile.s32 @!p0 $0x1;
	_ =	shalt  }
.Lfunc_end1:
_tile_overlayer_lowered:
.L_overlay_start_2:
0x54: {  	(tag) =	ssettag $0x2  }
0x55: {  	s0 =	rddreg [dreg:$0x0];
	s2 =	stileid.u32  }
0x56: {  	s1 =	rddreg [dreg:$0x1];
	p0 =	sne.s32 s2, $0x0  }
0x57: {  	s3 =	rddreg [dreg:$0x2];
	[bflag:$0x3] =	sbarrier.arrive $0xFFFF;
	s2 =	simm.s32 @!p0 $0x1C01  }
0x58: {  	[timem:s3], [sflag:s2] =	dma.local @!p0 [hbm:s0], s1  }
0x59: {  	s0 =	simm.s32 @!p0 $0x1  }
0x5a: {  	_ =	swait.ge @!p0 [sflag:s0], s1  }
0x5b: {  	s1 =	ssub.s32 @!p0 $0x0, s1;
	[sflag:s0] =	ssyncset.done @!p0 $0x0  }
0x5c: {  	[sflag:s0] =	ssyncadd.s32 @!p0 s1  }
0x5d: {  	[bflag:$0x3] =	sbarrier.arrive $0xFFFF  }
0x5e: {  	_ =	shalt  }

</sc_bundles>
